<compile_context>
chip_gen: v7x
topology: tpu7x:2x2x1
jax: 0.10.2.dev20260603
libtpu: 0.0.44.dev20260713+nightly
codegen_flags: <defaults>
</compile_context>

<pallas_src>
import functools

import jax
import jax.numpy as jnp
from jax import lax
from jax.experimental import pallas as pl
from jax.experimental.pallas import tpu as pltpu
from jax.experimental.pallas import tpu_sc as plsc

N = 10000
E = 320000
NF = 128
EF = 32
L = 3

NC = 2
NS = 16
NW = NC * NS
EPW = E // NW
CH = 80
NCHUNK = EPW // CH
RPS = 632
N_PAD = NS * RPS

BE = 2560
NB = E // BE

NPAIR = (NCHUNK - 1) // 2


@functools.cache
def _gather_kernel():
    mesh = plsc.VectorSubcoreMesh(
        core_axis_name="c", subcore_axis_name="s",
        num_cores=NC, num_subcores=NS)

    @functools.partial(
        pl.kernel,
        out_type=(jax.ShapeDtypeStruct((E, NF), jnp.float32),
                  jax.ShapeDtypeStruct((E, NF), jnp.float32)),
        mesh=mesh,
        scratch_types=(pltpu.VMEM((NCHUNK, CH), jnp.int32),
                       pltpu.VMEM((NCHUNK, CH), jnp.int32),
                       pltpu.VMEM((CH, NF), jnp.float32),
                       pltpu.VMEM((CH, NF), jnp.float32),
                       pltpu.VMEM((CH, NF), jnp.float32),
                       pltpu.VMEM((CH, NF), jnp.float32),
                       pltpu.SemaphoreType.DMA,
                       pltpu.SemaphoreType.DMA,
                       pltpu.SemaphoreType.DMA,
                       pltpu.SemaphoreType.DMA),
    )
    def k(h_hbm, src3_hbm, dst3_hbm, hs_hbm, hd_hbm,
          sidx, didx, rs0, rd0, rs1, rd1, ss0, sd0, ss1, sd1):
        wid = lax.axis_index("s") * NC + lax.axis_index("c")
        pltpu.sync_copy(src3_hbm.at[wid], sidx)
        pltpu.sync_copy(dst3_hbm.at[wid], didx)

        def start(c, bs, bd, sems_, semd_):
            pltpu.async_copy(h_hbm.at[sidx.at[c]], bs, sems_)
            pltpu.async_copy(h_hbm.at[didx.at[c]], bd, semd_)

        def wait(bs, bd, sems_, semd_):
            pltpu.make_async_copy(h_hbm.at[sidx.at[0]], bs, sems_).wait()
            pltpu.make_async_copy(h_hbm.at[didx.at[0]], bd, semd_).wait()

        def writeback(c, bs, bd):
            base = pl.multiple_of(wid * EPW + c * CH, 8)
            pltpu.sync_copy(bs, hs_hbm.at[pl.ds(base, CH)])
            pltpu.sync_copy(bd, hd_hbm.at[pl.ds(base, CH)])

        start(0, rs0, rd0, ss0, sd0)

        @pl.loop(0, NPAIR)
        def _pair(t):
            c0 = 2 * t
            start(c0 + 1, rs1, rd1, ss1, sd1)
            wait(rs0, rd0, ss0, sd0)
            writeback(c0, rs0, rd0)
            start(c0 + 2, rs0, rd0, ss0, sd0)
            wait(rs1, rd1, ss1, sd1)
            writeback(c0 + 1, rs1, rd1)

        wait(rs0, rd0, ss0, sd0)
        writeback(NCHUNK - 1, rs0, rd0)

    return k


def _sc_gather(h, src3, dst3):
    return _gather_kernel()(h, src3, dst3)


@functools.cache
def _scatter_kernel():
    mesh = plsc.VectorSubcoreMesh(
        core_axis_name="c", subcore_axis_name="s",
        num_cores=NC, num_subcores=NS)

    @functools.partial(
        pl.kernel,
        out_type=jax.ShapeDtypeStruct((NC, N_PAD, NF), jnp.float32),
        mesh=mesh,
        scratch_types=(pltpu.VMEM_SHARED((N_PAD, NF), jnp.float32),
                       pltpu.VMEM((CH, NF), jnp.float32),
                       pltpu.VMEM((CH, NF), jnp.float32),
                       pltpu.VMEM((NCHUNK, CH), jnp.int32),
                       pltpu.SemaphoreType.DMA,
                       pltpu.SemaphoreType.DMA),
    )
    def k(msg_hbm, dst3_hbm, zeros_hbm, out_hbm, acc_sh, buf0, buf1, didx,
          sm0, sm1):
        cid = lax.axis_index("c")
        sid = lax.axis_index("s")
        wid = sid * NC + cid
        row0 = pl.multiple_of(sid * RPS, 8)
        pltpu.sync_copy(zeros_hbm.at[pl.ds(row0, RPS)],
                        acc_sh.at[pl.ds(row0, RPS)])
        pltpu.sync_copy(dst3_hbm.at[wid], didx)
        plsc.subcore_barrier()

        def start(c, buf, sem):
            base = pl.multiple_of(wid * EPW + c * CH, 8)
            pltpu.async_copy(msg_hbm.at[pl.ds(base, CH)], buf, sem)

        def wait(buf, sem):
            pltpu.make_async_copy(msg_hbm.at[pl.ds(0, CH)], buf, sem).wait()

        def scat(c, buf):
            pltpu.sync_copy(buf, acc_sh.at[didx.at[c]], add=True)

        start(0, buf0, sm0)

        @pl.loop(0, NPAIR)
        def _pair(t):
            c0 = 2 * t
            start(c0 + 1, buf1, sm1)
            wait(buf0, sm0)
            scat(c0, buf0)
            start(c0 + 2, buf0, sm0)
            wait(buf1, sm1)
            scat(c0 + 1, buf1)

        wait(buf0, sm0)
        scat(NCHUNK - 1, buf0)

        plsc.subcore_barrier()
        pltpu.sync_copy(acc_sh.at[pl.ds(row0, RPS)],
                        out_hbm.at[cid, pl.ds(row0, RPS)])

    return k


def _sc_scatter(msg, dst3, zeros):
    return _scatter_kernel()(msg, dst3, zeros)


def _rbf(bond_blk):
    centers = 1.0 + (4.0 / (EF - 1)) * lax.broadcasted_iota(
        jnp.int32, (1, EF), 1).astype(jnp.float32)
    gamma = (EF - 1) / 4.0
    return jnp.exp(-gamma * (bond_blk - centers) ** 2)


def _edge_x(hs, hd, bond, ws, wd, we, bcat):
    e = _rbf(bond)
    bf = jnp.bfloat16
    x = jnp.dot(hs.astype(bf), ws.astype(bf),
                preferred_element_type=jnp.float32)
    x += jnp.dot(hd.astype(bf), wd.astype(bf),
                 preferred_element_type=jnp.float32)
    x += jnp.dot(e.astype(bf), we.astype(bf),
                 preferred_element_type=jnp.float32)
    return x + bcat


def _stats_body(hs_ref, hd_ref, bond_ref, ws_ref, wd_ref, we_ref, bcat_ref,
                out_ref):
    i = pl.program_id(0)

    @pl.when(i == 0)
    def _():
        out_ref[...] = jnp.zeros_like(out_ref)

    x = _edge_x(hs_ref[...], hd_ref[...], bond_ref[...],
                ws_ref[...], wd_ref[...], we_ref[...], bcat_ref[...])
    out_ref[0:1, :] += jnp.sum(x, axis=0, keepdims=True)
    out_ref[1:2, :] += jnp.sum(x * x, axis=0, keepdims=True)


def _edge_stats(hs, hd, bond, ws, wd, we, bcat):
    return pl.pallas_call(
        _stats_body,
        grid=(NB,),
        in_specs=[
            pl.BlockSpec((BE, NF), lambda i: (i, 0)),
            pl.BlockSpec((BE, NF), lambda i: (i, 0)),
            pl.BlockSpec((BE, 1), lambda i: (i, 0)),
            pl.BlockSpec((NF, 2 * NF), lambda i: (0, 0)),
            pl.BlockSpec((NF, 2 * NF), lambda i: (0, 0)),
            pl.BlockSpec((EF, 2 * NF), lambda i: (0, 0)),
            pl.BlockSpec((1, 2 * NF), lambda i: (0, 0)),
        ],
        out_specs=pl.BlockSpec((8, 2 * NF), lambda i: (0, 0)),
        out_shape=jax.ShapeDtypeStruct((8, 2 * NF), jnp.float32),
    )(hs, hd, bond, ws, wd, we, bcat)


def _msg_body(hs_ref, hd_ref, bond_ref, ws_ref, wd_ref, we_ref, bcat_ref,
              scale_ref, shift_ref, out_ref):
    x = _edge_x(hs_ref[...], hd_ref[...], bond_ref[...],
                ws_ref[...], wd_ref[...], we_ref[...], bcat_ref[...])
    xh = x * scale_ref[...] + shift_ref[...]
    xi = xh[:, :NF]
    xu = xh[:, NF:]
    sig = 1.0 / (1.0 + jnp.exp(-xi))
    sp = jnp.maximum(xu, 0.0) + jnp.log(1.0 + jnp.exp(-jnp.abs(xu)))
    out_ref[...] = sig * sp


def _edge_msg(hs, hd, bond, ws, wd, we, bcat, scale, shift):
    return pl.pallas_call(
        _msg_body,
        grid=(NB,),
        in_specs=[
            pl.BlockSpec((BE, NF), lambda i: (i, 0)),
            pl.BlockSpec((BE, NF), lambda i: (i, 0)),
            pl.BlockSpec((BE, 1), lambda i: (i, 0)),
            pl.BlockSpec((NF, 2 * NF), lambda i: (0, 0)),
            pl.BlockSpec((NF, 2 * NF), lambda i: (0, 0)),
            pl.BlockSpec((EF, 2 * NF), lambda i: (0, 0)),
            pl.BlockSpec((1, 2 * NF), lambda i: (0, 0)),
            pl.BlockSpec((1, 2 * NF), lambda i: (0, 0)),
            pl.BlockSpec((1, 2 * NF), lambda i: (0, 0)),
        ],
        out_specs=pl.BlockSpec((BE, NF), lambda i: (i, 0)),
        out_shape=jax.ShapeDtypeStruct((E, NF), jnp.float32),
    )(hs, hd, bond, ws, wd, we, bcat, scale, shift)


def _node_body(a0_ref, a1_ref, h_ref, g_ref, b_ref, out_ref):
    agg = a0_ref[...] + a1_ref[...]
    m = jnp.mean(agg, axis=0, keepdims=True)
    d = agg - m
    v = jnp.mean(d * d, axis=0, keepdims=True)
    bn = g_ref[...] * d * lax.rsqrt(v + 1e-5) + b_ref[...]
    y = h_ref[...] + bn
    out_ref[...] = jnp.maximum(y, 0.0) + jnp.log(1.0 + jnp.exp(-jnp.abs(y)))


def _node_update(aggp, h, g, b):
    return pl.pallas_call(
        _node_body,
        in_specs=[
            pl.BlockSpec((N, NF), lambda: (0, 0)),
            pl.BlockSpec((N, NF), lambda: (0, 0)),
            pl.BlockSpec((N, NF), lambda: (0, 0)),
            pl.BlockSpec((1, NF), lambda: (0, 0)),
            pl.BlockSpec((1, NF), lambda: (0, 0)),
        ],
        out_specs=pl.BlockSpec((N, NF), lambda: (0, 0)),
        out_shape=jax.ShapeDtypeStruct((N, NF), jnp.float32),
    )(aggp[0, :N], aggp[1, :N], h, g, b)


def kernel(atom_features, bondlength, edge_index, W_emb, b_emb, Wi, bi, gi,
           bti, Wu, bu, gu, btu, gbn, bbn, W_fc, b_fc, W_out, b_out):
    src3 = edge_index[0].astype(jnp.int32).reshape(NW, NCHUNK, CH)
    dst3 = edge_index[1].astype(jnp.int32).reshape(NW, NCHUNK, CH)
    bond = bondlength.reshape(E, 1)
    zeros_n = jnp.zeros((N_PAD, NF), jnp.float32)

    h = atom_features @ W_emb + b_emb

    for l in range(L):
        ws = jnp.concatenate([Wi[l][:NF], Wu[l][:NF]], axis=1)
        wd = jnp.concatenate([Wi[l][NF:2 * NF], Wu[l][NF:2 * NF]], axis=1)
        we = jnp.concatenate([Wi[l][2 * NF:], Wu[l][2 * NF:]], axis=1)
        bcat = jnp.concatenate([bi[l], bu[l]]).reshape(1, 2 * NF)
        gcat = jnp.concatenate([gi[l], gu[l]])
        btcat = jnp.concatenate([bti[l], btu[l]])

        hs, hd = _sc_gather(h, src3, dst3)
        sums = _edge_stats(hs, hd, bond, ws, wd, we, bcat)
        mean = sums[0] / E
        var = sums[1] / E - mean * mean
        scale = (gcat * lax.rsqrt(var + 1e-5)).reshape(1, 2 * NF)
        shift = (btcat - mean * scale[0]).reshape(1, 2 * NF)
        msg = _edge_msg(hs, hd, bond, ws, wd, we, bcat, scale, shift)
        aggp = _sc_scatter(msg, dst3, zeros_n)
        h = _node_update(aggp, h, gbn[l].reshape(1, NF), bbn[l].reshape(1, NF))

    feat = jax.nn.softplus(h.mean(axis=0))
    feat = jax.nn.softplus(feat @ W_fc + b_fc)
    out = feat @ W_out + b_out
    return jnp.squeeze(out)

# --- scband reference (transcript-rebuilt; emitter-appended) ---
"""Pipeline reference for scband-cgcnn-86414741996305 (READ-ONLY COPY).

The authoritative reference and input builder live on the scoring server;
editing this copy changes nothing except your own understanding.
"""

import jax, jax.numpy as jnp
import numpy as np

N = 10000
E = 320000
NF = 128
EF = 32
AIF = 92
L = 3
FC = 128
IN_FEATS = 2 * NF + EF


def setup_inputs(seed: int = 0) -> dict:
    key = jax.random.key(seed)
    ks = jax.random.split(key, 20)
    atom_features = jax.random.normal(ks[0], (N, AIF), dtype=jnp.float32)
    bondlength = jax.random.uniform(ks[1], (E,), dtype=jnp.float32)
    edge_index = jax.random.randint(ks[2], (2, E), 0, N, dtype=jnp.int64)
    W_emb = jax.random.normal(ks[3], (AIF, NF), dtype=jnp.float32) * 0.05
    b_emb = jnp.zeros((NF,), dtype=jnp.float32)
    Wi = jax.random.normal(ks[4], (L, IN_FEATS, NF), dtype=jnp.float32) * 0.05
    bi = jnp.zeros((L, NF), dtype=jnp.float32)
    gi = jnp.ones((L, NF), dtype=jnp.float32)
    bti = jnp.zeros((L, NF), dtype=jnp.float32)
    Wu = jax.random.normal(ks[5], (L, IN_FEATS, NF), dtype=jnp.float32) * 0.05
    bu = jnp.zeros((L, NF), dtype=jnp.float32)
    gu = jnp.ones((L, NF), dtype=jnp.float32)
    btu = jnp.zeros((L, NF), dtype=jnp.float32)
    gbn = jnp.ones((L, NF), dtype=jnp.float32)
    bbn = jnp.zeros((L, NF), dtype=jnp.float32)
    W_fc = jax.random.normal(ks[6], (NF, FC), dtype=jnp.float32) * 0.05
    b_fc = jnp.zeros((FC,), dtype=jnp.float32)
    W_out = jax.random.normal(ks[7], (FC, 1), dtype=jnp.float32) * 0.05
    b_out = jnp.zeros((1,), dtype=jnp.float32)
    return {
        "atom_features": atom_features,
        "bondlength": bondlength,
        "edge_index": edge_index,
        "W_emb": W_emb, "b_emb": b_emb,
        "Wi": Wi, "bi": bi, "gi": gi, "bti": bti,
        "Wu": Wu, "bu": bu, "gu": gu, "btu": btu,
        "gbn": gbn, "bbn": bbn,
        "W_fc": W_fc, "b_fc": b_fc,
        "W_out": W_out, "b_out": b_out,
    }


def _bn(x, g, b):
    m = x.mean(axis=0)
    v = x.var(axis=0)
    return g * (x - m) / jnp.sqrt(v + 1e-5) + b


def reference(atom_features, bondlength, edge_index, W_emb, b_emb, Wi, bi, gi, bti, Wu, bu, gu, btu, gbn, bbn, W_fc, b_fc, W_out, b_out):
    # RBFExpansion: vmin=1, vmax=5, bins=EF, lengthscale=None -> gamma = 1/mean(diff(centers))
    centers = jnp.linspace(1.0, 5.0, EF)
    gamma = 1.0 / jnp.diff(centers).mean()
    e = jnp.exp(-gamma * (bondlength[:, None] - centers) ** 2)  # [E, EF]
    # atom embedding
    h = atom_features @ W_emb + b_emb  # [N, NF]
    src = edge_index[0]
    dst = edge_index[1]
    for l in range(L):
        z = jnp.concatenate([h[src], h[dst], e], axis=1)  # [E, 2*NF+EF]
        inter = jax.nn.sigmoid(_bn(z @ Wi[l] + bi[l], gi[l], bti[l]))
        upd = jax.nn.softplus(_bn(z @ Wu[l] + bu[l], gu[l], btu[l]))
        msg = inter * upd  # [E, NF]
        agg = jax.ops.segment_sum(msg, dst, num_segments=N)  # sum to destination nodes
        h = jax.nn.softplus(h + _bn(agg, gbn[l], bbn[l]))
    # AvgPooling readout (single graph): mean over nodes
    feat = h.mean(axis=0)  # [NF]
    feat = jax.nn.softplus(feat)
    feat = jax.nn.softplus(feat @ W_fc + b_fc)  # fc: Linear + Softplus
    out = feat @ W_out + b_out  # [1]
    return jnp.squeeze(out)

if __name__ == "__main__":
    import jax
    _d = setup_inputs()
    print(jax.jit(kernel)(*tuple(_d.values())))

</pallas_src>

<mosaic_0001>
#map = affine_map<(d0, d1) -> (0, 0)>
#map1 = affine_map<(d0, d1) -> (0, 0, 0)>
module attributes {stable_mosaic.version = 14 : i64} {
  func.func @k(%arg0: i32, %arg1: i32, %arg2: memref<320000x128xf32, #tpu.memory_space<hbm>>, %arg3: memref<32x125x80xi32, #tpu.memory_space<hbm>>, %arg4: memref<10112x128xf32, #tpu.memory_space<hbm>>, %arg5: memref<2x10112x128xf32, #tpu.memory_space<hbm>>, %arg6: memref<10112x128xf32, #tpu.memory_space<vmem_shared>>, %arg7: memref<80x128xf32, #tpu.memory_space<vmem>>, %arg8: memref<80x128xf32, #tpu.memory_space<vmem>>, %arg9: memref<125x80xi32, #tpu.memory_space<vmem>>, %arg10: memref<!tpu.dma_semaphore, #tpu.memory_space<semaphore_mem>>, %arg11: memref<!tpu.dma_semaphore, #tpu.memory_space<semaphore_mem>>) attributes {dimension_semantics = [#tpu.dimension_semantics<core_parallel>, #tpu.dimension_semantics<subcore_parallel>], iteration_bounds = array<i64: 2, 16>, scalar_prefetch = 0 : i64, scratch_operands = 6 : i64, tpu.core_type = #tpu.core_type<sc_vector_subcore>, window_params = [{transform_indices = #map}, {transform_indices = #map1}, {transform_indices = #map}, {transform_indices = #map1}]} {
    %mul3A = arith.constant 2 : i32
    %mul3A_0 = arith.muli %arg1, %mul3A : i32
    %add3A = arith.addi %mul3A_0, %arg0 : i32
    %mul3A_1 = arith.constant 632 : i32
    %mul3A_2 = arith.muli %arg1, %mul3A_1 : i32
    %multiple_of3A = tpu.assume_multiple %mul3A_2, 8 : i32
    "tpu.region"() ({
      %run_scoped3A_21 = tpu.sem_alloc : memref<!tpu.dma_semaphore, #tpu.memory_space<semaphore_mem>>
      %dma_start3A_22 = arith.constant 0 : i32
      %dma_start3A_23 = tpu.memref_slice %arg6[%multiple_of3A, %dma_start3A_22] : memref<10112x128xf32, #tpu.memory_space<vmem_shared>> -> memref<632x128xf32, #tpu.memory_space<vmem_shared>>
      %dma_start3A_24 = arith.constant 0 : i32
      %dma_start3A_25 = tpu.memref_slice %arg4[%multiple_of3A, %dma_start3A_24] : memref<10112x128xf32, #tpu.memory_space<hbm>> -> memref<632x128xf32, #tpu.memory_space<hbm>>
      tpu.enqueue_dma source(%dma_start3A_25 : memref<632x128xf32, #tpu.memory_space<hbm>>) target(%dma_start3A_23 : memref<632x128xf32, #tpu.memory_space<vmem_shared>>) target_semaphore(%run_scoped3A_21 : memref<!tpu.dma_semaphore, #tpu.memory_space<semaphore_mem>>)
      %dma_wait3A_26 = arith.constant 0 : i32
      %dma_wait3A_27 = tpu.memref_slice %arg6[%multiple_of3A, %dma_wait3A_26] : memref<10112x128xf32, #tpu.memory_space<vmem_shared>> -> memref<632x128xf32, #tpu.memory_space<vmem_shared>>
      %dma_wait3A_28 = arith.constant 0 : i32
      %dma_wait3A_29 = tpu.memref_slice %arg4[%multiple_of3A, %dma_wait3A_28] : memref<10112x128xf32, #tpu.memory_space<hbm>> -> memref<632x128xf32, #tpu.memory_space<hbm>>
      tpu.wait_dma2 semaphore(%run_scoped3A_21 : memref<!tpu.dma_semaphore, #tpu.memory_space<semaphore_mem>>) src(%dma_wait3A_29 : memref<632x128xf32, #tpu.memory_space<hbm>>) dst(%dma_wait3A_27 : memref<632x128xf32, #tpu.memory_space<vmem_shared>>)
      tpu.yield
    }) : () -> ()
    "tpu.region"() ({
      %run_scoped3A_21 = tpu.sem_alloc : memref<!tpu.dma_semaphore, #tpu.memory_space<semaphore_mem>>
      %dma_start3A_22 = arith.constant 0 : i32
      %dma_start3A_23 = arith.constant 0 : i32
      %dma_start3A_24 = tpu.memref_slice %arg3[%add3A, %dma_start3A_22, %dma_start3A_23] : memref<32x125x80xi32, #tpu.memory_space<hbm>> -> memref<1x125x80xi32, #tpu.memory_space<hbm>>
      %dma_start3A_25 = tpu.memref_squeeze %dma_start3A_24 : memref<1x125x80xi32, #tpu.memory_space<hbm>> -> memref<125x80xi32, #tpu.memory_space<hbm>>
      %dma_start3A_26 = arith.constant 0 : i32
      %dma_start3A_27 = arith.constant 0 : i32
      %dma_start3A_28 = tpu.memref_slice %arg3[%add3A, %dma_start3A_26, %dma_start3A_27] : memref<32x125x80xi32, #tpu.memory_space<hbm>> -> memref<1x125x80xi32, #tpu.memory_space<hbm>>
      %dma_start3A_29 = tpu.memref_squeeze %dma_start3A_28 : memref<1x125x80xi32, #tpu.memory_space<hbm>> -> memref<125x80xi32, #tpu.memory_space<hbm>>
      tpu.enqueue_dma source(%dma_start3A_29 : memref<125x80xi32, #tpu.memory_space<hbm>>) target(%arg9 : memref<125x80xi32, #tpu.memory_space<vmem>>) target_semaphore(%run_scoped3A_21 : memref<!tpu.dma_semaphore, #tpu.memory_space<semaphore_mem>>)
      %dma_wait3A_30 = arith.constant 0 : i32
      %dma_wait3A_31 = arith.constant 0 : i32
      %dma_wait3A_32 = tpu.memref_slice %arg3[%add3A, %dma_wait3A_30, %dma_wait3A_31] : memref<32x125x80xi32, #tpu.memory_space<hbm>> -> memref<1x125x80xi32, #tpu.memory_space<hbm>>
      %dma_wait3A_33 = tpu.memref_squeeze %dma_wait3A_32 : memref<1x125x80xi32, #tpu.memory_space<hbm>> -> memref<125x80xi32, #tpu.memory_space<hbm>>
      %dma_wait3A_34 = arith.constant 0 : i32
      %dma_wait3A_35 = arith.constant 0 : i32
      %dma_wait3A_36 = tpu.memref_slice %arg3[%add3A, %dma_wait3A_34, %dma_wait3A_35] : memref<32x125x80xi32, #tpu.memory_space<hbm>> -> memref<1x125x80xi32, #tpu.memory_space<hbm>>
      %dma_wait3A_37 = tpu.memref_squeeze %dma_wait3A_36 : memref<1x125x80xi32, #tpu.memory_space<hbm>> -> memref<125x80xi32, #tpu.memory_space<hbm>>
      tpu.wait_dma2 semaphore(%run_scoped3A_21 : memref<!tpu.dma_semaphore, #tpu.memory_space<semaphore_mem>>) src(%dma_wait3A_37 : memref<125x80xi32, #tpu.memory_space<hbm>>) dst(%arg9 : memref<125x80xi32, #tpu.memory_space<vmem>>)
      tpu.yield
    }) : () -> ()
    %barrier3A = arith.constant 0 : index
    tpu.barrier barrier_id(%barrier3A)
    %mul3A_3 = arith.constant 10000 : i32
    %mul3A_4 = arith.muli %add3A, %mul3A_3 : i32
    %add3A_5 = arith.constant 0 : i32
    %add3A_6 = arith.addi %mul3A_4, %add3A_5 : i32
    %multiple_of3A_7 = tpu.assume_multiple %add3A_6, 8 : i32
    %dma_start3A = arith.constant 0 : i32
    %dma_start3A_8 = tpu.memref_slice %arg2[%multiple_of3A_7, %dma_start3A] : memref<320000x128xf32, #tpu.memory_space<hbm>> -> memref<80x128xf32, #tpu.memory_space<hbm>>
    %dma_start3A_9 = arith.constant 0 : i32
    %dma_start3A_10 = tpu.memref_slice %arg2[%multiple_of3A_7, %dma_start3A_9] : memref<320000x128xf32, #tpu.memory_space<hbm>> -> memref<80x128xf32, #tpu.memory_space<hbm>>
    tpu.enqueue_dma source(%dma_start3A_10 : memref<80x128xf32, #tpu.memory_space<hbm>>) target(%arg7 : memref<80x128xf32, #tpu.memory_space<vmem>>) target_semaphore(%arg10 : memref<!tpu.dma_semaphore, #tpu.memory_space<semaphore_mem>>)
    %scan3A = arith.constant 0 : i32
    %scan3A_11 = arith.constant 62 : i32
    %scan3A_12 = arith.addi %scan3A, %scan3A_11 : i32
    %scan3A_13 = arith.constant 1 : i32
    scf.for %scan3A_21 = %scan3A to %scan3A_12 step %scan3A_13  : i32 {
      %mul3A_22 = arith.constant 1 : i32
      %mul3A_23 = arith.muli %scan3A_21, %mul3A_22 : i32
      %add3A_24 = arith.constant 0 : i32
      %add3A_25 = arith.addi %add3A_24, %mul3A_23 : i32
      %mul3A_26 = arith.constant 2 : i32
      %mul3A_27 = arith.muli %mul3A_26, %add3A_25 : i32
      %add3A_28 = arith.constant 1 : i32
      %add3A_29 = arith.addi %mul3A_27, %add3A_28 : i32
      %mul3A_30 = arith.constant 10000 : i32
      %mul3A_31 = arith.muli %add3A, %mul3A_30 : i32
      %mul3A_32 = arith.constant 80 : i32
      %mul3A_33 = arith.muli %add3A_29, %mul3A_32 : i32
      %add3A_34 = arith.addi %mul3A_31, %mul3A_33 : i32
      %multiple_of3A_35 = tpu.assume_multiple %add3A_34, 8 : i32
      %dma_start3A_36 = arith.constant 0 : i32
      %dma_start3A_37 = tpu.memref_slice %arg2[%multiple_of3A_35, %dma_start3A_36] : memref<320000x128xf32, #tpu.memory_space<hbm>> -> memref<80x128xf32, #tpu.memory_space<hbm>>
      %dma_start3A_38 = arith.constant 0 : i32
      %dma_start3A_39 = tpu.memref_slice %arg2[%multiple_of3A_35, %dma_start3A_38] : memref<320000x128xf32, #tpu.memory_space<hbm>> -> memref<80x128xf32, #tpu.memory_space<hbm>>
      tpu.enqueue_dma source(%dma_start3A_39 : memref<80x128xf32, #tpu.memory_space<hbm>>) target(%arg8 : memref<80x128xf32, #tpu.memory_space<vmem>>) target_semaphore(%arg11 : memref<!tpu.dma_semaphore, #tpu.memory_space<semaphore_mem>>)
      %dma_wait3A_40 = arith.constant 0 : i32
      %dma_wait3A_41 = arith.constant 0 : i32
      %dma_wait3A_42 = tpu.memref_slice %arg2[%dma_wait3A_40, %dma_wait3A_41] : memref<320000x128xf32, #tpu.memory_space<hbm>> -> memref<80x128xf32, #tpu.memory_space<hbm>>
      %dma_wait3A_43 = arith.constant 0 : i32
      %dma_wait3A_44 = arith.constant 0 : i32
      %dma_wait3A_45 = tpu.memref_slice %arg2[%dma_wait3A_43, %dma_wait3A_44] : memref<320000x128xf32, #tpu.memory_space<hbm>> -> memref<80x128xf32, #tpu.memory_space<hbm>>
      tpu.wait_dma2 semaphore(%arg10 : memref<!tpu.dma_semaphore, #tpu.memory_space<semaphore_mem>>) src(%dma_wait3A_45 : memref<80x128xf32, #tpu.memory_space<hbm>>) dst(%arg7 : memref<80x128xf32, #tpu.memory_space<vmem>>)
      "tpu.region"() ({
        %run_scoped3A_66 = tpu.sem_alloc : memref<!tpu.dma_semaphore, #tpu.memory_space<semaphore_mem>>
        %dma_start3A_67 = arith.constant 0 : i32
        %dma_start3A_68 = tpu.memref_slice %arg9[%mul3A_27, %dma_start3A_67] : memref<125x80xi32, #tpu.memory_space<vmem>> -> memref<1x80xi32, #tpu.memory_space<vmem>>
        %dma_start3A_69 = tpu.memref_squeeze %dma_start3A_68 : memref<1x80xi32, #tpu.memory_space<vmem>> -> memref<80xi32, #tpu.memory_space<vmem>>
        %dma_start3A_70 = arith.constant 0 : i32
        %dma_start3A_71 = arith.constant 0 : i32
        %dma_start3A_72 = tpu.memref_slice %arg6[%dma_start3A_70, %dma_start3A_71] : memref<10112x128xf32, #tpu.memory_space<vmem_shared>> -> memref<10112x128xf32, #tpu.memory_space<vmem_shared>>
        tpu.enqueue_indirect_dma source(%arg7 : memref<80x128xf32, #tpu.memory_space<vmem>>) target(%dma_start3A_72 : memref<10112x128xf32, #tpu.memory_space<vmem_shared>>) offsets(%dma_start3A_69 : memref<80xi32, #tpu.memory_space<vmem>>) semaphore(%run_scoped3A_66 : memref<!tpu.dma_semaphore, #tpu.memory_space<semaphore_mem>>) {add = true}
        %dma_wait3A_73 = arith.constant 0 : i32
        %dma_wait3A_74 = tpu.memref_slice %arg9[%mul3A_27, %dma_wait3A_73] : memref<125x80xi32, #tpu.memory_space<vmem>> -> memref<1x80xi32, #tpu.memory_space<vmem>>
        %dma_wait3A_75 = tpu.memref_squeeze %dma_wait3A_74 : memref<1x80xi32, #tpu.memory_space<vmem>> -> memref<80xi32, #tpu.memory_space<vmem>>
        %dma_wait3A_76 = arith.constant 0 : i32
        %dma_wait3A_77 = arith.constant 0 : i32
        %dma_wait3A_78 = tpu.memref_slice %arg6[%dma_wait3A_76, %dma_wait3A_77] : memref<10112x128xf32, #tpu.memory_space<vmem_shared>> -> memref<10112x128xf32, #tpu.memory_space<vmem_shared>>
        tpu.wait_indirect_dma semaphore(%run_scoped3A_66 : memref<!tpu.dma_semaphore, #tpu.memory_space<semaphore_mem>>) src(%arg7 : memref<80x128xf32, #tpu.memory_space<vmem>>) dst(%dma_wait3A_78 : memref<10112x128xf32, #tpu.memory_space<vmem_shared>>)
        tpu.yield
      }) : () -> ()
      %add3A_46 = arith.constant 2 : i32
      %add3A_47 = arith.addi %mul3A_27, %add3A_46 : i32
      %mul3A_48 = arith.constant 10000 : i32
      %mul3A_49 = arith.muli %add3A, %mul3A_48 : i32
      %mul3A_50 = arith.constant 80 : i32
      %mul3A_51 = arith.muli %add3A_47, %mul3A_50 : i32
      %add3A_52 = arith.addi %mul3A_49, %mul3A_51 : i32
      %multiple_of3A_53 = tpu.assume_multiple %add3A_52, 8 : i32
      %dma_start3A_54 = arith.constant 0 : i32
      %dma_start3A_55 = tpu.memref_slice %arg2[%multiple_of3A_53, %dma_start3A_54] : memref<320000x128xf32, #tpu.memory_space<hbm>> -> memref<80x128xf32, #tpu.memory_space<hbm>>
      %dma_start3A_56 = arith.constant 0 : i32
      %dma_start3A_57 = tpu.memref_slice %arg2[%multiple_of3A_53, %dma_start3A_56] : memref<320000x128xf32, #tpu.memory_space<hbm>> -> memref<80x128xf32, #tpu.memory_space<hbm>>
      tpu.enqueue_dma source(%dma_start3A_57 : memref<80x128xf32, #tpu.memory_space<hbm>>) target(%arg7 : memref<80x128xf32, #tpu.memory_space<vmem>>) target_semaphore(%arg10 : memref<!tpu.dma_semaphore, #tpu.memory_space<semaphore_mem>>)
      %dma_wait3A_58 = arith.constant 0 : i32
      %dma_wait3A_59 = arith.constant 0 : i32
      %dma_wait3A_60 = tpu.memref_slice %arg2[%dma_wait3A_58, %dma_wait3A_59] : memref<320000x128xf32, #tpu.memory_space<hbm>> -> memref<80x128xf32, #tpu.memory_space<hbm>>
      %dma_wait3A_61 = arith.constant 0 : i32
      %dma_wait3A_62 = arith.constant 0 : i32
      %dma_wait3A_63 = tpu.memref_slice %arg2[%dma_wait3A_61, %dma_wait3A_62] : memref<320000x128xf32, #tpu.memory_space<hbm>> -> memref<80x128xf32, #tpu.memory_space<hbm>>
      tpu.wait_dma2 semaphore(%arg11 : memref<!tpu.dma_semaphore, #tpu.memory_space<semaphore_mem>>) src(%dma_wait3A_63 : memref<80x128xf32, #tpu.memory_space<hbm>>) dst(%arg8 : memref<80x128xf32, #tpu.memory_space<vmem>>)
      %add3A_64 = arith.constant 1 : i32
      %add3A_65 = arith.addi %mul3A_27, %add3A_64 : i32
      "tpu.region"() ({
        %run_scoped3A_66 = tpu.sem_alloc : memref<!tpu.dma_semaphore, #tpu.memory_space<semaphore_mem>>
        %dma_start3A_67 = arith.constant 0 : i32
        %dma_start3A_68 = tpu.memref_slice %arg9[%add3A_65, %dma_start3A_67] : memref<125x80xi32, #tpu.memory_space<vmem>> -> memref<1x80xi32, #tpu.memory_space<vmem>>
        %dma_start3A_69 = tpu.memref_squeeze %dma_start3A_68 : memref<1x80xi32, #tpu.memory_space<vmem>> -> memref<80xi32, #tpu.memory_space<vmem>>
        %dma_start3A_70 = arith.constant 0 : i32
        %dma_start3A_71 = arith.constant 0 : i32
        %dma_start3A_72 = tpu.memref_slice %arg6[%dma_start3A_70, %dma_start3A_71] : memref<10112x128xf32, #tpu.memory_space<vmem_shared>> -> memref<10112x128xf32, #tpu.memory_space<vmem_shared>>
        tpu.enqueue_indirect_dma source(%arg8 : memref<80x128xf32, #tpu.memory_space<vmem>>) target(%dma_start3A_72 : memref<10112x128xf32, #tpu.memory_space<vmem_shared>>) offsets(%dma_start3A_69 : memref<80xi32, #tpu.memory_space<vmem>>) semaphore(%run_scoped3A_66 : memref<!tpu.dma_semaphore, #tpu.memory_space<semaphore_mem>>) {add = true}
        %dma_wait3A_73 = arith.constant 0 : i32
        %dma_wait3A_74 = tpu.memref_slice %arg9[%add3A_65, %dma_wait3A_73] : memref<125x80xi32, #tpu.memory_space<vmem>> -> memref<1x80xi32, #tpu.memory_space<vmem>>
        %dma_wait3A_75 = tpu.memref_squeeze %dma_wait3A_74 : memref<1x80xi32, #tpu.memory_space<vmem>> -> memref<80xi32, #tpu.memory_space<vmem>>
        %dma_wait3A_76 = arith.constant 0 : i32
        %dma_wait3A_77 = arith.constant 0 : i32
        %dma_wait3A_78 = tpu.memref_slice %arg6[%dma_wait3A_76, %dma_wait3A_77] : memref<10112x128xf32, #tpu.memory_space<vmem_shared>> -> memref<10112x128xf32, #tpu.memory_space<vmem_shared>>
        tpu.wait_indirect_dma semaphore(%run_scoped3A_66 : memref<!tpu.dma_semaphore, #tpu.memory_space<semaphore_mem>>) src(%arg8 : memref<80x128xf32, #tpu.memory_space<vmem>>) dst(%dma_wait3A_78 : memref<10112x128xf32, #tpu.memory_space<vmem_shared>>)
        tpu.yield
      }) : () -> ()
    }
    %scan3A_14 = arith.constant 62 : i32
    %dma_wait3A = arith.constant 0 : i32
    %dma_wait3A_15 = arith.constant 0 : i32
    %dma_wait3A_16 = tpu.memref_slice %arg2[%dma_wait3A, %dma_wait3A_15] : memref<320000x128xf32, #tpu.memory_space<hbm>> -> memref<80x128xf32, #tpu.memory_space<hbm>>
    %dma_wait3A_17 = arith.constant 0 : i32
    %dma_wait3A_18 = arith.constant 0 : i32
    %dma_wait3A_19 = tpu.memref_slice %arg2[%dma_wait3A_17, %dma_wait3A_18] : memref<320000x128xf32, #tpu.memory_space<hbm>> -> memref<80x128xf32, #tpu.memory_space<hbm>>
    tpu.wait_dma2 semaphore(%arg10 : memref<!tpu.dma_semaphore, #tpu.memory_space<semaphore_mem>>) src(%dma_wait3A_19 : memref<80x128xf32, #tpu.memory_space<hbm>>) dst(%arg7 : memref<80x128xf32, #tpu.memory_space<vmem>>)
    %run_scoped3A = arith.constant 124 : i32
    "tpu.region"() ({
      %run_scoped3A_21 = tpu.sem_alloc : memref<!tpu.dma_semaphore, #tpu.memory_space<semaphore_mem>>
      %dma_start3A_22 = arith.constant 0 : i32
      %dma_start3A_23 = tpu.memref_slice %arg9[%run_scoped3A, %dma_start3A_22] : memref<125x80xi32, #tpu.memory_space<vmem>> -> memref<1x80xi32, #tpu.memory_space<vmem>>
      %dma_start3A_24 = tpu.memref_squeeze %dma_start3A_23 : memref<1x80xi32, #tpu.memory_space<vmem>> -> memref<80xi32, #tpu.memory_space<vmem>>
      %dma_start3A_25 = arith.constant 0 : i32
      %dma_start3A_26 = arith.constant 0 : i32
      %dma_start3A_27 = tpu.memref_slice %arg6[%dma_start3A_25, %dma_start3A_26] : memref<10112x128xf32, #tpu.memory_space<vmem_shared>> -> memref<10112x128xf32, #tpu.memory_space<vmem_shared>>
      tpu.enqueue_indirect_dma source(%arg7 : memref<80x128xf32, #tpu.memory_space<vmem>>) target(%dma_start3A_27 : memref<10112x128xf32, #tpu.memory_space<vmem_shared>>) offsets(%dma_start3A_24 : memref<80xi32, #tpu.memory_space<vmem>>) semaphore(%run_scoped3A_21 : memref<!tpu.dma_semaphore, #tpu.memory_space<semaphore_mem>>) {add = true}
      %dma_wait3A_28 = arith.constant 0 : i32
      %dma_wait3A_29 = tpu.memref_slice %arg9[%run_scoped3A, %dma_wait3A_28] : memref<125x80xi32, #tpu.memory_space<vmem>> -> memref<1x80xi32, #tpu.memory_space<vmem>>
      %dma_wait3A_30 = tpu.memref_squeeze %dma_wait3A_29 : memref<1x80xi32, #tpu.memory_space<vmem>> -> memref<80xi32, #tpu.memory_space<vmem>>
      %dma_wait3A_31 = arith.constant 0 : i32
      %dma_wait3A_32 = arith.constant 0 : i32
      %dma_wait3A_33 = tpu.memref_slice %arg6[%dma_wait3A_31, %dma_wait3A_32] : memref<10112x128xf32, #tpu.memory_space<vmem_shared>> -> memref<10112x128xf32, #tpu.memory_space<vmem_shared>>
      tpu.wait_indirect_dma semaphore(%run_scoped3A_21 : memref<!tpu.dma_semaphore, #tpu.memory_space<semaphore_mem>>) src(%arg7 : memref<80x128xf32, #tpu.memory_space<vmem>>) dst(%dma_wait3A_33 : memref<10112x128xf32, #tpu.memory_space<vmem_shared>>)
      tpu.yield
    }) : () -> ()
    %barrier3A_20 = arith.constant 0 : index
    tpu.barrier barrier_id(%barrier3A_20)
    "tpu.region"() ({
      %run_scoped3A_21 = tpu.sem_alloc : memref<!tpu.dma_semaphore, #tpu.memory_space<semaphore_mem>>
      %dma_start3A_22 = arith.constant 0 : i32
      %dma_start3A_23 = tpu.memref_slice %arg5[%arg0, %multiple_of3A, %dma_start3A_22] : memref<2x10112x128xf32, #tpu.memory_space<hbm>> -> memref<1x632x128xf32, #tpu.memory_space<hbm>>
      %dma_start3A_24 = tpu.memref_squeeze %dma_start3A_23 : memref<1x632x128xf32, #tpu.memory_space<hbm>> -> memref<632x128xf32, #tpu.memory_space<hbm>>
      %dma_start3A_25 = arith.constant 0 : i32
      %dma_start3A_26 = tpu.memref_slice %arg6[%multiple_of3A, %dma_start3A_25] : memref<10112x128xf32, #tpu.memory_space<vmem_shared>> -> memref<632x128xf32, #tpu.memory_space<vmem_shared>>
      tpu.enqueue_dma source(%dma_start3A_26 : memref<632x128xf32, #tpu.memory_space<vmem_shared>>) target(%dma_start3A_24 : memref<632x128xf32, #tpu.memory_space<hbm>>) target_semaphore(%run_scoped3A_21 : memref<!tpu.dma_semaphore, #tpu.memory_space<semaphore_mem>>)
      %dma_wait3A_27 = arith.constant 0 : i32
      %dma_wait3A_28 = tpu.memref_slice %arg5[%arg0, %multiple_of3A, %dma_wait3A_27] : memref<2x10112x128xf32, #tpu.memory_space<hbm>> -> memref<1x632x128xf32, #tpu.memory_space<hbm>>
      %dma_wait3A_29 = tpu.memref_squeeze %dma_wait3A_28 : memref<1x632x128xf32, #tpu.memory_space<hbm>> -> memref<632x128xf32, #tpu.memory_space<hbm>>
      %dma_wait3A_30 = arith.constant 0 : i32
      %dma_wait3A_31 = tpu.memref_slice %arg6[%multiple_of3A, %dma_wait3A_30] : memref<10112x128xf32, #tpu.memory_space<vmem_shared>> -> memref<632x128xf32, #tpu.memory_space<vmem_shared>>
      tpu.wait_dma2 semaphore(%run_scoped3A_21 : memref<!tpu.dma_semaphore, #tpu.memory_space<semaphore_mem>>) src(%dma_wait3A_31 : memref<632x128xf32, #tpu.memory_space<vmem_shared>>) dst(%dma_wait3A_29 : memref<632x128xf32, #tpu.memory_space<hbm>>)
      tpu.yield
    }) : () -> ()
    return
  }
}

#map = affine_map<(d0, d1) -> (0, 0)>
#map1 = affine_map<(d0, d1) -> (0, 0, 0)>
module attributes {stable_mosaic.version = 14 : i64} {
  func.func @k(%arg0: i32, %arg1: i32, %arg2: memref<320000x128xf32, #tpu.memory_space<hbm>>, %arg3: memref<32x125x80xi32, #tpu.memory_space<hbm>>, %arg4: memref<10112x128xf32, #tpu.memory_space<hbm>>, %arg5: memref<2x10112x128xf32, #tpu.memory_space<hbm>>, %arg6: memref<10112x128xf32, #tpu.memory_space<vmem_shared>>, %arg7: memref<80x128xf32, #tpu.memory_space<vmem>>, %arg8: memref<80x128xf32, #tpu.memory_space<vmem>>, %arg9: memref<125x80xi32, #tpu.memory_space<vmem>>, %arg10: memref<!tpu.dma_semaphore, #tpu.memory_space<semaphore_mem>>, %arg11: memref<!tpu.dma_semaphore, #tpu.memory_space<semaphore_mem>>) attributes {dimension_semantics = [#tpu.dimension_semantics<core_parallel>, #tpu.dimension_semantics<subcore_parallel>], iteration_bounds = array<i64: 2, 16>, scalar_prefetch = 0 : i64, scratch_operands = 6 : i64, tpu.core_type = #tpu.core_type<sc_vector_subcore>, window_params = [{transform_indices = #map}, {transform_indices = #map1}, {transform_indices = #map}, {transform_indices = #map1}]} {
    %mul3A = arith.constant 2 : i32
    %mul3A_0 = arith.muli %arg1, %mul3A : i32
    %add3A = arith.addi %mul3A_0, %arg0 : i32
    %mul3A_1 = arith.constant 632 : i32
    %mul3A_2 = arith.muli %arg1, %mul3A_1 : i32
    %multiple_of3A = tpu.assume_multiple %mul3A_2, 8 : i32
    "tpu.region"() ({
      %run_scoped3A_21 = tpu.sem_alloc : memref<!tpu.dma_semaphore, #tpu.memory_space<semaphore_mem>>
      %dma_start3A_22 = arith.constant 0 : i32
      %dma_start3A_23 = tpu.memref_slice %arg6[%multiple_of3A, %dma_start3A_22] : memref<10112x128xf32, #tpu.memory_space<vmem_shared>> -> memref<632x128xf32, #tpu.memory_space<vmem_shared>>
      %dma_start3A_24 = arith.constant 0 : i32
      %dma_start3A_25 = tpu.memref_slice %arg4[%multiple_of3A, %dma_start3A_24] : memref<10112x128xf32, #tpu.memory_space<hbm>> -> memref<632x128xf32, #tpu.memory_space<hbm>>
      tpu.enqueue_dma source(%dma_start3A_25 : memref<632x128xf32, #tpu.memory_space<hbm>>) target(%dma_start3A_23 : memref<632x128xf32, #tpu.memory_space<vmem_shared>>) target_semaphore(%run_scoped3A_21 : memref<!tpu.dma_semaphore, #tpu.memory_space<semaphore_mem>>)
      %dma_wait3A_26 = arith.constant 0 : i32
      %dma_wait3A_27 = tpu.memref_slice %arg6[%multiple_of3A, %dma_wait3A_26] : memref<10112x128xf32, #tpu.memory_space<vmem_shared>> -> memref<632x128xf32, #tpu.memory_space<vmem_shared>>
      %dma_wait3A_28 = arith.constant 0 : i32
      %dma_wait3A_29 = tpu.memref_slice %arg4[%multiple_of3A, %dma_wait3A_28] : memref<10112x128xf32, #tpu.memory_space<hbm>> -> memref<632x128xf32, #tpu.memory_space<hbm>>
      tpu.wait_dma2 semaphore(%run_scoped3A_21 : memref<!tpu.dma_semaphore, #tpu.memory_space<semaphore_mem>>) src(%dma_wait3A_29 : memref<632x128xf32, #tpu.memory_space<hbm>>) dst(%dma_wait3A_27 : memref<632x128xf32, #tpu.memory_space<vmem_shared>>)
      tpu.yield
    }) : () -> ()
    "tpu.region"() ({
      %run_scoped3A_21 = tpu.sem_alloc : memref<!tpu.dma_semaphore, #tpu.memory_space<semaphore_mem>>
      %dma_start3A_22 = arith.constant 0 : i32
      %dma_start3A_23 = arith.constant 0 : i32
      %dma_start3A_24 = tpu.memref_slice %arg3[%add3A, %dma_start3A_22, %dma_start3A_23] : memref<32x125x80xi32, #tpu.memory_space<hbm>> -> memref<1x125x80xi32, #tpu.memory_space<hbm>>
      %dma_start3A_25 = tpu.memref_squeeze %dma_start3A_24 : memref<1x125x80xi32, #tpu.memory_space<hbm>> -> memref<125x80xi32, #tpu.memory_space<hbm>>
      %dma_start3A_26 = arith.constant 0 : i32
      %dma_start3A_27 = arith.constant 0 : i32
      %dma_start3A_28 = tpu.memref_slice %arg3[%add3A, %dma_start3A_26, %dma_start3A_27] : memref<32x125x80xi32, #tpu.memory_space<hbm>> -> memref<1x125x80xi32, #tpu.memory_space<hbm>>
      %dma_start3A_29 = tpu.memref_squeeze %dma_start3A_28 : memref<1x125x80xi32, #tpu.memory_space<hbm>> -> memref<125x80xi32, #tpu.memory_space<hbm>>
      tpu.enqueue_dma source(%dma_start3A_29 : memref<125x80xi32, #tpu.memory_space<hbm>>) target(%arg9 : memref<125x80xi32, #tpu.memory_space<vmem>>) target_semaphore(%run_scoped3A_21 : memref<!tpu.dma_semaphore, #tpu.memory_space<semaphore_mem>>)
      %dma_wait3A_30 = arith.constant 0 : i32
      %dma_wait3A_31 = arith.constant 0 : i32
      %dma_wait3A_32 = tpu.memref_slice %arg3[%add3A, %dma_wait3A_30, %dma_wait3A_31] : memref<32x125x80xi32, #tpu.memory_space<hbm>> -> memref<1x125x80xi32, #tpu.memory_space<hbm>>
      %dma_wait3A_33 = tpu.memref_squeeze %dma_wait3A_32 : memref<1x125x80xi32, #tpu.memory_space<hbm>> -> memref<125x80xi32, #tpu.memory_space<hbm>>
      %dma_wait3A_34 = arith.constant 0 : i32
      %dma_wait3A_35 = arith.constant 0 : i32
      %dma_wait3A_36 = tpu.memref_slice %arg3[%add3A, %dma_wait3A_34, %dma_wait3A_35] : memref<32x125x80xi32, #tpu.memory_space<hbm>> -> memref<1x125x80xi32, #tpu.memory_space<hbm>>
      %dma_wait3A_37 = tpu.memref_squeeze %dma_wait3A_36 : memref<1x125x80xi32, #tpu.memory_space<hbm>> -> memref<125x80xi32, #tpu.memory_space<hbm>>
      tpu.wait_dma2 semaphore(%run_scoped3A_21 : memref<!tpu.dma_semaphore, #tpu.memory_space<semaphore_mem>>) src(%dma_wait3A_37 : memref<125x80xi32, #tpu.memory_space<hbm>>) dst(%arg9 : memref<125x80xi32, #tpu.memory_space<vmem>>)
      tpu.yield
    }) : () -> ()
    %barrier3A = arith.constant 0 : index
    tpu.barrier barrier_id(%barrier3A)
    %mul3A_3 = arith.constant 10000 : i32
    %mul3A_4 = arith.muli %add3A, %mul3A_3 : i32
    %add3A_5 = arith.constant 0 : i32
    %add3A_6 = arith.addi %mul3A_4, %add3A_5 : i32
    %multiple_of3A_7 = tpu.assume_multiple %add3A_6, 8 : i32
    %dma_start3A = arith.constant 0 : i32
    %dma_start3A_8 = tpu.memref_slice %arg2[%multiple_of3A_7, %dma_start3A] : memref<320000x128xf32, #tpu.memory_space<hbm>> -> memref<80x128xf32, #tpu.memory_space<hbm>>
    %dma_start3A_9 = arith.constant 0 : i32
    %dma_start3A_10 = tpu.memref_slice %arg2[%multiple_of3A_7, %dma_start3A_9] : memref<320000x128xf32, #tpu.memory_space<hbm>> -> memref<80x128xf32, #tpu.memory_space<hbm>>
    tpu.enqueue_dma source(%dma_start3A_10 : memref<80x128xf32, #tpu.memory_space<hbm>>) target(%arg7 : memref<80x128xf32, #tpu.memory_space<vmem>>) target_semaphore(%arg10 : memref<!tpu.dma_semaphore, #tpu.memory_space<semaphore_mem>>)
    %scan3A = arith.constant 0 : i32
    %scan3A_11 = arith.constant 62 : i32
    %scan3A_12 = arith.addi %scan3A, %scan3A_11 : i32
    %scan3A_13 = arith.constant 1 : i32
    scf.for %scan3A_21 = %scan3A to %scan3A_12 step %scan3A_13  : i32 {
      %mul3A_22 = arith.constant 1 : i32
      %mul3A_23 = arith.muli %scan3A_21, %mul3A_22 : i32
      %add3A_24 = arith.constant 0 : i32
      %add3A_25 = arith.addi %add3A_24, %mul3A_23 : i32
      %mul3A_26 = arith.constant 2 : i32
      %mul3A_27 = arith.muli %mul3A_26, %add3A_25 : i32
      %add3A_28 = arith.constant 1 : i32
      %add3A_29 = arith.addi %mul3A_27, %add3A_28 : i32
      %mul3A_30 = arith.constant 10000 : i32
      %mul3A_31 = arith.muli %add3A, %mul3A_30 : i32
      %mul3A_32 = arith.constant 80 : i32
      %mul3A_33 = arith.muli %add3A_29, %mul3A_32 : i32
      %add3A_34 = arith.addi %mul3A_31, %mul3A_33 : i32
      %multiple_of3A_35 = tpu.assume_multiple %add3A_34, 8 : i32
      %dma_start3A_36 = arith.constant 0 : i32
      %dma_start3A_37 = tpu.memref_slice %arg2[%multiple_of3A_35, %dma_start3A_36] : memref<320000x128xf32, #tpu.memory_space<hbm>> -> memref<80x128xf32, #tpu.memory_space<hbm>>
      %dma_start3A_38 = arith.constant 0 : i32
      %dma_start3A_39 = tpu.memref_slice %arg2[%multiple_of3A_35, %dma_start3A_38] : memref<320000x128xf32, #tpu.memory_space<hbm>> -> memref<80x128xf32, #tpu.memory_space<hbm>>
      tpu.enqueue_dma source(%dma_start3A_39 : memref<80x128xf32, #tpu.memory_space<hbm>>) target(%arg8 : memref<80x128xf32, #tpu.memory_space<vmem>>) target_semaphore(%arg11 : memref<!tpu.dma_semaphore, #tpu.memory_space<semaphore_mem>>)
      %dma_wait3A_40 = arith.constant 0 : i32
      %dma_wait3A_41 = arith.constant 0 : i32
      %dma_wait3A_42 = tpu.memref_slice %arg2[%dma_wait3A_40, %dma_wait3A_41] : memref<320000x128xf32, #tpu.memory_space<hbm>> -> memref<80x128xf32, #tpu.memory_space<hbm>>
      %dma_wait3A_43 = arith.constant 0 : i32
      %dma_wait3A_44 = arith.constant 0 : i32
      %dma_wait3A_45 = tpu.memref_slice %arg2[%dma_wait3A_43, %dma_wait3A_44] : memref<320000x128xf32, #tpu.memory_space<hbm>> -> memref<80x128xf32, #tpu.memory_space<hbm>>
      tpu.wait_dma2 semaphore(%arg10 : memref<!tpu.dma_semaphore, #tpu.memory_space<semaphore_mem>>) src(%dma_wait3A_45 : memref<80x128xf32, #tpu.memory_space<hbm>>) dst(%arg7 : memref<80x128xf32, #tpu.memory_space<vmem>>)
      "tpu.region"() ({
        %run_scoped3A_66 = tpu.sem_alloc : memref<!tpu.dma_semaphore, #tpu.memory_space<semaphore_mem>>
        %dma_start3A_67 = arith.constant 0 : i32
        %dma_start3A_68 = tpu.memref_slice %arg9[%mul3A_27, %dma_start3A_67] : memref<125x80xi32, #tpu.memory_space<vmem>> -> memref<1x80xi32, #tpu.memory_space<vmem>>
        %dma_start3A_69 = tpu.memref_squeeze %dma_start3A_68 : memref<1x80xi32, #tpu.memory_space<vmem>> -> memref<80xi32, #tpu.memory_space<vmem>>
        %dma_start3A_70 = arith.constant 0 : i32
        %dma_start3A_71 = arith.constant 0 : i32
        %dma_start3A_72 = tpu.memref_slice %arg6[%dma_start3A_70, %dma_start3A_71] : memref<10112x128xf32, #tpu.memory_space<vmem_shared>> -> memref<10112x128xf32, #tpu.memory_space<vmem_shared>>
        tpu.enqueue_indirect_dma source(%arg7 : memref<80x128xf32, #tpu.memory_space<vmem>>) target(%dma_start3A_72 : memref<10112x128xf32, #tpu.memory_space<vmem_shared>>) offsets(%dma_start3A_69 : memref<80xi32, #tpu.memory_space<vmem>>) semaphore(%run_scoped3A_66 : memref<!tpu.dma_semaphore, #tpu.memory_space<semaphore_mem>>) {add = true}
        %dma_wait3A_73 = arith.constant 0 : i32
        %dma_wait3A_74 = tpu.memref_slice %arg9[%mul3A_27, %dma_wait3A_73] : memref<125x80xi32, #tpu.memory_space<vmem>> -> memref<1x80xi32, #tpu.memory_space<vmem>>
        %dma_wait3A_75 = tpu.memref_squeeze %dma_wait3A_74 : memref<1x80xi32, #tpu.memory_space<vmem>> -> memref<80xi32, #tpu.memory_space<vmem>>
        %dma_wait3A_76 = arith.constant 0 : i32
        %dma_wait3A_77 = arith.constant 0 : i32
        %dma_wait3A_78 = tpu.memref_slice %arg6[%dma_wait3A_76, %dma_wait3A_77] : memref<10112x128xf32, #tpu.memory_space<vmem_shared>> -> memref<10112x128xf32, #tpu.memory_space<vmem_shared>>
        tpu.wait_indirect_dma semaphore(%run_scoped3A_66 : memref<!tpu.dma_semaphore, #tpu.memory_space<semaphore_mem>>) src(%arg7 : memref<80x128xf32, #tpu.memory_space<vmem>>) dst(%dma_wait3A_78 : memref<10112x128xf32, #tpu.memory_space<vmem_shared>>)
        tpu.yield
      }) : () -> ()
      %add3A_46 = arith.constant 2 : i32
      %add3A_47 = arith.addi %mul3A_27, %add3A_46 : i32
      %mul3A_48 = arith.constant 10000 : i32
      %mul3A_49 = arith.muli %add3A, %mul3A_48 : i32
      %mul3A_50 = arith.constant 80 : i32
      %mul3A_51 = arith.muli %add3A_47, %mul3A_50 : i32
      %add3A_52 = arith.addi %mul3A_49, %mul3A_51 : i32
      %multiple_of3A_53 = tpu.assume_multiple %add3A_52, 8 : i32
      %dma_start3A_54 = arith.constant 0 : i32
      %dma_start3A_55 = tpu.memref_slice %arg2[%multiple_of3A_53, %dma_start3A_54] : memref<320000x128xf32, #tpu.memory_space<hbm>> -> memref<80x128xf32, #tpu.memory_space<hbm>>
      %dma_start3A_56 = arith.constant 0 : i32
      %dma_start3A_57 = tpu.memref_slice %arg2[%multiple_of3A_53, %dma_start3A_56] : memref<320000x128xf32, #tpu.memory_space<hbm>> -> memref<80x128xf32, #tpu.memory_space<hbm>>
      tpu.enqueue_dma source(%dma_start3A_57 : memref<80x128xf32, #tpu.memory_space<hbm>>) target(%arg7 : memref<80x128xf32, #tpu.memory_space<vmem>>) target_semaphore(%arg10 : memref<!tpu.dma_semaphore, #tpu.memory_space<semaphore_mem>>)
      %dma_wait3A_58 = arith.constant 0 : i32
      %dma_wait3A_59 = arith.constant 0 : i32
      %dma_wait3A_60 = tpu.memref_slice %arg2[%dma_wait3A_58, %dma_wait3A_59] : memref<320000x128xf32, #tpu.memory_space<hbm>> -> memref<80x128xf32, #tpu.memory_space<hbm>>
      %dma_wait3A_61 = arith.constant 0 : i32
      %dma_wait3A_62 = arith.constant 0 : i32
      %dma_wait3A_63 = tpu.memref_slice %arg2[%dma_wait3A_61, %dma_wait3A_62] : memref<320000x128xf32, #tpu.memory_space<hbm>> -> memref<80x128xf32, #tpu.memory_space<hbm>>
      tpu.wait_dma2 semaphore(%arg11 : memref<!tpu.dma_semaphore, #tpu.memory_space<semaphore_mem>>) src(%dma_wait3A_63 : memref<80x128xf32, #tpu.memory_space<hbm>>) dst(%arg8 : memref<80x128xf32, #tpu.memory_space<vmem>>)
      %add3A_64 = arith.constant 1 : i32
      %add3A_65 = arith.addi %mul3A_27, %add3A_64 : i32
      "tpu.region"() ({
        %run_scoped3A_66 = tpu.sem_alloc : memref<!tpu.dma_semaphore, #tpu.memory_space<semaphore_mem>>
        %dma_start3A_67 = arith.constant 0 : i32
        %dma_start3A_68 = tpu.memref_slice %arg9[%add3A_65, %dma_start3A_67] : memref<125x80xi32, #tpu.memory_space<vmem>> -> memref<1x80xi32, #tpu.memory_space<vmem>>
        %dma_start3A_69 = tpu.memref_squeeze %dma_start3A_68 : memref<1x80xi32, #tpu.memory_space<vmem>> -> memref<80xi32, #tpu.memory_space<vmem>>
        %dma_start3A_70 = arith.constant 0 : i32
        %dma_start3A_71 = arith.constant 0 : i32
        %dma_start3A_72 = tpu.memref_slice %arg6[%dma_start3A_70, %dma_start3A_71] : memref<10112x128xf32, #tpu.memory_space<vmem_shared>> -> memref<10112x128xf32, #tpu.memory_space<vmem_shared>>
        tpu.enqueue_indirect_dma source(%arg8 : memref<80x128xf32, #tpu.memory_space<vmem>>) target(%dma_start3A_72 : memref<10112x128xf32, #tpu.memory_space<vmem_shared>>) offsets(%dma_start3A_69 : memref<80xi32, #tpu.memory_space<vmem>>) semaphore(%run_scoped3A_66 : memref<!tpu.dma_semaphore, #tpu.memory_space<semaphore_mem>>) {add = true}
        %dma_wait3A_73 = arith.constant 0 : i32
        %dma_wait3A_74 = tpu.memref_slice %arg9[%add3A_65, %dma_wait3A_73] : memref<125x80xi32, #tpu.memory_space<vmem>> -> memref<1x80xi32, #tpu.memory_space<vmem>>
        %dma_wait3A_75 = tpu.memref_squeeze %dma_wait3A_74 : memref<1x80xi32, #tpu.memory_space<vmem>> -> memref<80xi32, #tpu.memory_space<vmem>>
        %dma_wait3A_76 = arith.constant 0 : i32
        %dma_wait3A_77 = arith.constant 0 : i32
        %dma_wait3A_78 = tpu.memref_slice %arg6[%dma_wait3A_76, %dma_wait3A_77] : memref<10112x128xf32, #tpu.memory_space<vmem_shared>> -> memref<10112x128xf32, #tpu.memory_space<vmem_shared>>
        tpu.wait_indirect_dma semaphore(%run_scoped3A_66 : memref<!tpu.dma_semaphore, #tpu.memory_space<semaphore_mem>>) src(%arg8 : memref<80x128xf32, #tpu.memory_space<vmem>>) dst(%dma_wait3A_78 : memref<10112x128xf32, #tpu.memory_space<vmem_shared>>)
        tpu.yield
      }) : () -> ()
    }
    %scan3A_14 = arith.constant 62 : i32
    %dma_wait3A = arith.constant 0 : i32
    %dma_wait3A_15 = arith.constant 0 : i32
    %dma_wait3A_16 = tpu.memref_slice %arg2[%dma_wait3A, %dma_wait3A_15] : memref<320000x128xf32, #tpu.memory_space<hbm>> -> memref<80x128xf32, #tpu.memory_space<hbm>>
    %dma_wait3A_17 = arith.constant 0 : i32
    %dma_wait3A_18 = arith.constant 0 : i32
    %dma_wait3A_19 = tpu.memref_slice %arg2[%dma_wait3A_17, %dma_wait3A_18] : memref<320000x128xf32, #tpu.memory_space<hbm>> -> memref<80x128xf32, #tpu.memory_space<hbm>>
    tpu.wait_dma2 semaphore(%arg10 : memref<!tpu.dma_semaphore, #tpu.memory_space<semaphore_mem>>) src(%dma_wait3A_19 : memref<80x128xf32, #tpu.memory_space<hbm>>) dst(%arg7 : memref<80x128xf32, #tpu.memory_space<vmem>>)
    %run_scoped3A = arith.constant 124 : i32
    "tpu.region"() ({
      %run_scoped3A_21 = tpu.sem_alloc : memref<!tpu.dma_semaphore, #tpu.memory_space<semaphore_mem>>
      %dma_start3A_22 = arith.constant 0 : i32
      %dma_start3A_23 = tpu.memref_slice %arg9[%run_scoped3A, %dma_start3A_22] : memref<125x80xi32, #tpu.memory_space<vmem>> -> memref<1x80xi32, #tpu.memory_space<vmem>>
      %dma_start3A_24 = tpu.memref_squeeze %dma_start3A_23 : memref<1x80xi32, #tpu.memory_space<vmem>> -> memref<80xi32, #tpu.memory_space<vmem>>
      %dma_start3A_25 = arith.constant 0 : i32
      %dma_start3A_26 = arith.constant 0 : i32
      %dma_start3A_27 = tpu.memref_slice %arg6[%dma_start3A_25, %dma_start3A_26] : memref<10112x128xf32, #tpu.memory_space<vmem_shared>> -> memref<10112x128xf32, #tpu.memory_space<vmem_shared>>
      tpu.enqueue_indirect_dma source(%arg7 : memref<80x128xf32, #tpu.memory_space<vmem>>) target(%dma_start3A_27 : memref<10112x128xf32, #tpu.memory_space<vmem_shared>>) offsets(%dma_start3A_24 : memref<80xi32, #tpu.memory_space<vmem>>) semaphore(%run_scoped3A_21 : memref<!tpu.dma_semaphore, #tpu.memory_space<semaphore_mem>>) {add = true}
      %dma_wait3A_28 = arith.constant 0 : i32
      %dma_wait3A_29 = tpu.memref_slice %arg9[%run_scoped3A, %dma_wait3A_28] : memref<125x80xi32, #tpu.memory_space<vmem>> -> memref<1x80xi32, #tpu.memory_space<vmem>>
      %dma_wait3A_30 = tpu.memref_squeeze %dma_wait3A_29 : memref<1x80xi32, #tpu.memory_space<vmem>> -> memref<80xi32, #tpu.memory_space<vmem>>
      %dma_wait3A_31 = arith.constant 0 : i32
      %dma_wait3A_32 = arith.constant 0 : i32
      %dma_wait3A_33 = tpu.memref_slice %arg6[%dma_wait3A_31, %dma_wait3A_32] : memref<10112x128xf32, #tpu.memory_space<vmem_shared>> -> memref<10112x128xf32, #tpu.memory_space<vmem_shared>>
      tpu.wait_indirect_dma semaphore(%run_scoped3A_21 : memref<!tpu.dma_semaphore, #tpu.memory_space<semaphore_mem>>) src(%arg7 : memref<80x128xf32, #tpu.memory_space<vmem>>) dst(%dma_wait3A_33 : memref<10112x128xf32, #tpu.memory_space<vmem_shared>>)
      tpu.yield
    }) : () -> ()
    %barrier3A_20 = arith.constant 0 : index
    tpu.barrier barrier_id(%barrier3A_20)
    "tpu.region"() ({
      %run_scoped3A_21 = tpu.sem_alloc : memref<!tpu.dma_semaphore, #tpu.memory_space<semaphore_mem>>
      %dma_start3A_22 = arith.constant 0 : i32
      %dma_start3A_23 = tpu.memref_slice %arg5[%arg0, %multiple_of3A, %dma_start3A_22] : memref<2x10112x128xf32, #tpu.memory_space<hbm>> -> memref<1x632x128xf32, #tpu.memory_space<hbm>>
      %dma_start3A_24 = tpu.memref_squeeze %dma_start3A_23 : memref<1x632x128xf32, #tpu.memory_space<hbm>> -> memref<632x128xf32, #tpu.memory_space<hbm>>
      %dma_start3A_25 = arith.constant 0 : i32
      %dma_start3A_26 = tpu.memref_slice %arg6[%multiple_of3A, %dma_start3A_25] : memref<10112x128xf32, #tpu.memory_space<vmem_shared>> -> memref<632x128xf32, #tpu.memory_space<vmem_shared>>
      tpu.enqueue_dma source(%dma_start3A_26 : memref<632x128xf32, #tpu.memory_space<vmem_shared>>) target(%dma_start3A_24 : memref<632x128xf32, #tpu.memory_space<hbm>>) target_semaphore(%run_scoped3A_21 : memref<!tpu.dma_semaphore, #tpu.memory_space<semaphore_mem>>)
      %dma_wait3A_27 = arith.constant 0 : i32
      %dma_wait3A_28 = tpu.memref_slice %arg5[%arg0, %multiple_of3A, %dma_wait3A_27] : memref<2x10112x128xf32, #tpu.memory_space<hbm>> -> memref<1x632x128xf32, #tpu.memory_space<hbm>>
      %dma_wait3A_29 = tpu.memref_squeeze %dma_wait3A_28 : memref<1x632x128xf32, #tpu.memory_space<hbm>> -> memref<632x128xf32, #tpu.memory_space<hbm>>
      %dma_wait3A_30 = arith.constant 0 : i32
      %dma_wait3A_31 = tpu.memref_slice %arg6[%multiple_of3A, %dma_wait3A_30] : memref<10112x128xf32, #tpu.memory_space<vmem_shared>> -> memref<632x128xf32, #tpu.memory_space<vmem_shared>>
      tpu.wait_dma2 semaphore(%run_scoped3A_21 : memref<!tpu.dma_semaphore, #tpu.memory_space<semaphore_mem>>) src(%dma_wait3A_31 : memref<632x128xf32, #tpu.memory_space<vmem_shared>>) dst(%dma_wait3A_29 : memref<632x128xf32, #tpu.memory_space<hbm>>)
      tpu.yield
    }) : () -> ()
    return
  }
}

#map = affine_map<(d0, d1) -> (0, 0)>
#map1 = affine_map<(d0, d1) -> (0, 0, 0)>
module attributes {stable_mosaic.version = 14 : i64} {
  func.func @k(%arg0: i32, %arg1: i32, %arg2: memref<10000x128xf32, #tpu.memory_space<hbm>>, %arg3: memref<32x125x80xi32, #tpu.memory_space<hbm>>, %arg4: memref<32x125x80xi32, #tpu.memory_space<hbm>>, %arg5: memref<320000x128xf32, #tpu.memory_space<hbm>>, %arg6: memref<320000x128xf32, #tpu.memory_space<hbm>>, %arg7: memref<125x80xi32, #tpu.memory_space<vmem>>, %arg8: memref<125x80xi32, #tpu.memory_space<vmem>>, %arg9: memref<80x128xf32, #tpu.memory_space<vmem>>, %arg10: memref<80x128xf32, #tpu.memory_space<vmem>>, %arg11: memref<80x128xf32, #tpu.memory_space<vmem>>, %arg12: memref<80x128xf32, #tpu.memory_space<vmem>>, %arg13: memref<!tpu.dma_semaphore, #tpu.memory_space<semaphore_mem>>, %arg14: memref<!tpu.dma_semaphore, #tpu.memory_space<semaphore_mem>>, %arg15: memref<!tpu.dma_semaphore, #tpu.memory_space<semaphore_mem>>, %arg16: memref<!tpu.dma_semaphore, #tpu.memory_space<semaphore_mem>>) attributes {dimension_semantics = [#tpu.dimension_semantics<core_parallel>, #tpu.dimension_semantics<subcore_parallel>], iteration_bounds = array<i64: 2, 16>, scalar_prefetch = 0 : i64, scratch_operands = 10 : i64, tpu.core_type = #tpu.core_type<sc_vector_subcore>, window_params = [{transform_indices = #map}, {transform_indices = #map1}, {transform_indices = #map1}, {transform_indices = #map}, {transform_indices = #map}]} {
    %mul3A = arith.constant 2 : i32
    %mul3A_0 = arith.muli %arg1, %mul3A : i32
    %add3A = arith.addi %mul3A_0, %arg0 : i32
    "tpu.region"() ({
      %run_scoped3A = tpu.sem_alloc : memref<!tpu.dma_semaphore, #tpu.memory_space<semaphore_mem>>
      %dma_start3A_35 = arith.constant 0 : i32
      %dma_start3A_36 = arith.constant 0 : i32
      %dma_start3A_37 = tpu.memref_slice %arg3[%add3A, %dma_start3A_35, %dma_start3A_36] : memref<32x125x80xi32, #tpu.memory_space<hbm>> -> memref<1x125x80xi32, #tpu.memory_space<hbm>>
      %dma_start3A_38 = tpu.memref_squeeze %dma_start3A_37 : memref<1x125x80xi32, #tpu.memory_space<hbm>> -> memref<125x80xi32, #tpu.memory_space<hbm>>
      %dma_start3A_39 = arith.constant 0 : i32
      %dma_start3A_40 = arith.constant 0 : i32
      %dma_start3A_41 = tpu.memref_slice %arg3[%add3A, %dma_start3A_39, %dma_start3A_40] : memref<32x125x80xi32, #tpu.memory_space<hbm>> -> memref<1x125x80xi32, #tpu.memory_space<hbm>>
      %dma_start3A_42 = tpu.memref_squeeze %dma_start3A_41 : memref<1x125x80xi32, #tpu.memory_space<hbm>> -> memref<125x80xi32, #tpu.memory_space<hbm>>
      tpu.enqueue_dma source(%dma_start3A_42 : memref<125x80xi32, #tpu.memory_space<hbm>>) target(%arg7 : memref<125x80xi32, #tpu.memory_space<vmem>>) target_semaphore(%run_scoped3A : memref<!tpu.dma_semaphore, #tpu.memory_space<semaphore_mem>>)
      %dma_wait3A_43 = arith.constant 0 : i32
      %dma_wait3A_44 = arith.constant 0 : i32
      %dma_wait3A_45 = tpu.memref_slice %arg3[%add3A, %dma_wait3A_43, %dma_wait3A_44] : memref<32x125x80xi32, #tpu.memory_space<hbm>> -> memref<1x125x80xi32, #tpu.memory_space<hbm>>
      %dma_wait3A_46 = tpu.memref_squeeze %dma_wait3A_45 : memref<1x125x80xi32, #tpu.memory_space<hbm>> -> memref<125x80xi32, #tpu.memory_space<hbm>>
      %dma_wait3A_47 = arith.constant 0 : i32
      %dma_wait3A_48 = arith.constant 0 : i32
      %dma_wait3A_49 = tpu.memref_slice %arg3[%add3A, %dma_wait3A_47, %dma_wait3A_48] : memref<32x125x80xi32, #tpu.memory_space<hbm>> -> memref<1x125x80xi32, #tpu.memory_space<hbm>>
      %dma_wait3A_50 = tpu.memref_squeeze %dma_wait3A_49 : memref<1x125x80xi32, #tpu.memory_space<hbm>> -> memref<125x80xi32, #tpu.memory_space<hbm>>
      tpu.wait_dma2 semaphore(%run_scoped3A : memref<!tpu.dma_semaphore, #tpu.memory_space<semaphore_mem>>) src(%dma_wait3A_50 : memref<125x80xi32, #tpu.memory_space<hbm>>) dst(%arg7 : memref<125x80xi32, #tpu.memory_space<vmem>>)
      tpu.yield
    }) : () -> ()
    "tpu.region"() ({
      %run_scoped3A = tpu.sem_alloc : memref<!tpu.dma_semaphore, #tpu.memory_space<semaphore_mem>>
      %dma_start3A_35 = arith.constant 0 : i32
      %dma_start3A_36 = arith.constant 0 : i32
      %dma_start3A_37 = tpu.memref_slice %arg4[%add3A, %dma_start3A_35, %dma_start3A_36] : memref<32x125x80xi32, #tpu.memory_space<hbm>> -> memref<1x125x80xi32, #tpu.memory_space<hbm>>
      %dma_start3A_38 = tpu.memref_squeeze %dma_start3A_37 : memref<1x125x80xi32, #tpu.memory_space<hbm>> -> memref<125x80xi32, #tpu.memory_space<hbm>>
      %dma_start3A_39 = arith.constant 0 : i32
      %dma_start3A_40 = arith.constant 0 : i32
      %dma_start3A_41 = tpu.memref_slice %arg4[%add3A, %dma_start3A_39, %dma_start3A_40] : memref<32x125x80xi32, #tpu.memory_space<hbm>> -> memref<1x125x80xi32, #tpu.memory_space<hbm>>
      %dma_start3A_42 = tpu.memref_squeeze %dma_start3A_41 : memref<1x125x80xi32, #tpu.memory_space<hbm>> -> memref<125x80xi32, #tpu.memory_space<hbm>>
      tpu.enqueue_dma source(%dma_start3A_42 : memref<125x80xi32, #tpu.memory_space<hbm>>) target(%arg8 : memref<125x80xi32, #tpu.memory_space<vmem>>) target_semaphore(%run_scoped3A : memref<!tpu.dma_semaphore, #tpu.memory_space<semaphore_mem>>)
      %dma_wait3A_43 = arith.constant 0 : i32
      %dma_wait3A_44 = arith.constant 0 : i32
      %dma_wait3A_45 = tpu.memref_slice %arg4[%add3A, %dma_wait3A_43, %dma_wait3A_44] : memref<32x125x80xi32, #tpu.memory_space<hbm>> -> memref<1x125x80xi32, #tpu.memory_space<hbm>>
      %dma_wait3A_46 = tpu.memref_squeeze %dma_wait3A_45 : memref<1x125x80xi32, #tpu.memory_space<hbm>> -> memref<125x80xi32, #tpu.memory_space<hbm>>
      %dma_wait3A_47 = arith.constant 0 : i32
      %dma_wait3A_48 = arith.constant 0 : i32
      %dma_wait3A_49 = tpu.memref_slice %arg4[%add3A, %dma_wait3A_47, %dma_wait3A_48] : memref<32x125x80xi32, #tpu.memory_space<hbm>> -> memref<1x125x80xi32, #tpu.memory_space<hbm>>
      %dma_wait3A_50 = tpu.memref_squeeze %dma_wait3A_49 : memref<1x125x80xi32, #tpu.memory_space<hbm>> -> memref<125x80xi32, #tpu.memory_space<hbm>>
      tpu.wait_dma2 semaphore(%run_scoped3A : memref<!tpu.dma_semaphore, #tpu.memory_space<semaphore_mem>>) src(%dma_wait3A_50 : memref<125x80xi32, #tpu.memory_space<hbm>>) dst(%arg8 : memref<125x80xi32, #tpu.memory_space<vmem>>)
      tpu.yield
    }) : () -> ()
    %dma_start3A = arith.constant 0 : i32
    %dma_start3A_1 = arith.constant 0 : i32
    %dma_start3A_2 = tpu.memref_slice %arg7[%dma_start3A, %dma_start3A_1] : memref<125x80xi32, #tpu.memory_space<vmem>> -> memref<1x80xi32, #tpu.memory_space<vmem>>
    %dma_start3A_3 = tpu.memref_squeeze %dma_start3A_2 : memref<1x80xi32, #tpu.memory_space<vmem>> -> memref<80xi32, #tpu.memory_space<vmem>>
    %dma_start3A_4 = arith.constant 0 : i32
    %dma_start3A_5 = arith.constant 0 : i32
    %dma_start3A_6 = tpu.memref_slice %arg2[%dma_start3A_4, %dma_start3A_5] : memref<10000x128xf32, #tpu.memory_space<hbm>> -> memref<10000x128xf32, #tpu.memory_space<hbm>>
    tpu.enqueue_indirect_dma source(%dma_start3A_6 : memref<10000x128xf32, #tpu.memory_space<hbm>>) target(%arg9 : memref<80x128xf32, #tpu.memory_space<vmem>>) offsets(%dma_start3A_3 : memref<80xi32, #tpu.memory_space<vmem>>) semaphore(%arg13 : memref<!tpu.dma_semaphore, #tpu.memory_space<semaphore_mem>>)
    %dma_start3A_7 = arith.constant 0 : i32
    %dma_start3A_8 = arith.constant 0 : i32
    %dma_start3A_9 = tpu.memref_slice %arg8[%dma_start3A_7, %dma_start3A_8] : memref<125x80xi32, #tpu.memory_space<vmem>> -> memref<1x80xi32, #tpu.memory_space<vmem>>
    %dma_start3A_10 = tpu.memref_squeeze %dma_start3A_9 : memref<1x80xi32, #tpu.memory_space<vmem>> -> memref<80xi32, #tpu.memory_space<vmem>>
    %dma_start3A_11 = arith.constant 0 : i32
    %dma_start3A_12 = arith.constant 0 : i32
    %dma_start3A_13 = tpu.memref_slice %arg2[%dma_start3A_11, %dma_start3A_12] : memref<10000x128xf32, #tpu.memory_space<hbm>> -> memref<10000x128xf32, #tpu.memory_space<hbm>>
    tpu.enqueue_indirect_dma source(%dma_start3A_13 : memref<10000x128xf32, #tpu.memory_space<hbm>>) target(%arg10 : memref<80x128xf32, #tpu.memory_space<vmem>>) offsets(%dma_start3A_10 : memref<80xi32, #tpu.memory_space<vmem>>) semaphore(%arg14 : memref<!tpu.dma_semaphore, #tpu.memory_space<semaphore_mem>>)
    %scan3A = arith.constant 0 : i32
    %scan3A_14 = arith.constant 62 : i32
    %scan3A_15 = arith.addi %scan3A, %scan3A_14 : i32
    %scan3A_16 = arith.constant 1 : i32
    scf.for %scan3A_35 = %scan3A to %scan3A_15 step %scan3A_16  : i32 {
      %mul3A_36 = arith.constant 1 : i32
      %mul3A_37 = arith.muli %scan3A_35, %mul3A_36 : i32
      %add3A_38 = arith.constant 0 : i32
      %add3A_39 = arith.addi %add3A_38, %mul3A_37 : i32
      %mul3A_40 = arith.constant 2 : i32
      %mul3A_41 = arith.muli %mul3A_40, %add3A_39 : i32
      %add3A_42 = arith.constant 1 : i32
      %add3A_43 = arith.addi %mul3A_41, %add3A_42 : i32
      %dma_start3A_44 = arith.constant 0 : i32
      %dma_start3A_45 = tpu.memref_slice %arg7[%add3A_43, %dma_start3A_44] : memref<125x80xi32, #tpu.memory_space<vmem>> -> memref<1x80xi32, #tpu.memory_space<vmem>>
      %dma_start3A_46 = tpu.memref_squeeze %dma_start3A_45 : memref<1x80xi32, #tpu.memory_space<vmem>> -> memref<80xi32, #tpu.memory_space<vmem>>
      %dma_start3A_47 = arith.constant 0 : i32
      %dma_start3A_48 = arith.constant 0 : i32
      %dma_start3A_49 = tpu.memref_slice %arg2[%dma_start3A_47, %dma_start3A_48] : memref<10000x128xf32, #tpu.memory_space<hbm>> -> memref<10000x128xf32, #tpu.memory_space<hbm>>
      tpu.enqueue_indirect_dma source(%dma_start3A_49 : memref<10000x128xf32, #tpu.memory_space<hbm>>) target(%arg11 : memref<80x128xf32, #tpu.memory_space<vmem>>) offsets(%dma_start3A_46 : memref<80xi32, #tpu.memory_space<vmem>>) semaphore(%arg15 : memref<!tpu.dma_semaphore, #tpu.memory_space<semaphore_mem>>)
      %dma_start3A_50 = arith.constant 0 : i32
      %dma_start3A_51 = tpu.memref_slice %arg8[%add3A_43, %dma_start3A_50] : memref<125x80xi32, #tpu.memory_space<vmem>> -> memref<1x80xi32, #tpu.memory_space<vmem>>
      %dma_start3A_52 = tpu.memref_squeeze %dma_start3A_51 : memref<1x80xi32, #tpu.memory_space<vmem>> -> memref<80xi32, #tpu.memory_space<vmem>>
      %dma_start3A_53 = arith.constant 0 : i32
      %dma_start3A_54 = arith.constant 0 : i32
      %dma_start3A_55 = tpu.memref_slice %arg2[%dma_start3A_53, %dma_start3A_54] : memref<10000x128xf32, #tpu.memory_space<hbm>> -> memref<10000x128xf32, #tpu.memory_space<hbm>>
      tpu.enqueue_indirect_dma source(%dma_start3A_55 : memref<10000x128xf32, #tpu.memory_space<hbm>>) target(%arg12 : memref<80x128xf32, #tpu.memory_space<vmem>>) offsets(%dma_start3A_52 : memref<80xi32, #tpu.memory_space<vmem>>) semaphore(%arg16 : memref<!tpu.dma_semaphore, #tpu.memory_space<semaphore_mem>>)
      %dma_wait3A_56 = arith.constant 0 : i32
      %dma_wait3A_57 = arith.constant 0 : i32
      %dma_wait3A_58 = tpu.memref_slice %arg7[%dma_wait3A_56, %dma_wait3A_57] : memref<125x80xi32, #tpu.memory_space<vmem>> -> memref<1x80xi32, #tpu.memory_space<vmem>>
      %dma_wait3A_59 = tpu.memref_squeeze %dma_wait3A_58 : memref<1x80xi32, #tpu.memory_space<vmem>> -> memref<80xi32, #tpu.memory_space<vmem>>
      %dma_wait3A_60 = arith.constant 0 : i32
      %dma_wait3A_61 = arith.constant 0 : i32
      %dma_wait3A_62 = tpu.memref_slice %arg2[%dma_wait3A_60, %dma_wait3A_61] : memref<10000x128xf32, #tpu.memory_space<hbm>> -> memref<10000x128xf32, #tpu.memory_space<hbm>>
      tpu.wait_indirect_dma semaphore(%arg13 : memref<!tpu.dma_semaphore, #tpu.memory_space<semaphore_mem>>) src(%dma_wait3A_62 : memref<10000x128xf32, #tpu.memory_space<hbm>>) dst(%arg9 : memref<80x128xf32, #tpu.memory_space<vmem>>)
      %dma_wait3A_63 = arith.constant 0 : i32
      %dma_wait3A_64 = arith.constant 0 : i32
      %dma_wait3A_65 = tpu.memref_slice %arg8[%dma_wait3A_63, %dma_wait3A_64] : memref<125x80xi32, #tpu.memory_space<vmem>> -> memref<1x80xi32, #tpu.memory_space<vmem>>
      %dma_wait3A_66 = tpu.memref_squeeze %dma_wait3A_65 : memref<1x80xi32, #tpu.memory_space<vmem>> -> memref<80xi32, #tpu.memory_space<vmem>>
      %dma_wait3A_67 = arith.constant 0 : i32
      %dma_wait3A_68 = arith.constant 0 : i32
      %dma_wait3A_69 = tpu.memref_slice %arg2[%dma_wait3A_67, %dma_wait3A_68] : memref<10000x128xf32, #tpu.memory_space<hbm>> -> memref<10000x128xf32, #tpu.memory_space<hbm>>
      tpu.wait_indirect_dma semaphore(%arg14 : memref<!tpu.dma_semaphore, #tpu.memory_space<semaphore_mem>>) src(%dma_wait3A_69 : memref<10000x128xf32, #tpu.memory_space<hbm>>) dst(%arg10 : memref<80x128xf32, #tpu.memory_space<vmem>>)
      %mul3A_70 = arith.constant 10000 : i32
      %mul3A_71 = arith.muli %add3A, %mul3A_70 : i32
      %mul3A_72 = arith.constant 80 : i32
      %mul3A_73 = arith.muli %mul3A_41, %mul3A_72 : i32
      %add3A_74 = arith.addi %mul3A_71, %mul3A_73 : i32
      %multiple_of3A_75 = tpu.assume_multiple %add3A_74, 8 : i32
      "tpu.region"() ({
        %run_scoped3A = tpu.sem_alloc : memref<!tpu.dma_semaphore, #tpu.memory_space<semaphore_mem>>
        %dma_start3A_112 = arith.constant 0 : i32
        %dma_start3A_113 = tpu.memref_slice %arg5[%multiple_of3A_75, %dma_start3A_112] : memref<320000x128xf32, #tpu.memory_space<hbm>> -> memref<80x128xf32, #tpu.memory_space<hbm>>
        %dma_start3A_114 = arith.constant 0 : i32
        %dma_start3A_115 = tpu.memref_slice %arg5[%multiple_of3A_75, %dma_start3A_114] : memref<320000x128xf32, #tpu.memory_space<hbm>> -> memref<80x128xf32, #tpu.memory_space<hbm>>
        tpu.enqueue_dma source(%arg9 : memref<80x128xf32, #tpu.memory_space<vmem>>) target(%dma_start3A_115 : memref<80x128xf32, #tpu.memory_space<hbm>>) target_semaphore(%run_scoped3A : memref<!tpu.dma_semaphore, #tpu.memory_space<semaphore_mem>>)
        %dma_wait3A_116 = arith.constant 0 : i32
        %dma_wait3A_117 = tpu.memref_slice %arg5[%multiple_of3A_75, %dma_wait3A_116] : memref<320000x128xf32, #tpu.memory_space<hbm>> -> memref<80x128xf32, #tpu.memory_space<hbm>>
        %dma_wait3A_118 = arith.constant 0 : i32
        %dma_wait3A_119 = tpu.memref_slice %arg5[%multiple_of3A_75, %dma_wait3A_118] : memref<320000x128xf32, #tpu.memory_space<hbm>> -> memref<80x128xf32, #tpu.memory_space<hbm>>
        tpu.wait_dma2 semaphore(%run_scoped3A : memref<!tpu.dma_semaphore, #tpu.memory_space<semaphore_mem>>) src(%arg9 : memref<80x128xf32, #tpu.memory_space<vmem>>) dst(%dma_wait3A_119 : memref<80x128xf32, #tpu.memory_space<hbm>>)
        tpu.yield
      }) : () -> ()
      "tpu.region"() ({
        %run_scoped3A = tpu.sem_alloc : memref<!tpu.dma_semaphore, #tpu.memory_space<semaphore_mem>>
        %dma_start3A_112 = arith.constant 0 : i32
        %dma_start3A_113 = tpu.memref_slice %arg6[%multiple_of3A_75, %dma_start3A_112] : memref<320000x128xf32, #tpu.memory_space<hbm>> -> memref<80x128xf32, #tpu.memory_space<hbm>>
        %dma_start3A_114 = arith.constant 0 : i32
        %dma_start3A_115 = tpu.memref_slice %arg6[%multiple_of3A_75, %dma_start3A_114] : memref<320000x128xf32, #tpu.memory_space<hbm>> -> memref<80x128xf32, #tpu.memory_space<hbm>>
        tpu.enqueue_dma source(%arg10 : memref<80x128xf32, #tpu.memory_space<vmem>>) target(%dma_start3A_115 : memref<80x128xf32, #tpu.memory_space<hbm>>) target_semaphore(%run_scoped3A : memref<!tpu.dma_semaphore, #tpu.memory_space<semaphore_mem>>)
        %dma_wait3A_116 = arith.constant 0 : i32
        %dma_wait3A_117 = tpu.memref_slice %arg6[%multiple_of3A_75, %dma_wait3A_116] : memref<320000x128xf32, #tpu.memory_space<hbm>> -> memref<80x128xf32, #tpu.memory_space<hbm>>
        %dma_wait3A_118 = arith.constant 0 : i32
        %dma_wait3A_119 = tpu.memref_slice %arg6[%multiple_of3A_75, %dma_wait3A_118] : memref<320000x128xf32, #tpu.memory_space<hbm>> -> memref<80x128xf32, #tpu.memory_space<hbm>>
        tpu.wait_dma2 semaphore(%run_scoped3A : memref<!tpu.dma_semaphore, #tpu.memory_space<semaphore_mem>>) src(%arg10 : memref<80x128xf32, #tpu.memory_space<vmem>>) dst(%dma_wait3A_119 : memref<80x128xf32, #tpu.memory_space<hbm>>)
        tpu.yield
      }) : () -> ()
      %add3A_76 = arith.constant 2 : i32
      %add3A_77 = arith.addi %mul3A_41, %add3A_76 : i32
      %dma_start3A_78 = arith.constant 0 : i32
      %dma_start3A_79 = tpu.memref_slice %arg7[%add3A_77, %dma_start3A_78] : memref<125x80xi32, #tpu.memory_space<vmem>> -> memref<1x80xi32, #tpu.memory_space<vmem>>
      %dma_start3A_80 = tpu.memref_squeeze %dma_start3A_79 : memref<1x80xi32, #tpu.memory_space<vmem>> -> memref<80xi32, #tpu.memory_space<vmem>>
      %dma_start3A_81 = arith.constant 0 : i32
      %dma_start3A_82 = arith.constant 0 : i32
      %dma_start3A_83 = tpu.memref_slice %arg2[%dma_start3A_81, %dma_start3A_82] : memref<10000x128xf32, #tpu.memory_space<hbm>> -> memref<10000x128xf32, #tpu.memory_space<hbm>>
      tpu.enqueue_indirect_dma source(%dma_start3A_83 : memref<10000x128xf32, #tpu.memory_space<hbm>>) target(%arg9 : memref<80x128xf32, #tpu.memory_space<vmem>>) offsets(%dma_start3A_80 : memref<80xi32, #tpu.memory_space<vmem>>) semaphore(%arg13 : memref<!tpu.dma_semaphore, #tpu.memory_space<semaphore_mem>>)
      %dma_start3A_84 = arith.constant 0 : i32
      %dma_start3A_85 = tpu.memref_slice %arg8[%add3A_77, %dma_start3A_84] : memref<125x80xi32, #tpu.memory_space<vmem>> -> memref<1x80xi32, #tpu.memory_space<vmem>>
      %dma_start3A_86 = tpu.memref_squeeze %dma_start3A_85 : memref<1x80xi32, #tpu.memory_space<vmem>> -> memref<80xi32, #tpu.memory_space<vmem>>
      %dma_start3A_87 = arith.constant 0 : i32
      %dma_start3A_88 = arith.constant 0 : i32
      %dma_start3A_89 = tpu.memref_slice %arg2[%dma_start3A_87, %dma_start3A_88] : memref<10000x128xf32, #tpu.memory_space<hbm>> -> memref<10000x128xf32, #tpu.memory_space<hbm>>
      tpu.enqueue_indirect_dma source(%dma_start3A_89 : memref<10000x128xf32, #tpu.memory_space<hbm>>) target(%arg10 : memref<80x128xf32, #tpu.memory_space<vmem>>) offsets(%dma_start3A_86 : memref<80xi32, #tpu.memory_space<vmem>>) semaphore(%arg14 : memref<!tpu.dma_semaphore, #tpu.memory_space<semaphore_mem>>)
      %dma_wait3A_90 = arith.constant 0 : i32
      %dma_wait3A_91 = arith.constant 0 : i32
      %dma_wait3A_92 = tpu.memref_slice %arg7[%dma_wait3A_90, %dma_wait3A_91] : memref<125x80xi32, #tpu.memory_space<vmem>> -> memref<1x80xi32, #tpu.memory_space<vmem>>
      %dma_wait3A_93 = tpu.memref_squeeze %dma_wait3A_92 : memref<1x80xi32, #tpu.memory_space<vmem>> -> memref<80xi32, #tpu.memory_space<vmem>>
      %dma_wait3A_94 = arith.constant 0 : i32
      %dma_wait3A_95 = arith.constant 0 : i32
      %dma_wait3A_96 = tpu.memref_slice %arg2[%dma_wait3A_94, %dma_wait3A_95] : memref<10000x128xf32, #tpu.memory_space<hbm>> -> memref<10000x128xf32, #tpu.memory_space<hbm>>
      tpu.wait_indirect_dma semaphore(%arg15 : memref<!tpu.dma_semaphore, #tpu.memory_space<semaphore_mem>>) src(%dma_wait3A_96 : memref<10000x128xf32, #tpu.memory_space<hbm>>) dst(%arg11 : memref<80x128xf32, #tpu.memory_space<vmem>>)
      %dma_wait3A_97 = arith.constant 0 : i32
      %dma_wait3A_98 = arith.constant 0 : i32
      %dma_wait3A_99 = tpu.memref_slice %arg8[%dma_wait3A_97, %dma_wait3A_98] : memref<125x80xi32, #tpu.memory_space<vmem>> -> memref<1x80xi32, #tpu.memory_space<vmem>>
      %dma_wait3A_100 = tpu.memref_squeeze %dma_wait3A_99 : memref<1x80xi32, #tpu.memory_space<vmem>> -> memref<80xi32, #tpu.memory_space<vmem>>
      %dma_wait3A_101 = arith.constant 0 : i32
      %dma_wait3A_102 = arith.constant 0 : i32
      %dma_wait3A_103 = tpu.memref_slice %arg2[%dma_wait3A_101, %dma_wait3A_102] : memref<10000x128xf32, #tpu.memory_space<hbm>> -> memref<10000x128xf32, #tpu.memory_space<hbm>>
      tpu.wait_indirect_dma semaphore(%arg16 : memref<!tpu.dma_semaphore, #tpu.memory_space<semaphore_mem>>) src(%dma_wait3A_103 : memref<10000x128xf32, #tpu.memory_space<hbm>>) dst(%arg12 : memref<80x128xf32, #tpu.memory_space<vmem>>)
      %add3A_104 = arith.constant 1 : i32
      %add3A_105 = arith.addi %mul3A_41, %add3A_104 : i32
      %mul3A_106 = arith.constant 10000 : i32
      %mul3A_107 = arith.muli %add3A, %mul3A_106 : i32
      %mul3A_108 = arith.constant 80 : i32
      %mul3A_109 = arith.muli %add3A_105, %mul3A_108 : i32
      %add3A_110 = arith.addi %mul3A_107, %mul3A_109 : i32
      %multiple_of3A_111 = tpu.assume_multiple %add3A_110, 8 : i32
      "tpu.region"() ({
        %run_scoped3A = tpu.sem_alloc : memref<!tpu.dma_semaphore, #tpu.memory_space<semaphore_mem>>
        %dma_start3A_112 = arith.constant 0 : i32
        %dma_start3A_113 = tpu.memref_slice %arg5[%multiple_of3A_111, %dma_start3A_112] : memref<320000x128xf32, #tpu.memory_space<hbm>> -> memref<80x128xf32, #tpu.memory_space<hbm>>
        %dma_start3A_114 = arith.constant 0 : i32
        %dma_start3A_115 = tpu.memref_slice %arg5[%multiple_of3A_111, %dma_start3A_114] : memref<320000x128xf32, #tpu.memory_space<hbm>> -> memref<80x128xf32, #tpu.memory_space<hbm>>
        tpu.enqueue_dma source(%arg11 : memref<80x128xf32, #tpu.memory_space<vmem>>) target(%dma_start3A_115 : memref<80x128xf32, #tpu.memory_space<hbm>>) target_semaphore(%run_scoped3A : memref<!tpu.dma_semaphore, #tpu.memory_space<semaphore_mem>>)
        %dma_wait3A_116 = arith.constant 0 : i32
        %dma_wait3A_117 = tpu.memref_slice %arg5[%multiple_of3A_111, %dma_wait3A_116] : memref<320000x128xf32, #tpu.memory_space<hbm>> -> memref<80x128xf32, #tpu.memory_space<hbm>>
        %dma_wait3A_118 = arith.constant 0 : i32
        %dma_wait3A_119 = tpu.memref_slice %arg5[%multiple_of3A_111, %dma_wait3A_118] : memref<320000x128xf32, #tpu.memory_space<hbm>> -> memref<80x128xf32, #tpu.memory_space<hbm>>
        tpu.wait_dma2 semaphore(%run_scoped3A : memref<!tpu.dma_semaphore, #tpu.memory_space<semaphore_mem>>) src(%arg11 : memref<80x128xf32, #tpu.memory_space<vmem>>) dst(%dma_wait3A_119 : memref<80x128xf32, #tpu.memory_space<hbm>>)
        tpu.yield
      }) : () -> ()
      "tpu.region"() ({
        %run_scoped3A = tpu.sem_alloc : memref<!tpu.dma_semaphore, #tpu.memory_space<semaphore_mem>>
        %dma_start3A_112 = arith.constant 0 : i32
        %dma_start3A_113 = tpu.memref_slice %arg6[%multiple_of3A_111, %dma_start3A_112] : memref<320000x128xf32, #tpu.memory_space<hbm>> -> memref<80x128xf32, #tpu.memory_space<hbm>>
        %dma_start3A_114 = arith.constant 0 : i32
        %dma_start3A_115 = tpu.memref_slice %arg6[%multiple_of3A_111, %dma_start3A_114] : memref<320000x128xf32, #tpu.memory_space<hbm>> -> memref<80x128xf32, #tpu.memory_space<hbm>>
        tpu.enqueue_dma source(%arg12 : memref<80x128xf32, #tpu.memory_space<vmem>>) target(%dma_start3A_115 : memref<80x128xf32, #tpu.memory_space<hbm>>) target_semaphore(%run_scoped3A : memref<!tpu.dma_semaphore, #tpu.memory_space<semaphore_mem>>)
        %dma_wait3A_116 = arith.constant 0 : i32
        %dma_wait3A_117 = tpu.memref_slice %arg6[%multiple_of3A_111, %dma_wait3A_116] : memref<320000x128xf32, #tpu.memory_space<hbm>> -> memref<80x128xf32, #tpu.memory_space<hbm>>
        %dma_wait3A_118 = arith.constant 0 : i32
        %dma_wait3A_119 = tpu.memref_slice %arg6[%multiple_of3A_111, %dma_wait3A_118] : memref<320000x128xf32, #tpu.memory_space<hbm>> -> memref<80x128xf32, #tpu.memory_space<hbm>>
        tpu.wait_dma2 semaphore(%run_scoped3A : memref<!tpu.dma_semaphore, #tpu.memory_space<semaphore_mem>>) src(%arg12 : memref<80x128xf32, #tpu.memory_space<vmem>>) dst(%dma_wait3A_119 : memref<80x128xf32, #tpu.memory_space<hbm>>)
        tpu.yield
      }) : () -> ()
    }
    %scan3A_17 = arith.constant 62 : i32
    %dma_wait3A = arith.constant 0 : i32
    %dma_wait3A_18 = arith.constant 0 : i32
    %dma_wait3A_19 = tpu.memref_slice %arg7[%dma_wait3A, %dma_wait3A_18] : memref<125x80xi32, #tpu.memory_space<vmem>> -> memref<1x80xi32, #tpu.memory_space<vmem>>
    %dma_wait3A_20 = tpu.memref_squeeze %dma_wait3A_19 : memref<1x80xi32, #tpu.memory_space<vmem>> -> memref<80xi32, #tpu.memory_space<vmem>>
    %dma_wait3A_21 = arith.constant 0 : i32
    %dma_wait3A_22 = arith.constant 0 : i32
    %dma_wait3A_23 = tpu.memref_slice %arg2[%dma_wait3A_21, %dma_wait3A_22] : memref<10000x128xf32, #tpu.memory_space<hbm>> -> memref<10000x128xf32, #tpu.memory_space<hbm>>
    tpu.wait_indirect_dma semaphore(%arg13 : memref<!tpu.dma_semaphore, #tpu.memory_space<semaphore_mem>>) src(%dma_wait3A_23 : memref<10000x128xf32, #tpu.memory_space<hbm>>) dst(%arg9 : memref<80x128xf32, #tpu.memory_space<vmem>>)
    %dma_wait3A_24 = arith.constant 0 : i32
    %dma_wait3A_25 = arith.constant 0 : i32
    %dma_wait3A_26 = tpu.memref_slice %arg8[%dma_wait3A_24, %dma_wait3A_25] : memref<125x80xi32, #tpu.memory_space<vmem>> -> memref<1x80xi32, #tpu.memory_space<vmem>>
    %dma_wait3A_27 = tpu.memref_squeeze %dma_wait3A_26 : memref<1x80xi32, #tpu.memory_space<vmem>> -> memref<80xi32, #tpu.memory_space<vmem>>
    %dma_wait3A_28 = arith.constant 0 : i32
    %dma_wait3A_29 = arith.constant 0 : i32
    %dma_wait3A_30 = tpu.memref_slice %arg2[%dma_wait3A_28, %dma_wait3A_29] : memref<10000x128xf32, #tpu.memory_space<hbm>> -> memref<10000x128xf32, #tpu.memory_space<hbm>>
    tpu.wait_indirect_dma semaphore(%arg14 : memref<!tpu.dma_semaphore, #tpu.memory_space<semaphore_mem>>) src(%dma_wait3A_30 : memref<10000x128xf32, #tpu.memory_space<hbm>>) dst(%arg10 : memref<80x128xf32, #tpu.memory_space<vmem>>)
    %mul3A_31 = arith.constant 10000 : i32
    %mul3A_32 = arith.muli %add3A, %mul3A_31 : i32
    %add3A_33 = arith.constant 9920 : i32
    %add3A_34 = arith.addi %mul3A_32, %add3A_33 : i32
    %multiple_of3A = tpu.assume_multiple %add3A_34, 8 : i32
    "tpu.region"() ({
      %run_scoped3A = tpu.sem_alloc : memref<!tpu.dma_semaphore, #tpu.memory_space<semaphore_mem>>
      %dma_start3A_35 = arith.constant 0 : i32
      %dma_start3A_36 = tpu.memref_slice %arg5[%multiple_of3A, %dma_start3A_35] : memref<320000x128xf32, #tpu.memory_space<hbm>> -> memref<80x128xf32, #tpu.memory_space<hbm>>
      %dma_start3A_37 = arith.constant 0 : i32
      %dma_start3A_38 = tpu.memref_slice %arg5[%multiple_of3A, %dma_start3A_37] : memref<320000x128xf32, #tpu.memory_space<hbm>> -> memref<80x128xf32, #tpu.memory_space<hbm>>
      tpu.enqueue_dma source(%arg9 : memref<80x128xf32, #tpu.memory_space<vmem>>) target(%dma_start3A_38 : memref<80x128xf32, #tpu.memory_space<hbm>>) target_semaphore(%run_scoped3A : memref<!tpu.dma_semaphore, #tpu.memory_space<semaphore_mem>>)
      %dma_wait3A_39 = arith.constant 0 : i32
      %dma_wait3A_40 = tpu.memref_slice %arg5[%multiple_of3A, %dma_wait3A_39] : memref<320000x128xf32, #tpu.memory_space<hbm>> -> memref<80x128xf32, #tpu.memory_space<hbm>>
      %dma_wait3A_41 = arith.constant 0 : i32
      %dma_wait3A_42 = tpu.memref_slice %arg5[%multiple_of3A, %dma_wait3A_41] : memref<320000x128xf32, #tpu.memory_space<hbm>> -> memref<80x128xf32, #tpu.memory_space<hbm>>
      tpu.wait_dma2 semaphore(%run_scoped3A : memref<!tpu.dma_semaphore, #tpu.memory_space<semaphore_mem>>) src(%arg9 : memref<80x128xf32, #tpu.memory_space<vmem>>) dst(%dma_wait3A_42 : memref<80x128xf32, #tpu.memory_space<hbm>>)
      tpu.yield
    }) : () -> ()
    "tpu.region"() ({
      %run_scoped3A = tpu.sem_alloc : memref<!tpu.dma_semaphore, #tpu.memory_space<semaphore_mem>>
      %dma_start3A_35 = arith.constant 0 : i32
      %dma_start3A_36 = tpu.memref_slice %arg6[%multiple_of3A, %dma_start3A_35] : memref<320000x128xf32, #tpu.memory_space<hbm>> -> memref<80x128xf32, #tpu.memory_space<hbm>>
      %dma_start3A_37 = arith.constant 0 : i32
      %dma_start3A_38 = tpu.memref_slice %arg6[%multiple_of3A, %dma_start3A_37] : memref<320000x128xf32, #tpu.memory_space<hbm>> -> memref<80x128xf32, #tpu.memory_space<hbm>>
      tpu.enqueue_dma source(%arg10 : memref<80x128xf32, #tpu.memory_space<vmem>>) target(%dma_start3A_38 : memref<80x128xf32, #tpu.memory_space<hbm>>) target_semaphore(%run_scoped3A : memref<!tpu.dma_semaphore, #tpu.memory_space<semaphore_mem>>)
      %dma_wait3A_39 = arith.constant 0 : i32
      %dma_wait3A_40 = tpu.memref_slice %arg6[%multiple_of3A, %dma_wait3A_39] : memref<320000x128xf32, #tpu.memory_space<hbm>> -> memref<80x128xf32, #tpu.memory_space<hbm>>
      %dma_wait3A_41 = arith.constant 0 : i32
      %dma_wait3A_42 = tpu.memref_slice %arg6[%multiple_of3A, %dma_wait3A_41] : memref<320000x128xf32, #tpu.memory_space<hbm>> -> memref<80x128xf32, #tpu.memory_space<hbm>>
      tpu.wait_dma2 semaphore(%run_scoped3A : memref<!tpu.dma_semaphore, #tpu.memory_space<semaphore_mem>>) src(%arg10 : memref<80x128xf32, #tpu.memory_space<vmem>>) dst(%dma_wait3A_42 : memref<80x128xf32, #tpu.memory_space<hbm>>)
      tpu.yield
    }) : () -> ()
    return
  }
}

#map = affine_map<(d0, d1) -> (0, 0)>
#map1 = affine_map<(d0, d1) -> (0, 0, 0)>
module attributes {stable_mosaic.version = 14 : i64} {
  func.func @k(%arg0: i32, %arg1: i32, %arg2: memref<10000x128xf32, #tpu.memory_space<hbm>>, %arg3: memref<32x125x80xi32, #tpu.memory_space<hbm>>, %arg4: memref<32x125x80xi32, #tpu.memory_space<hbm>>, %arg5: memref<320000x128xf32, #tpu.memory_space<hbm>>, %arg6: memref<320000x128xf32, #tpu.memory_space<hbm>>, %arg7: memref<125x80xi32, #tpu.memory_space<vmem>>, %arg8: memref<125x80xi32, #tpu.memory_space<vmem>>, %arg9: memref<80x128xf32, #tpu.memory_space<vmem>>, %arg10: memref<80x128xf32, #tpu.memory_space<vmem>>, %arg11: memref<80x128xf32, #tpu.memory_space<vmem>>, %arg12: memref<80x128xf32, #tpu.memory_space<vmem>>, %arg13: memref<!tpu.dma_semaphore, #tpu.memory_space<semaphore_mem>>, %arg14: memref<!tpu.dma_semaphore, #tpu.memory_space<semaphore_mem>>, %arg15: memref<!tpu.dma_semaphore, #tpu.memory_space<semaphore_mem>>, %arg16: memref<!tpu.dma_semaphore, #tpu.memory_space<semaphore_mem>>) attributes {dimension_semantics = [#tpu.dimension_semantics<core_parallel>, #tpu.dimension_semantics<subcore_parallel>], iteration_bounds = array<i64: 2, 16>, scalar_prefetch = 0 : i64, scratch_operands = 10 : i64, tpu.core_type = #tpu.core_type<sc_vector_subcore>, window_params = [{transform_indices = #map}, {transform_indices = #map1}, {transform_indices = #map1}, {transform_indices = #map}, {transform_indices = #map}]} {
    %mul3A = arith.constant 2 : i32
    %mul3A_0 = arith.muli %arg1, %mul3A : i32
    %add3A = arith.addi %mul3A_0, %arg0 : i32
    "tpu.region"() ({
      %run_scoped3A = tpu.sem_alloc : memref<!tpu.dma_semaphore, #tpu.memory_space<semaphore_mem>>
      %dma_start3A_35 = arith.constant 0 : i32
      %dma_start3A_36 = arith.constant 0 : i32
      %dma_start3A_37 = tpu.memref_slice %arg3[%add3A, %dma_start3A_35, %dma_start3A_36] : memref<32x125x80xi32, #tpu.memory_space<hbm>> -> memref<1x125x80xi32, #tpu.memory_space<hbm>>
      %dma_start3A_38 = tpu.memref_squeeze %dma_start3A_37 : memref<1x125x80xi32, #tpu.memory_space<hbm>> -> memref<125x80xi32, #tpu.memory_space<hbm>>
      %dma_start3A_39 = arith.constant 0 : i32
      %dma_start3A_40 = arith.constant 0 : i32
      %dma_start3A_41 = tpu.memref_slice %arg3[%add3A, %dma_start3A_39, %dma_start3A_40] : memref<32x125x80xi32, #tpu.memory_space<hbm>> -> memref<1x125x80xi32, #tpu.memory_space<hbm>>
      %dma_start3A_42 = tpu.memref_squeeze %dma_start3A_41 : memref<1x125x80xi32, #tpu.memory_space<hbm>> -> memref<125x80xi32, #tpu.memory_space<hbm>>
      tpu.enqueue_dma source(%dma_start3A_42 : memref<125x80xi32, #tpu.memory_space<hbm>>) target(%arg7 : memref<125x80xi32, #tpu.memory_space<vmem>>) target_semaphore(%run_scoped3A : memref<!tpu.dma_semaphore, #tpu.memory_space<semaphore_mem>>)
      %dma_wait3A_43 = arith.constant 0 : i32
      %dma_wait3A_44 = arith.constant 0 : i32
      %dma_wait3A_45 = tpu.memref_slice %arg3[%add3A, %dma_wait3A_43, %dma_wait3A_44] : memref<32x125x80xi32, #tpu.memory_space<hbm>> -> memref<1x125x80xi32, #tpu.memory_space<hbm>>
      %dma_wait3A_46 = tpu.memref_squeeze %dma_wait3A_45 : memref<1x125x80xi32, #tpu.memory_space<hbm>> -> memref<125x80xi32, #tpu.memory_space<hbm>>
      %dma_wait3A_47 = arith.constant 0 : i32
      %dma_wait3A_48 = arith.constant 0 : i32
      %dma_wait3A_49 = tpu.memref_slice %arg3[%add3A, %dma_wait3A_47, %dma_wait3A_48] : memref<32x125x80xi32, #tpu.memory_space<hbm>> -> memref<1x125x80xi32, #tpu.memory_space<hbm>>
      %dma_wait3A_50 = tpu.memref_squeeze %dma_wait3A_49 : memref<1x125x80xi32, #tpu.memory_space<hbm>> -> memref<125x80xi32, #tpu.memory_space<hbm>>
      tpu.wait_dma2 semaphore(%run_scoped3A : memref<!tpu.dma_semaphore, #tpu.memory_space<semaphore_mem>>) src(%dma_wait3A_50 : memref<125x80xi32, #tpu.memory_space<hbm>>) dst(%arg7 : memref<125x80xi32, #tpu.memory_space<vmem>>)
      tpu.yield
    }) : () -> ()
    "tpu.region"() ({
      %run_scoped3A = tpu.sem_alloc : memref<!tpu.dma_semaphore, #tpu.memory_space<semaphore_mem>>
      %dma_start3A_35 = arith.constant 0 : i32
      %dma_start3A_36 = arith.constant 0 : i32
      %dma_start3A_37 = tpu.memref_slice %arg4[%add3A, %dma_start3A_35, %dma_start3A_36] : memref<32x125x80xi32, #tpu.memory_space<hbm>> -> memref<1x125x80xi32, #tpu.memory_space<hbm>>
      %dma_start3A_38 = tpu.memref_squeeze %dma_start3A_37 : memref<1x125x80xi32, #tpu.memory_space<hbm>> -> memref<125x80xi32, #tpu.memory_space<hbm>>
      %dma_start3A_39 = arith.constant 0 : i32
      %dma_start3A_40 = arith.constant 0 : i32
      %dma_start3A_41 = tpu.memref_slice %arg4[%add3A, %dma_start3A_39, %dma_start3A_40] : memref<32x125x80xi32, #tpu.memory_space<hbm>> -> memref<1x125x80xi32, #tpu.memory_space<hbm>>
      %dma_start3A_42 = tpu.memref_squeeze %dma_start3A_41 : memref<1x125x80xi32, #tpu.memory_space<hbm>> -> memref<125x80xi32, #tpu.memory_space<hbm>>
      tpu.enqueue_dma source(%dma_start3A_42 : memref<125x80xi32, #tpu.memory_space<hbm>>) target(%arg8 : memref<125x80xi32, #tpu.memory_space<vmem>>) target_semaphore(%run_scoped3A : memref<!tpu.dma_semaphore, #tpu.memory_space<semaphore_mem>>)
      %dma_wait3A_43 = arith.constant 0 : i32
      %dma_wait3A_44 = arith.constant 0 : i32
      %dma_wait3A_45 = tpu.memref_slice %arg4[%add3A, %dma_wait3A_43, %dma_wait3A_44] : memref<32x125x80xi32, #tpu.memory_space<hbm>> -> memref<1x125x80xi32, #tpu.memory_space<hbm>>
      %dma_wait3A_46 = tpu.memref_squeeze %dma_wait3A_45 : memref<1x125x80xi32, #tpu.memory_space<hbm>> -> memref<125x80xi32, #tpu.memory_space<hbm>>
      %dma_wait3A_47 = arith.constant 0 : i32
      %dma_wait3A_48 = arith.constant 0 : i32
      %dma_wait3A_49 = tpu.memref_slice %arg4[%add3A, %dma_wait3A_47, %dma_wait3A_48] : memref<32x125x80xi32, #tpu.memory_space<hbm>> -> memref<1x125x80xi32, #tpu.memory_space<hbm>>
      %dma_wait3A_50 = tpu.memref_squeeze %dma_wait3A_49 : memref<1x125x80xi32, #tpu.memory_space<hbm>> -> memref<125x80xi32, #tpu.memory_space<hbm>>
      tpu.wait_dma2 semaphore(%run_scoped3A : memref<!tpu.dma_semaphore, #tpu.memory_space<semaphore_mem>>) src(%dma_wait3A_50 : memref<125x80xi32, #tpu.memory_space<hbm>>) dst(%arg8 : memref<125x80xi32, #tpu.memory_space<vmem>>)
      tpu.yield
    }) : () -> ()
    %dma_start3A = arith.constant 0 : i32
    %dma_start3A_1 = arith.constant 0 : i32
    %dma_start3A_2 = tpu.memref_slice %arg7[%dma_start3A, %dma_start3A_1] : memref<125x80xi32, #tpu.memory_space<vmem>> -> memref<1x80xi32, #tpu.memory_space<vmem>>
    %dma_start3A_3 = tpu.memref_squeeze %dma_start3A_2 : memref<1x80xi32, #tpu.memory_space<vmem>> -> memref<80xi32, #tpu.memory_space<vmem>>
    %dma_start3A_4 = arith.constant 0 : i32
    %dma_start3A_5 = arith.constant 0 : i32
    %dma_start3A_6 = tpu.memref_slice %arg2[%dma_start3A_4, %dma_start3A_5] : memref<10000x128xf32, #tpu.memory_space<hbm>> -> memref<10000x128xf32, #tpu.memory_space<hbm>>
    tpu.enqueue_indirect_dma source(%dma_start3A_6 : memref<10000x128xf32, #tpu.memory_space<hbm>>) target(%arg9 : memref<80x128xf32, #tpu.memory_space<vmem>>) offsets(%dma_start3A_3 : memref<80xi32, #tpu.memory_space<vmem>>) semaphore(%arg13 : memref<!tpu.dma_semaphore, #tpu.memory_space<semaphore_mem>>)
    %dma_start3A_7 = arith.constant 0 : i32
    %dma_start3A_8 = arith.constant 0 : i32
    %dma_start3A_9 = tpu.memref_slice %arg8[%dma_start3A_7, %dma_start3A_8] : memref<125x80xi32, #tpu.memory_space<vmem>> -> memref<1x80xi32, #tpu.memory_space<vmem>>
    %dma_start3A_10 = tpu.memref_squeeze %dma_start3A_9 : memref<1x80xi32, #tpu.memory_space<vmem>> -> memref<80xi32, #tpu.memory_space<vmem>>
    %dma_start3A_11 = arith.constant 0 : i32
    %dma_start3A_12 = arith.constant 0 : i32
    %dma_start3A_13 = tpu.memref_slice %arg2[%dma_start3A_11, %dma_start3A_12] : memref<10000x128xf32, #tpu.memory_space<hbm>> -> memref<10000x128xf32, #tpu.memory_space<hbm>>
    tpu.enqueue_indirect_dma source(%dma_start3A_13 : memref<10000x128xf32, #tpu.memory_space<hbm>>) target(%arg10 : memref<80x128xf32, #tpu.memory_space<vmem>>) offsets(%dma_start3A_10 : memref<80xi32, #tpu.memory_space<vmem>>) semaphore(%arg14 : memref<!tpu.dma_semaphore, #tpu.memory_space<semaphore_mem>>)
    %scan3A = arith.constant 0 : i32
    %scan3A_14 = arith.constant 62 : i32
    %scan3A_15 = arith.addi %scan3A, %scan3A_14 : i32
    %scan3A_16 = arith.constant 1 : i32
    scf.for %scan3A_35 = %scan3A to %scan3A_15 step %scan3A_16  : i32 {
      %mul3A_36 = arith.constant 1 : i32
      %mul3A_37 = arith.muli %scan3A_35, %mul3A_36 : i32
      %add3A_38 = arith.constant 0 : i32
      %add3A_39 = arith.addi %add3A_38, %mul3A_37 : i32
      %mul3A_40 = arith.constant 2 : i32
      %mul3A_41 = arith.muli %mul3A_40, %add3A_39 : i32
      %add3A_42 = arith.constant 1 : i32
      %add3A_43 = arith.addi %mul3A_41, %add3A_42 : i32
      %dma_start3A_44 = arith.constant 0 : i32
      %dma_start3A_45 = tpu.memref_slice %arg7[%add3A_43, %dma_start3A_44] : memref<125x80xi32, #tpu.memory_space<vmem>> -> memref<1x80xi32, #tpu.memory_space<vmem>>
      %dma_start3A_46 = tpu.memref_squeeze %dma_start3A_45 : memref<1x80xi32, #tpu.memory_space<vmem>> -> memref<80xi32, #tpu.memory_space<vmem>>
      %dma_start3A_47 = arith.constant 0 : i32
      %dma_start3A_48 = arith.constant 0 : i32
      %dma_start3A_49 = tpu.memref_slice %arg2[%dma_start3A_47, %dma_start3A_48] : memref<10000x128xf32, #tpu.memory_space<hbm>> -> memref<10000x128xf32, #tpu.memory_space<hbm>>
      tpu.enqueue_indirect_dma source(%dma_start3A_49 : memref<10000x128xf32, #tpu.memory_space<hbm>>) target(%arg11 : memref<80x128xf32, #tpu.memory_space<vmem>>) offsets(%dma_start3A_46 : memref<80xi32, #tpu.memory_space<vmem>>) semaphore(%arg15 : memref<!tpu.dma_semaphore, #tpu.memory_space<semaphore_mem>>)
      %dma_start3A_50 = arith.constant 0 : i32
      %dma_start3A_51 = tpu.memref_slice %arg8[%add3A_43, %dma_start3A_50] : memref<125x80xi32, #tpu.memory_space<vmem>> -> memref<1x80xi32, #tpu.memory_space<vmem>>
      %dma_start3A_52 = tpu.memref_squeeze %dma_start3A_51 : memref<1x80xi32, #tpu.memory_space<vmem>> -> memref<80xi32, #tpu.memory_space<vmem>>
      %dma_start3A_53 = arith.constant 0 : i32
      %dma_start3A_54 = arith.constant 0 : i32
      %dma_start3A_55 = tpu.memref_slice %arg2[%dma_start3A_53, %dma_start3A_54] : memref<10000x128xf32, #tpu.memory_space<hbm>> -> memref<10000x128xf32, #tpu.memory_space<hbm>>
      tpu.enqueue_indirect_dma source(%dma_start3A_55 : memref<10000x128xf32, #tpu.memory_space<hbm>>) target(%arg12 : memref<80x128xf32, #tpu.memory_space<vmem>>) offsets(%dma_start3A_52 : memref<80xi32, #tpu.memory_space<vmem>>) semaphore(%arg16 : memref<!tpu.dma_semaphore, #tpu.memory_space<semaphore_mem>>)
      %dma_wait3A_56 = arith.constant 0 : i32
      %dma_wait3A_57 = arith.constant 0 : i32
      %dma_wait3A_58 = tpu.memref_slice %arg7[%dma_wait3A_56, %dma_wait3A_57] : memref<125x80xi32, #tpu.memory_space<vmem>> -> memref<1x80xi32, #tpu.memory_space<vmem>>
      %dma_wait3A_59 = tpu.memref_squeeze %dma_wait3A_58 : memref<1x80xi32, #tpu.memory_space<vmem>> -> memref<80xi32, #tpu.memory_space<vmem>>
      %dma_wait3A_60 = arith.constant 0 : i32
      %dma_wait3A_61 = arith.constant 0 : i32
      %dma_wait3A_62 = tpu.memref_slice %arg2[%dma_wait3A_60, %dma_wait3A_61] : memref<10000x128xf32, #tpu.memory_space<hbm>> -> memref<10000x128xf32, #tpu.memory_space<hbm>>
      tpu.wait_indirect_dma semaphore(%arg13 : memref<!tpu.dma_semaphore, #tpu.memory_space<semaphore_mem>>) src(%dma_wait3A_62 : memref<10000x128xf32, #tpu.memory_space<hbm>>) dst(%arg9 : memref<80x128xf32, #tpu.memory_space<vmem>>)
      %dma_wait3A_63 = arith.constant 0 : i32
      %dma_wait3A_64 = arith.constant 0 : i32
      %dma_wait3A_65 = tpu.memref_slice %arg8[%dma_wait3A_63, %dma_wait3A_64] : memref<125x80xi32, #tpu.memory_space<vmem>> -> memref<1x80xi32, #tpu.memory_space<vmem>>
      %dma_wait3A_66 = tpu.memref_squeeze %dma_wait3A_65 : memref<1x80xi32, #tpu.memory_space<vmem>> -> memref<80xi32, #tpu.memory_space<vmem>>
      %dma_wait3A_67 = arith.constant 0 : i32
      %dma_wait3A_68 = arith.constant 0 : i32
      %dma_wait3A_69 = tpu.memref_slice %arg2[%dma_wait3A_67, %dma_wait3A_68] : memref<10000x128xf32, #tpu.memory_space<hbm>> -> memref<10000x128xf32, #tpu.memory_space<hbm>>
      tpu.wait_indirect_dma semaphore(%arg14 : memref<!tpu.dma_semaphore, #tpu.memory_space<semaphore_mem>>) src(%dma_wait3A_69 : memref<10000x128xf32, #tpu.memory_space<hbm>>) dst(%arg10 : memref<80x128xf32, #tpu.memory_space<vmem>>)
      %mul3A_70 = arith.constant 10000 : i32
      %mul3A_71 = arith.muli %add3A, %mul3A_70 : i32
      %mul3A_72 = arith.constant 80 : i32
      %mul3A_73 = arith.muli %mul3A_41, %mul3A_72 : i32
      %add3A_74 = arith.addi %mul3A_71, %mul3A_73 : i32
      %multiple_of3A_75 = tpu.assume_multiple %add3A_74, 8 : i32
      "tpu.region"() ({
        %run_scoped3A = tpu.sem_alloc : memref<!tpu.dma_semaphore, #tpu.memory_space<semaphore_mem>>
        %dma_start3A_112 = arith.constant 0 : i32
        %dma_start3A_113 = tpu.memref_slice %arg5[%multiple_of3A_75, %dma_start3A_112] : memref<320000x128xf32, #tpu.memory_space<hbm>> -> memref<80x128xf32, #tpu.memory_space<hbm>>
        %dma_start3A_114 = arith.constant 0 : i32
        %dma_start3A_115 = tpu.memref_slice %arg5[%multiple_of3A_75, %dma_start3A_114] : memref<320000x128xf32, #tpu.memory_space<hbm>> -> memref<80x128xf32, #tpu.memory_space<hbm>>
        tpu.enqueue_dma source(%arg9 : memref<80x128xf32, #tpu.memory_space<vmem>>) target(%dma_start3A_115 : memref<80x128xf32, #tpu.memory_space<hbm>>) target_semaphore(%run_scoped3A : memref<!tpu.dma_semaphore, #tpu.memory_space<semaphore_mem>>)
        %dma_wait3A_116 = arith.constant 0 : i32
        %dma_wait3A_117 = tpu.memref_slice %arg5[%multiple_of3A_75, %dma_wait3A_116] : memref<320000x128xf32, #tpu.memory_space<hbm>> -> memref<80x128xf32, #tpu.memory_space<hbm>>
        %dma_wait3A_118 = arith.constant 0 : i32
        %dma_wait3A_119 = tpu.memref_slice %arg5[%multiple_of3A_75, %dma_wait3A_118] : memref<320000x128xf32, #tpu.memory_space<hbm>> -> memref<80x128xf32, #tpu.memory_space<hbm>>
        tpu.wait_dma2 semaphore(%run_scoped3A : memref<!tpu.dma_semaphore, #tpu.memory_space<semaphore_mem>>) src(%arg9 : memref<80x128xf32, #tpu.memory_space<vmem>>) dst(%dma_wait3A_119 : memref<80x128xf32, #tpu.memory_space<hbm>>)
        tpu.yield
      }) : () -> ()
      "tpu.region"() ({
        %run_scoped3A = tpu.sem_alloc : memref<!tpu.dma_semaphore, #tpu.memory_space<semaphore_mem>>
        %dma_start3A_112 = arith.constant 0 : i32
        %dma_start3A_113 = tpu.memref_slice %arg6[%multiple_of3A_75, %dma_start3A_112] : memref<320000x128xf32, #tpu.memory_space<hbm>> -> memref<80x128xf32, #tpu.memory_space<hbm>>
        %dma_start3A_114 = arith.constant 0 : i32
        %dma_start3A_115 = tpu.memref_slice %arg6[%multiple_of3A_75, %dma_start3A_114] : memref<320000x128xf32, #tpu.memory_space<hbm>> -> memref<80x128xf32, #tpu.memory_space<hbm>>
        tpu.enqueue_dma source(%arg10 : memref<80x128xf32, #tpu.memory_space<vmem>>) target(%dma_start3A_115 : memref<80x128xf32, #tpu.memory_space<hbm>>) target_semaphore(%run_scoped3A : memref<!tpu.dma_semaphore, #tpu.memory_space<semaphore_mem>>)
        %dma_wait3A_116 = arith.constant 0 : i32
        %dma_wait3A_117 = tpu.memref_slice %arg6[%multiple_of3A_75, %dma_wait3A_116] : memref<320000x128xf32, #tpu.memory_space<hbm>> -> memref<80x128xf32, #tpu.memory_space<hbm>>
        %dma_wait3A_118 = arith.constant 0 : i32
        %dma_wait3A_119 = tpu.memref_slice %arg6[%multiple_of3A_75, %dma_wait3A_118] : memref<320000x128xf32, #tpu.memory_space<hbm>> -> memref<80x128xf32, #tpu.memory_space<hbm>>
        tpu.wait_dma2 semaphore(%run_scoped3A : memref<!tpu.dma_semaphore, #tpu.memory_space<semaphore_mem>>) src(%arg10 : memref<80x128xf32, #tpu.memory_space<vmem>>) dst(%dma_wait3A_119 : memref<80x128xf32, #tpu.memory_space<hbm>>)
        tpu.yield
      }) : () -> ()
      %add3A_76 = arith.constant 2 : i32
      %add3A_77 = arith.addi %mul3A_41, %add3A_76 : i32
      %dma_start3A_78 = arith.constant 0 : i32
      %dma_start3A_79 = tpu.memref_slice %arg7[%add3A_77, %dma_start3A_78] : memref<125x80xi32, #tpu.memory_space<vmem>> -> memref<1x80xi32, #tpu.memory_space<vmem>>
      %dma_start3A_80 = tpu.memref_squeeze %dma_start3A_79 : memref<1x80xi32, #tpu.memory_space<vmem>> -> memref<80xi32, #tpu.memory_space<vmem>>
      %dma_start3A_81 = arith.constant 0 : i32
      %dma_start3A_82 = arith.constant 0 : i32
      %dma_start3A_83 = tpu.memref_slice %arg2[%dma_start3A_81, %dma_start3A_82] : memref<10000x128xf32, #tpu.memory_space<hbm>> -> memref<10000x128xf32, #tpu.memory_space<hbm>>
      tpu.enqueue_indirect_dma source(%dma_start3A_83 : memref<10000x128xf32, #tpu.memory_space<hbm>>) target(%arg9 : memref<80x128xf32, #tpu.memory_space<vmem>>) offsets(%dma_start3A_80 : memref<80xi32, #tpu.memory_space<vmem>>) semaphore(%arg13 : memref<!tpu.dma_semaphore, #tpu.memory_space<semaphore_mem>>)
      %dma_start3A_84 = arith.constant 0 : i32
      %dma_start3A_85 = tpu.memref_slice %arg8[%add3A_77, %dma_start3A_84] : memref<125x80xi32, #tpu.memory_space<vmem>> -> memref<1x80xi32, #tpu.memory_space<vmem>>
      %dma_start3A_86 = tpu.memref_squeeze %dma_start3A_85 : memref<1x80xi32, #tpu.memory_space<vmem>> -> memref<80xi32, #tpu.memory_space<vmem>>
      %dma_start3A_87 = arith.constant 0 : i32
      %dma_start3A_88 = arith.constant 0 : i32
      %dma_start3A_89 = tpu.memref_slice %arg2[%dma_start3A_87, %dma_start3A_88] : memref<10000x128xf32, #tpu.memory_space<hbm>> -> memref<10000x128xf32, #tpu.memory_space<hbm>>
      tpu.enqueue_indirect_dma source(%dma_start3A_89 : memref<10000x128xf32, #tpu.memory_space<hbm>>) target(%arg10 : memref<80x128xf32, #tpu.memory_space<vmem>>) offsets(%dma_start3A_86 : memref<80xi32, #tpu.memory_space<vmem>>) semaphore(%arg14 : memref<!tpu.dma_semaphore, #tpu.memory_space<semaphore_mem>>)
      %dma_wait3A_90 = arith.constant 0 : i32
      %dma_wait3A_91 = arith.constant 0 : i32
      %dma_wait3A_92 = tpu.memref_slice %arg7[%dma_wait3A_90, %dma_wait3A_91] : memref<125x80xi32, #tpu.memory_space<vmem>> -> memref<1x80xi32, #tpu.memory_space<vmem>>
      %dma_wait3A_93 = tpu.memref_squeeze %dma_wait3A_92 : memref<1x80xi32, #tpu.memory_space<vmem>> -> memref<80xi32, #tpu.memory_space<vmem>>
      %dma_wait3A_94 = arith.constant 0 : i32
      %dma_wait3A_95 = arith.constant 0 : i32
      %dma_wait3A_96 = tpu.memref_slice %arg2[%dma_wait3A_94, %dma_wait3A_95] : memref<10000x128xf32, #tpu.memory_space<hbm>> -> memref<10000x128xf32, #tpu.memory_space<hbm>>
      tpu.wait_indirect_dma semaphore(%arg15 : memref<!tpu.dma_semaphore, #tpu.memory_space<semaphore_mem>>) src(%dma_wait3A_96 : memref<10000x128xf32, #tpu.memory_space<hbm>>) dst(%arg11 : memref<80x128xf32, #tpu.memory_space<vmem>>)
      %dma_wait3A_97 = arith.constant 0 : i32
      %dma_wait3A_98 = arith.constant 0 : i32
      %dma_wait3A_99 = tpu.memref_slice %arg8[%dma_wait3A_97, %dma_wait3A_98] : memref<125x80xi32, #tpu.memory_space<vmem>> -> memref<1x80xi32, #tpu.memory_space<vmem>>
      %dma_wait3A_100 = tpu.memref_squeeze %dma_wait3A_99 : memref<1x80xi32, #tpu.memory_space<vmem>> -> memref<80xi32, #tpu.memory_space<vmem>>
      %dma_wait3A_101 = arith.constant 0 : i32
      %dma_wait3A_102 = arith.constant 0 : i32
      %dma_wait3A_103 = tpu.memref_slice %arg2[%dma_wait3A_101, %dma_wait3A_102] : memref<10000x128xf32, #tpu.memory_space<hbm>> -> memref<10000x128xf32, #tpu.memory_space<hbm>>
      tpu.wait_indirect_dma semaphore(%arg16 : memref<!tpu.dma_semaphore, #tpu.memory_space<semaphore_mem>>) src(%dma_wait3A_103 : memref<10000x128xf32, #tpu.memory_space<hbm>>) dst(%arg12 : memref<80x128xf32, #tpu.memory_space<vmem>>)
      %add3A_104 = arith.constant 1 : i32
      %add3A_105 = arith.addi %mul3A_41, %add3A_104 : i32
      %mul3A_106 = arith.constant 10000 : i32
      %mul3A_107 = arith.muli %add3A, %mul3A_106 : i32
      %mul3A_108 = arith.constant 80 : i32
      %mul3A_109 = arith.muli %add3A_105, %mul3A_108 : i32
      %add3A_110 = arith.addi %mul3A_107, %mul3A_109 : i32
      %multiple_of3A_111 = tpu.assume_multiple %add3A_110, 8 : i32
      "tpu.region"() ({
        %run_scoped3A = tpu.sem_alloc : memref<!tpu.dma_semaphore, #tpu.memory_space<semaphore_mem>>
        %dma_start3A_112 = arith.constant 0 : i32
        %dma_start3A_113 = tpu.memref_slice %arg5[%multiple_of3A_111, %dma_start3A_112] : memref<320000x128xf32, #tpu.memory_space<hbm>> -> memref<80x128xf32, #tpu.memory_space<hbm>>
        %dma_start3A_114 = arith.constant 0 : i32
        %dma_start3A_115 = tpu.memref_slice %arg5[%multiple_of3A_111, %dma_start3A_114] : memref<320000x128xf32, #tpu.memory_space<hbm>> -> memref<80x128xf32, #tpu.memory_space<hbm>>
        tpu.enqueue_dma source(%arg11 : memref<80x128xf32, #tpu.memory_space<vmem>>) target(%dma_start3A_115 : memref<80x128xf32, #tpu.memory_space<hbm>>) target_semaphore(%run_scoped3A : memref<!tpu.dma_semaphore, #tpu.memory_space<semaphore_mem>>)
        %dma_wait3A_116 = arith.constant 0 : i32
        %dma_wait3A_117 = tpu.memref_slice %arg5[%multiple_of3A_111, %dma_wait3A_116] : memref<320000x128xf32, #tpu.memory_space<hbm>> -> memref<80x128xf32, #tpu.memory_space<hbm>>
        %dma_wait3A_118 = arith.constant 0 : i32
        %dma_wait3A_119 = tpu.memref_slice %arg5[%multiple_of3A_111, %dma_wait3A_118] : memref<320000x128xf32, #tpu.memory_space<hbm>> -> memref<80x128xf32, #tpu.memory_space<hbm>>
        tpu.wait_dma2 semaphore(%run_scoped3A : memref<!tpu.dma_semaphore, #tpu.memory_space<semaphore_mem>>) src(%arg11 : memref<80x128xf32, #tpu.memory_space<vmem>>) dst(%dma_wait3A_119 : memref<80x128xf32, #tpu.memory_space<hbm>>)
        tpu.yield
      }) : () -> ()
      "tpu.region"() ({
        %run_scoped3A = tpu.sem_alloc : memref<!tpu.dma_semaphore, #tpu.memory_space<semaphore_mem>>
        %dma_start3A_112 = arith.constant 0 : i32
        %dma_start3A_113 = tpu.memref_slice %arg6[%multiple_of3A_111, %dma_start3A_112] : memref<320000x128xf32, #tpu.memory_space<hbm>> -> memref<80x128xf32, #tpu.memory_space<hbm>>
        %dma_start3A_114 = arith.constant 0 : i32
        %dma_start3A_115 = tpu.memref_slice %arg6[%multiple_of3A_111, %dma_start3A_114] : memref<320000x128xf32, #tpu.memory_space<hbm>> -> memref<80x128xf32, #tpu.memory_space<hbm>>
        tpu.enqueue_dma source(%arg12 : memref<80x128xf32, #tpu.memory_space<vmem>>) target(%dma_start3A_115 : memref<80x128xf32, #tpu.memory_space<hbm>>) target_semaphore(%run_scoped3A : memref<!tpu.dma_semaphore, #tpu.memory_space<semaphore_mem>>)
        %dma_wait3A_116 = arith.constant 0 : i32
        %dma_wait3A_117 = tpu.memref_slice %arg6[%multiple_of3A_111, %dma_wait3A_116] : memref<320000x128xf32, #tpu.memory_space<hbm>> -> memref<80x128xf32, #tpu.memory_space<hbm>>
        %dma_wait3A_118 = arith.constant 0 : i32
        %dma_wait3A_119 = tpu.memref_slice %arg6[%multiple_of3A_111, %dma_wait3A_118] : memref<320000x128xf32, #tpu.memory_space<hbm>> -> memref<80x128xf32, #tpu.memory_space<hbm>>
        tpu.wait_dma2 semaphore(%run_scoped3A : memref<!tpu.dma_semaphore, #tpu.memory_space<semaphore_mem>>) src(%arg12 : memref<80x128xf32, #tpu.memory_space<vmem>>) dst(%dma_wait3A_119 : memref<80x128xf32, #tpu.memory_space<hbm>>)
        tpu.yield
      }) : () -> ()
    }
    %scan3A_17 = arith.constant 62 : i32
    %dma_wait3A = arith.constant 0 : i32
    %dma_wait3A_18 = arith.constant 0 : i32
    %dma_wait3A_19 = tpu.memref_slice %arg7[%dma_wait3A, %dma_wait3A_18] : memref<125x80xi32, #tpu.memory_space<vmem>> -> memref<1x80xi32, #tpu.memory_space<vmem>>
    %dma_wait3A_20 = tpu.memref_squeeze %dma_wait3A_19 : memref<1x80xi32, #tpu.memory_space<vmem>> -> memref<80xi32, #tpu.memory_space<vmem>>
    %dma_wait3A_21 = arith.constant 0 : i32
    %dma_wait3A_22 = arith.constant 0 : i32
    %dma_wait3A_23 = tpu.memref_slice %arg2[%dma_wait3A_21, %dma_wait3A_22] : memref<10000x128xf32, #tpu.memory_space<hbm>> -> memref<10000x128xf32, #tpu.memory_space<hbm>>
    tpu.wait_indirect_dma semaphore(%arg13 : memref<!tpu.dma_semaphore, #tpu.memory_space<semaphore_mem>>) src(%dma_wait3A_23 : memref<10000x128xf32, #tpu.memory_space<hbm>>) dst(%arg9 : memref<80x128xf32, #tpu.memory_space<vmem>>)
    %dma_wait3A_24 = arith.constant 0 : i32
    %dma_wait3A_25 = arith.constant 0 : i32
    %dma_wait3A_26 = tpu.memref_slice %arg8[%dma_wait3A_24, %dma_wait3A_25] : memref<125x80xi32, #tpu.memory_space<vmem>> -> memref<1x80xi32, #tpu.memory_space<vmem>>
    %dma_wait3A_27 = tpu.memref_squeeze %dma_wait3A_26 : memref<1x80xi32, #tpu.memory_space<vmem>> -> memref<80xi32, #tpu.memory_space<vmem>>
    %dma_wait3A_28 = arith.constant 0 : i32
    %dma_wait3A_29 = arith.constant 0 : i32
    %dma_wait3A_30 = tpu.memref_slice %arg2[%dma_wait3A_28, %dma_wait3A_29] : memref<10000x128xf32, #tpu.memory_space<hbm>> -> memref<10000x128xf32, #tpu.memory_space<hbm>>
    tpu.wait_indirect_dma semaphore(%arg14 : memref<!tpu.dma_semaphore, #tpu.memory_space<semaphore_mem>>) src(%dma_wait3A_30 : memref<10000x128xf32, #tpu.memory_space<hbm>>) dst(%arg10 : memref<80x128xf32, #tpu.memory_space<vmem>>)
    %mul3A_31 = arith.constant 10000 : i32
    %mul3A_32 = arith.muli %add3A, %mul3A_31 : i32
    %add3A_33 = arith.constant 9920 : i32
    %add3A_34 = arith.addi %mul3A_32, %add3A_33 : i32
    %multiple_of3A = tpu.assume_multiple %add3A_34, 8 : i32
    "tpu.region"() ({
      %run_scoped3A = tpu.sem_alloc : memref<!tpu.dma_semaphore, #tpu.memory_space<semaphore_mem>>
      %dma_start3A_35 = arith.constant 0 : i32
      %dma_start3A_36 = tpu.memref_slice %arg5[%multiple_of3A, %dma_start3A_35] : memref<320000x128xf32, #tpu.memory_space<hbm>> -> memref<80x128xf32, #tpu.memory_space<hbm>>
      %dma_start3A_37 = arith.constant 0 : i32
      %dma_start3A_38 = tpu.memref_slice %arg5[%multiple_of3A, %dma_start3A_37] : memref<320000x128xf32, #tpu.memory_space<hbm>> -> memref<80x128xf32, #tpu.memory_space<hbm>>
      tpu.enqueue_dma source(%arg9 : memref<80x128xf32, #tpu.memory_space<vmem>>) target(%dma_start3A_38 : memref<80x128xf32, #tpu.memory_space<hbm>>) target_semaphore(%run_scoped3A : memref<!tpu.dma_semaphore, #tpu.memory_space<semaphore_mem>>)
      %dma_wait3A_39 = arith.constant 0 : i32
      %dma_wait3A_40 = tpu.memref_slice %arg5[%multiple_of3A, %dma_wait3A_39] : memref<320000x128xf32, #tpu.memory_space<hbm>> -> memref<80x128xf32, #tpu.memory_space<hbm>>
      %dma_wait3A_41 = arith.constant 0 : i32
      %dma_wait3A_42 = tpu.memref_slice %arg5[%multiple_of3A, %dma_wait3A_41] : memref<320000x128xf32, #tpu.memory_space<hbm>> -> memref<80x128xf32, #tpu.memory_space<hbm>>
      tpu.wait_dma2 semaphore(%run_scoped3A : memref<!tpu.dma_semaphore, #tpu.memory_space<semaphore_mem>>) src(%arg9 : memref<80x128xf32, #tpu.memory_space<vmem>>) dst(%dma_wait3A_42 : memref<80x128xf32, #tpu.memory_space<hbm>>)
      tpu.yield
    }) : () -> ()
    "tpu.region"() ({
      %run_scoped3A = tpu.sem_alloc : memref<!tpu.dma_semaphore, #tpu.memory_space<semaphore_mem>>
      %dma_start3A_35 = arith.constant 0 : i32
      %dma_start3A_36 = tpu.memref_slice %arg6[%multiple_of3A, %dma_start3A_35] : memref<320000x128xf32, #tpu.memory_space<hbm>> -> memref<80x128xf32, #tpu.memory_space<hbm>>
      %dma_start3A_37 = arith.constant 0 : i32
      %dma_start3A_38 = tpu.memref_slice %arg6[%multiple_of3A, %dma_start3A_37] : memref<320000x128xf32, #tpu.memory_space<hbm>> -> memref<80x128xf32, #tpu.memory_space<hbm>>
      tpu.enqueue_dma source(%arg10 : memref<80x128xf32, #tpu.memory_space<vmem>>) target(%dma_start3A_38 : memref<80x128xf32, #tpu.memory_space<hbm>>) target_semaphore(%run_scoped3A : memref<!tpu.dma_semaphore, #tpu.memory_space<semaphore_mem>>)
      %dma_wait3A_39 = arith.constant 0 : i32
      %dma_wait3A_40 = tpu.memref_slice %arg6[%multiple_of3A, %dma_wait3A_39] : memref<320000x128xf32, #tpu.memory_space<hbm>> -> memref<80x128xf32, #tpu.memory_space<hbm>>
      %dma_wait3A_41 = arith.constant 0 : i32
      %dma_wait3A_42 = tpu.memref_slice %arg6[%multiple_of3A, %dma_wait3A_41] : memref<320000x128xf32, #tpu.memory_space<hbm>> -> memref<80x128xf32, #tpu.memory_space<hbm>>
      tpu.wait_dma2 semaphore(%run_scoped3A : memref<!tpu.dma_semaphore, #tpu.memory_space<semaphore_mem>>) src(%arg10 : memref<80x128xf32, #tpu.memory_space<vmem>>) dst(%dma_wait3A_42 : memref<80x128xf32, #tpu.memory_space<hbm>>)
      tpu.yield
    }) : () -> ()
    return
  }
}

#map = affine_map<(d0, d1) -> (0, 0)>
#map1 = affine_map<(d0, d1) -> (0, 0, 0)>
module attributes {stable_mosaic.version = 14 : i64} {
  func.func @k(%arg0: i32, %arg1: i32, %arg2: memref<10000x128xf32, #tpu.memory_space<hbm>>, %arg3: memref<32x125x80xi32, #tpu.memory_space<hbm>>, %arg4: memref<32x125x80xi32, #tpu.memory_space<hbm>>, %arg5: memref<320000x128xf32, #tpu.memory_space<hbm>>, %arg6: memref<320000x128xf32, #tpu.memory_space<hbm>>, %arg7: memref<125x80xi32, #tpu.memory_space<vmem>>, %arg8: memref<125x80xi32, #tpu.memory_space<vmem>>, %arg9: memref<80x128xf32, #tpu.memory_space<vmem>>, %arg10: memref<80x128xf32, #tpu.memory_space<vmem>>, %arg11: memref<80x128xf32, #tpu.memory_space<vmem>>, %arg12: memref<80x128xf32, #tpu.memory_space<vmem>>, %arg13: memref<!tpu.dma_semaphore, #tpu.memory_space<semaphore_mem>>, %arg14: memref<!tpu.dma_semaphore, #tpu.memory_space<semaphore_mem>>, %arg15: memref<!tpu.dma_semaphore, #tpu.memory_space<semaphore_mem>>, %arg16: memref<!tpu.dma_semaphore, #tpu.memory_space<semaphore_mem>>) attributes {dimension_semantics = [#tpu.dimension_semantics<core_parallel>, #tpu.dimension_semantics<subcore_parallel>], iteration_bounds = array<i64: 2, 16>, scalar_prefetch = 0 : i64, scratch_operands = 10 : i64, tpu.core_type = #tpu.core_type<sc_vector_subcore>, window_params = [{transform_indices = #map}, {transform_indices = #map1}, {transform_indices = #map1}, {transform_indices = #map}, {transform_indices = #map}]} {
    %mul3A = arith.constant 2 : i32
    %mul3A_0 = arith.muli %arg1, %mul3A : i32
    %add3A = arith.addi %mul3A_0, %arg0 : i32
    "tpu.region"() ({
      %run_scoped3A = tpu.sem_alloc : memref<!tpu.dma_semaphore, #tpu.memory_space<semaphore_mem>>
      %dma_start3A_35 = arith.constant 0 : i32
      %dma_start3A_36 = arith.constant 0 : i32
      %dma_start3A_37 = tpu.memref_slice %arg3[%add3A, %dma_start3A_35, %dma_start3A_36] : memref<32x125x80xi32, #tpu.memory_space<hbm>> -> memref<1x125x80xi32, #tpu.memory_space<hbm>>
      %dma_start3A_38 = tpu.memref_squeeze %dma_start3A_37 : memref<1x125x80xi32, #tpu.memory_space<hbm>> -> memref<125x80xi32, #tpu.memory_space<hbm>>
      %dma_start3A_39 = arith.constant 0 : i32
      %dma_start3A_40 = arith.constant 0 : i32
      %dma_start3A_41 = tpu.memref_slice %arg3[%add3A, %dma_start3A_39, %dma_start3A_40] : memref<32x125x80xi32, #tpu.memory_space<hbm>> -> memref<1x125x80xi32, #tpu.memory_space<hbm>>
      %dma_start3A_42 = tpu.memref_squeeze %dma_start3A_41 : memref<1x125x80xi32, #tpu.memory_space<hbm>> -> memref<125x80xi32, #tpu.memory_space<hbm>>
      tpu.enqueue_dma source(%dma_start3A_42 : memref<125x80xi32, #tpu.memory_space<hbm>>) target(%arg7 : memref<125x80xi32, #tpu.memory_space<vmem>>) target_semaphore(%run_scoped3A : memref<!tpu.dma_semaphore, #tpu.memory_space<semaphore_mem>>)
      %dma_wait3A_43 = arith.constant 0 : i32
      %dma_wait3A_44 = arith.constant 0 : i32
      %dma_wait3A_45 = tpu.memref_slice %arg3[%add3A, %dma_wait3A_43, %dma_wait3A_44] : memref<32x125x80xi32, #tpu.memory_space<hbm>> -> memref<1x125x80xi32, #tpu.memory_space<hbm>>
      %dma_wait3A_46 = tpu.memref_squeeze %dma_wait3A_45 : memref<1x125x80xi32, #tpu.memory_space<hbm>> -> memref<125x80xi32, #tpu.memory_space<hbm>>
      %dma_wait3A_47 = arith.constant 0 : i32
      %dma_wait3A_48 = arith.constant 0 : i32
      %dma_wait3A_49 = tpu.memref_slice %arg3[%add3A, %dma_wait3A_47, %dma_wait3A_48] : memref<32x125x80xi32, #tpu.memory_space<hbm>> -> memref<1x125x80xi32, #tpu.memory_space<hbm>>
      %dma_wait3A_50 = tpu.memref_squeeze %dma_wait3A_49 : memref<1x125x80xi32, #tpu.memory_space<hbm>> -> memref<125x80xi32, #tpu.memory_space<hbm>>
      tpu.wait_dma2 semaphore(%run_scoped3A : memref<!tpu.dma_semaphore, #tpu.memory_space<semaphore_mem>>) src(%dma_wait3A_50 : memref<125x80xi32, #tpu.memory_space<hbm>>) dst(%arg7 : memref<125x80xi32, #tpu.memory_space<vmem>>)
      tpu.yield
    }) : () -> ()
    "tpu.region"() ({
      %run_scoped3A = tpu.sem_alloc : memref<!tpu.dma_semaphore, #tpu.memory_space<semaphore_mem>>
      %dma_start3A_35 = arith.constant 0 : i32
      %dma_start3A_36 = arith.constant 0 : i32
      %dma_start3A_37 = tpu.memref_slice %arg4[%add3A, %dma_start3A_35, %dma_start3A_36] : memref<32x125x80xi32, #tpu.memory_space<hbm>> -> memref<1x125x80xi32, #tpu.memory_space<hbm>>
      %dma_start3A_38 = tpu.memref_squeeze %dma_start3A_37 : memref<1x125x80xi32, #tpu.memory_space<hbm>> -> memref<125x80xi32, #tpu.memory_space<hbm>>
      %dma_start3A_39 = arith.constant 0 : i32
      %dma_start3A_40 = arith.constant 0 : i32
      %dma_start3A_41 = tpu.memref_slice %arg4[%add3A, %dma_start3A_39, %dma_start3A_40] : memref<32x125x80xi32, #tpu.memory_space<hbm>> -> memref<1x125x80xi32, #tpu.memory_space<hbm>>
      %dma_start3A_42 = tpu.memref_squeeze %dma_start3A_41 : memref<1x125x80xi32, #tpu.memory_space<hbm>> -> memref<125x80xi32, #tpu.memory_space<hbm>>
      tpu.enqueue_dma source(%dma_start3A_42 : memref<125x80xi32, #tpu.memory_space<hbm>>) target(%arg8 : memref<125x80xi32, #tpu.memory_space<vmem>>) target_semaphore(%run_scoped3A : memref<!tpu.dma_semaphore, #tpu.memory_space<semaphore_mem>>)
      %dma_wait3A_43 = arith.constant 0 : i32
      %dma_wait3A_44 = arith.constant 0 : i32
      %dma_wait3A_45 = tpu.memref_slice %arg4[%add3A, %dma_wait3A_43, %dma_wait3A_44] : memref<32x125x80xi32, #tpu.memory_space<hbm>> -> memref<1x125x80xi32, #tpu.memory_space<hbm>>
      %dma_wait3A_46 = tpu.memref_squeeze %dma_wait3A_45 : memref<1x125x80xi32, #tpu.memory_space<hbm>> -> memref<125x80xi32, #tpu.memory_space<hbm>>
      %dma_wait3A_47 = arith.constant 0 : i32
      %dma_wait3A_48 = arith.constant 0 : i32
      %dma_wait3A_49 = tpu.memref_slice %arg4[%add3A, %dma_wait3A_47, %dma_wait3A_48] : memref<32x125x80xi32, #tpu.memory_space<hbm>> -> memref<1x125x80xi32, #tpu.memory_space<hbm>>
      %dma_wait3A_50 = tpu.memref_squeeze %dma_wait3A_49 : memref<1x125x80xi32, #tpu.memory_space<hbm>> -> memref<125x80xi32, #tpu.memory_space<hbm>>
      tpu.wait_dma2 semaphore(%run_scoped3A : memref<!tpu.dma_semaphore, #tpu.memory_space<semaphore_mem>>) src(%dma_wait3A_50 : memref<125x80xi32, #tpu.memory_space<hbm>>) dst(%arg8 : memref<125x80xi32, #tpu.memory_space<vmem>>)
      tpu.yield
    }) : () -> ()
    %dma_start3A = arith.constant 0 : i32
    %dma_start3A_1 = arith.constant 0 : i32
    %dma_start3A_2 = tpu.memref_slice %arg7[%dma_start3A, %dma_start3A_1] : memref<125x80xi32, #tpu.memory_space<vmem>> -> memref<1x80xi32, #tpu.memory_space<vmem>>
    %dma_start3A_3 = tpu.memref_squeeze %dma_start3A_2 : memref<1x80xi32, #tpu.memory_space<vmem>> -> memref<80xi32, #tpu.memory_space<vmem>>
    %dma_start3A_4 = arith.constant 0 : i32
    %dma_start3A_5 = arith.constant 0 : i32
    %dma_start3A_6 = tpu.memref_slice %arg2[%dma_start3A_4, %dma_start3A_5] : memref<10000x128xf32, #tpu.memory_space<hbm>> -> memref<10000x128xf32, #tpu.memory_space<hbm>>
    tpu.enqueue_indirect_dma source(%dma_start3A_6 : memref<10000x128xf32, #tpu.memory_space<hbm>>) target(%arg9 : memref<80x128xf32, #tpu.memory_space<vmem>>) offsets(%dma_start3A_3 : memref<80xi32, #tpu.memory_space<vmem>>) semaphore(%arg13 : memref<!tpu.dma_semaphore, #tpu.memory_space<semaphore_mem>>)
    %dma_start3A_7 = arith.constant 0 : i32
    %dma_start3A_8 = arith.constant 0 : i32
    %dma_start3A_9 = tpu.memref_slice %arg8[%dma_start3A_7, %dma_start3A_8] : memref<125x80xi32, #tpu.memory_space<vmem>> -> memref<1x80xi32, #tpu.memory_space<vmem>>
    %dma_start3A_10 = tpu.memref_squeeze %dma_start3A_9 : memref<1x80xi32, #tpu.memory_space<vmem>> -> memref<80xi32, #tpu.memory_space<vmem>>
    %dma_start3A_11 = arith.constant 0 : i32
    %dma_start3A_12 = arith.constant 0 : i32
    %dma_start3A_13 = tpu.memref_slice %arg2[%dma_start3A_11, %dma_start3A_12] : memref<10000x128xf32, #tpu.memory_space<hbm>> -> memref<10000x128xf32, #tpu.memory_space<hbm>>
    tpu.enqueue_indirect_dma source(%dma_start3A_13 : memref<10000x128xf32, #tpu.memory_space<hbm>>) target(%arg10 : memref<80x128xf32, #tpu.memory_space<vmem>>) offsets(%dma_start3A_10 : memref<80xi32, #tpu.memory_space<vmem>>) semaphore(%arg14 : memref<!tpu.dma_semaphore, #tpu.memory_space<semaphore_mem>>)
    %scan3A = arith.constant 0 : i32
    %scan3A_14 = arith.constant 62 : i32
    %scan3A_15 = arith.addi %scan3A, %scan3A_14 : i32
    %scan3A_16 = arith.constant 1 : i32
    scf.for %scan3A_35 = %scan3A to %scan3A_15 step %scan3A_16  : i32 {
      %mul3A_36 = arith.constant 1 : i32
      %mul3A_37 = arith.muli %scan3A_35, %mul3A_36 : i32
      %add3A_38 = arith.constant 0 : i32
      %add3A_39 = arith.addi %add3A_38, %mul3A_37 : i32
      %mul3A_40 = arith.constant 2 : i32
      %mul3A_41 = arith.muli %mul3A_40, %add3A_39 : i32
      %add3A_42 = arith.constant 1 : i32
      %add3A_43 = arith.addi %mul3A_41, %add3A_42 : i32
      %dma_start3A_44 = arith.constant 0 : i32
      %dma_start3A_45 = tpu.memref_slice %arg7[%add3A_43, %dma_start3A_44] : memref<125x80xi32, #tpu.memory_space<vmem>> -> memref<1x80xi32, #tpu.memory_space<vmem>>
      %dma_start3A_46 = tpu.memref_squeeze %dma_start3A_45 : memref<1x80xi32, #tpu.memory_space<vmem>> -> memref<80xi32, #tpu.memory_space<vmem>>
      %dma_start3A_47 = arith.constant 0 : i32
      %dma_start3A_48 = arith.constant 0 : i32
      %dma_start3A_49 = tpu.memref_slice %arg2[%dma_start3A_47, %dma_start3A_48] : memref<10000x128xf32, #tpu.memory_space<hbm>> -> memref<10000x128xf32, #tpu.memory_space<hbm>>
      tpu.enqueue_indirect_dma source(%dma_start3A_49 : memref<10000x128xf32, #tpu.memory_space<hbm>>) target(%arg11 : memref<80x128xf32, #tpu.memory_space<vmem>>) offsets(%dma_start3A_46 : memref<80xi32, #tpu.memory_space<vmem>>) semaphore(%arg15 : memref<!tpu.dma_semaphore, #tpu.memory_space<semaphore_mem>>)
      %dma_start3A_50 = arith.constant 0 : i32
      %dma_start3A_51 = tpu.memref_slice %arg8[%add3A_43, %dma_start3A_50] : memref<125x80xi32, #tpu.memory_space<vmem>> -> memref<1x80xi32, #tpu.memory_space<vmem>>
      %dma_start3A_52 = tpu.memref_squeeze %dma_start3A_51 : memref<1x80xi32, #tpu.memory_space<vmem>> -> memref<80xi32, #tpu.memory_space<vmem>>
      %dma_start3A_53 = arith.constant 0 : i32
      %dma_start3A_54 = arith.constant 0 : i32
      %dma_start3A_55 = tpu.memref_slice %arg2[%dma_start3A_53, %dma_start3A_54] : memref<10000x128xf32, #tpu.memory_space<hbm>> -> memref<10000x128xf32, #tpu.memory_space<hbm>>
      tpu.enqueue_indirect_dma source(%dma_start3A_55 : memref<10000x128xf32, #tpu.memory_space<hbm>>) target(%arg12 : memref<80x128xf32, #tpu.memory_space<vmem>>) offsets(%dma_start3A_52 : memref<80xi32, #tpu.memory_space<vmem>>) semaphore(%arg16 : memref<!tpu.dma_semaphore, #tpu.memory_space<semaphore_mem>>)
      %dma_wait3A_56 = arith.constant 0 : i32
      %dma_wait3A_57 = arith.constant 0 : i32
      %dma_wait3A_58 = tpu.memref_slice %arg7[%dma_wait3A_56, %dma_wait3A_57] : memref<125x80xi32, #tpu.memory_space<vmem>> -> memref<1x80xi32, #tpu.memory_space<vmem>>
      %dma_wait3A_59 = tpu.memref_squeeze %dma_wait3A_58 : memref<1x80xi32, #tpu.memory_space<vmem>> -> memref<80xi32, #tpu.memory_space<vmem>>
      %dma_wait3A_60 = arith.constant 0 : i32
      %dma_wait3A_61 = arith.constant 0 : i32
      %dma_wait3A_62 = tpu.memref_slice %arg2[%dma_wait3A_60, %dma_wait3A_61] : memref<10000x128xf32, #tpu.memory_space<hbm>> -> memref<10000x128xf32, #tpu.memory_space<hbm>>
      tpu.wait_indirect_dma semaphore(%arg13 : memref<!tpu.dma_semaphore, #tpu.memory_space<semaphore_mem>>) src(%dma_wait3A_62 : memref<10000x128xf32, #tpu.memory_space<hbm>>) dst(%arg9 : memref<80x128xf32, #tpu.memory_space<vmem>>)
      %dma_wait3A_63 = arith.constant 0 : i32
      %dma_wait3A_64 = arith.constant 0 : i32
      %dma_wait3A_65 = tpu.memref_slice %arg8[%dma_wait3A_63, %dma_wait3A_64] : memref<125x80xi32, #tpu.memory_space<vmem>> -> memref<1x80xi32, #tpu.memory_space<vmem>>
      %dma_wait3A_66 = tpu.memref_squeeze %dma_wait3A_65 : memref<1x80xi32, #tpu.memory_space<vmem>> -> memref<80xi32, #tpu.memory_space<vmem>>
      %dma_wait3A_67 = arith.constant 0 : i32
      %dma_wait3A_68 = arith.constant 0 : i32
      %dma_wait3A_69 = tpu.memref_slice %arg2[%dma_wait3A_67, %dma_wait3A_68] : memref<10000x128xf32, #tpu.memory_space<hbm>> -> memref<10000x128xf32, #tpu.memory_space<hbm>>
      tpu.wait_indirect_dma semaphore(%arg14 : memref<!tpu.dma_semaphore, #tpu.memory_space<semaphore_mem>>) src(%dma_wait3A_69 : memref<10000x128xf32, #tpu.memory_space<hbm>>) dst(%arg10 : memref<80x128xf32, #tpu.memory_space<vmem>>)
      %mul3A_70 = arith.constant 10000 : i32
      %mul3A_71 = arith.muli %add3A, %mul3A_70 : i32
      %mul3A_72 = arith.constant 80 : i32
      %mul3A_73 = arith.muli %mul3A_41, %mul3A_72 : i32
      %add3A_74 = arith.addi %mul3A_71, %mul3A_73 : i32
      %multiple_of3A_75 = tpu.assume_multiple %add3A_74, 8 : i32
      "tpu.region"() ({
        %run_scoped3A = tpu.sem_alloc : memref<!tpu.dma_semaphore, #tpu.memory_space<semaphore_mem>>
        %dma_start3A_112 = arith.constant 0 : i32
        %dma_start3A_113 = tpu.memref_slice %arg5[%multiple_of3A_75, %dma_start3A_112] : memref<320000x128xf32, #tpu.memory_space<hbm>> -> memref<80x128xf32, #tpu.memory_space<hbm>>
        %dma_start3A_114 = arith.constant 0 : i32
        %dma_start3A_115 = tpu.memref_slice %arg5[%multiple_of3A_75, %dma_start3A_114] : memref<320000x128xf32, #tpu.memory_space<hbm>> -> memref<80x128xf32, #tpu.memory_space<hbm>>
        tpu.enqueue_dma source(%arg9 : memref<80x128xf32, #tpu.memory_space<vmem>>) target(%dma_start3A_115 : memref<80x128xf32, #tpu.memory_space<hbm>>) target_semaphore(%run_scoped3A : memref<!tpu.dma_semaphore, #tpu.memory_space<semaphore_mem>>)
        %dma_wait3A_116 = arith.constant 0 : i32
        %dma_wait3A_117 = tpu.memref_slice %arg5[%multiple_of3A_75, %dma_wait3A_116] : memref<320000x128xf32, #tpu.memory_space<hbm>> -> memref<80x128xf32, #tpu.memory_space<hbm>>
        %dma_wait3A_118 = arith.constant 0 : i32
        %dma_wait3A_119 = tpu.memref_slice %arg5[%multiple_of3A_75, %dma_wait3A_118] : memref<320000x128xf32, #tpu.memory_space<hbm>> -> memref<80x128xf32, #tpu.memory_space<hbm>>
        tpu.wait_dma2 semaphore(%run_scoped3A : memref<!tpu.dma_semaphore, #tpu.memory_space<semaphore_mem>>) src(%arg9 : memref<80x128xf32, #tpu.memory_space<vmem>>) dst(%dma_wait3A_119 : memref<80x128xf32, #tpu.memory_space<hbm>>)
        tpu.yield
      }) : () -> ()
      "tpu.region"() ({
        %run_scoped3A = tpu.sem_alloc : memref<!tpu.dma_semaphore, #tpu.memory_space<semaphore_mem>>
        %dma_start3A_112 = arith.constant 0 : i32
        %dma_start3A_113 = tpu.memref_slice %arg6[%multiple_of3A_75, %dma_start3A_112] : memref<320000x128xf32, #tpu.memory_space<hbm>> -> memref<80x128xf32, #tpu.memory_space<hbm>>
        %dma_start3A_114 = arith.constant 0 : i32
        %dma_start3A_115 = tpu.memref_slice %arg6[%multiple_of3A_75, %dma_start3A_114] : memref<320000x128xf32, #tpu.memory_space<hbm>> -> memref<80x128xf32, #tpu.memory_space<hbm>>
        tpu.enqueue_dma source(%arg10 : memref<80x128xf32, #tpu.memory_space<vmem>>) target(%dma_start3A_115 : memref<80x128xf32, #tpu.memory_space<hbm>>) target_semaphore(%run_scoped3A : memref<!tpu.dma_semaphore, #tpu.memory_space<semaphore_mem>>)
        %dma_wait3A_116 = arith.constant 0 : i32
        %dma_wait3A_117 = tpu.memref_slice %arg6[%multiple_of3A_75, %dma_wait3A_116] : memref<320000x128xf32, #tpu.memory_space<hbm>> -> memref<80x128xf32, #tpu.memory_space<hbm>>
        %dma_wait3A_118 = arith.constant 0 : i32
        %dma_wait3A_119 = tpu.memref_slice %arg6[%multiple_of3A_75, %dma_wait3A_118] : memref<320000x128xf32, #tpu.memory_space<hbm>> -> memref<80x128xf32, #tpu.memory_space<hbm>>
        tpu.wait_dma2 semaphore(%run_scoped3A : memref<!tpu.dma_semaphore, #tpu.memory_space<semaphore_mem>>) src(%arg10 : memref<80x128xf32, #tpu.memory_space<vmem>>) dst(%dma_wait3A_119 : memref<80x128xf32, #tpu.memory_space<hbm>>)
        tpu.yield
      }) : () -> ()
      %add3A_76 = arith.constant 2 : i32
      %add3A_77 = arith.addi %mul3A_41, %add3A_76 : i32
      %dma_start3A_78 = arith.constant 0 : i32
      %dma_start3A_79 = tpu.memref_slice %arg7[%add3A_77, %dma_start3A_78] : memref<125x80xi32, #tpu.memory_space<vmem>> -> memref<1x80xi32, #tpu.memory_space<vmem>>
      %dma_start3A_80 = tpu.memref_squeeze %dma_start3A_79 : memref<1x80xi32, #tpu.memory_space<vmem>> -> memref<80xi32, #tpu.memory_space<vmem>>
      %dma_start3A_81 = arith.constant 0 : i32
      %dma_start3A_82 = arith.constant 0 : i32
      %dma_start3A_83 = tpu.memref_slice %arg2[%dma_start3A_81, %dma_start3A_82] : memref<10000x128xf32, #tpu.memory_space<hbm>> -> memref<10000x128xf32, #tpu.memory_space<hbm>>
      tpu.enqueue_indirect_dma source(%dma_start3A_83 : memref<10000x128xf32, #tpu.memory_space<hbm>>) target(%arg9 : memref<80x128xf32, #tpu.memory_space<vmem>>) offsets(%dma_start3A_80 : memref<80xi32, #tpu.memory_space<vmem>>) semaphore(%arg13 : memref<!tpu.dma_semaphore, #tpu.memory_space<semaphore_mem>>)
      %dma_start3A_84 = arith.constant 0 : i32
      %dma_start3A_85 = tpu.memref_slice %arg8[%add3A_77, %dma_start3A_84] : memref<125x80xi32, #tpu.memory_space<vmem>> -> memref<1x80xi32, #tpu.memory_space<vmem>>
      %dma_start3A_86 = tpu.memref_squeeze %dma_start3A_85 : memref<1x80xi32, #tpu.memory_space<vmem>> -> memref<80xi32, #tpu.memory_space<vmem>>
      %dma_start3A_87 = arith.constant 0 : i32
      %dma_start3A_88 = arith.constant 0 : i32
      %dma_start3A_89 = tpu.memref_slice %arg2[%dma_start3A_87, %dma_start3A_88] : memref<10000x128xf32, #tpu.memory_space<hbm>> -> memref<10000x128xf32, #tpu.memory_space<hbm>>
      tpu.enqueue_indirect_dma source(%dma_start3A_89 : memref<10000x128xf32, #tpu.memory_space<hbm>>) target(%arg10 : memref<80x128xf32, #tpu.memory_space<vmem>>) offsets(%dma_start3A_86 : memref<80xi32, #tpu.memory_space<vmem>>) semaphore(%arg14 : memref<!tpu.dma_semaphore, #tpu.memory_space<semaphore_mem>>)
      %dma_wait3A_90 = arith.constant 0 : i32
      %dma_wait3A_91 = arith.constant 0 : i32
      %dma_wait3A_92 = tpu.memref_slice %arg7[%dma_wait3A_90, %dma_wait3A_91] : memref<125x80xi32, #tpu.memory_space<vmem>> -> memref<1x80xi32, #tpu.memory_space<vmem>>
      %dma_wait3A_93 = tpu.memref_squeeze %dma_wait3A_92 : memref<1x80xi32, #tpu.memory_space<vmem>> -> memref<80xi32, #tpu.memory_space<vmem>>
      %dma_wait3A_94 = arith.constant 0 : i32
      %dma_wait3A_95 = arith.constant 0 : i32
      %dma_wait3A_96 = tpu.memref_slice %arg2[%dma_wait3A_94, %dma_wait3A_95] : memref<10000x128xf32, #tpu.memory_space<hbm>> -> memref<10000x128xf32, #tpu.memory_space<hbm>>
      tpu.wait_indirect_dma semaphore(%arg15 : memref<!tpu.dma_semaphore, #tpu.memory_space<semaphore_mem>>) src(%dma_wait3A_96 : memref<10000x128xf32, #tpu.memory_space<hbm>>) dst(%arg11 : memref<80x128xf32, #tpu.memory_space<vmem>>)
      %dma_wait3A_97 = arith.constant 0 : i32
      %dma_wait3A_98 = arith.constant 0 : i32
      %dma_wait3A_99 = tpu.memref_slice %arg8[%dma_wait3A_97, %dma_wait3A_98] : memref<125x80xi32, #tpu.memory_space<vmem>> -> memref<1x80xi32, #tpu.memory_space<vmem>>
      %dma_wait3A_100 = tpu.memref_squeeze %dma_wait3A_99 : memref<1x80xi32, #tpu.memory_space<vmem>> -> memref<80xi32, #tpu.memory_space<vmem>>
      %dma_wait3A_101 = arith.constant 0 : i32
      %dma_wait3A_102 = arith.constant 0 : i32
      %dma_wait3A_103 = tpu.memref_slice %arg2[%dma_wait3A_101, %dma_wait3A_102] : memref<10000x128xf32, #tpu.memory_space<hbm>> -> memref<10000x128xf32, #tpu.memory_space<hbm>>
      tpu.wait_indirect_dma semaphore(%arg16 : memref<!tpu.dma_semaphore, #tpu.memory_space<semaphore_mem>>) src(%dma_wait3A_103 : memref<10000x128xf32, #tpu.memory_space<hbm>>) dst(%arg12 : memref<80x128xf32, #tpu.memory_space<vmem>>)
      %add3A_104 = arith.constant 1 : i32
      %add3A_105 = arith.addi %mul3A_41, %add3A_104 : i32
      %mul3A_106 = arith.constant 10000 : i32
      %mul3A_107 = arith.muli %add3A, %mul3A_106 : i32
      %mul3A_108 = arith.constant 80 : i32
      %mul3A_109 = arith.muli %add3A_105, %mul3A_108 : i32
      %add3A_110 = arith.addi %mul3A_107, %mul3A_109 : i32
      %multiple_of3A_111 = tpu.assume_multiple %add3A_110, 8 : i32
      "tpu.region"() ({
        %run_scoped3A = tpu.sem_alloc : memref<!tpu.dma_semaphore, #tpu.memory_space<semaphore_mem>>
        %dma_start3A_112 = arith.constant 0 : i32
        %dma_start3A_113 = tpu.memref_slice %arg5[%multiple_of3A_111, %dma_start3A_112] : memref<320000x128xf32, #tpu.memory_space<hbm>> -> memref<80x128xf32, #tpu.memory_space<hbm>>
        %dma_start3A_114 = arith.constant 0 : i32
        %dma_start3A_115 = tpu.memref_slice %arg5[%multiple_of3A_111, %dma_start3A_114] : memref<320000x128xf32, #tpu.memory_space<hbm>> -> memref<80x128xf32, #tpu.memory_space<hbm>>
        tpu.enqueue_dma source(%arg11 : memref<80x128xf32, #tpu.memory_space<vmem>>) target(%dma_start3A_115 : memref<80x128xf32, #tpu.memory_space<hbm>>) target_semaphore(%run_scoped3A : memref<!tpu.dma_semaphore, #tpu.memory_space<semaphore_mem>>)
        %dma_wait3A_116 = arith.constant 0 : i32
        %dma_wait3A_117 = tpu.memref_slice %arg5[%multiple_of3A_111, %dma_wait3A_116] : memref<320000x128xf32, #tpu.memory_space<hbm>> -> memref<80x128xf32, #tpu.memory_space<hbm>>
        %dma_wait3A_118 = arith.constant 0 : i32
        %dma_wait3A_119 = tpu.memref_slice %arg5[%multiple_of3A_111, %dma_wait3A_118] : memref<320000x128xf32, #tpu.memory_space<hbm>> -> memref<80x128xf32, #tpu.memory_space<hbm>>
        tpu.wait_dma2 semaphore(%run_scoped3A : memref<!tpu.dma_semaphore, #tpu.memory_space<semaphore_mem>>) src(%arg11 : memref<80x128xf32, #tpu.memory_space<vmem>>) dst(%dma_wait3A_119 : memref<80x128xf32, #tpu.memory_space<hbm>>)
        tpu.yield
      }) : () -> ()
      "tpu.region"() ({
        %run_scoped3A = tpu.sem_alloc : memref<!tpu.dma_semaphore, #tpu.memory_space<semaphore_mem>>
        %dma_start3A_112 = arith.constant 0 : i32
        %dma_start3A_113 = tpu.memref_slice %arg6[%multiple_of3A_111, %dma_start3A_112] : memref<320000x128xf32, #tpu.memory_space<hbm>> -> memref<80x128xf32, #tpu.memory_space<hbm>>
        %dma_start3A_114 = arith.constant 0 : i32
        %dma_start3A_115 = tpu.memref_slice %arg6[%multiple_of3A_111, %dma_start3A_114] : memref<320000x128xf32, #tpu.memory_space<hbm>> -> memref<80x128xf32, #tpu.memory_space<hbm>>
        tpu.enqueue_dma source(%arg12 : memref<80x128xf32, #tpu.memory_space<vmem>>) target(%dma_start3A_115 : memref<80x128xf32, #tpu.memory_space<hbm>>) target_semaphore(%run_scoped3A : memref<!tpu.dma_semaphore, #tpu.memory_space<semaphore_mem>>)
        %dma_wait3A_116 = arith.constant 0 : i32
        %dma_wait3A_117 = tpu.memref_slice %arg6[%multiple_of3A_111, %dma_wait3A_116] : memref<320000x128xf32, #tpu.memory_space<hbm>> -> memref<80x128xf32, #tpu.memory_space<hbm>>
        %dma_wait3A_118 = arith.constant 0 : i32
        %dma_wait3A_119 = tpu.memref_slice %arg6[%multiple_of3A_111, %dma_wait3A_118] : memref<320000x128xf32, #tpu.memory_space<hbm>> -> memref<80x128xf32, #tpu.memory_space<hbm>>
        tpu.wait_dma2 semaphore(%run_scoped3A : memref<!tpu.dma_semaphore, #tpu.memory_space<semaphore_mem>>) src(%arg12 : memref<80x128xf32, #tpu.memory_space<vmem>>) dst(%dma_wait3A_119 : memref<80x128xf32, #tpu.memory_space<hbm>>)
        tpu.yield
      }) : () -> ()
    }
    %scan3A_17 = arith.constant 62 : i32
    %dma_wait3A = arith.constant 0 : i32
    %dma_wait3A_18 = arith.constant 0 : i32
    %dma_wait3A_19 = tpu.memref_slice %arg7[%dma_wait3A, %dma_wait3A_18] : memref<125x80xi32, #tpu.memory_space<vmem>> -> memref<1x80xi32, #tpu.memory_space<vmem>>
    %dma_wait3A_20 = tpu.memref_squeeze %dma_wait3A_19 : memref<1x80xi32, #tpu.memory_space<vmem>> -> memref<80xi32, #tpu.memory_space<vmem>>
    %dma_wait3A_21 = arith.constant 0 : i32
    %dma_wait3A_22 = arith.constant 0 : i32
    %dma_wait3A_23 = tpu.memref_slice %arg2[%dma_wait3A_21, %dma_wait3A_22] : memref<10000x128xf32, #tpu.memory_space<hbm>> -> memref<10000x128xf32, #tpu.memory_space<hbm>>
    tpu.wait_indirect_dma semaphore(%arg13 : memref<!tpu.dma_semaphore, #tpu.memory_space<semaphore_mem>>) src(%dma_wait3A_23 : memref<10000x128xf32, #tpu.memory_space<hbm>>) dst(%arg9 : memref<80x128xf32, #tpu.memory_space<vmem>>)
    %dma_wait3A_24 = arith.constant 0 : i32
    %dma_wait3A_25 = arith.constant 0 : i32
    %dma_wait3A_26 = tpu.memref_slice %arg8[%dma_wait3A_24, %dma_wait3A_25] : memref<125x80xi32, #tpu.memory_space<vmem>> -> memref<1x80xi32, #tpu.memory_space<vmem>>
    %dma_wait3A_27 = tpu.memref_squeeze %dma_wait3A_26 : memref<1x80xi32, #tpu.memory_space<vmem>> -> memref<80xi32, #tpu.memory_space<vmem>>
    %dma_wait3A_28 = arith.constant 0 : i32
    %dma_wait3A_29 = arith.constant 0 : i32
    %dma_wait3A_30 = tpu.memref_slice %arg2[%dma_wait3A_28, %dma_wait3A_29] : memref<10000x128xf32, #tpu.memory_space<hbm>> -> memref<10000x128xf32, #tpu.memory_space<hbm>>
    tpu.wait_indirect_dma semaphore(%arg14 : memref<!tpu.dma_semaphore, #tpu.memory_space<semaphore_mem>>) src(%dma_wait3A_30 : memref<10000x128xf32, #tpu.memory_space<hbm>>) dst(%arg10 : memref<80x128xf32, #tpu.memory_space<vmem>>)
    %mul3A_31 = arith.constant 10000 : i32
    %mul3A_32 = arith.muli %add3A, %mul3A_31 : i32
    %add3A_33 = arith.constant 9920 : i32
    %add3A_34 = arith.addi %mul3A_32, %add3A_33 : i32
    %multiple_of3A = tpu.assume_multiple %add3A_34, 8 : i32
    "tpu.region"() ({
      %run_scoped3A = tpu.sem_alloc : memref<!tpu.dma_semaphore, #tpu.memory_space<semaphore_mem>>
      %dma_start3A_35 = arith.constant 0 : i32
      %dma_start3A_36 = tpu.memref_slice %arg5[%multiple_of3A, %dma_start3A_35] : memref<320000x128xf32, #tpu.memory_space<hbm>> -> memref<80x128xf32, #tpu.memory_space<hbm>>
      %dma_start3A_37 = arith.constant 0 : i32
      %dma_start3A_38 = tpu.memref_slice %arg5[%multiple_of3A, %dma_start3A_37] : memref<320000x128xf32, #tpu.memory_space<hbm>> -> memref<80x128xf32, #tpu.memory_space<hbm>>
      tpu.enqueue_dma source(%arg9 : memref<80x128xf32, #tpu.memory_space<vmem>>) target(%dma_start3A_38 : memref<80x128xf32, #tpu.memory_space<hbm>>) target_semaphore(%run_scoped3A : memref<!tpu.dma_semaphore, #tpu.memory_space<semaphore_mem>>)
      %dma_wait3A_39 = arith.constant 0 : i32
      %dma_wait3A_40 = tpu.memref_slice %arg5[%multiple_of3A, %dma_wait3A_39] : memref<320000x128xf32, #tpu.memory_space<hbm>> -> memref<80x128xf32, #tpu.memory_space<hbm>>
      %dma_wait3A_41 = arith.constant 0 : i32
      %dma_wait3A_42 = tpu.memref_slice %arg5[%multiple_of3A, %dma_wait3A_41] : memref<320000x128xf32, #tpu.memory_space<hbm>> -> memref<80x128xf32, #tpu.memory_space<hbm>>
      tpu.wait_dma2 semaphore(%run_scoped3A : memref<!tpu.dma_semaphore, #tpu.memory_space<semaphore_mem>>) src(%arg9 : memref<80x128xf32, #tpu.memory_space<vmem>>) dst(%dma_wait3A_42 : memref<80x128xf32, #tpu.memory_space<hbm>>)
      tpu.yield
    }) : () -> ()
    "tpu.region"() ({
      %run_scoped3A = tpu.sem_alloc : memref<!tpu.dma_semaphore, #tpu.memory_space<semaphore_mem>>
      %dma_start3A_35 = arith.constant 0 : i32
      %dma_start3A_36 = tpu.memref_slice %arg6[%multiple_of3A, %dma_start3A_35] : memref<320000x128xf32, #tpu.memory_space<hbm>> -> memref<80x128xf32, #tpu.memory_space<hbm>>
      %dma_start3A_37 = arith.constant 0 : i32
      %dma_start3A_38 = tpu.memref_slice %arg6[%multiple_of3A, %dma_start3A_37] : memref<320000x128xf32, #tpu.memory_space<hbm>> -> memref<80x128xf32, #tpu.memory_space<hbm>>
      tpu.enqueue_dma source(%arg10 : memref<80x128xf32, #tpu.memory_space<vmem>>) target(%dma_start3A_38 : memref<80x128xf32, #tpu.memory_space<hbm>>) target_semaphore(%run_scoped3A : memref<!tpu.dma_semaphore, #tpu.memory_space<semaphore_mem>>)
      %dma_wait3A_39 = arith.constant 0 : i32
      %dma_wait3A_40 = tpu.memref_slice %arg6[%multiple_of3A, %dma_wait3A_39] : memref<320000x128xf32, #tpu.memory_space<hbm>> -> memref<80x128xf32, #tpu.memory_space<hbm>>
      %dma_wait3A_41 = arith.constant 0 : i32
      %dma_wait3A_42 = tpu.memref_slice %arg6[%multiple_of3A, %dma_wait3A_41] : memref<320000x128xf32, #tpu.memory_space<hbm>> -> memref<80x128xf32, #tpu.memory_space<hbm>>
      tpu.wait_dma2 semaphore(%run_scoped3A : memref<!tpu.dma_semaphore, #tpu.memory_space<semaphore_mem>>) src(%arg10 : memref<80x128xf32, #tpu.memory_space<vmem>>) dst(%dma_wait3A_42 : memref<80x128xf32, #tpu.memory_space<hbm>>)
      tpu.yield
    }) : () -> ()
    return
  }
}

#map = affine_map<(d0, d1) -> (0, 0)>
#map1 = affine_map<(d0, d1) -> (0, 0, 0)>
module attributes {stable_mosaic.version = 14 : i64} {
  func.func @k(%arg0: i32, %arg1: i32, %arg2: memref<320000x128xf32, #tpu.memory_space<hbm>>, %arg3: memref<32x125x80xi32, #tpu.memory_space<hbm>>, %arg4: memref<10112x128xf32, #tpu.memory_space<hbm>>, %arg5: memref<2x10112x128xf32, #tpu.memory_space<hbm>>, %arg6: memref<10112x128xf32, #tpu.memory_space<vmem_shared>>, %arg7: memref<80x128xf32, #tpu.memory_space<vmem>>, %arg8: memref<80x128xf32, #tpu.memory_space<vmem>>, %arg9: memref<125x80xi32, #tpu.memory_space<vmem>>, %arg10: memref<!tpu.dma_semaphore, #tpu.memory_space<semaphore_mem>>, %arg11: memref<!tpu.dma_semaphore, #tpu.memory_space<semaphore_mem>>) attributes {dimension_semantics = [#tpu.dimension_semantics<core_parallel>, #tpu.dimension_semantics<subcore_parallel>], iteration_bounds = array<i64: 2, 16>, scalar_prefetch = 0 : i64, scratch_operands = 6 : i64, tpu.core_type = #tpu.core_type<sc_vector_subcore>, window_params = [{transform_indices = #map}, {transform_indices = #map1}, {transform_indices = #map}, {transform_indices = #map1}]} {
    %mul3A = arith.constant 2 : i32
    %mul3A_0 = arith.muli %arg1, %mul3A : i32
    %add3A = arith.addi %mul3A_0, %arg0 : i32
    %mul3A_1 = arith.constant 632 : i32
    %mul3A_2 = arith.muli %arg1, %mul3A_1 : i32
    %multiple_of3A = tpu.assume_multiple %mul3A_2, 8 : i32
    "tpu.region"() ({
      %run_scoped3A_21 = tpu.sem_alloc : memref<!tpu.dma_semaphore, #tpu.memory_space<semaphore_mem>>
      %dma_start3A_22 = arith.constant 0 : i32
      %dma_start3A_23 = tpu.memref_slice %arg6[%multiple_of3A, %dma_start3A_22] : memref<10112x128xf32, #tpu.memory_space<vmem_shared>> -> memref<632x128xf32, #tpu.memory_space<vmem_shared>>
      %dma_start3A_24 = arith.constant 0 : i32
      %dma_start3A_25 = tpu.memref_slice %arg4[%multiple_of3A, %dma_start3A_24] : memref<10112x128xf32, #tpu.memory_space<hbm>> -> memref<632x128xf32, #tpu.memory_space<hbm>>
      tpu.enqueue_dma source(%dma_start3A_25 : memref<632x128xf32, #tpu.memory_space<hbm>>) target(%dma_start3A_23 : memref<632x128xf32, #tpu.memory_space<vmem_shared>>) target_semaphore(%run_scoped3A_21 : memref<!tpu.dma_semaphore, #tpu.memory_space<semaphore_mem>>)
      %dma_wait3A_26 = arith.constant 0 : i32
      %dma_wait3A_27 = tpu.memref_slice %arg6[%multiple_of3A, %dma_wait3A_26] : memref<10112x128xf32, #tpu.memory_space<vmem_shared>> -> memref<632x128xf32, #tpu.memory_space<vmem_shared>>
      %dma_wait3A_28 = arith.constant 0 : i32
      %dma_wait3A_29 = tpu.memref_slice %arg4[%multiple_of3A, %dma_wait3A_28] : memref<10112x128xf32, #tpu.memory_space<hbm>> -> memref<632x128xf32, #tpu.memory_space<hbm>>
      tpu.wait_dma2 semaphore(%run_scoped3A_21 : memref<!tpu.dma_semaphore, #tpu.memory_space<semaphore_mem>>) src(%dma_wait3A_29 : memref<632x128xf32, #tpu.memory_space<hbm>>) dst(%dma_wait3A_27 : memref<632x128xf32, #tpu.memory_space<vmem_shared>>)
      tpu.yield
    }) : () -> ()
    "tpu.region"() ({
      %run_scoped3A_21 = tpu.sem_alloc : memref<!tpu.dma_semaphore, #tpu.memory_space<semaphore_mem>>
      %dma_start3A_22 = arith.constant 0 : i32
      %dma_start3A_23 = arith.constant 0 : i32
      %dma_start3A_24 = tpu.memref_slice %arg3[%add3A, %dma_start3A_22, %dma_start3A_23] : memref<32x125x80xi32, #tpu.memory_space<hbm>> -> memref<1x125x80xi32, #tpu.memory_space<hbm>>
      %dma_start3A_25 = tpu.memref_squeeze %dma_start3A_24 : memref<1x125x80xi32, #tpu.memory_space<hbm>> -> memref<125x80xi32, #tpu.memory_space<hbm>>
      %dma_start3A_26 = arith.constant 0 : i32
      %dma_start3A_27 = arith.constant 0 : i32
      %dma_start3A_28 = tpu.memref_slice %arg3[%add3A, %dma_start3A_26, %dma_start3A_27] : memref<32x125x80xi32, #tpu.memory_space<hbm>> -> memref<1x125x80xi32, #tpu.memory_space<hbm>>
      %dma_start3A_29 = tpu.memref_squeeze %dma_start3A_28 : memref<1x125x80xi32, #tpu.memory_space<hbm>> -> memref<125x80xi32, #tpu.memory_space<hbm>>
      tpu.enqueue_dma source(%dma_start3A_29 : memref<125x80xi32, #tpu.memory_space<hbm>>) target(%arg9 : memref<125x80xi32, #tpu.memory_space<vmem>>) target_semaphore(%run_scoped3A_21 : memref<!tpu.dma_semaphore, #tpu.memory_space<semaphore_mem>>)
      %dma_wait3A_30 = arith.constant 0 : i32
      %dma_wait3A_31 = arith.constant 0 : i32
      %dma_wait3A_32 = tpu.memref_slice %arg3[%add3A, %dma_wait3A_30, %dma_wait3A_31] : memref<32x125x80xi32, #tpu.memory_space<hbm>> -> memref<1x125x80xi32, #tpu.memory_space<hbm>>
      %dma_wait3A_33 = tpu.memref_squeeze %dma_wait3A_32 : memref<1x125x80xi32, #tpu.memory_space<hbm>> -> memref<125x80xi32, #tpu.memory_space<hbm>>
      %dma_wait3A_34 = arith.constant 0 : i32
      %dma_wait3A_35 = arith.constant 0 : i32
      %dma_wait3A_36 = tpu.memref_slice %arg3[%add3A, %dma_wait3A_34, %dma_wait3A_35] : memref<32x125x80xi32, #tpu.memory_space<hbm>> -> memref<1x125x80xi32, #tpu.memory_space<hbm>>
      %dma_wait3A_37 = tpu.memref_squeeze %dma_wait3A_36 : memref<1x125x80xi32, #tpu.memory_space<hbm>> -> memref<125x80xi32, #tpu.memory_space<hbm>>
      tpu.wait_dma2 semaphore(%run_scoped3A_21 : memref<!tpu.dma_semaphore, #tpu.memory_space<semaphore_mem>>) src(%dma_wait3A_37 : memref<125x80xi32, #tpu.memory_space<hbm>>) dst(%arg9 : memref<125x80xi32, #tpu.memory_space<vmem>>)
      tpu.yield
    }) : () -> ()
    %barrier3A = arith.constant 0 : index
    tpu.barrier barrier_id(%barrier3A)
    %mul3A_3 = arith.constant 10000 : i32
    %mul3A_4 = arith.muli %add3A, %mul3A_3 : i32
    %add3A_5 = arith.constant 0 : i32
    %add3A_6 = arith.addi %mul3A_4, %add3A_5 : i32
    %multiple_of3A_7 = tpu.assume_multiple %add3A_6, 8 : i32
    %dma_start3A = arith.constant 0 : i32
    %dma_start3A_8 = tpu.memref_slice %arg2[%multiple_of3A_7, %dma_start3A] : memref<320000x128xf32, #tpu.memory_space<hbm>> -> memref<80x128xf32, #tpu.memory_space<hbm>>
    %dma_start3A_9 = arith.constant 0 : i32
    %dma_start3A_10 = tpu.memref_slice %arg2[%multiple_of3A_7, %dma_start3A_9] : memref<320000x128xf32, #tpu.memory_space<hbm>> -> memref<80x128xf32, #tpu.memory_space<hbm>>
    tpu.enqueue_dma source(%dma_start3A_10 : memref<80x128xf32, #tpu.memory_space<hbm>>) target(%arg7 : memref<80x128xf32, #tpu.memory_space<vmem>>) target_semaphore(%arg10 : memref<!tpu.dma_semaphore, #tpu.memory_space<semaphore_mem>>)
    %scan3A = arith.constant 0 : i32
    %scan3A_11 = arith.constant 62 : i32
    %scan3A_12 = arith.addi %scan3A, %scan3A_11 : i32
    %scan3A_13 = arith.constant 1 : i32
    scf.for %scan3A_21 = %scan3A to %scan3A_12 step %scan3A_13  : i32 {
      %mul3A_22 = arith.constant 1 : i32
      %mul3A_23 = arith.muli %scan3A_21, %mul3A_22 : i32
      %add3A_24 = arith.constant 0 : i32
      %add3A_25 = arith.addi %add3A_24, %mul3A_23 : i32
      %mul3A_26 = arith.constant 2 : i32
      %mul3A_27 = arith.muli %mul3A_26, %add3A_25 : i32
      %add3A_28 = arith.constant 1 : i32
      %add3A_29 = arith.addi %mul3A_27, %add3A_28 : i32
      %mul3A_30 = arith.constant 10000 : i32
      %mul3A_31 = arith.muli %add3A, %mul3A_30 : i32
      %mul3A_32 = arith.constant 80 : i32
      %mul3A_33 = arith.muli %add3A_29, %mul3A_32 : i32
      %add3A_34 = arith.addi %mul3A_31, %mul3A_33 : i32
      %multiple_of3A_35 = tpu.assume_multiple %add3A_34, 8 : i32
      %dma_start3A_36 = arith.constant 0 : i32
      %dma_start3A_37 = tpu.memref_slice %arg2[%multiple_of3A_35, %dma_start3A_36] : memref<320000x128xf32, #tpu.memory_space<hbm>> -> memref<80x128xf32, #tpu.memory_space<hbm>>
      %dma_start3A_38 = arith.constant 0 : i32
      %dma_start3A_39 = tpu.memref_slice %arg2[%multiple_of3A_35, %dma_start3A_38] : memref<320000x128xf32, #tpu.memory_space<hbm>> -> memref<80x128xf32, #tpu.memory_space<hbm>>
      tpu.enqueue_dma source(%dma_start3A_39 : memref<80x128xf32, #tpu.memory_space<hbm>>) target(%arg8 : memref<80x128xf32, #tpu.memory_space<vmem>>) target_semaphore(%arg11 : memref<!tpu.dma_semaphore, #tpu.memory_space<semaphore_mem>>)
      %dma_wait3A_40 = arith.constant 0 : i32
      %dma_wait3A_41 = arith.constant 0 : i32
      %dma_wait3A_42 = tpu.memref_slice %arg2[%dma_wait3A_40, %dma_wait3A_41] : memref<320000x128xf32, #tpu.memory_space<hbm>> -> memref<80x128xf32, #tpu.memory_space<hbm>>
      %dma_wait3A_43 = arith.constant 0 : i32
      %dma_wait3A_44 = arith.constant 0 : i32
      %dma_wait3A_45 = tpu.memref_slice %arg2[%dma_wait3A_43, %dma_wait3A_44] : memref<320000x128xf32, #tpu.memory_space<hbm>> -> memref<80x128xf32, #tpu.memory_space<hbm>>
      tpu.wait_dma2 semaphore(%arg10 : memref<!tpu.dma_semaphore, #tpu.memory_space<semaphore_mem>>) src(%dma_wait3A_45 : memref<80x128xf32, #tpu.memory_space<hbm>>) dst(%arg7 : memref<80x128xf32, #tpu.memory_space<vmem>>)
      "tpu.region"() ({
        %run_scoped3A_66 = tpu.sem_alloc : memref<!tpu.dma_semaphore, #tpu.memory_space<semaphore_mem>>
        %dma_start3A_67 = arith.constant 0 : i32
        %dma_start3A_68 = tpu.memref_slice %arg9[%mul3A_27, %dma_start3A_67] : memref<125x80xi32, #tpu.memory_space<vmem>> -> memref<1x80xi32, #tpu.memory_space<vmem>>
        %dma_start3A_69 = tpu.memref_squeeze %dma_start3A_68 : memref<1x80xi32, #tpu.memory_space<vmem>> -> memref<80xi32, #tpu.memory_space<vmem>>
        %dma_start3A_70 = arith.constant 0 : i32
        %dma_start3A_71 = arith.constant 0 : i32
        %dma_start3A_72 = tpu.memref_slice %arg6[%dma_start3A_70, %dma_start3A_71] : memref<10112x128xf32, #tpu.memory_space<vmem_shared>> -> memref<10112x128xf32, #tpu.memory_space<vmem_shared>>
        tpu.enqueue_indirect_dma source(%arg7 : memref<80x128xf32, #tpu.memory_space<vmem>>) target(%dma_start3A_72 : memref<10112x128xf32, #tpu.memory_space<vmem_shared>>) offsets(%dma_start3A_69 : memref<80xi32, #tpu.memory_space<vmem>>) semaphore(%run_scoped3A_66 : memref<!tpu.dma_semaphore, #tpu.memory_space<semaphore_mem>>) {add = true}
        %dma_wait3A_73 = arith.constant 0 : i32
        %dma_wait3A_74 = tpu.memref_slice %arg9[%mul3A_27, %dma_wait3A_73] : memref<125x80xi32, #tpu.memory_space<vmem>> -> memref<1x80xi32, #tpu.memory_space<vmem>>
        %dma_wait3A_75 = tpu.memref_squeeze %dma_wait3A_74 : memref<1x80xi32, #tpu.memory_space<vmem>> -> memref<80xi32, #tpu.memory_space<vmem>>
        %dma_wait3A_76 = arith.constant 0 : i32
        %dma_wait3A_77 = arith.constant 0 : i32
        %dma_wait3A_78 = tpu.memref_slice %arg6[%dma_wait3A_76, %dma_wait3A_77] : memref<10112x128xf32, #tpu.memory_space<vmem_shared>> -> memref<10112x128xf32, #tpu.memory_space<vmem_shared>>
        tpu.wait_indirect_dma semaphore(%run_scoped3A_66 : memref<!tpu.dma_semaphore, #tpu.memory_space<semaphore_mem>>) src(%arg7 : memref<80x128xf32, #tpu.memory_space<vmem>>) dst(%dma_wait3A_78 : memref<10112x128xf32, #tpu.memory_space<vmem_shared>>)
        tpu.yield
      }) : () -> ()
      %add3A_46 = arith.constant 2 : i32
      %add3A_47 = arith.addi %mul3A_27, %add3A_46 : i32
      %mul3A_48 = arith.constant 10000 : i32
      %mul3A_49 = arith.muli %add3A, %mul3A_48 : i32
      %mul3A_50 = arith.constant 80 : i32
      %mul3A_51 = arith.muli %add3A_47, %mul3A_50 : i32
      %add3A_52 = arith.addi %mul3A_49, %mul3A_51 : i32
      %multiple_of3A_53 = tpu.assume_multiple %add3A_52, 8 : i32
      %dma_start3A_54 = arith.constant 0 : i32
      %dma_start3A_55 = tpu.memref_slice %arg2[%multiple_of3A_53, %dma_start3A_54] : memref<320000x128xf32, #tpu.memory_space<hbm>> -> memref<80x128xf32, #tpu.memory_space<hbm>>
      %dma_start3A_56 = arith.constant 0 : i32
      %dma_start3A_57 = tpu.memref_slice %arg2[%multiple_of3A_53, %dma_start3A_56] : memref<320000x128xf32, #tpu.memory_space<hbm>> -> memref<80x128xf32, #tpu.memory_space<hbm>>
      tpu.enqueue_dma source(%dma_start3A_57 : memref<80x128xf32, #tpu.memory_space<hbm>>) target(%arg7 : memref<80x128xf32, #tpu.memory_space<vmem>>) target_semaphore(%arg10 : memref<!tpu.dma_semaphore, #tpu.memory_space<semaphore_mem>>)
      %dma_wait3A_58 = arith.constant 0 : i32
      %dma_wait3A_59 = arith.constant 0 : i32
      %dma_wait3A_60 = tpu.memref_slice %arg2[%dma_wait3A_58, %dma_wait3A_59] : memref<320000x128xf32, #tpu.memory_space<hbm>> -> memref<80x128xf32, #tpu.memory_space<hbm>>
      %dma_wait3A_61 = arith.constant 0 : i32
      %dma_wait3A_62 = arith.constant 0 : i32
      %dma_wait3A_63 = tpu.memref_slice %arg2[%dma_wait3A_61, %dma_wait3A_62] : memref<320000x128xf32, #tpu.memory_space<hbm>> -> memref<80x128xf32, #tpu.memory_space<hbm>>
      tpu.wait_dma2 semaphore(%arg11 : memref<!tpu.dma_semaphore, #tpu.memory_space<semaphore_mem>>) src(%dma_wait3A_63 : memref<80x128xf32, #tpu.memory_space<hbm>>) dst(%arg8 : memref<80x128xf32, #tpu.memory_space<vmem>>)
      %add3A_64 = arith.constant 1 : i32
      %add3A_65 = arith.addi %mul3A_27, %add3A_64 : i32
      "tpu.region"() ({
        %run_scoped3A_66 = tpu.sem_alloc : memref<!tpu.dma_semaphore, #tpu.memory_space<semaphore_mem>>
        %dma_start3A_67 = arith.constant 0 : i32
        %dma_start3A_68 = tpu.memref_slice %arg9[%add3A_65, %dma_start3A_67] : memref<125x80xi32, #tpu.memory_space<vmem>> -> memref<1x80xi32, #tpu.memory_space<vmem>>
        %dma_start3A_69 = tpu.memref_squeeze %dma_start3A_68 : memref<1x80xi32, #tpu.memory_space<vmem>> -> memref<80xi32, #tpu.memory_space<vmem>>
        %dma_start3A_70 = arith.constant 0 : i32
        %dma_start3A_71 = arith.constant 0 : i32
        %dma_start3A_72 = tpu.memref_slice %arg6[%dma_start3A_70, %dma_start3A_71] : memref<10112x128xf32, #tpu.memory_space<vmem_shared>> -> memref<10112x128xf32, #tpu.memory_space<vmem_shared>>
        tpu.enqueue_indirect_dma source(%arg8 : memref<80x128xf32, #tpu.memory_space<vmem>>) target(%dma_start3A_72 : memref<10112x128xf32, #tpu.memory_space<vmem_shared>>) offsets(%dma_start3A_69 : memref<80xi32, #tpu.memory_space<vmem>>) semaphore(%run_scoped3A_66 : memref<!tpu.dma_semaphore, #tpu.memory_space<semaphore_mem>>) {add = true}
        %dma_wait3A_73 = arith.constant 0 : i32
        %dma_wait3A_74 = tpu.memref_slice %arg9[%add3A_65, %dma_wait3A_73] : memref<125x80xi32, #tpu.memory_space<vmem>> -> memref<1x80xi32, #tpu.memory_space<vmem>>
        %dma_wait3A_75 = tpu.memref_squeeze %dma_wait3A_74 : memref<1x80xi32, #tpu.memory_space<vmem>> -> memref<80xi32, #tpu.memory_space<vmem>>
        %dma_wait3A_76 = arith.constant 0 : i32
        %dma_wait3A_77 = arith.constant 0 : i32
        %dma_wait3A_78 = tpu.memref_slice %arg6[%dma_wait3A_76, %dma_wait3A_77] : memref<10112x128xf32, #tpu.memory_space<vmem_shared>> -> memref<10112x128xf32, #tpu.memory_space<vmem_shared>>
        tpu.wait_indirect_dma semaphore(%run_scoped3A_66 : memref<!tpu.dma_semaphore, #tpu.memory_space<semaphore_mem>>) src(%arg8 : memref<80x128xf32, #tpu.memory_space<vmem>>) dst(%dma_wait3A_78 : memref<10112x128xf32, #tpu.memory_space<vmem_shared>>)
        tpu.yield
      }) : () -> ()
    }
    %scan3A_14 = arith.constant 62 : i32
    %dma_wait3A = arith.constant 0 : i32
    %dma_wait3A_15 = arith.constant 0 : i32
    %dma_wait3A_16 = tpu.memref_slice %arg2[%dma_wait3A, %dma_wait3A_15] : memref<320000x128xf32, #tpu.memory_space<hbm>> -> memref<80x128xf32, #tpu.memory_space<hbm>>
    %dma_wait3A_17 = arith.constant 0 : i32
    %dma_wait3A_18 = arith.constant 0 : i32
    %dma_wait3A_19 = tpu.memref_slice %arg2[%dma_wait3A_17, %dma_wait3A_18] : memref<320000x128xf32, #tpu.memory_space<hbm>> -> memref<80x128xf32, #tpu.memory_space<hbm>>
    tpu.wait_dma2 semaphore(%arg10 : memref<!tpu.dma_semaphore, #tpu.memory_space<semaphore_mem>>) src(%dma_wait3A_19 : memref<80x128xf32, #tpu.memory_space<hbm>>) dst(%arg7 : memref<80x128xf32, #tpu.memory_space<vmem>>)
    %run_scoped3A = arith.constant 124 : i32
    "tpu.region"() ({
      %run_scoped3A_21 = tpu.sem_alloc : memref<!tpu.dma_semaphore, #tpu.memory_space<semaphore_mem>>
      %dma_start3A_22 = arith.constant 0 : i32
      %dma_start3A_23 = tpu.memref_slice %arg9[%run_scoped3A, %dma_start3A_22] : memref<125x80xi32, #tpu.memory_space<vmem>> -> memref<1x80xi32, #tpu.memory_space<vmem>>
      %dma_start3A_24 = tpu.memref_squeeze %dma_start3A_23 : memref<1x80xi32, #tpu.memory_space<vmem>> -> memref<80xi32, #tpu.memory_space<vmem>>
      %dma_start3A_25 = arith.constant 0 : i32
      %dma_start3A_26 = arith.constant 0 : i32
      %dma_start3A_27 = tpu.memref_slice %arg6[%dma_start3A_25, %dma_start3A_26] : memref<10112x128xf32, #tpu.memory_space<vmem_shared>> -> memref<10112x128xf32, #tpu.memory_space<vmem_shared>>
      tpu.enqueue_indirect_dma source(%arg7 : memref<80x128xf32, #tpu.memory_space<vmem>>) target(%dma_start3A_27 : memref<10112x128xf32, #tpu.memory_space<vmem_shared>>) offsets(%dma_start3A_24 : memref<80xi32, #tpu.memory_space<vmem>>) semaphore(%run_scoped3A_21 : memref<!tpu.dma_semaphore, #tpu.memory_space<semaphore_mem>>) {add = true}
      %dma_wait3A_28 = arith.constant 0 : i32
      %dma_wait3A_29 = tpu.memref_slice %arg9[%run_scoped3A, %dma_wait3A_28] : memref<125x80xi32, #tpu.memory_space<vmem>> -> memref<1x80xi32, #tpu.memory_space<vmem>>
      %dma_wait3A_30 = tpu.memref_squeeze %dma_wait3A_29 : memref<1x80xi32, #tpu.memory_space<vmem>> -> memref<80xi32, #tpu.memory_space<vmem>>
      %dma_wait3A_31 = arith.constant 0 : i32
      %dma_wait3A_32 = arith.constant 0 : i32
      %dma_wait3A_33 = tpu.memref_slice %arg6[%dma_wait3A_31, %dma_wait3A_32] : memref<10112x128xf32, #tpu.memory_space<vmem_shared>> -> memref<10112x128xf32, #tpu.memory_space<vmem_shared>>
      tpu.wait_indirect_dma semaphore(%run_scoped3A_21 : memref<!tpu.dma_semaphore, #tpu.memory_space<semaphore_mem>>) src(%arg7 : memref<80x128xf32, #tpu.memory_space<vmem>>) dst(%dma_wait3A_33 : memref<10112x128xf32, #tpu.memory_space<vmem_shared>>)
      tpu.yield
    }) : () -> ()
    %barrier3A_20 = arith.constant 0 : index
    tpu.barrier barrier_id(%barrier3A_20)
    "tpu.region"() ({
      %run_scoped3A_21 = tpu.sem_alloc : memref<!tpu.dma_semaphore, #tpu.memory_space<semaphore_mem>>
      %dma_start3A_22 = arith.constant 0 : i32
      %dma_start3A_23 = tpu.memref_slice %arg5[%arg0, %multiple_of3A, %dma_start3A_22] : memref<2x10112x128xf32, #tpu.memory_space<hbm>> -> memref<1x632x128xf32, #tpu.memory_space<hbm>>
      %dma_start3A_24 = tpu.memref_squeeze %dma_start3A_23 : memref<1x632x128xf32, #tpu.memory_space<hbm>> -> memref<632x128xf32, #tpu.memory_space<hbm>>
      %dma_start3A_25 = arith.constant 0 : i32
      %dma_start3A_26 = tpu.memref_slice %arg6[%multiple_of3A, %dma_start3A_25] : memref<10112x128xf32, #tpu.memory_space<vmem_shared>> -> memref<632x128xf32, #tpu.memory_space<vmem_shared>>
      tpu.enqueue_dma source(%dma_start3A_26 : memref<632x128xf32, #tpu.memory_space<vmem_shared>>) target(%dma_start3A_24 : memref<632x128xf32, #tpu.memory_space<hbm>>) target_semaphore(%run_scoped3A_21 : memref<!tpu.dma_semaphore, #tpu.memory_space<semaphore_mem>>)
      %dma_wait3A_27 = arith.constant 0 : i32
      %dma_wait3A_28 = tpu.memref_slice %arg5[%arg0, %multiple_of3A, %dma_wait3A_27] : memref<2x10112x128xf32, #tpu.memory_space<hbm>> -> memref<1x632x128xf32, #tpu.memory_space<hbm>>
      %dma_wait3A_29 = tpu.memref_squeeze %dma_wait3A_28 : memref<1x632x128xf32, #tpu.memory_space<hbm>> -> memref<632x128xf32, #tpu.memory_space<hbm>>
      %dma_wait3A_30 = arith.constant 0 : i32
      %dma_wait3A_31 = tpu.memref_slice %arg6[%multiple_of3A, %dma_wait3A_30] : memref<10112x128xf32, #tpu.memory_space<vmem_shared>> -> memref<632x128xf32, #tpu.memory_space<vmem_shared>>
      tpu.wait_dma2 semaphore(%run_scoped3A_21 : memref<!tpu.dma_semaphore, #tpu.memory_space<semaphore_mem>>) src(%dma_wait3A_31 : memref<632x128xf32, #tpu.memory_space<vmem_shared>>) dst(%dma_wait3A_29 : memref<632x128xf32, #tpu.memory_space<hbm>>)
      tpu.yield
    }) : () -> ()
    return
  }
}

module attributes {stable_mosaic.version = 14 : i64} {
  func.func @_stats_body(%arg0: i32, %arg1: memref<2560x128xf32, #tpu.memory_space<vmem>>, %arg2: memref<2560x128xf32, #tpu.memory_space<vmem>>, %arg3: memref<2560x1xf32, #tpu.memory_space<vmem>>, %arg4: memref<128x256xf32, #tpu.memory_space<vmem>>, %arg5: memref<128x256xf32, #tpu.memory_space<vmem>>, %arg6: memref<32x256xf32, #tpu.memory_space<vmem>>, %arg7: memref<1x256xf32, #tpu.memory_space<vmem>>, %arg8: memref<8x256xf32, #tpu.memory_space<vmem>>) attributes {dimension_semantics = [#tpu.dimension_semantics<arbitrary>], iteration_bounds = array<i64: 125>, scalar_prefetch = 0 : i64, scratch_operands = 0 : i64, tpu.core_type = #tpu.core_type<tc>, window_params = [{transform_indices = @transform_0, window_bounds = array<i64: 2560, 128>}, {transform_indices = @transform_1, window_bounds = array<i64: 2560, 128>}, {transform_indices = @transform_2, window_bounds = array<i64: 2560, 1>}, {pipeline_mode = #tpu.pipeline_mode<synchronous>, transform_indices = @transform_3, window_bounds = array<i64: 128, 256>}, {pipeline_mode = #tpu.pipeline_mode<synchronous>, transform_indices = @transform_4, window_bounds = array<i64: 128, 256>}, {pipeline_mode = #tpu.pipeline_mode<synchronous>, transform_indices = @transform_5, window_bounds = array<i64: 32, 256>}, {pipeline_mode = #tpu.pipeline_mode<synchronous>, transform_indices = @transform_6, window_bounds = array<i64: 1, 256>}, {pipeline_mode = #tpu.pipeline_mode<synchronous>, transform_indices = @transform_7, window_bounds = array<i64: 8, 256>}]} {
    %eq3A = arith.constant 0 : i32
    %eq3A_0 = arith.cmpi eq, %arg0, %eq3A : i32
    %convert_element_type3A = arith.extui %eq3A_0 : i1 to i32
    %cond3A = arith.constant 0 : i32
    %cond3A_1 = arith.cmpi ne, %convert_element_type3A, %cond3A : i32
    scf.if %cond3A_1 {
      %broadcast_in_dim3A_65 = arith.constant 0.000000e+00 : f32
      %broadcast_in_dim3A_66 = vector.broadcast %broadcast_in_dim3A_65 : f32 to vector<8x256xf32>
      %swap3A_67 = arith.constant 0 : index
      %swap3A_68 = arith.constant 0 : index
      %swap3A_69 = vector.load %arg8[%swap3A_67, %swap3A_68] : memref<8x256xf32, #tpu.memory_space<vmem>>, vector<8x256xf32>
      tpu.vector_store %arg8[%swap3A_67, %swap3A_68], %broadcast_in_dim3A_66 {strides = array<i32>} : memref<8x256xf32, #tpu.memory_space<vmem>>, vector<8x256xf32>,
    } else {
    }
    %get3A = arith.constant 0 : index
    %get3A_2 = arith.constant 0 : index
    %get3A_3 = vector.load %arg1[%get3A, %get3A_2] : memref<2560x128xf32, #tpu.memory_space<vmem>>, vector<2560x128xf32>
    %get3A_4 = arith.constant 0 : index
    %get3A_5 = arith.constant 0 : index
    %get3A_6 = vector.load %arg2[%get3A_4, %get3A_5] : memref<2560x128xf32, #tpu.memory_space<vmem>>, vector<2560x128xf32>
    %get3A_7 = arith.constant 0 : index
    %get3A_8 = arith.constant 0 : index
    %get3A_9 = vector.load %arg3[%get3A_7, %get3A_8] : memref<2560x1xf32, #tpu.memory_space<vmem>>, vector<2560x1xf32>
    %get3A_10 = arith.constant 0 : index
    %get3A_11 = arith.constant 0 : index
    %get3A_12 = vector.load %arg4[%get3A_10, %get3A_11] : memref<128x256xf32, #tpu.memory_space<vmem>>, vector<128x256xf32>
    %get3A_13 = arith.constant 0 : index
    %get3A_14 = arith.constant 0 : index
    %get3A_15 = vector.load %arg5[%get3A_13, %get3A_14] : memref<128x256xf32, #tpu.memory_space<vmem>>, vector<128x256xf32>
    %get3A_16 = arith.constant 0 : index
    %get3A_17 = arith.constant 0 : index
    %get3A_18 = vector.load %arg6[%get3A_16, %get3A_17] : memref<32x256xf32, #tpu.memory_space<vmem>>, vector<32x256xf32>
    %get3A_19 = arith.constant 0 : index
    %get3A_20 = arith.constant 0 : index
    %get3A_21 = vector.load %arg7[%get3A_19, %get3A_20] : memref<1x256xf32, #tpu.memory_space<vmem>>, vector<1x256xf32>
    %iota3A = tpu.iota {dimensions = array<i32: 1>} : vector<1x32xi32>
    %convert_element_type3A_22 = arith.sitofp %iota3A : vector<1x32xi32> to vector<1x32xf32>
    %mul3A = arith.constant 0.129032254 : f32
    %mul3A_23 = vector.broadcast %mul3A : f32 to vector<1x32xf32>
    %mul3A_24 = arith.mulf %mul3A_23, %convert_element_type3A_22 : vector<1x32xf32>
    %add3A = arith.constant 1.000000e+00 : f32
    %add3A_25 = vector.broadcast %add3A : f32 to vector<1x32xf32>
    %add3A_26 = arith.addf %add3A_25, %mul3A_24 : vector<1x32xf32>
    %sub3A = vector.broadcast %get3A_9 : vector<2560x1xf32> to vector<2560x32xf32>
    %sub3A_27 = vector.broadcast %add3A_26 : vector<1x32xf32> to vector<2560x32xf32>
    %sub3A_28 = arith.subf %sub3A, %sub3A_27 : vector<2560x32xf32>
    %integer_pow3A = arith.mulf %sub3A_28, %sub3A_28 : vector<2560x32xf32>
    %mul3A_29 = arith.constant -7.750000e+00 : f32
    %mul3A_30 = vector.broadcast %mul3A_29 : f32 to vector<2560x32xf32>
    %mul3A_31 = arith.mulf %mul3A_30, %integer_pow3A : vector<2560x32xf32>
    %exp3A = math.exp %mul3A_31 : vector<2560x32xf32>
    %convert_element_type3A_32 = arith.truncf %get3A_3 : vector<2560x128xf32> to vector<2560x128xbf16>
    %convert_element_type3A_33 = arith.truncf %get3A_12 : vector<128x256xf32> to vector<128x256xbf16>
    %dot_general3A = arith.constant dense<0.000000e+00> : vector<2560x256xf32>
    %dot_general3A_34 = tpu.matmul %convert_element_type3A_32, %convert_element_type3A_33, %dot_general3A {dimension_numbers = #tpu.dot_dimension_numbers<[1], [0], [0], [1], [0, 0, 1, 1], [], []>, transpose_lhs_hint = false} : vector<2560x128xbf16>, vector<128x256xbf16>, vector<2560x256xf32> -> vector<2560x256xf32>
    %convert_element_type3A_35 = arith.truncf %get3A_6 : vector<2560x128xf32> to vector<2560x128xbf16>
    %convert_element_type3A_36 = arith.truncf %get3A_15 : vector<128x256xf32> to vector<128x256xbf16>
    %dot_general3A_37 = arith.constant dense<0.000000e+00> : vector<2560x256xf32>
    %dot_general3A_38 = tpu.matmul %convert_element_type3A_35, %convert_element_type3A_36, %dot_general3A_37 {dimension_numbers = #tpu.dot_dimension_numbers<[1], [0], [0], [1], [0, 0, 1, 1], [], []>, transpose_lhs_hint = false} : vector<2560x128xbf16>, vector<128x256xbf16>, vector<2560x256xf32> -> vector<2560x256xf32>
    %add3A_39 = arith.addf %dot_general3A_34, %dot_general3A_38 : vector<2560x256xf32>
    %convert_element_type3A_40 = arith.truncf %exp3A : vector<2560x32xf32> to vector<2560x32xbf16>
    %convert_element_type3A_41 = arith.truncf %get3A_18 : vector<32x256xf32> to vector<32x256xbf16>
    %dot_general3A_42 = arith.constant dense<0.000000e+00> : vector<2560x256xf32>
    %dot_general3A_43 = tpu.matmul %convert_element_type3A_40, %convert_element_type3A_41, %dot_general3A_42 {dimension_numbers = #tpu.dot_dimension_numbers<[1], [0], [0], [1], [0, 0, 1, 1], [], []>, transpose_lhs_hint = false} : vector<2560x32xbf16>, vector<32x256xbf16>, vector<2560x256xf32> -> vector<2560x256xf32>
    %add3A_44 = arith.addf %add3A_39, %dot_general3A_43 : vector<2560x256xf32>
    %add3A_45 = vector.broadcast %get3A_21 : vector<1x256xf32> to vector<2560x256xf32>
    %add3A_46 = arith.addf %add3A_44, %add3A_45 : vector<2560x256xf32>
    %get3A_47 = arith.constant 0 : index
    %get3A_48 = arith.constant 0 : index
    %get3A_49 = vector.load %arg8[%get3A_47, %get3A_48] : memref<8x256xf32, #tpu.memory_space<vmem>>, vector<1x256xf32>
    %reduce_sum3A = arith.constant dense<0.000000e+00> : vector<256xf32>
    %reduce_sum3A_50 = vector.multi_reduction <add>, %add3A_46, %reduce_sum3A [0] : vector<2560x256xf32> to vector<256xf32>
    %broadcast_in_dim3A = vector.shape_cast %reduce_sum3A_50 : vector<256xf32> to vector<1x256xf32>
    %add3A_51 = arith.addf %get3A_49, %broadcast_in_dim3A : vector<1x256xf32>
    %swap3A = arith.constant 0 : index
    %swap3A_52 = arith.constant 0 : index
    %swap3A_53 = vector.load %arg8[%swap3A, %swap3A_52] : memref<8x256xf32, #tpu.memory_space<vmem>>, vector<1x256xf32>
    tpu.vector_store %arg8[%swap3A, %swap3A_52], %add3A_51 {strides = array<i32>} : memref<8x256xf32, #tpu.memory_space<vmem>>, vector<1x256xf32>,
    %get3A_54 = arith.constant 1 : index
    %get3A_55 = arith.constant 0 : index
    %get3A_56 = vector.load %arg8[%get3A_54, %get3A_55] : memref<8x256xf32, #tpu.memory_space<vmem>>, vector<1x256xf32>
    %mul3A_57 = arith.mulf %add3A_46, %add3A_46 : vector<2560x256xf32>
    %reduce_sum3A_58 = arith.constant dense<0.000000e+00> : vector<256xf32>
    %reduce_sum3A_59 = vector.multi_reduction <add>, %mul3A_57, %reduce_sum3A_58 [0] : vector<2560x256xf32> to vector<256xf32>
    %broadcast_in_dim3A_60 = vector.shape_cast %reduce_sum3A_59 : vector<256xf32> to vector<1x256xf32>
    %add3A_61 = arith.addf %get3A_56, %broadcast_in_dim3A_60 : vector<1x256xf32>
    %swap3A_62 = arith.constant 1 : index
    %swap3A_63 = arith.constant 0 : index
    %swap3A_64 = vector.load %arg8[%swap3A_62, %swap3A_63] : memref<8x256xf32, #tpu.memory_space<vmem>>, vector<1x256xf32>
    tpu.vector_store %arg8[%swap3A_62, %swap3A_63], %add3A_61 {strides = array<i32>} : memref<8x256xf32, #tpu.memory_space<vmem>>, vector<1x256xf32>,
    return
  }
  func.func @transform_0(%arg0: i32) -> (i32, i32) {
    %c0_i32 = arith.constant 0 : i32
    %c0_i32_0 = arith.constant 0 : i32
    return %arg0, %c0_i32 : i32, i32
  }
  func.func @transform_1(%arg0: i32) -> (i32, i32) {
    %c0_i32 = arith.constant 0 : i32
    %c0_i32_0 = arith.constant 0 : i32
    return %arg0, %c0_i32 : i32, i32
  }
  func.func @transform_2(%arg0: i32) -> (i32, i32) {
    %c0_i32 = arith.constant 0 : i32
    %c0_i32_0 = arith.constant 0 : i32
    return %arg0, %c0_i32 : i32, i32
  }
  func.func @transform_3(%arg0: i32) -> (i32, i32) {
    %c0_i32 = arith.constant 0 : i32
    %c0_i32_0 = arith.constant 0 : i32
    %c0_i32_1 = arith.constant 0 : i32
    return %c0_i32, %c0_i32_0 : i32, i32
  }
  func.func @transform_4(%arg0: i32) -> (i32, i32) {
    %c0_i32 = arith.constant 0 : i32
    %c0_i32_0 = arith.constant 0 : i32
    %c0_i32_1 = arith.constant 0 : i32
    return %c0_i32, %c0_i32_0 : i32, i32
  }
  func.func @transform_5(%arg0: i32) -> (i32, i32) {
    %c0_i32 = arith.constant 0 : i32
    %c0_i32_0 = arith.constant 0 : i32
    %c0_i32_1 = arith.constant 0 : i32
    return %c0_i32, %c0_i32_0 : i32, i32
  }
  func.func @transform_6(%arg0: i32) -> (i32, i32) {
    %c0_i32 = arith.constant 0 : i32
    %c0_i32_0 = arith.constant 0 : i32
    %c0_i32_1 = arith.constant 0 : i32
    return %c0_i32, %c0_i32_0 : i32, i32
  }
  func.func @transform_7(%arg0: i32) -> (i32, i32) {
    %c0_i32 = arith.constant 0 : i32
    %c0_i32_0 = arith.constant 0 : i32
    %c0_i32_1 = arith.constant 0 : i32
    return %c0_i32, %c0_i32_0 : i32, i32
  }
}

module attributes {stable_mosaic.version = 14 : i64} {
  func.func @_msg_body(%arg0: i32, %arg1: memref<2560x128xf32, #tpu.memory_space<vmem>>, %arg2: memref<2560x128xf32, #tpu.memory_space<vmem>>, %arg3: memref<2560x1xf32, #tpu.memory_space<vmem>>, %arg4: memref<128x256xf32, #tpu.memory_space<vmem>>, %arg5: memref<128x256xf32, #tpu.memory_space<vmem>>, %arg6: memref<32x256xf32, #tpu.memory_space<vmem>>, %arg7: memref<1x256xf32, #tpu.memory_space<vmem>>, %arg8: memref<1x256xf32, #tpu.memory_space<vmem>>, %arg9: memref<1x256xf32, #tpu.memory_space<vmem>>, %arg10: memref<2560x128xf32, #tpu.memory_space<vmem>>) attributes {dimension_semantics = [#tpu.dimension_semantics<arbitrary>], iteration_bounds = array<i64: 125>, scalar_prefetch = 0 : i64, scratch_operands = 0 : i64, tpu.core_type = #tpu.core_type<tc>, window_params = [{transform_indices = @transform_0, window_bounds = array<i64: 2560, 128>}, {transform_indices = @transform_1, window_bounds = array<i64: 2560, 128>}, {transform_indices = @transform_2, window_bounds = array<i64: 2560, 1>}, {pipeline_mode = #tpu.pipeline_mode<synchronous>, transform_indices = @transform_3, window_bounds = array<i64: 128, 256>}, {pipeline_mode = #tpu.pipeline_mode<synchronous>, transform_indices = @transform_4, window_bounds = array<i64: 128, 256>}, {pipeline_mode = #tpu.pipeline_mode<synchronous>, transform_indices = @transform_5, window_bounds = array<i64: 32, 256>}, {pipeline_mode = #tpu.pipeline_mode<synchronous>, transform_indices = @transform_6, window_bounds = array<i64: 1, 256>}, {pipeline_mode = #tpu.pipeline_mode<synchronous>, transform_indices = @transform_7, window_bounds = array<i64: 1, 256>}, {pipeline_mode = #tpu.pipeline_mode<synchronous>, transform_indices = @transform_8, window_bounds = array<i64: 1, 256>}, {transform_indices = @transform_9, window_bounds = array<i64: 2560, 128>}]} {
    %get3A = arith.constant 0 : index
    %get3A_0 = arith.constant 0 : index
    %get3A_1 = vector.load %arg1[%get3A, %get3A_0] : memref<2560x128xf32, #tpu.memory_space<vmem>>, vector<2560x128xf32>
    %get3A_2 = arith.constant 0 : index
    %get3A_3 = arith.constant 0 : index
    %get3A_4 = vector.load %arg2[%get3A_2, %get3A_3] : memref<2560x128xf32, #tpu.memory_space<vmem>>, vector<2560x128xf32>
    %get3A_5 = arith.constant 0 : index
    %get3A_6 = arith.constant 0 : index
    %get3A_7 = vector.load %arg3[%get3A_5, %get3A_6] : memref<2560x1xf32, #tpu.memory_space<vmem>>, vector<2560x1xf32>
    %get3A_8 = arith.constant 0 : index
    %get3A_9 = arith.constant 0 : index
    %get3A_10 = vector.load %arg4[%get3A_8, %get3A_9] : memref<128x256xf32, #tpu.memory_space<vmem>>, vector<128x256xf32>
    %get3A_11 = arith.constant 0 : index
    %get3A_12 = arith.constant 0 : index
    %get3A_13 = vector.load %arg5[%get3A_11, %get3A_12] : memref<128x256xf32, #tpu.memory_space<vmem>>, vector<128x256xf32>
    %get3A_14 = arith.constant 0 : index
    %get3A_15 = arith.constant 0 : index
    %get3A_16 = vector.load %arg6[%get3A_14, %get3A_15] : memref<32x256xf32, #tpu.memory_space<vmem>>, vector<32x256xf32>
    %get3A_17 = arith.constant 0 : index
    %get3A_18 = arith.constant 0 : index
    %get3A_19 = vector.load %arg7[%get3A_17, %get3A_18] : memref<1x256xf32, #tpu.memory_space<vmem>>, vector<1x256xf32>
    %iota3A = tpu.iota {dimensions = array<i32: 1>} : vector<1x32xi32>
    %convert_element_type3A = arith.sitofp %iota3A : vector<1x32xi32> to vector<1x32xf32>
    %mul3A = arith.constant 0.129032254 : f32
    %mul3A_20 = vector.broadcast %mul3A : f32 to vector<1x32xf32>
    %mul3A_21 = arith.mulf %mul3A_20, %convert_element_type3A : vector<1x32xf32>
    %add3A = arith.constant 1.000000e+00 : f32
    %add3A_22 = vector.broadcast %add3A : f32 to vector<1x32xf32>
    %add3A_23 = arith.addf %add3A_22, %mul3A_21 : vector<1x32xf32>
    %sub3A = vector.broadcast %get3A_7 : vector<2560x1xf32> to vector<2560x32xf32>
    %sub3A_24 = vector.broadcast %add3A_23 : vector<1x32xf32> to vector<2560x32xf32>
    %sub3A_25 = arith.subf %sub3A, %sub3A_24 : vector<2560x32xf32>
    %integer_pow3A = arith.mulf %sub3A_25, %sub3A_25 : vector<2560x32xf32>
    %mul3A_26 = arith.constant -7.750000e+00 : f32
    %mul3A_27 = vector.broadcast %mul3A_26 : f32 to vector<2560x32xf32>
    %mul3A_28 = arith.mulf %mul3A_27, %integer_pow3A : vector<2560x32xf32>
    %exp3A = math.exp %mul3A_28 : vector<2560x32xf32>
    %convert_element_type3A_29 = arith.truncf %get3A_1 : vector<2560x128xf32> to vector<2560x128xbf16>
    %convert_element_type3A_30 = arith.truncf %get3A_10 : vector<128x256xf32> to vector<128x256xbf16>
    %dot_general3A = arith.constant dense<0.000000e+00> : vector<2560x256xf32>
    %dot_general3A_31 = tpu.matmul %convert_element_type3A_29, %convert_element_type3A_30, %dot_general3A {dimension_numbers = #tpu.dot_dimension_numbers<[1], [0], [0], [1], [0, 0, 1, 1], [], []>, transpose_lhs_hint = false} : vector<2560x128xbf16>, vector<128x256xbf16>, vector<2560x256xf32> -> vector<2560x256xf32>
    %convert_element_type3A_32 = arith.truncf %get3A_4 : vector<2560x128xf32> to vector<2560x128xbf16>
    %convert_element_type3A_33 = arith.truncf %get3A_13 : vector<128x256xf32> to vector<128x256xbf16>
    %dot_general3A_34 = arith.constant dense<0.000000e+00> : vector<2560x256xf32>
    %dot_general3A_35 = tpu.matmul %convert_element_type3A_32, %convert_element_type3A_33, %dot_general3A_34 {dimension_numbers = #tpu.dot_dimension_numbers<[1], [0], [0], [1], [0, 0, 1, 1], [], []>, transpose_lhs_hint = false} : vector<2560x128xbf16>, vector<128x256xbf16>, vector<2560x256xf32> -> vector<2560x256xf32>
    %add3A_36 = arith.addf %dot_general3A_31, %dot_general3A_35 : vector<2560x256xf32>
    %convert_element_type3A_37 = arith.truncf %exp3A : vector<2560x32xf32> to vector<2560x32xbf16>
    %convert_element_type3A_38 = arith.truncf %get3A_16 : vector<32x256xf32> to vector<32x256xbf16>
    %dot_general3A_39 = arith.constant dense<0.000000e+00> : vector<2560x256xf32>
    %dot_general3A_40 = tpu.matmul %convert_element_type3A_37, %convert_element_type3A_38, %dot_general3A_39 {dimension_numbers = #tpu.dot_dimension_numbers<[1], [0], [0], [1], [0, 0, 1, 1], [], []>, transpose_lhs_hint = false} : vector<2560x32xbf16>, vector<32x256xbf16>, vector<2560x256xf32> -> vector<2560x256xf32>
    %add3A_41 = arith.addf %add3A_36, %dot_general3A_40 : vector<2560x256xf32>
    %add3A_42 = vector.broadcast %get3A_19 : vector<1x256xf32> to vector<2560x256xf32>
    %add3A_43 = arith.addf %add3A_41, %add3A_42 : vector<2560x256xf32>
    %get3A_44 = arith.constant 0 : index
    %get3A_45 = arith.constant 0 : index
    %get3A_46 = vector.load %arg8[%get3A_44, %get3A_45] : memref<1x256xf32, #tpu.memory_space<vmem>>, vector<1x256xf32>
    %mul3A_47 = vector.broadcast %get3A_46 : vector<1x256xf32> to vector<2560x256xf32>
    %mul3A_48 = arith.mulf %add3A_43, %mul3A_47 : vector<2560x256xf32>
    %get3A_49 = arith.constant 0 : index
    %get3A_50 = arith.constant 0 : index
    %get3A_51 = vector.load %arg9[%get3A_49, %get3A_50] : memref<1x256xf32, #tpu.memory_space<vmem>>, vector<1x256xf32>
    %add3A_52 = vector.broadcast %get3A_51 : vector<1x256xf32> to vector<2560x256xf32>
    %add3A_53 = arith.addf %mul3A_48, %add3A_52 : vector<2560x256xf32>
    %slice3A = vector.extract_strided_slice %add3A_53 {offsets = [0, 0], sizes = [2560, 128], strides = [1, 1]} : vector<2560x256xf32> to vector<2560x128xf32>
    %slice3A_54 = vector.extract_strided_slice %add3A_53 {offsets = [0, 128], sizes = [2560, 128], strides = [1, 1]} : vector<2560x256xf32> to vector<2560x128xf32>
    %neg3A = arith.constant 0.000000e+00 : f32
    %neg3A_55 = vector.broadcast %neg3A : f32 to vector<2560x128xf32>
    %neg3A_56 = arith.subf %neg3A_55, %slice3A : vector<2560x128xf32>
    %exp3A_57 = math.exp %neg3A_56 : vector<2560x128xf32>
    %add3A_58 = arith.constant 1.000000e+00 : f32
    %add3A_59 = vector.broadcast %add3A_58 : f32 to vector<2560x128xf32>
    %add3A_60 = arith.addf %add3A_59, %exp3A_57 : vector<2560x128xf32>
    %div3A = arith.constant 1.000000e+00 : f32
    %div3A_61 = vector.broadcast %div3A : f32 to vector<2560x128xf32>
    %div3A_62 = arith.divf %div3A_61, %add3A_60 : vector<2560x128xf32>
    %max3A = arith.constant 0.000000e+00 : f32
    %max3A_63 = vector.broadcast %max3A : f32 to vector<2560x128xf32>
    %max3A_64 = arith.maximumf %slice3A_54, %max3A_63 : vector<2560x128xf32>
    %abs3A = math.absf %slice3A_54 : vector<2560x128xf32>
    %neg3A_65 = arith.constant 0.000000e+00 : f32
    %neg3A_66 = vector.broadcast %neg3A_65 : f32 to vector<2560x128xf32>
    %neg3A_67 = arith.subf %neg3A_66, %abs3A : vector<2560x128xf32>
    %exp3A_68 = math.exp %neg3A_67 : vector<2560x128xf32>
    %add3A_69 = arith.constant 1.000000e+00 : f32
    %add3A_70 = vector.broadcast %add3A_69 : f32 to vector<2560x128xf32>
    %add3A_71 = arith.addf %add3A_70, %exp3A_68 : vector<2560x128xf32>
    %log3A = math.log %add3A_71 : vector<2560x128xf32>
    %add3A_72 = arith.addf %max3A_64, %log3A : vector<2560x128xf32>
    %mul3A_73 = arith.mulf %div3A_62, %add3A_72 : vector<2560x128xf32>
    %swap3A = arith.constant 0 : index
    %swap3A_74 = arith.constant 0 : index
    %swap3A_75 = vector.load %arg10[%swap3A, %swap3A_74] : memref<2560x128xf32, #tpu.memory_space<vmem>>, vector<2560x128xf32>
    tpu.vector_store %arg10[%swap3A, %swap3A_74], %mul3A_73 {strides = array<i32>} : memref<2560x128xf32, #tpu.memory_space<vmem>>, vector<2560x128xf32>,
    return
  }
  func.func @transform_0(%arg0: i32) -> (i32, i32) {
    %c0_i32 = arith.constant 0 : i32
    %c0_i32_0 = arith.constant 0 : i32
    return %arg0, %c0_i32 : i32, i32
  }
  func.func @transform_1(%arg0: i32) -> (i32, i32) {
    %c0_i32 = arith.constant 0 : i32
    %c0_i32_0 = arith.constant 0 : i32
    return %arg0, %c0_i32 : i32, i32
  }
  func.func @transform_2(%arg0: i32) -> (i32, i32) {
    %c0_i32 = arith.constant 0 : i32
    %c0_i32_0 = arith.constant 0 : i32
    return %arg0, %c0_i32 : i32, i32
  }
  func.func @transform_3(%arg0: i32) -> (i32, i32) {
    %c0_i32 = arith.constant 0 : i32
    %c0_i32_0 = arith.constant 0 : i32
    %c0_i32_1 = arith.constant 0 : i32
    return %c0_i32, %c0_i32_0 : i32, i32
  }
  func.func @transform_4(%arg0: i32) -> (i32, i32) {
    %c0_i32 = arith.constant 0 : i32
    %c0_i32_0 = arith.constant 0 : i32
    %c0_i32_1 = arith.constant 0 : i32
    return %c0_i32, %c0_i32_0 : i32, i32
  }
  func.func @transform_5(%arg0: i32) -> (i32, i32) {
    %c0_i32 = arith.constant 0 : i32
    %c0_i32_0 = arith.constant 0 : i32
    %c0_i32_1 = arith.constant 0 : i32
    return %c0_i32, %c0_i32_0 : i32, i32
  }
  func.func @transform_6(%arg0: i32) -> (i32, i32) {
    %c0_i32 = arith.constant 0 : i32
    %c0_i32_0 = arith.constant 0 : i32
    %c0_i32_1 = arith.constant 0 : i32
    return %c0_i32, %c0_i32_0 : i32, i32
  }
  func.func @transform_7(%arg0: i32) -> (i32, i32) {
    %c0_i32 = arith.constant 0 : i32
    %c0_i32_0 = arith.constant 0 : i32
    %c0_i32_1 = arith.constant 0 : i32
    return %c0_i32, %c0_i32_0 : i32, i32
  }
  func.func @transform_8(%arg0: i32) -> (i32, i32) {
    %c0_i32 = arith.constant 0 : i32
    %c0_i32_0 = arith.constant 0 : i32
    %c0_i32_1 = arith.constant 0 : i32
    return %c0_i32, %c0_i32_0 : i32, i32
  }
  func.func @transform_9(%arg0: i32) -> (i32, i32) {
    %c0_i32 = arith.constant 0 : i32
    %c0_i32_0 = arith.constant 0 : i32
    return %arg0, %c0_i32 : i32, i32
  }
}

module attributes {stable_mosaic.version = 14 : i64} {
  func.func @_node_body(%arg0: memref<10000x128xf32, #tpu.memory_space<vmem>>, %arg1: memref<10000x128xf32, #tpu.memory_space<vmem>>, %arg2: memref<10000x128xf32, #tpu.memory_space<vmem>>, %arg3: memref<1x128xf32, #tpu.memory_space<vmem>>, %arg4: memref<1x128xf32, #tpu.memory_space<vmem>>, %arg5: memref<10000x128xf32, #tpu.memory_space<vmem>>) attributes {dimension_semantics = [], scalar_prefetch = 0 : i64, scratch_operands = 0 : i64, tpu.core_type = #tpu.core_type<tc>} {
    %get3A = arith.constant 0 : index
    %get3A_0 = arith.constant 0 : index
    %get3A_1 = vector.load %arg0[%get3A, %get3A_0] : memref<10000x128xf32, #tpu.memory_space<vmem>>, vector<10000x128xf32>
    %get3A_2 = arith.constant 0 : index
    %get3A_3 = arith.constant 0 : index
    %get3A_4 = vector.load %arg1[%get3A_2, %get3A_3] : memref<10000x128xf32, #tpu.memory_space<vmem>>, vector<10000x128xf32>
    %add3A = arith.addf %get3A_1, %get3A_4 : vector<10000x128xf32>
    %reduce_sum3A = arith.constant dense<0.000000e+00> : vector<128xf32>
    %reduce_sum3A_5 = vector.multi_reduction <add>, %add3A, %reduce_sum3A [0] : vector<10000x128xf32> to vector<128xf32>
    %broadcast_in_dim3A = vector.shape_cast %reduce_sum3A_5 : vector<128xf32> to vector<1x128xf32>
    %div3A = arith.constant 1.000000e+04 : f32
    %div3A_6 = vector.broadcast %div3A : f32 to vector<1x128xf32>
    %div3A_7 = arith.divf %broadcast_in_dim3A, %div3A_6 : vector<1x128xf32>
    %sub3A = vector.broadcast %div3A_7 : vector<1x128xf32> to vector<10000x128xf32>
    %sub3A_8 = arith.subf %add3A, %sub3A : vector<10000x128xf32>
    %mul3A = arith.mulf %sub3A_8, %sub3A_8 : vector<10000x128xf32>
    %reduce_sum3A_9 = arith.constant dense<0.000000e+00> : vector<128xf32>
    %reduce_sum3A_10 = vector.multi_reduction <add>, %mul3A, %reduce_sum3A_9 [0] : vector<10000x128xf32> to vector<128xf32>
    %broadcast_in_dim3A_11 = vector.shape_cast %reduce_sum3A_10 : vector<128xf32> to vector<1x128xf32>
    %div3A_12 = arith.constant 1.000000e+04 : f32
    %div3A_13 = vector.broadcast %div3A_12 : f32 to vector<1x128xf32>
    %div3A_14 = arith.divf %broadcast_in_dim3A_11, %div3A_13 : vector<1x128xf32>
    %get3A_15 = arith.constant 0 : index
    %get3A_16 = arith.constant 0 : index
    %get3A_17 = vector.load %arg3[%get3A_15, %get3A_16] : memref<1x128xf32, #tpu.memory_space<vmem>>, vector<1x128xf32>
    %mul3A_18 = vector.broadcast %get3A_17 : vector<1x128xf32> to vector<10000x128xf32>
    %mul3A_19 = arith.mulf %mul3A_18, %sub3A_8 : vector<10000x128xf32>
    %add3A_20 = arith.constant 9.99999974E-6 : f32
    %add3A_21 = vector.broadcast %add3A_20 : f32 to vector<1x128xf32>
    %add3A_22 = arith.addf %div3A_14, %add3A_21 : vector<1x128xf32>
    %rsqrt3A = math.rsqrt %add3A_22 : vector<1x128xf32>
    %mul3A_23 = vector.broadcast %rsqrt3A : vector<1x128xf32> to vector<10000x128xf32>
    %mul3A_24 = arith.mulf %mul3A_19, %mul3A_23 : vector<10000x128xf32>
    %get3A_25 = arith.constant 0 : index
    %get3A_26 = arith.constant 0 : index
    %get3A_27 = vector.load %arg4[%get3A_25, %get3A_26] : memref<1x128xf32, #tpu.memory_space<vmem>>, vector<1x128xf32>
    %add3A_28 = vector.broadcast %get3A_27 : vector<1x128xf32> to vector<10000x128xf32>
    %add3A_29 = arith.addf %mul3A_24, %add3A_28 : vector<10000x128xf32>
    %get3A_30 = arith.constant 0 : index
    %get3A_31 = arith.constant 0 : index
    %get3A_32 = vector.load %arg2[%get3A_30, %get3A_31] : memref<10000x128xf32, #tpu.memory_space<vmem>>, vector<10000x128xf32>
    %add3A_33 = arith.addf %get3A_32, %add3A_29 : vector<10000x128xf32>
    %max3A = arith.constant 0.000000e+00 : f32
    %max3A_34 = vector.broadcast %max3A : f32 to vector<10000x128xf32>
    %max3A_35 = arith.maximumf %add3A_33, %max3A_34 : vector<10000x128xf32>
    %abs3A = math.absf %add3A_33 : vector<10000x128xf32>
    %neg3A = arith.constant 0.000000e+00 : f32
    %neg3A_36 = vector.broadcast %neg3A : f32 to vector<10000x128xf32>
    %neg3A_37 = arith.subf %neg3A_36, %abs3A : vector<10000x128xf32>
    %exp3A = math.exp %neg3A_37 : vector<10000x128xf32>
    %add3A_38 = arith.constant 1.000000e+00 : f32
    %add3A_39 = vector.broadcast %add3A_38 : f32 to vector<10000x128xf32>
    %add3A_40 = arith.addf %add3A_39, %exp3A : vector<10000x128xf32>
    %log3A = math.log %add3A_40 : vector<10000x128xf32>
    %add3A_41 = arith.addf %max3A_35, %log3A : vector<10000x128xf32>
    %swap3A = arith.constant 0 : index
    %swap3A_42 = arith.constant 0 : index
    %swap3A_43 = vector.load %arg5[%swap3A, %swap3A_42] : memref<10000x128xf32, #tpu.memory_space<vmem>>, vector<10000x128xf32>
    tpu.vector_store %arg5[%swap3A, %swap3A_42], %add3A_41 {strides = array<i32>} : memref<10000x128xf32, #tpu.memory_space<vmem>>, vector<10000x128xf32>,
    return
  }
}

</mosaic_0001>

<sc_bundles>
// kernel: kernel.17.cloned.1.call-start
scs
__scs_entry_jumppad:
0x0: {  	(pc) =	sbr.rel $0x88, $3  }
0x1: {  	(tag) =	ssettag $0x0;
	lr =	simm.s32 $0x1  }
0x2: {  	[smem:$0x3F8E] =	sst lr;
	_ =	strace $0xD0000000  }
0x3: {  	_ = 	snop  }
0x4: {  	_ = 	snop  }
0x5: {  	_ = 	snop  }
0x6: {  	_ = 	snop  }
0x7: {  	_ = 	snop  }
__scs_overlays_trampoline_lowered:
0x8: {  	[smem:$0x3F9D] =	sst s0  }
0x9: {  	[smem:$0x3F9E] =	sst s1  }
0xa: {  	[smem:$0x3F9F] =	sst s2  }
0xb: {  	[smem:$0x3FA0] =	sst s3  }
0xc: {  	[smem:$0x3FA1] =	sst s4  }
0xd: {  	[smem:$0x3FA2] =	sst s5  }
0xe: {  	[smem:$0x3FA3] =	sst s6  }
0xf: {  	[smem:$0x3FA4] =	sst s7  }
0x10: {  	[smem:$0x3FA5] =	sst s8  }
0x11: {  	[smem:$0x3FA6] =	sst s9;
	s0 =	simm.s32 @!p0 $0x0  }
0x12: {  	s1 =	sld [smem:$0x3F8C];
	s0 =	simm.s32 @p0 $0x1  }
0x13: {  	[smem:$0x3FA7] =	sst s0;
	s0 =	simm.s32 @!p1 $0x0  }
0x14: {  	s2 =	sld [smem:$0x3F8B];
	s0 =	simm.s32 @p1 $0x1  }
0x15: {  	[smem:$0x3FA8] =	sst s0;
	s0 =	simm.s32 @!p2 $0x0  }
0x16: {  	s3 =	sld [smem:$0x3FDB];
	s0 =	simm.s32 @p2 $0x1  }
0x17: {  	s4 =	simm.s32 $0x1BF5;
	[smem:$0x3FAA] =	sst s0  }
0x18: {  	s0 =	sld [smem:$0x3F8D];
	_ =	swait.ge [sflag:s4], $0x0  }
0x19: {  	s7 =	sld [smem:$0x3F8E]  }
0x1a: {  	s8 =	sadd.s32 $0xFFFFE003, lr  }
0x1b: {  	s9 =	sadd.s32 $0xFFFFFEF7, lr;
	s5 =	simm.s32 $0xFFFFFFFF;
	p2 =	slt.u32 s8, $0xFFFFF086  }
0x1c: {  	p1 =	slt.u32 s9, $0xF7A;
	s5 =	simm.s32 @!p2 $0x0  }
0x1d: {  	s5 =	simm.s32 @p1 $0x1;
	p0 =	seq.s32 s7, s2  }
0x1e: {  	s7 =	smul.u32 @!p0 $0xF7A, s2;
	p2 =	seq.s32 @!p0 s5, $0x0  }
0x1f: {  	s9 =	smul.u32 $0xF7A, s1;
	s8 =	simm.s32 @!p0 $0x1BF5;
	p2 =	por !p2, p0  }
0x20: {  	[sflag:s8] =	ssyncset.s32 @!p0 $0xFFFFF086;
	s6 =	sadd.s32 @!p0 s3, s7;
	s7 =	simm.s32 @!p0 $0x108  }
0x21: {  	s3 =	sadd.s32 s3, s9;
	s6 =	sadd.s32 @!p0 $0x88, s6;
	s7 =	simm.s32 @p2 $0x1082  }
0x22: {  	[simem:s7], [sflag:s8] =	dma.local @!p0 [hbm:s6], $0xF7A  }
0x23: {  	s9 =	sor.u32 $0xD0000000, s2;
	s6 =	simm.s32 $0x108;
	_ =	swait.ge @!p0 [sflag:s8], $0x0  }
0x24: {  	s3 =	sadd.s32 $0x88, s3;
	s6 =	simm.s32 @!p1 $0x1082;
	[sflag:s4] =	ssyncset.s32 $0xFFFFF086  }
0x25: {  	[simem:s6], [sflag:s4] =	dma.local [hbm:s3], $0xF7A  }
0x26: {  	[smem:$0x3F8E] =	sst s1;
	(tag) =	ssettag s2;
	_ =	strace s9  }
0x27: {  	s1 =	sld [smem:$0x3F9E]  }
0x28: {  	s2 =	sld [smem:$0x3F9F]  }
0x29: {  	s4 =	sld [smem:$0x3FA1]  }
0x2a: {  	p0 =	seq.s32 s5, $0x0;
	s5 =	sld [smem:$0x3FA2]  }
0x2b: {  	s6 =	sld [smem:$0x3FA3]  }
0x2c: {  	s7 =	sld [smem:$0x3FA4]  }
0x2d: {  	s3 =	simm.s32 $0x108;
	s8 =	sld [smem:$0x3FA5]  }
0x2e: {  	s3 =	simm.s32 @!p0 $0x1082;
	s9 =	sld [smem:$0x3FA6]  }
0x2f: {  	lr =	sadd.s32 s0, s3;
	s0 =	sld [smem:$0x3F9D]  }
0x30: {  	s3 =	sld [smem:$0x3FA0]  }
0x31: {  	[smem:$0x3FA9] =	sst s10  }
0x32: {  	s10 =	sld [smem:$0x3FA7];
	_ =	sdelay $0x3  }
0x33: {  	p0 =	seq.s32 s10, $0x1;
	s10 =	sld [smem:$0x3FA9];
	_ =	sdelay $0x3  }
0x34: {  	[smem:$0x3FA9] =	sst s10  }
0x35: {  	s10 =	sld [smem:$0x3FA8];
	_ =	sdelay $0x3  }
0x36: {  	p1 =	seq.s32 s10, $0x1;
	s10 =	sld [smem:$0x3FA9];
	_ =	sdelay $0x3  }
0x37: {  	[smem:$0x3FA9] =	sst s10  }
0x38: {  	s10 =	sld [smem:$0x3FAA]  }
0x39: {  	_ = 	snop;
	(pc) =	sbr.ind lr, $3  }
0x3a: {  	_ = 	snop  }
0x3b: {  	_ = 	snop  }
0x3c: {  	p2 =	seq.s32 s10, $0x1;
	s10 =	sld [smem:$0x3FA9]  }
0x3d: {  	_ =	shalt  }
0x3e: {  	_ =	shalt  }
0x3f: {  	_ =	shalt  }
0x40: {  	_ =	shalt  }
0x41: {  	_ =	shalt  }
0x42: {  	_ =	shalt  }
0x43: {  	_ =	shalt  }
0x44: {  	_ =	shalt  }
0x45: {  	_ =	shalt  }
0x46: {  	_ =	shalt  }
0x47: {  	_ =	shalt  }
0x48: {  	_ =	shalt  }
0x49: {  	_ =	shalt  }
0x4a: {  	_ =	shalt  }
0x4b: {  	_ =	shalt  }
0x4c: {  	_ =	shalt  }
0x4d: {  	_ =	shalt  }
0x4e: {  	_ =	shalt  }
0x4f: {  	_ =	shalt  }
0x50: {  	_ =	shalt  }
0x51: {  	_ =	shalt  }
0x52: {  	_ =	shalt  }
0x53: {  	_ =	shalt  }
0x54: {  	_ =	shalt  }
0x55: {  	_ =	shalt  }
0x56: {  	_ =	shalt  }
0x57: {  	_ =	shalt  }
0x58: {  	_ =	shalt  }
0x59: {  	_ =	shalt  }
0x5a: {  	_ =	shalt  }
0x5b: {  	_ =	shalt  }
0x5c: {  	_ =	shalt  }
0x5d: {  	_ =	shalt  }
0x5e: {  	_ =	shalt  }
0x5f: {  	_ =	shalt  }
0x60: {  	_ =	shalt  }
0x61: {  	_ =	shalt  }
0x62: {  	_ =	shalt  }
0x63: {  	_ =	shalt  }
0x64: {  	_ =	shalt  }
0x65: {  	_ =	shalt  }
0x66: {  	_ =	shalt  }
0x67: {  	_ =	shalt  }
0x68: {  	_ =	shalt  }
0x69: {  	_ =	shalt  }
0x6a: {  	_ =	shalt  }
0x6b: {  	_ =	shalt  }
0x6c: {  	_ =	shalt  }
0x6d: {  	_ =	shalt  }
0x6e: {  	_ =	shalt  }
0x6f: {  	_ =	shalt  }
0x70: {  	_ =	shalt  }
0x71: {  	_ =	shalt  }
0x72: {  	_ =	shalt  }
0x73: {  	_ =	shalt  }
0x74: {  	_ =	shalt  }
0x75: {  	_ =	shalt  }
0x76: {  	_ =	shalt  }
0x77: {  	_ =	shalt  }
0x78: {  	_ =	shalt  }
0x79: {  	_ =	shalt  }
0x7a: {  	_ =	shalt  }
0x7b: {  	_ =	shalt  }
0x7c: {  	_ =	shalt  }
0x7d: {  	_ =	shalt  }
0x7e: {  	_ =	shalt  }
0x7f: {  	_ =	shalt  }
0x80: {  	_ =	shalt  }
0x81: {  	_ =	shalt  }
0x82: {  	_ =	shalt  }
0x83: {  	_ =	shalt  }
0x84: {  	_ =	shalt  }
0x85: {  	_ =	shalt  }
0x86: {  	_ =	shalt  }
0x87: {  	_ =	shalt  }
.Lfunc_end0:
.L_simem_size_0:
called_computation_lowered:
.L_overlay_start_0:
0x88: {  	s2 =	sld [smem:$0x3FD9]  }
0x89: {  	s3 =	sld [smem:$0x3FFE];
	_ =	sdelay $0x1  }
0x8a: {  	s1 =	srdreg.scid  }
0x8b: {  	s0 =	sand.u32 $0x1, s1  }
0x8c: {  	s16 =	sshll.u32 s0, $0xA;
	s2 =	sadd.s32 s3, s2  }
0x8d: {  	s2 =	sadd.s32 s2, s16  }
0x8e: {  	[smem:$0x3FB5] =	sst s2  }
0x8f: {  	_ = 	snop  }
0x90: {  	(tm) =	ssettm $0x1  }
0x91: {  	s17 =	sld [smem:$0x3FFB];
	_ =	sdelay $0x3  }
0x92: {  	_ =	strace s17  }
0x93: {  	s2 =	sld [smem:$0x3FFC];
	_ =	sdelay $0x3  }
0x94: {  	_ =	strace s2  }
0x95: {  	s2 =	sld [smem:$0x3FFD];
	_ =	sdelay $0x3  }
0x96: {  	_ =	strace s2  }
0x97: {  	_ =	strace $0x8FFFFFFF  }
0x98: {  	s18 =	sld [smem:$0x3FDB];
	_ =	sdelay $0x1  }
0x99: {  	s19 =	simm.s32 $_scs_section_size  }
0x9a: {  	s4 =	simm.s32 $_size__tile_overlayer_lowered;
	s5 =	simm.s32 $_tile_overlayer_lowered  }
0x9b: {  	s22 =	simm.s32 $0x1BFF;
	s21 =	sshll.u32 s5, $0x1;
	s2 =	sadd.s32 s19, s18  }
0x9c: {  	s6 =	simm.s32 $0x0;
	s20 =	sshll.u32 s4, $0x1;
	s4 =	sadd.s32 s21, s2  }
0x9d: {  	[timem:s6], [sflag:s22] =	dma.local [hbm:s4], s20  }
0x9e: {  	_ =	swait.ge [sflag:s22], s20  }
0x9f: {  	s3 =	ssub.s32 $0x0, s20;
	[sflag:s22] =	ssyncset.done $0x0  }
0xa0: {  	[sflag:s22] =	ssyncadd.s32 s3;
	_ =	sdelay $0x1  }
0xa1: {  	s23 =	simm.s32 $0x1B8B  }
0xa2: {  	_ =	swait.ge [sflag:s23], $0x1  }
0xa3: {  	[sflag:s23] =	ssyncset.done $0x0  }
0xa4: {  	s25 =	simm.s32 $0x1B8E;
	s24 =	sld [smem:$0x3FFE];
	[sflag:s23] =	ssyncadd.s32 $0xFFFFFFFF  }
0xa5: {  	s26 =	simm.s32 $execute0_lowered;
	[smem:$0x3FD2] =	sst s25  }
0xa6: {  	s4 =	sshll.u32 s26, $0x1;
	_ =	strace $0x80000046;
	[dreg:$0x1] =	wrdreg $0xFFFFFFFF  }
0xa7: {  	s28 =	simm.s32 $_size_execute0_lowered;
	s2 =	sadd.s32 s2, s4;
	[dreg:$0x0] =	wrdreg $0x0  }
0xa8: {  	s4 =	sshll.u32 s28, $0x1;
	[dreg:$0x2] =	wrdreg s2  }
0xa9: {  	[dreg:$0x3] =	wrdreg s4  }
0xaa: {  	[dreg:$0x4] =	wrdreg $0xC0  }
0xab: {  	_ =	task [dreg:s6], $0x5FFFF  }
0xac: {  	[dreg:$0x1] =	wrdreg $0xFFFFFFFF  }
0xad: {  	[dreg:$0x0] =	wrdreg $0x60  }
0xae: {  	[dreg:$0x2] =	wrdreg s24  }
0xaf: {  	[dreg:$0x3] =	wrdreg $0x9  }
0xb0: {  	_ =	task.clear_ibuf [dreg:s6], $0x4FFFF;
	_ =	strace $0x90000046  }
0xb1: {  	s29 =	simm.s32 $0x9;
	_ =	strace $0x80000048  }
0xb2: {  	_ =	swait.ge [sflag:s29], $0x1  }
0xb3: {  	[sflag:s29] =	ssyncadd.s32 $0xFFFFFFFF  }
0xb4: {  	_ =	strace $0x90000048  }
0xb5: {  	_ =	sfence  }
0xb6: {  	s30 =	sld [smem:$0x0];
	_ =	sdelay $0x2  }
0xb7: {  	s31 =	sshll.u32 s1, $0xD;
	s1 =	sshrl.u32 s1, $0x2  }
0xb8: {  	s3 =	sand.u32 $0x4000, s31;
	s1 =	sadd.s32 s1, s30  }
0xb9: {  	s0 =	sor.u32 s3, s0;
	s1 =	sshll.u32 s1, $0x11  }
0xba: {  	s0 =	sor.u32 s1, s0  }
0xbb: {  	s0 =	sadd.s32 $0x8F2B, s0  }
0xbc: {  	[sflag:s0] =	ssyncadd.remote.s32 $0x1  }
0xbd: {  	_ =	sfence.sel $0xFFFF  }
0xbe: {  	[dreg:$0x0] =	wrdreg $0xFFFFFFFF;
	(pc) =	sbr.abs _section_cstart, $3  }
0xbf: {  	[dreg:$0x1] =	wrdreg $0xFFFFFFFF  }
0xc0: {  	_ =	task.clear_ibuf [dreg:s6], $0x2FFFF;
	_ =	strace $0x9FFFFFFF  }
0xc1: {  	(tm) =	ssettm $0x7FFFFFFF  }
tec
execute0_lowered:
.L_overlay_start_1:
0x0: {  	(tag) =	ssettag $0x1  }
0x1: {  	s4 =	rddreg [dreg:$0x0]  }
0x2: {  	s0 =	rddreg [dreg:$0x1]  }
0x3: {  	s2 =	simm.s32 $0x0;
	s3 =	srdreg.scid;
	s1 =	stileid.u32  }
0x4: {  	s14 =	simm.s32 $0x8000;
	s15 =	simm.s32 $0xA800;
	s16 =	simm.s32 $0xD000  }
0x5: {  	s17 =	simm.s32 $0xF800;
	s18 =	simm.s32 $0x1;
	s19 =	simm.s32 $0x2  }
0x6: {  	s20 =	simm.s32 $0x3;
	s21 =	simm.s32 $0x4;
	s22 =	simm.s32 $0x0  }
0x7: {  	[smem:$0x7FF] =	sst s2;
	s7 =	sand.u32 $0x1, s3;
	s5 =	sshll.u32 s1, $0x1  }
0x8: {  	s3 =	sadd.s32 $0x2A000, s4;
	s9 =	sadd.s32 $0x51200, s4;
	s11 =	sadd.s32 $0x533200, s4  }
0x9: {  	s12 =	smul.u32 $0x4E200, s1;
	_ =	strace $0x80000047;
	s5 =	sor.u32 s7, s5  }
0xa: {  	s8 =	ssub.s32 $0x2, s7;
	s6 =	sshll.u32 s5, $0xB;
	s5 =	smul.u32 $0x138800, s5  }
0xb: {  	s13 =	smul.u32 $0x27100, s7;
	s10 =	sshrl.u32 s8, $0x1;
	s31 =	sadd.s32 s12, s11  }
0xc: {  	s6 =	sadd.s32 s6, s4;
	s8 =	ssub.s32 s8, s10;
	s5 =	sshrl.u32 s5, $0x3  }
0xd: {  	s10 =	sadd.s32 s13, s31;
	s4 =	sadd.s32 $0x1A000, s6;
	s30 =	sadd.s32 $0x26C00, s5  }
0xe: {  	s8 =	smax.u32 s8, $0x1;
	s5 =	sadd.s32 $0xA000, s6;
	s6 =	sadd.s32 s9, s30  }
0xf: {  	s7 =	sadd.s32 s11, s30;
	s9 =	sadd.s32 s12, s9;
	s11 =	simm.s32 $0x5  }
0x10: {  	s12 =	simm.s32 $0x4000;
	s9 =	sadd.s32 s13, s9;
	s13 =	simm.s32 $0x50  }
.LBB2_1:
0x11: {  	[tilespmem:s2], [sflag:$0x5] =	stream.linear.gather [hbm4b:s4+s2], $0x3E80, $0x38;
	[tilespmem:$0x12000] =	vst v63  }
0x12: {  	_ =	swait.ge [sflag:s11], $0x3E80  }
0x13: {  	[sflag:s11] =	ssyncset.done $0x0  }
0x14: {  	[sflag:s11] =	ssyncadd.s32 $0xFFFFC180  }
0x15: {  	[tilespmem:s12], [sflag:$0x5] =	stream.linear.gather [hbm4b:s5+s2], $0x3E80, $0x38;
	[tilespmem:$0x12000] =	vst v63  }
0x16: {  	_ =	swait.ge [sflag:s11], $0x3E80  }
0x17: {  	[sflag:s11] =	ssyncset.done $0x0  }
0x18: {  	[sflag:s11] =	ssyncadd.s32 $0xFFFFC180  }
0x19: {  	[tilespmem:s14], [sflag:$0x1] =	stream.indirect.gather [hbm4b:s3+s13], $0x80, s2, s13, $0xb8;
	[tilespmem:$0x12000] =	vst v63  }
0x1a: {  	_ = 	snop  }
0x1b: {  	[tilespmem:s15], [sflag:$0x2] =	stream.indirect.gather [hbm4b:s3+s13], $0x80, s12, s13, $0xb8;
	[tilespmem:$0x12000] =	vst v63  }
0x1c: {  	s23 =	simm.s32 $0x80  }
0x1d: {  	[tilespmem:s16], [sflag:$0x3] =	stream.indirect.gather [hbm4b:s3+s13], $0x80, s23, s13, $0xb8;
	[tilespmem:$0x12000] =	vst v63  }
0x1e: {  	s25 =	simm.s32 $0x4080  }
0x1f: {  	[tilespmem:s17], [sflag:$0x4] =	stream.indirect.gather [hbm4b:s3+s13], $0x80, s25, s13, $0xb8;
	[tilespmem:$0x12000] =	vst v63  }
0x20: {  	_ =	swait.ge [sflag:s18], $0x2800  }
0x21: {  	[sflag:s18] =	ssyncset.done $0x0  }
0x22: {  	[sflag:s18] =	ssyncadd.s32 $0xFFFFD800  }
0x23: {  	_ =	swait.ge [sflag:s19], $0x2800  }
0x24: {  	[sflag:s19] =	ssyncset.done $0x0  }
0x25: {  	[sflag:s19] =	ssyncadd.s32 $0xFFFFD800  }
0x26: {  	[hbm4b:s9+s2] =	stream.linear.scatter [tilespmem:s14], [sflag:$0x5], $0x2800, $0x38;
	[tilespmem:$0x12000] =	vst v63  }
0x27: {  	_ =	swait.ge [sflag:s11], $0x2800  }
0x28: {  	[sflag:s11] =	ssyncset.done $0x0  }
0x29: {  	[sflag:s11] =	ssyncadd.s32 $0xFFFFD800  }
0x2a: {  	[hbm4b:s10+s2] =	stream.linear.scatter [tilespmem:s15], [sflag:$0x5], $0x2800, $0x38;
	[tilespmem:$0x12000] =	vst v63  }
0x2b: {  	_ =	swait.ge [sflag:s11], $0x2800  }
0x2c: {  	[sflag:s11] =	ssyncset.done $0x0  }
0x2d: {  	s26 =	simm.s32 $0x100;
	[sflag:s11] =	ssyncadd.s32 $0xFFFFD800  }
0x2e: {  	[tilespmem:s14], [sflag:$0x1] =	stream.indirect.gather [hbm4b:s3+s13], $0x80, s26, s13, $0xb8;
	[tilespmem:$0x12000] =	vst v63  }
0x2f: {  	s28 =	simm.s32 $0x4100  }
0x30: {  	[tilespmem:s15], [sflag:$0x2] =	stream.indirect.gather [hbm4b:s3+s13], $0x80, s28, s13, $0xb8;
	[tilespmem:$0x12000] =	vst v63  }
0x31: {  	_ =	swait.ge [sflag:s20], $0x2800  }
0x32: {  	[sflag:s20] =	ssyncset.done $0x0  }
0x33: {  	[sflag:s20] =	ssyncadd.s32 $0xFFFFD800  }
0x34: {  	_ =	swait.ge [sflag:s21], $0x2800  }
0x35: {  	[sflag:s21] =	ssyncset.done $0x0  }
0x36: {  	s30 =	sadd.s32 $0x500, s9;
	[sflag:s21] =	ssyncadd.s32 $0xFFFFD800  }
0x37: {  	[hbm4b:s30+s2] =	stream.linear.scatter [tilespmem:s16], [sflag:$0x5], $0x2800, $0x38;
	[tilespmem:$0x12000] =	vst v63  }
0x38: {  	_ =	swait.ge [sflag:s11], $0x2800  }
0x39: {  	[sflag:s11] =	ssyncset.done $0x0  }
0x3a: {  	s31 =	sadd.s32 $0x500, s10;
	[sflag:s11] =	ssyncadd.s32 $0xFFFFD800  }
0x3b: {  	[hbm4b:s31+s2] =	stream.linear.scatter [tilespmem:s17], [sflag:$0x5], $0x2800, $0x38;
	[tilespmem:$0x12000] =	vst v63  }
0x3c: {  	s29 =	simm.s32 $0x800;
	s24 =	sadd.s32 $0xA00, s9;
	_ =	swait.ge [sflag:s11], $0x2800  }
0x3d: {  	s23 =	sadd.s32 $0xA00, s10;
	s25 =	simm.s32 $0x100;
	[sflag:s11] =	ssyncset.done $0x0  }
.LBB2_2:
0x3e: {  	s30 =	sadd.s32 $0x80, s25  }
0x3f: {  	[sflag:s11] =	ssyncadd.s32 $0xFFFFD800;
	s28 =	smov.u32 s29;
	s26 =	sadd.s32 $0x400, s29  }
0x40: {  	[tilespmem:s16], [sflag:$0x3] =	stream.indirect.gather [hbm4b:s3+s13], $0x80, s30, s13, $0xb8;
	[tilespmem:$0x12000] =	vst v63  }
0x41: {  	p0 =	sne.s32 s29, $0xF400;
	s29 =	sadd.s32 $0x4080, s25  }
0x42: {  	[tilespmem:s17], [sflag:$0x4] =	stream.indirect.gather [hbm4b:s3+s13], $0x80, s29, s13, $0xb8;
	[tilespmem:$0x12000] =	vst v63  }
0x43: {  	_ =	swait.ge [sflag:s18], $0x2800  }
0x44: {  	[sflag:s18] =	ssyncset.done $0x0  }
0x45: {  	[sflag:s18] =	ssyncadd.s32 $0xFFFFD800  }
0x46: {  	_ =	swait.ge [sflag:s19], $0x2800  }
0x47: {  	[sflag:s19] =	ssyncset.done $0x0  }
0x48: {  	[sflag:s19] =	ssyncadd.s32 $0xFFFFD800  }
0x49: {  	[hbm4b:s24+s2] =	stream.linear.scatter [tilespmem:s14], [sflag:$0x5], $0x2800, $0x38;
	[tilespmem:$0x12000] =	vst v63  }
0x4a: {  	_ =	swait.ge [sflag:s11], $0x2800  }
0x4b: {  	[sflag:s11] =	ssyncset.done $0x0  }
0x4c: {  	[sflag:s11] =	ssyncadd.s32 $0xFFFFD800  }
0x4d: {  	[hbm4b:s23+s2] =	stream.linear.scatter [tilespmem:s15], [sflag:$0x5], $0x2800, $0x38;
	[tilespmem:$0x12000] =	vst v63  }
0x4e: {  	_ =	swait.ge [sflag:s11], $0x2800  }
0x4f: {  	[sflag:s11] =	ssyncset.done $0x0  }
0x50: {  	s29 =	sadd.s32 $0x100, s25;
	[sflag:s11] =	ssyncadd.s32 $0xFFFFD800  }
0x51: {  	[tilespmem:s14], [sflag:$0x1] =	stream.indirect.gather [hbm4b:s3+s13], $0x80, s29, s13, $0xb8;
	[tilespmem:$0x12000] =	vst v63  }
0x52: {  	s25 =	sadd.s32 $0x4100, s25  }
0x53: {  	[tilespmem:s15], [sflag:$0x2] =	stream.indirect.gather [hbm4b:s3+s13], $0x80, s25, s13, $0xb8;
	[tilespmem:$0x12000] =	vst v63  }
0x54: {  	_ =	swait.ge [sflag:s20], $0x2800  }
0x55: {  	[sflag:s20] =	ssyncset.done $0x0  }
0x56: {  	[sflag:s20] =	ssyncadd.s32 $0xFFFFD800  }
0x57: {  	_ =	swait.ge [sflag:s21], $0x2800  }
0x58: {  	[sflag:s21] =	ssyncset.done $0x0  }
0x59: {  	s25 =	sadd.s32 $0x500, s24;
	[sflag:s21] =	ssyncadd.s32 $0xFFFFD800  }
0x5a: {  	[hbm4b:s25+s2] =	stream.linear.scatter [tilespmem:s16], [sflag:$0x5], $0x2800, $0x38;
	[tilespmem:$0x12000] =	vst v63  }
0x5b: {  	_ =	swait.ge [sflag:s11], $0x2800  }
.Ltmp0:
0x5c: {  	[sflag:s11] =	ssyncset.done $0x0;
	(pc) =	sbr.rel @p0 .LBB2_2-.Ltmp0, $4  }
0x5d: {  	s25 =	sadd.s32 $0x500, s23;
	[sflag:s11] =	ssyncadd.s32 $0xFFFFD800  }
0x5e: {  	[hbm4b:s25+s2] =	stream.linear.scatter [tilespmem:s17], [sflag:$0x5], $0x2800, $0x38;
	[tilespmem:$0x12000] =	vst v63  }
0x5f: {  	s29 =	smov.u32 s26;
	s23 =	sadd.s32 $0xA00, s23;
	_ =	swait.ge [sflag:s11], $0x2800  }
0x60: {  	s24 =	sadd.s32 $0xA00, s24;
	s25 =	sshra.s32 s28, $0x2;
	[sflag:s11] =	ssyncset.done $0x0  }
0x61: {  	s26 =	sadd.s32 $0x80, s25;
	[sflag:s11] =	ssyncadd.s32 $0xFFFFD800  }
0x62: {  	[tilespmem:s16], [sflag:$0x3] =	stream.indirect.gather [hbm4b:s3+s13], $0x80, s26, s13, $0xb8;
	[tilespmem:$0x12000] =	vst v63  }
0x63: {  	s31 =	sadd.s32 $0x4080, s25  }
0x64: {  	[tilespmem:s17], [sflag:$0x4] =	stream.indirect.gather [hbm4b:s3+s13], $0x80, s31, s13, $0xb8;
	[tilespmem:$0x12000] =	vst v63  }
0x65: {  	_ =	swait.ge [sflag:s18], $0x2800  }
0x66: {  	[sflag:s18] =	ssyncset.done $0x0  }
0x67: {  	[sflag:s18] =	ssyncadd.s32 $0xFFFFD800  }
0x68: {  	_ =	swait.ge [sflag:s19], $0x2800  }
0x69: {  	[sflag:s19] =	ssyncset.done $0x0  }
0x6a: {  	[sflag:s19] =	ssyncadd.s32 $0xFFFFD800  }
0x6b: {  	[hbm4b:s24+s2] =	stream.linear.scatter [tilespmem:s14], [sflag:$0x5], $0x2800, $0x38;
	[tilespmem:$0x12000] =	vst v63  }
0x6c: {  	_ =	swait.ge [sflag:s11], $0x2800  }
0x6d: {  	[sflag:s11] =	ssyncset.done $0x0  }
0x6e: {  	[sflag:s11] =	ssyncadd.s32 $0xFFFFD800  }
0x6f: {  	[hbm4b:s23+s2] =	stream.linear.scatter [tilespmem:s15], [sflag:$0x5], $0x2800, $0x38;
	[tilespmem:$0x12000] =	vst v63  }
0x70: {  	_ =	swait.ge [sflag:s11], $0x2800  }
0x71: {  	[sflag:s11] =	ssyncset.done $0x0  }
0x72: {  	s28 =	sadd.s32 $0x100, s25;
	[sflag:s11] =	ssyncadd.s32 $0xFFFFD800  }
0x73: {  	[tilespmem:s14], [sflag:$0x1] =	stream.indirect.gather [hbm4b:s3+s13], $0x80, s28, s13, $0xb8;
	[tilespmem:$0x12000] =	vst v63  }
0x74: {  	s29 =	sadd.s32 $0x4100, s25  }
0x75: {  	[tilespmem:s15], [sflag:$0x2] =	stream.indirect.gather [hbm4b:s3+s13], $0x80, s29, s13, $0xb8;
	[tilespmem:$0x12000] =	vst v63  }
0x76: {  	_ =	swait.ge [sflag:s20], $0x2800  }
0x77: {  	[sflag:s20] =	ssyncset.done $0x0  }
0x78: {  	[sflag:s20] =	ssyncadd.s32 $0xFFFFD800  }
0x79: {  	_ =	swait.ge [sflag:s21], $0x2800  }
0x7a: {  	[sflag:s21] =	ssyncset.done $0x0  }
0x7b: {  	s30 =	sadd.s32 $0x500, s24;
	[sflag:s21] =	ssyncadd.s32 $0xFFFFD800  }
0x7c: {  	[hbm4b:s30+s2] =	stream.linear.scatter [tilespmem:s16], [sflag:$0x5], $0x2800, $0x38;
	[tilespmem:$0x12000] =	vst v63  }
0x7d: {  	_ =	swait.ge [sflag:s11], $0x2800  }
0x7e: {  	[sflag:s11] =	ssyncset.done $0x0  }
0x7f: {  	s31 =	sadd.s32 $0x500, s23;
	[sflag:s11] =	ssyncadd.s32 $0xFFFFD800  }
0x80: {  	[hbm4b:s31+s2] =	stream.linear.scatter [tilespmem:s17], [sflag:$0x5], $0x2800, $0x38;
	[tilespmem:$0x12000] =	vst v63  }
0x81: {  	_ =	swait.ge [sflag:s11], $0x2800  }
0x82: {  	[sflag:s11] =	ssyncset.done $0x0  }
0x83: {  	[sflag:s11] =	ssyncadd.s32 $0xFFFFD800  }
0x84: {  	_ =	swait.ge [sflag:s18], $0x2800  }
0x85: {  	[sflag:s18] =	ssyncset.done $0x0  }
0x86: {  	[sflag:s18] =	ssyncadd.s32 $0xFFFFD800  }
0x87: {  	_ =	swait.ge [sflag:s19], $0x2800  }
0x88: {  	[sflag:s19] =	ssyncset.done $0x0  }
0x89: {  	[sflag:s19] =	ssyncadd.s32 $0xFFFFD800  }
0x8a: {  	[hbm4b:s6+s2] =	stream.linear.scatter [tilespmem:s14], [sflag:$0x5], $0x2800, $0x38;
	[tilespmem:$0x12000] =	vst v63  }
0x8b: {  	s22 =	sadd.s32 $0x1, s22;
	_ =	swait.ge [sflag:s11], $0x2800  }
0x8c: {  	p0 =	sne.s32 s22, s8;
	[sflag:s11] =	ssyncset.done $0x0  }
.Ltmp1:
0x8d: {  	[sflag:s11] =	ssyncadd.s32 $0xFFFFD800;
	(pc) =	sbr.rel @p0 .LBB2_1-.Ltmp1, $4  }
0x8e: {  	[hbm4b:s7+s2] =	stream.linear.scatter [tilespmem:s15], [sflag:$0x5], $0x2800, $0x38;
	[tilespmem:$0x12000] =	vst v63  }
0x8f: {  	_ =	swait.ge [sflag:s11], $0x2800  }
0x90: {  	[sflag:s11] =	ssyncset.done $0x0  }
0x91: {  	[sflag:s11] =	ssyncadd.s32 $0xFFFFD800  }
0x92: {  	_ =	sfence.sel $0x180000  }
0x93: {  	[bflag:$0x0] =	sbarrier.arrive $0xFFFF  }
0x94: {  	p0 =	sne.s32 s1, $0x0;
	_ =	strace $0x90000047  }
0x95: {  	s0 =	sadd.s32 @!p0 $0x100000, s0;
	[bflag:$0x2] =	sbarrier.arrive $0xFFFF  }
0x96: {  	[sflag:s0] =	ssyncadd.tile.s32 @!p0 $0x1;
	_ =	shalt  }
.Lfunc_end2:
_tile_overlayer_lowered:
.L_overlay_start_2:
0x97: {  	(tag) =	ssettag $0x2  }
0x98: {  	s0 =	rddreg [dreg:$0x0];
	s2 =	stileid.u32  }
0x99: {  	s1 =	rddreg [dreg:$0x1];
	p0 =	sne.s32 s2, $0x0  }
0x9a: {  	s3 =	rddreg [dreg:$0x2];
	[bflag:$0x3] =	sbarrier.arrive $0xFFFF;
	s2 =	simm.s32 @!p0 $0x1C05  }
0x9b: {  	[timem:s3], [sflag:s2] =	dma.local @!p0 [hbm:s0], s1  }
0x9c: {  	s0 =	simm.s32 @!p0 $0x5  }
0x9d: {  	_ =	swait.ge @!p0 [sflag:s0], s1  }
0x9e: {  	s1 =	ssub.s32 @!p0 $0x0, s1;
	[sflag:s0] =	ssyncset.done @!p0 $0x0  }
0x9f: {  	[sflag:s0] =	ssyncadd.s32 @!p0 s1  }
0xa0: {  	[bflag:$0x3] =	sbarrier.arrive $0xFFFF  }
0xa1: {  	_ =	shalt  }

// kernel: kernel.20.cloned.1.call-start
scs
__scs_entry_jumppad:
0x0: {  	(pc) =	sbr.rel $0x88, $3  }
0x1: {  	(tag) =	ssettag $0x0;
	lr =	simm.s32 $0x1  }
0x2: {  	[smem:$0x3F8E] =	sst lr;
	_ =	strace $0xD0000000  }
0x3: {  	_ = 	snop  }
0x4: {  	_ = 	snop  }
0x5: {  	_ = 	snop  }
0x6: {  	_ = 	snop  }
0x7: {  	_ = 	snop  }
__scs_overlays_trampoline_lowered:
0x8: {  	[smem:$0x3F9D] =	sst s0  }
0x9: {  	[smem:$0x3F9E] =	sst s1  }
0xa: {  	[smem:$0x3F9F] =	sst s2  }
0xb: {  	[smem:$0x3FA0] =	sst s3  }
0xc: {  	[smem:$0x3FA1] =	sst s4  }
0xd: {  	[smem:$0x3FA2] =	sst s5  }
0xe: {  	[smem:$0x3FA3] =	sst s6  }
0xf: {  	[smem:$0x3FA4] =	sst s7  }
0x10: {  	[smem:$0x3FA5] =	sst s8  }
0x11: {  	[smem:$0x3FA6] =	sst s9;
	s0 =	simm.s32 @!p0 $0x0  }
0x12: {  	s1 =	sld [smem:$0x3F8C];
	s0 =	simm.s32 @p0 $0x1  }
0x13: {  	[smem:$0x3FA7] =	sst s0;
	s0 =	simm.s32 @!p1 $0x0  }
0x14: {  	s2 =	sld [smem:$0x3F8B];
	s0 =	simm.s32 @p1 $0x1  }
0x15: {  	[smem:$0x3FA8] =	sst s0;
	s0 =	simm.s32 @!p2 $0x0  }
0x16: {  	s3 =	sld [smem:$0x3FDB];
	s0 =	simm.s32 @p2 $0x1  }
0x17: {  	s4 =	simm.s32 $0x1BF5;
	[smem:$0x3FAA] =	sst s0  }
0x18: {  	s0 =	sld [smem:$0x3F8D];
	_ =	swait.ge [sflag:s4], $0x0  }
0x19: {  	s7 =	sld [smem:$0x3F8E]  }
0x1a: {  	s8 =	sadd.s32 $0xFFFFE003, lr  }
0x1b: {  	s9 =	sadd.s32 $0xFFFFFEF7, lr;
	s5 =	simm.s32 $0xFFFFFFFF;
	p2 =	slt.u32 s8, $0xFFFFF086  }
0x1c: {  	p1 =	slt.u32 s9, $0xF7A;
	s5 =	simm.s32 @!p2 $0x0  }
0x1d: {  	s5 =	simm.s32 @p1 $0x1;
	p0 =	seq.s32 s7, s2  }
0x1e: {  	s7 =	smul.u32 @!p0 $0xF7A, s2;
	p2 =	seq.s32 @!p0 s5, $0x0  }
0x1f: {  	s9 =	smul.u32 $0xF7A, s1;
	s8 =	simm.s32 @!p0 $0x1BF5;
	p2 =	por !p2, p0  }
0x20: {  	[sflag:s8] =	ssyncset.s32 @!p0 $0xFFFFF086;
	s6 =	sadd.s32 @!p0 s3, s7;
	s7 =	simm.s32 @!p0 $0x108  }
0x21: {  	s3 =	sadd.s32 s3, s9;
	s6 =	sadd.s32 @!p0 $0x88, s6;
	s7 =	simm.s32 @p2 $0x1082  }
0x22: {  	[simem:s7], [sflag:s8] =	dma.local @!p0 [hbm:s6], $0xF7A  }
0x23: {  	s9 =	sor.u32 $0xD0000000, s2;
	s6 =	simm.s32 $0x108;
	_ =	swait.ge @!p0 [sflag:s8], $0x0  }
0x24: {  	s3 =	sadd.s32 $0x88, s3;
	s6 =	simm.s32 @!p1 $0x1082;
	[sflag:s4] =	ssyncset.s32 $0xFFFFF086  }
0x25: {  	[simem:s6], [sflag:s4] =	dma.local [hbm:s3], $0xF7A  }
0x26: {  	[smem:$0x3F8E] =	sst s1;
	(tag) =	ssettag s2;
	_ =	strace s9  }
0x27: {  	s1 =	sld [smem:$0x3F9E]  }
0x28: {  	s2 =	sld [smem:$0x3F9F]  }
0x29: {  	s4 =	sld [smem:$0x3FA1]  }
0x2a: {  	p0 =	seq.s32 s5, $0x0;
	s5 =	sld [smem:$0x3FA2]  }
0x2b: {  	s6 =	sld [smem:$0x3FA3]  }
0x2c: {  	s7 =	sld [smem:$0x3FA4]  }
0x2d: {  	s3 =	simm.s32 $0x108;
	s8 =	sld [smem:$0x3FA5]  }
0x2e: {  	s3 =	simm.s32 @!p0 $0x1082;
	s9 =	sld [smem:$0x3FA6]  }
0x2f: {  	lr =	sadd.s32 s0, s3;
	s0 =	sld [smem:$0x3F9D]  }
0x30: {  	s3 =	sld [smem:$0x3FA0]  }
0x31: {  	[smem:$0x3FA9] =	sst s10  }
0x32: {  	s10 =	sld [smem:$0x3FA7];
	_ =	sdelay $0x3  }
0x33: {  	p0 =	seq.s32 s10, $0x1;
	s10 =	sld [smem:$0x3FA9];
	_ =	sdelay $0x3  }
0x34: {  	[smem:$0x3FA9] =	sst s10  }
0x35: {  	s10 =	sld [smem:$0x3FA8];
	_ =	sdelay $0x3  }
0x36: {  	p1 =	seq.s32 s10, $0x1;
	s10 =	sld [smem:$0x3FA9];
	_ =	sdelay $0x3  }
0x37: {  	[smem:$0x3FA9] =	sst s10  }
0x38: {  	s10 =	sld [smem:$0x3FAA]  }
0x39: {  	_ = 	snop;
	(pc) =	sbr.ind lr, $3  }
0x3a: {  	_ = 	snop  }
0x3b: {  	_ = 	snop  }
0x3c: {  	p2 =	seq.s32 s10, $0x1;
	s10 =	sld [smem:$0x3FA9]  }
0x3d: {  	_ =	shalt  }
0x3e: {  	_ =	shalt  }
0x3f: {  	_ =	shalt  }
0x40: {  	_ =	shalt  }
0x41: {  	_ =	shalt  }
0x42: {  	_ =	shalt  }
0x43: {  	_ =	shalt  }
0x44: {  	_ =	shalt  }
0x45: {  	_ =	shalt  }
0x46: {  	_ =	shalt  }
0x47: {  	_ =	shalt  }
0x48: {  	_ =	shalt  }
0x49: {  	_ =	shalt  }
0x4a: {  	_ =	shalt  }
0x4b: {  	_ =	shalt  }
0x4c: {  	_ =	shalt  }
0x4d: {  	_ =	shalt  }
0x4e: {  	_ =	shalt  }
0x4f: {  	_ =	shalt  }
0x50: {  	_ =	shalt  }
0x51: {  	_ =	shalt  }
0x52: {  	_ =	shalt  }
0x53: {  	_ =	shalt  }
0x54: {  	_ =	shalt  }
0x55: {  	_ =	shalt  }
0x56: {  	_ =	shalt  }
0x57: {  	_ =	shalt  }
0x58: {  	_ =	shalt  }
0x59: {  	_ =	shalt  }
0x5a: {  	_ =	shalt  }
0x5b: {  	_ =	shalt  }
0x5c: {  	_ =	shalt  }
0x5d: {  	_ =	shalt  }
0x5e: {  	_ =	shalt  }
0x5f: {  	_ =	shalt  }
0x60: {  	_ =	shalt  }
0x61: {  	_ =	shalt  }
0x62: {  	_ =	shalt  }
0x63: {  	_ =	shalt  }
0x64: {  	_ =	shalt  }
0x65: {  	_ =	shalt  }
0x66: {  	_ =	shalt  }
0x67: {  	_ =	shalt  }
0x68: {  	_ =	shalt  }
0x69: {  	_ =	shalt  }
0x6a: {  	_ =	shalt  }
0x6b: {  	_ =	shalt  }
0x6c: {  	_ =	shalt  }
0x6d: {  	_ =	shalt  }
0x6e: {  	_ =	shalt  }
0x6f: {  	_ =	shalt  }
0x70: {  	_ =	shalt  }
0x71: {  	_ =	shalt  }
0x72: {  	_ =	shalt  }
0x73: {  	_ =	shalt  }
0x74: {  	_ =	shalt  }
0x75: {  	_ =	shalt  }
0x76: {  	_ =	shalt  }
0x77: {  	_ =	shalt  }
0x78: {  	_ =	shalt  }
0x79: {  	_ =	shalt  }
0x7a: {  	_ =	shalt  }
0x7b: {  	_ =	shalt  }
0x7c: {  	_ =	shalt  }
0x7d: {  	_ =	shalt  }
0x7e: {  	_ =	shalt  }
0x7f: {  	_ =	shalt  }
0x80: {  	_ =	shalt  }
0x81: {  	_ =	shalt  }
0x82: {  	_ =	shalt  }
0x83: {  	_ =	shalt  }
0x84: {  	_ =	shalt  }
0x85: {  	_ =	shalt  }
0x86: {  	_ =	shalt  }
0x87: {  	_ =	shalt  }
.Lfunc_end0:
.L_simem_size_0:
called_computation.1_lowered:
.L_overlay_start_0:
0x88: {  	s2 =	sld [smem:$0x3FD9]  }
0x89: {  	s3 =	sld [smem:$0x3FFE];
	_ =	sdelay $0x1  }
0x8a: {  	s1 =	srdreg.scid  }
0x8b: {  	s0 =	sand.u32 $0x1, s1  }
0x8c: {  	s16 =	sshll.u32 s0, $0xA;
	s2 =	sadd.s32 s3, s2  }
0x8d: {  	s2 =	sadd.s32 s2, s16  }
0x8e: {  	[smem:$0x3FB5] =	sst s2  }
0x8f: {  	_ = 	snop  }
0x90: {  	(tm) =	ssettm $0x1  }
0x91: {  	s17 =	sld [smem:$0x3FFB];
	_ =	sdelay $0x3  }
0x92: {  	_ =	strace s17  }
0x93: {  	s2 =	sld [smem:$0x3FFC];
	_ =	sdelay $0x3  }
0x94: {  	_ =	strace s2  }
0x95: {  	s2 =	sld [smem:$0x3FFD];
	_ =	sdelay $0x3  }
0x96: {  	_ =	strace s2  }
0x97: {  	_ =	strace $0x8FFFFFFF  }
0x98: {  	s18 =	sld [smem:$0x3FDB];
	_ =	sdelay $0x1  }
0x99: {  	s19 =	simm.s32 $_scs_section_size  }
0x9a: {  	s4 =	simm.s32 $_size__tile_overlayer_lowered;
	s5 =	simm.s32 $_tile_overlayer_lowered  }
0x9b: {  	s22 =	simm.s32 $0x1BFF;
	s21 =	sshll.u32 s5, $0x1;
	s2 =	sadd.s32 s19, s18  }
0x9c: {  	s6 =	simm.s32 $0x0;
	s20 =	sshll.u32 s4, $0x1;
	s4 =	sadd.s32 s21, s2  }
0x9d: {  	[timem:s6], [sflag:s22] =	dma.local [hbm:s4], s20  }
0x9e: {  	_ =	swait.ge [sflag:s22], s20  }
0x9f: {  	s3 =	ssub.s32 $0x0, s20;
	[sflag:s22] =	ssyncset.done $0x0  }
0xa0: {  	[sflag:s22] =	ssyncadd.s32 s3;
	_ =	sdelay $0x1  }
0xa1: {  	s23 =	simm.s32 $0x1B8B  }
0xa2: {  	_ =	swait.ge [sflag:s23], $0x1  }
0xa3: {  	[sflag:s23] =	ssyncset.done $0x0  }
0xa4: {  	s25 =	simm.s32 $0x1B8E;
	s24 =	sld [smem:$0x3FFE];
	[sflag:s23] =	ssyncadd.s32 $0xFFFFFFFF  }
0xa5: {  	s26 =	simm.s32 $execute0_lowered;
	[smem:$0x3FD2] =	sst s25  }
0xa6: {  	s4 =	sshll.u32 s26, $0x1;
	_ =	strace $0x80000049;
	[dreg:$0x1] =	wrdreg $0xFFFFFFFF  }
0xa7: {  	s28 =	simm.s32 $_size_execute0_lowered;
	s2 =	sadd.s32 s2, s4;
	[dreg:$0x0] =	wrdreg $0x0  }
0xa8: {  	s4 =	sshll.u32 s28, $0x1;
	[dreg:$0x2] =	wrdreg s2  }
0xa9: {  	[dreg:$0x3] =	wrdreg s4  }
0xaa: {  	[dreg:$0x4] =	wrdreg $0xC0  }
0xab: {  	_ =	task [dreg:s6], $0x5FFFF  }
0xac: {  	[dreg:$0x1] =	wrdreg $0xFFFFFFFF  }
0xad: {  	[dreg:$0x0] =	wrdreg $0x60  }
0xae: {  	[dreg:$0x2] =	wrdreg s24  }
0xaf: {  	[dreg:$0x3] =	wrdreg $0x0  }
0xb0: {  	[dreg:$0x4] =	wrdreg $0x9  }
0xb1: {  	_ =	task.clear_ibuf [dreg:s6], $0x5FFFF;
	_ =	strace $0x90000049  }
0xb2: {  	s29 =	simm.s32 $0x9;
	_ =	strace $0x8000004B  }
0xb3: {  	_ =	swait.ge [sflag:s29], $0x1  }
0xb4: {  	[sflag:s29] =	ssyncadd.s32 $0xFFFFFFFF  }
0xb5: {  	_ =	strace $0x9000004B  }
0xb6: {  	_ =	sfence  }
0xb7: {  	s30 =	sld [smem:$0x0];
	_ =	sdelay $0x2  }
0xb8: {  	s31 =	sshll.u32 s1, $0xD;
	s1 =	sshrl.u32 s1, $0x2  }
0xb9: {  	s3 =	sand.u32 $0x4000, s31;
	s1 =	sadd.s32 s1, s30  }
0xba: {  	s0 =	sor.u32 s3, s0;
	s1 =	sshll.u32 s1, $0x11  }
0xbb: {  	s0 =	sor.u32 s1, s0  }
0xbc: {  	s0 =	sadd.s32 $0x8F2B, s0  }
0xbd: {  	[sflag:s0] =	ssyncadd.remote.s32 $0x1  }
0xbe: {  	_ =	sfence.sel $0xFFFF  }
0xbf: {  	[dreg:$0x0] =	wrdreg $0xFFFFFFFF;
	(pc) =	sbr.abs _section_cstart, $3  }
0xc0: {  	[dreg:$0x1] =	wrdreg $0xFFFFFFFF  }
0xc1: {  	_ =	task.clear_ibuf [dreg:s6], $0x2FFFF;
	_ =	strace $0x9FFFFFFF  }
0xc2: {  	(tm) =	ssettm $0x7FFFFFFF  }
0xc3: {  	_ =	shalt  }
tec
execute0_lowered:
.L_overlay_start_1:
0x0: {  	(tag) =	ssettag $0x1  }
0x1: {  	s4 =	rddreg [dreg:$0x0]  }
0x2: {  	s2 =	rddreg [dreg:$0x1]  }
0x3: {  	s0 =	rddreg [dreg:$0x2];
	s3 =	simm.s32 $0x0;
	s5 =	srdreg.scid  }
0x4: {  	s1 =	stileid.u32;
	s16 =	simm.s32 $0x1;
	s17 =	simm.s32 $0x50  }
0x5: {  	s18 =	simm.s32 $0x2;
	s19 =	simm.s32 $0x1CA00;
	s20 =	simm.s32 $0x0  }
0x6: {  	s5 =	sand.u32 $0x1, s5;
	s6 =	sshll.u32 s1, $0x1;
	s7 =	smul.u32 $0x13C00, s1  }
0x7: {  	[smem:$0x7FF] =	sst s3;
	s10 =	sadd.s32 $0xEFEE00, s4;
	s11 =	smul.u32 $0x4F000, s1  }
0x8: {  	s14 =	smul.u32 $0x4E200, s1;
	s29 =	sshll.u32 s1, $0x6;
	s6 =	sor.u32 s5, s6  }
0x9: {  	s8 =	smul.u32 $0x13C000, s5;
	_ =	strace $0x8000004A;
	s28 =	ssub.s32 $0x2, s5  }
0xa: {  	s15 =	smul.u32 $0x27100, s5;
	s5 =	sor.u32 $0x1C03, s29;
	s9 =	sshll.u32 s6, $0xB  }
0xb: {  	s12 =	sshrl.u32 s28, $0x1;
	s11 =	sshrl.u32 s11, $0x2;
	s13 =	smul.u32 $0x27100, s6  }
0xc: {  	s30 =	sadd.s32 s14, s10;
	s14 =	simm.s32 $0x13C00;
	s9 =	sadd.s32 s9, s4  }
0xd: {  	s8 =	sadd.s32 s7, s8;
	s7 =	sshrl.u32 s7, $0x3;
	s12 =	ssub.s32 s28, s12  }
0xe: {  	s11 =	sadd.s32 s11, s2;
	s31 =	sadd.s32 s15, s30;
	s15 =	simm.s32 $0x16400  }
0xf: {  	s8 =	sshrl.u32 s8, $0x3;
	s7 =	sadd.s32 s7, s4;
	s6 =	sadd.s32 $0xA000, s9  }
0x10: {  	s9 =	smax.u32 s12, $0x1;
	s11 =	sshrl.u32 s11, $0x3;
	s12 =	simm.s32 $0x3  }
0x11: {  	s8 =	sadd.s32 s8, s4;
	s4 =	sadd.s32 $0x51200, s7;
	s7 =	sadd.s32 s10, s13  }
0x12: {  	s10 =	sadd.s32 $0xA00, s31;
	s13 =	simm.s32 $0x18C00;
	s8 =	sadd.s32 $0x78A00, s8  }
.LBB2_1:
0x13: {  	[spmem:s11], [sflag:s5] =	dma.local [hbm:s4], $0x2780  }
0x14: {  	_ =	swait.ge [sflag:s12], $0x2780  }
0x15: {  	[sflag:s12] =	ssyncset.done $0x0  }
0x16: {  	[sflag:s12] =	ssyncadd.s32 $0xFFFFD880  }
0x17: {  	[tilespmem:s13], [sflag:$0x3] =	stream.linear.gather [hbm4b:s6+s3], $0x3E80, $0x38;
	[tilespmem:$0x1CC00] =	vst v63  }
0x18: {  	_ =	swait.ge [sflag:s12], $0x3E80  }
0x19: {  	[sflag:s12] =	ssyncset.done $0x0  }
0x1a: {  	[sflag:s12] =	ssyncadd.s32 $0xFFFFC180  }
0x1b: {  	[bflag:$0x0] =	sbarrier.arrive $0xFFFF  }
0x1c: {  	[tilespmem:s14], [sflag:$0x1] =	stream.linear.gather [hbm4b:s7+s3], $0x2800, $0x38;
	[tilespmem:$0x1CC00] =	vst v63  }
0x1d: {  	s21 =	sadd.s32 $0xFFFFFB00, s10  }
0x1e: {  	[tilespmem:s15], [sflag:$0x2] =	stream.linear.gather [hbm4b:s21+s3], $0x2800, $0x38;
	[tilespmem:$0x1CC00] =	vst v63  }
0x1f: {  	_ =	swait.ge [sflag:s16], $0x2800  }
0x20: {  	[sflag:s16] =	ssyncset.done $0x0  }
0x21: {  	s30 =	simm.s32 $0x18C00;
	[sflag:s16] =	ssyncadd.s32 $0xFFFFD800  }
0x22: {  	[spmem:s2] =	stream.indirect.scatter.add.f32 [tilespmem:s14], [sflag:$0x3], $0x80, s30, s17, $0xb8;
	[tilespmem:$0x1CC00] =	vst v63  }
0x23: {  	_ =	swait.ge [sflag:s12], $0x2800  }
0x24: {  	[sflag:s12] =	ssyncset.done $0x0  }
0x25: {  	[sflag:s12] =	ssyncadd.s32 $0xFFFFD800  }
0x26: {  	[tilespmem:s14], [sflag:$0x1] =	stream.linear.gather [hbm4b:s10+s3], $0x2800, $0x38;
	[tilespmem:$0x1CC00] =	vst v63  }
0x27: {  	_ =	swait.ge [sflag:s18], $0x2800  }
0x28: {  	[sflag:s18] =	ssyncset.done $0x0  }
0x29: {  	s31 =	simm.s32 $0x18C80;
	[sflag:s18] =	ssyncadd.s32 $0xFFFFD800  }
0x2a: {  	[spmem:s2] =	stream.indirect.scatter.add.f32 [tilespmem:s15], [sflag:$0x3], $0x80, s31, s17, $0xb8;
	[tilespmem:$0x1CC00] =	vst v63  }
0x2b: {  	s22 =	simm.s32 $0x400;
	_ =	swait.ge [sflag:s12], $0x2800  }
0x2c: {  	s23 =	simm.s32 $0x800;
	s21 =	sadd.s32 $0xA00, s10;
	[sflag:s12] =	ssyncset.done $0x0  }
.LBB2_2:
0x2d: {  	p0 =	sne.s32 s23, $0xF400;
	s24 =	sadd.s32 $0xFFFFFB00, s21;
	[sflag:s12] =	ssyncadd.s32 $0xFFFFD800  }
0x2e: {  	[tilespmem:s15], [sflag:$0x2] =	stream.linear.gather [hbm4b:s24+s3], $0x2800, $0x38;
	[tilespmem:$0x1CC00] =	vst v63  }
0x2f: {  	s24 =	smov.u32 s23;
	s23 =	sadd.s32 $0x400, s23;
	_ =	swait.ge [sflag:s16], $0x2800  }
0x30: {  	s25 =	sshra.s32 s22, $0x2;
	s22 =	smov.u32 s24;
	[sflag:s16] =	ssyncset.done $0x0  }
0x31: {  	s24 =	sadd.s32 $0x18C00, s25;
	[sflag:s16] =	ssyncadd.s32 $0xFFFFD800  }
0x32: {  	[spmem:s2] =	stream.indirect.scatter.add.f32 [tilespmem:s14], [sflag:$0x3], $0x80, s24, s17, $0xb8;
	[tilespmem:$0x1CC00] =	vst v63  }
0x33: {  	_ =	swait.ge [sflag:s12], $0x2800  }
0x34: {  	[sflag:s12] =	ssyncset.done $0x0  }
0x35: {  	[sflag:s12] =	ssyncadd.s32 $0xFFFFD800  }
0x36: {  	[tilespmem:s14], [sflag:$0x1] =	stream.linear.gather [hbm4b:s21+s3], $0x2800, $0x38;
	[tilespmem:$0x1CC00] =	vst v63  }
0x37: {  	_ =	swait.ge [sflag:s18], $0x2800  }
.Ltmp0:
0x38: {  	[sflag:s18] =	ssyncset.done $0x0;
	(pc) =	sbr.rel @p0 .LBB2_2-.Ltmp0, $4  }
0x39: {  	s24 =	sadd.s32 $0x18C80, s25;
	[sflag:s18] =	ssyncadd.s32 $0xFFFFD800  }
0x3a: {  	[spmem:s2] =	stream.indirect.scatter.add.f32 [tilespmem:s15], [sflag:$0x3], $0x80, s24, s17, $0xb8;
	[tilespmem:$0x1CC00] =	vst v63  }
0x3b: {  	_ =	swait.ge [sflag:s12], $0x2800  }
0x3c: {  	s21 =	sadd.s32 $0xA00, s21;
	[sflag:s12] =	ssyncset.done $0x0  }
0x3d: {  	s23 =	sadd.s32 $0xFFFFFB00, s21;
	[sflag:s12] =	ssyncadd.s32 $0xFFFFD800  }
0x3e: {  	[tilespmem:s15], [sflag:$0x2] =	stream.linear.gather [hbm4b:s23+s3], $0x2800, $0x38;
	[tilespmem:$0x1CC00] =	vst v63  }
0x3f: {  	_ =	swait.ge [sflag:s16], $0x2800  }
0x40: {  	s22 =	sshra.s32 s22, $0x2;
	[sflag:s16] =	ssyncset.done $0x0  }
0x41: {  	s30 =	sadd.s32 $0x18C00, s22;
	[sflag:s16] =	ssyncadd.s32 $0xFFFFD800  }
0x42: {  	[spmem:s2] =	stream.indirect.scatter.add.f32 [tilespmem:s14], [sflag:$0x3], $0x80, s30, s17, $0xb8;
	[tilespmem:$0x1CC00] =	vst v63  }
0x43: {  	_ =	swait.ge [sflag:s12], $0x2800  }
0x44: {  	[sflag:s12] =	ssyncset.done $0x0  }
0x45: {  	[sflag:s12] =	ssyncadd.s32 $0xFFFFD800  }
0x46: {  	[tilespmem:s14], [sflag:$0x1] =	stream.linear.gather [hbm4b:s21+s3], $0x2800, $0x38;
	[tilespmem:$0x1CC00] =	vst v63  }
0x47: {  	_ =	swait.ge [sflag:s18], $0x2800  }
0x48: {  	[sflag:s18] =	ssyncset.done $0x0  }
0x49: {  	s31 =	sadd.s32 $0x18C80, s22;
	[sflag:s18] =	ssyncadd.s32 $0xFFFFD800  }
0x4a: {  	[spmem:s2] =	stream.indirect.scatter.add.f32 [tilespmem:s15], [sflag:$0x3], $0x80, s31, s17, $0xb8;
	[tilespmem:$0x1CC00] =	vst v63  }
0x4b: {  	_ =	swait.ge [sflag:s12], $0x2800  }
0x4c: {  	[sflag:s12] =	ssyncset.done $0x0  }
0x4d: {  	[sflag:s12] =	ssyncadd.s32 $0xFFFFD800  }
0x4e: {  	_ =	swait.ge [sflag:s16], $0x2800  }
0x4f: {  	[sflag:s16] =	ssyncset.done $0x0  }
0x50: {  	[sflag:s16] =	ssyncadd.s32 $0xFFFFD800  }
0x51: {  	[spmem:s2] =	stream.indirect.scatter.add.f32 [tilespmem:s14], [sflag:$0x3], $0x80, s19, s17, $0xb8;
	[tilespmem:$0x1CC00] =	vst v63  }
0x52: {  	_ =	swait.ge [sflag:s12], $0x2800  }
0x53: {  	s20 =	sadd.s32 $0x1, s20;
	[sflag:s12] =	ssyncset.done $0x0  }
0x54: {  	p0 =	sne.s32 s20, s9;
	[sflag:s12] =	ssyncadd.s32 $0xFFFFD800  }
.Ltmp1:
0x55: {  	[bflag:$0x0] =	sbarrier.arrive $0xFFFF;
	(pc) =	sbr.rel @p0 .LBB2_1-.Ltmp1, $4  }
0x56: {  	[hbm:s8], [sflag:s5] =	dma.local [spmem:s11], $0x2780  }
0x57: {  	_ =	swait.ge [sflag:s12], $0x2780  }
0x58: {  	[sflag:s12] =	ssyncset.done $0x0  }
0x59: {  	[sflag:s12] =	ssyncadd.s32 $0xFFFFD880  }
0x5a: {  	_ =	sfence.sel $0x180000  }
0x5b: {  	[bflag:$0x0] =	sbarrier.arrive $0xFFFF  }
0x5c: {  	p0 =	sne.s32 s1, $0x0;
	_ =	strace $0x9000004A  }
0x5d: {  	s0 =	sadd.s32 @!p0 $0x100000, s0;
	[bflag:$0x2] =	sbarrier.arrive $0xFFFF  }
0x5e: {  	[sflag:s0] =	ssyncadd.tile.s32 @!p0 $0x1;
	_ =	shalt  }
.Lfunc_end2:
_tile_overlayer_lowered:
.L_overlay_start_2:
0x5f: {  	(tag) =	ssettag $0x2  }
0x60: {  	s0 =	rddreg [dreg:$0x0];
	s2 =	stileid.u32  }
0x61: {  	s1 =	rddreg [dreg:$0x1];
	p0 =	sne.s32 s2, $0x0  }
0x62: {  	s3 =	rddreg [dreg:$0x2];
	[bflag:$0x3] =	sbarrier.arrive $0xFFFF;
	s2 =	simm.s32 @!p0 $0x1C03  }
0x63: {  	[timem:s3], [sflag:s2] =	dma.local @!p0 [hbm:s0], s1  }
0x64: {  	s0 =	simm.s32 @!p0 $0x3  }
0x65: {  	_ =	swait.ge @!p0 [sflag:s0], s1  }
0x66: {  	s1 =	ssub.s32 @!p0 $0x0, s1;
	[sflag:s0] =	ssyncset.done @!p0 $0x0  }
0x67: {  	[sflag:s0] =	ssyncadd.s32 @!p0 s1  }
0x68: {  	[bflag:$0x3] =	sbarrier.arrive $0xFFFF  }
0x69: {  	_ =	shalt  }

// kernel: kernel.23.cloned.1.call-start
scs
__scs_entry_jumppad:
0x0: {  	(pc) =	sbr.rel $0x88, $3  }
0x1: {  	(tag) =	ssettag $0x0;
	lr =	simm.s32 $0x1  }
0x2: {  	[smem:$0x3F8E] =	sst lr;
	_ =	strace $0xD0000000  }
0x3: {  	_ = 	snop  }
0x4: {  	_ = 	snop  }
0x5: {  	_ = 	snop  }
0x6: {  	_ = 	snop  }
0x7: {  	_ = 	snop  }
__scs_overlays_trampoline_lowered:
0x8: {  	[smem:$0x3F9D] =	sst s0  }
0x9: {  	[smem:$0x3F9E] =	sst s1  }
0xa: {  	[smem:$0x3F9F] =	sst s2  }
0xb: {  	[smem:$0x3FA0] =	sst s3  }
0xc: {  	[smem:$0x3FA1] =	sst s4  }
0xd: {  	[smem:$0x3FA2] =	sst s5  }
0xe: {  	[smem:$0x3FA3] =	sst s6  }
0xf: {  	[smem:$0x3FA4] =	sst s7  }
0x10: {  	[smem:$0x3FA5] =	sst s8  }
0x11: {  	[smem:$0x3FA6] =	sst s9;
	s0 =	simm.s32 @!p0 $0x0  }
0x12: {  	s1 =	sld [smem:$0x3F8C];
	s0 =	simm.s32 @p0 $0x1  }
0x13: {  	[smem:$0x3FA7] =	sst s0;
	s0 =	simm.s32 @!p1 $0x0  }
0x14: {  	s2 =	sld [smem:$0x3F8B];
	s0 =	simm.s32 @p1 $0x1  }
0x15: {  	[smem:$0x3FA8] =	sst s0;
	s0 =	simm.s32 @!p2 $0x0  }
0x16: {  	s3 =	sld [smem:$0x3FDB];
	s0 =	simm.s32 @p2 $0x1  }
0x17: {  	s4 =	simm.s32 $0x1BF5;
	[smem:$0x3FAA] =	sst s0  }
0x18: {  	s0 =	sld [smem:$0x3F8D];
	_ =	swait.ge [sflag:s4], $0x0  }
0x19: {  	s7 =	sld [smem:$0x3F8E]  }
0x1a: {  	s8 =	sadd.s32 $0xFFFFE003, lr  }
0x1b: {  	s9 =	sadd.s32 $0xFFFFFEF7, lr;
	s5 =	simm.s32 $0xFFFFFFFF;
	p2 =	slt.u32 s8, $0xFFFFF086  }
0x1c: {  	p1 =	slt.u32 s9, $0xF7A;
	s5 =	simm.s32 @!p2 $0x0  }
0x1d: {  	s5 =	simm.s32 @p1 $0x1;
	p0 =	seq.s32 s7, s2  }
0x1e: {  	s7 =	smul.u32 @!p0 $0xF7A, s2;
	p2 =	seq.s32 @!p0 s5, $0x0  }
0x1f: {  	s9 =	smul.u32 $0xF7A, s1;
	s8 =	simm.s32 @!p0 $0x1BF5;
	p2 =	por !p2, p0  }
0x20: {  	[sflag:s8] =	ssyncset.s32 @!p0 $0xFFFFF086;
	s6 =	sadd.s32 @!p0 s3, s7;
	s7 =	simm.s32 @!p0 $0x108  }
0x21: {  	s3 =	sadd.s32 s3, s9;
	s6 =	sadd.s32 @!p0 $0x88, s6;
	s7 =	simm.s32 @p2 $0x1082  }
0x22: {  	[simem:s7], [sflag:s8] =	dma.local @!p0 [hbm:s6], $0xF7A  }
0x23: {  	s9 =	sor.u32 $0xD0000000, s2;
	s6 =	simm.s32 $0x108;
	_ =	swait.ge @!p0 [sflag:s8], $0x0  }
0x24: {  	s3 =	sadd.s32 $0x88, s3;
	s6 =	simm.s32 @!p1 $0x1082;
	[sflag:s4] =	ssyncset.s32 $0xFFFFF086  }
0x25: {  	[simem:s6], [sflag:s4] =	dma.local [hbm:s3], $0xF7A  }
0x26: {  	[smem:$0x3F8E] =	sst s1;
	(tag) =	ssettag s2;
	_ =	strace s9  }
0x27: {  	s1 =	sld [smem:$0x3F9E]  }
0x28: {  	s2 =	sld [smem:$0x3F9F]  }
0x29: {  	s4 =	sld [smem:$0x3FA1]  }
0x2a: {  	p0 =	seq.s32 s5, $0x0;
	s5 =	sld [smem:$0x3FA2]  }
0x2b: {  	s6 =	sld [smem:$0x3FA3]  }
0x2c: {  	s7 =	sld [smem:$0x3FA4]  }
0x2d: {  	s3 =	simm.s32 $0x108;
	s8 =	sld [smem:$0x3FA5]  }
0x2e: {  	s3 =	simm.s32 @!p0 $0x1082;
	s9 =	sld [smem:$0x3FA6]  }
0x2f: {  	lr =	sadd.s32 s0, s3;
	s0 =	sld [smem:$0x3F9D]  }
0x30: {  	s3 =	sld [smem:$0x3FA0]  }
0x31: {  	[smem:$0x3FA9] =	sst s10  }
0x32: {  	s10 =	sld [smem:$0x3FA7];
	_ =	sdelay $0x3  }
0x33: {  	p0 =	seq.s32 s10, $0x1;
	s10 =	sld [smem:$0x3FA9];
	_ =	sdelay $0x3  }
0x34: {  	[smem:$0x3FA9] =	sst s10  }
0x35: {  	s10 =	sld [smem:$0x3FA8];
	_ =	sdelay $0x3  }
0x36: {  	p1 =	seq.s32 s10, $0x1;
	s10 =	sld [smem:$0x3FA9];
	_ =	sdelay $0x3  }
0x37: {  	[smem:$0x3FA9] =	sst s10  }
0x38: {  	s10 =	sld [smem:$0x3FAA]  }
0x39: {  	_ = 	snop;
	(pc) =	sbr.ind lr, $3  }
0x3a: {  	_ = 	snop  }
0x3b: {  	_ = 	snop  }
0x3c: {  	p2 =	seq.s32 s10, $0x1;
	s10 =	sld [smem:$0x3FA9]  }
0x3d: {  	_ =	shalt  }
0x3e: {  	_ =	shalt  }
0x3f: {  	_ =	shalt  }
0x40: {  	_ =	shalt  }
0x41: {  	_ =	shalt  }
0x42: {  	_ =	shalt  }
0x43: {  	_ =	shalt  }
0x44: {  	_ =	shalt  }
0x45: {  	_ =	shalt  }
0x46: {  	_ =	shalt  }
0x47: {  	_ =	shalt  }
0x48: {  	_ =	shalt  }
0x49: {  	_ =	shalt  }
0x4a: {  	_ =	shalt  }
0x4b: {  	_ =	shalt  }
0x4c: {  	_ =	shalt  }
0x4d: {  	_ =	shalt  }
0x4e: {  	_ =	shalt  }
0x4f: {  	_ =	shalt  }
0x50: {  	_ =	shalt  }
0x51: {  	_ =	shalt  }
0x52: {  	_ =	shalt  }
0x53: {  	_ =	shalt  }
0x54: {  	_ =	shalt  }
0x55: {  	_ =	shalt  }
0x56: {  	_ =	shalt  }
0x57: {  	_ =	shalt  }
0x58: {  	_ =	shalt  }
0x59: {  	_ =	shalt  }
0x5a: {  	_ =	shalt  }
0x5b: {  	_ =	shalt  }
0x5c: {  	_ =	shalt  }
0x5d: {  	_ =	shalt  }
0x5e: {  	_ =	shalt  }
0x5f: {  	_ =	shalt  }
0x60: {  	_ =	shalt  }
0x61: {  	_ =	shalt  }
0x62: {  	_ =	shalt  }
0x63: {  	_ =	shalt  }
0x64: {  	_ =	shalt  }
0x65: {  	_ =	shalt  }
0x66: {  	_ =	shalt  }
0x67: {  	_ =	shalt  }
0x68: {  	_ =	shalt  }
0x69: {  	_ =	shalt  }
0x6a: {  	_ =	shalt  }
0x6b: {  	_ =	shalt  }
0x6c: {  	_ =	shalt  }
0x6d: {  	_ =	shalt  }
0x6e: {  	_ =	shalt  }
0x6f: {  	_ =	shalt  }
0x70: {  	_ =	shalt  }
0x71: {  	_ =	shalt  }
0x72: {  	_ =	shalt  }
0x73: {  	_ =	shalt  }
0x74: {  	_ =	shalt  }
0x75: {  	_ =	shalt  }
0x76: {  	_ =	shalt  }
0x77: {  	_ =	shalt  }
0x78: {  	_ =	shalt  }
0x79: {  	_ =	shalt  }
0x7a: {  	_ =	shalt  }
0x7b: {  	_ =	shalt  }
0x7c: {  	_ =	shalt  }
0x7d: {  	_ =	shalt  }
0x7e: {  	_ =	shalt  }
0x7f: {  	_ =	shalt  }
0x80: {  	_ =	shalt  }
0x81: {  	_ =	shalt  }
0x82: {  	_ =	shalt  }
0x83: {  	_ =	shalt  }
0x84: {  	_ =	shalt  }
0x85: {  	_ =	shalt  }
0x86: {  	_ =	shalt  }
0x87: {  	_ =	shalt  }
.Lfunc_end0:
.L_simem_size_0:
called_computation.2_lowered:
.L_overlay_start_0:
0x88: {  	s2 =	sld [smem:$0x3FD9]  }
0x89: {  	s3 =	sld [smem:$0x3FFE];
	_ =	sdelay $0x1  }
0x8a: {  	s1 =	srdreg.scid  }
0x8b: {  	s0 =	sand.u32 $0x1, s1  }
0x8c: {  	s16 =	sshll.u32 s0, $0xA;
	s2 =	sadd.s32 s3, s2  }
0x8d: {  	s2 =	sadd.s32 s2, s16  }
0x8e: {  	[smem:$0x3FB5] =	sst s2  }
0x8f: {  	_ = 	snop  }
0x90: {  	(tm) =	ssettm $0x1  }
0x91: {  	s17 =	sld [smem:$0x3FFB];
	_ =	sdelay $0x3  }
0x92: {  	_ =	strace s17  }
0x93: {  	s2 =	sld [smem:$0x3FFC];
	_ =	sdelay $0x3  }
0x94: {  	_ =	strace s2  }
0x95: {  	s2 =	sld [smem:$0x3FFD];
	_ =	sdelay $0x3  }
0x96: {  	_ =	strace s2  }
0x97: {  	_ =	strace $0x8FFFFFFF  }
0x98: {  	s18 =	sld [smem:$0x3FDB];
	_ =	sdelay $0x1  }
0x99: {  	s19 =	simm.s32 $_scs_section_size  }
0x9a: {  	s4 =	simm.s32 $_size__tile_overlayer_lowered;
	s5 =	simm.s32 $_tile_overlayer_lowered  }
0x9b: {  	s22 =	simm.s32 $0x1BFF;
	s21 =	sshll.u32 s5, $0x1;
	s2 =	sadd.s32 s19, s18  }
0x9c: {  	s6 =	simm.s32 $0x0;
	s20 =	sshll.u32 s4, $0x1;
	s4 =	sadd.s32 s21, s2  }
0x9d: {  	[timem:s6], [sflag:s22] =	dma.local [hbm:s4], s20  }
0x9e: {  	_ =	swait.ge [sflag:s22], s20  }
0x9f: {  	s3 =	ssub.s32 $0x0, s20;
	[sflag:s22] =	ssyncset.done $0x0  }
0xa0: {  	[sflag:s22] =	ssyncadd.s32 s3;
	_ =	sdelay $0x1  }
0xa1: {  	s23 =	simm.s32 $0x1B8B  }
0xa2: {  	_ =	swait.ge [sflag:s23], $0x1  }
0xa3: {  	[sflag:s23] =	ssyncset.done $0x0  }
0xa4: {  	s25 =	simm.s32 $0x1B8E;
	s24 =	sld [smem:$0x3FFE];
	[sflag:s23] =	ssyncadd.s32 $0xFFFFFFFF  }
0xa5: {  	s26 =	simm.s32 $execute0_lowered;
	[smem:$0x3FD2] =	sst s25  }
0xa6: {  	s4 =	sshll.u32 s26, $0x1;
	_ =	strace $0x8000004C;
	[dreg:$0x1] =	wrdreg $0xFFFFFFFF  }
0xa7: {  	s28 =	simm.s32 $_size_execute0_lowered;
	s2 =	sadd.s32 s2, s4;
	[dreg:$0x0] =	wrdreg $0x0  }
0xa8: {  	s4 =	sshll.u32 s28, $0x1;
	[dreg:$0x2] =	wrdreg s2  }
0xa9: {  	[dreg:$0x3] =	wrdreg s4  }
0xaa: {  	[dreg:$0x4] =	wrdreg $0xC0  }
0xab: {  	_ =	task [dreg:s6], $0x5FFFF  }
0xac: {  	[dreg:$0x1] =	wrdreg $0xFFFFFFFF  }
0xad: {  	[dreg:$0x0] =	wrdreg $0x60  }
0xae: {  	[dreg:$0x2] =	wrdreg s24  }
0xaf: {  	[dreg:$0x3] =	wrdreg $0x9  }
0xb0: {  	_ =	task.clear_ibuf [dreg:s6], $0x4FFFF;
	_ =	strace $0x9000004C  }
0xb1: {  	s29 =	simm.s32 $0x9;
	_ =	strace $0x8000004E  }
0xb2: {  	_ =	swait.ge [sflag:s29], $0x1  }
0xb3: {  	[sflag:s29] =	ssyncadd.s32 $0xFFFFFFFF  }
0xb4: {  	_ =	strace $0x9000004E  }
0xb5: {  	_ =	sfence  }
0xb6: {  	s30 =	sld [smem:$0x0];
	_ =	sdelay $0x2  }
0xb7: {  	s31 =	sshll.u32 s1, $0xD;
	s1 =	sshrl.u32 s1, $0x2  }
0xb8: {  	s3 =	sand.u32 $0x4000, s31;
	s1 =	sadd.s32 s1, s30  }
0xb9: {  	s0 =	sor.u32 s3, s0;
	s1 =	sshll.u32 s1, $0x11  }
0xba: {  	s0 =	sor.u32 s1, s0  }
0xbb: {  	s0 =	sadd.s32 $0x8F2B, s0  }
0xbc: {  	[sflag:s0] =	ssyncadd.remote.s32 $0x1  }
0xbd: {  	_ =	sfence.sel $0xFFFF  }
0xbe: {  	[dreg:$0x0] =	wrdreg $0xFFFFFFFF;
	(pc) =	sbr.abs _section_cstart, $3  }
0xbf: {  	[dreg:$0x1] =	wrdreg $0xFFFFFFFF  }
0xc0: {  	_ =	task.clear_ibuf [dreg:s6], $0x2FFFF;
	_ =	strace $0x9FFFFFFF  }
0xc1: {  	(tm) =	ssettm $0x7FFFFFFF  }
tec
execute0_lowered:
.L_overlay_start_1:
0x0: {  	(tag) =	ssettag $0x1  }
0x1: {  	s4 =	rddreg [dreg:$0x0]  }
0x2: {  	s0 =	rddreg [dreg:$0x1]  }
0x3: {  	s2 =	simm.s32 $0x0;
	s3 =	srdreg.scid;
	s1 =	stileid.u32  }
0x4: {  	s14 =	simm.s32 $0x8000;
	s15 =	simm.s32 $0xA800;
	s16 =	simm.s32 $0xD000  }
0x5: {  	s17 =	simm.s32 $0xF800;
	s18 =	simm.s32 $0x1;
	s19 =	simm.s32 $0x2  }
0x6: {  	s20 =	simm.s32 $0x3;
	s21 =	simm.s32 $0x4;
	s22 =	simm.s32 $0x0  }
0x7: {  	[smem:$0x7FF] =	sst s2;
	s7 =	sand.u32 $0x1, s3;
	s5 =	sshll.u32 s1, $0x1  }
0x8: {  	s3 =	sadd.s32 $0x2A000, s4;
	s9 =	sadd.s32 $0xC8200, s4;
	s11 =	sadd.s32 $0xEFEE00, s4  }
0x9: {  	s12 =	smul.u32 $0x4E200, s1;
	_ =	strace $0x8000004D;
	s5 =	sor.u32 s7, s5  }
0xa: {  	s8 =	ssub.s32 $0x2, s7;
	s6 =	sshll.u32 s5, $0xB;
	s5 =	smul.u32 $0x138800, s5  }
0xb: {  	s13 =	smul.u32 $0x27100, s7;
	s10 =	sshrl.u32 s8, $0x1;
	s31 =	sadd.s32 s12, s11  }
0xc: {  	s6 =	sadd.s32 s6, s4;
	s8 =	ssub.s32 s8, s10;
	s5 =	sshrl.u32 s5, $0x3  }
0xd: {  	s10 =	sadd.s32 s13, s31;
	s4 =	sadd.s32 $0x1A000, s6;
	s30 =	sadd.s32 $0x26C00, s5  }
0xe: {  	s8 =	smax.u32 s8, $0x1;
	s5 =	sadd.s32 $0xA000, s6;
	s6 =	sadd.s32 s9, s30  }
0xf: {  	s7 =	sadd.s32 s11, s30;
	s9 =	sadd.s32 s12, s9;
	s11 =	simm.s32 $0x5  }
0x10: {  	s12 =	simm.s32 $0x4000;
	s9 =	sadd.s32 s13, s9;
	s13 =	simm.s32 $0x50  }
.LBB2_1:
0x11: {  	[tilespmem:s2], [sflag:$0x5] =	stream.linear.gather [hbm4b:s4+s2], $0x3E80, $0x38;
	[tilespmem:$0x12000] =	vst v63  }
0x12: {  	_ =	swait.ge [sflag:s11], $0x3E80  }
0x13: {  	[sflag:s11] =	ssyncset.done $0x0  }
0x14: {  	[sflag:s11] =	ssyncadd.s32 $0xFFFFC180  }
0x15: {  	[tilespmem:s12], [sflag:$0x5] =	stream.linear.gather [hbm4b:s5+s2], $0x3E80, $0x38;
	[tilespmem:$0x12000] =	vst v63  }
0x16: {  	_ =	swait.ge [sflag:s11], $0x3E80  }
0x17: {  	[sflag:s11] =	ssyncset.done $0x0  }
0x18: {  	[sflag:s11] =	ssyncadd.s32 $0xFFFFC180  }
0x19: {  	[tilespmem:s14], [sflag:$0x1] =	stream.indirect.gather [hbm4b:s3+s13], $0x80, s2, s13, $0xb8;
	[tilespmem:$0x12000] =	vst v63  }
0x1a: {  	_ = 	snop  }
0x1b: {  	[tilespmem:s15], [sflag:$0x2] =	stream.indirect.gather [hbm4b:s3+s13], $0x80, s12, s13, $0xb8;
	[tilespmem:$0x12000] =	vst v63  }
0x1c: {  	s23 =	simm.s32 $0x80  }
0x1d: {  	[tilespmem:s16], [sflag:$0x3] =	stream.indirect.gather [hbm4b:s3+s13], $0x80, s23, s13, $0xb8;
	[tilespmem:$0x12000] =	vst v63  }
0x1e: {  	s25 =	simm.s32 $0x4080  }
0x1f: {  	[tilespmem:s17], [sflag:$0x4] =	stream.indirect.gather [hbm4b:s3+s13], $0x80, s25, s13, $0xb8;
	[tilespmem:$0x12000] =	vst v63  }
0x20: {  	_ =	swait.ge [sflag:s18], $0x2800  }
0x21: {  	[sflag:s18] =	ssyncset.done $0x0  }
0x22: {  	[sflag:s18] =	ssyncadd.s32 $0xFFFFD800  }
0x23: {  	_ =	swait.ge [sflag:s19], $0x2800  }
0x24: {  	[sflag:s19] =	ssyncset.done $0x0  }
0x25: {  	[sflag:s19] =	ssyncadd.s32 $0xFFFFD800  }
0x26: {  	[hbm4b:s9+s2] =	stream.linear.scatter [tilespmem:s14], [sflag:$0x5], $0x2800, $0x38;
	[tilespmem:$0x12000] =	vst v63  }
0x27: {  	_ =	swait.ge [sflag:s11], $0x2800  }
0x28: {  	[sflag:s11] =	ssyncset.done $0x0  }
0x29: {  	[sflag:s11] =	ssyncadd.s32 $0xFFFFD800  }
0x2a: {  	[hbm4b:s10+s2] =	stream.linear.scatter [tilespmem:s15], [sflag:$0x5], $0x2800, $0x38;
	[tilespmem:$0x12000] =	vst v63  }
0x2b: {  	_ =	swait.ge [sflag:s11], $0x2800  }
0x2c: {  	[sflag:s11] =	ssyncset.done $0x0  }
0x2d: {  	s26 =	simm.s32 $0x100;
	[sflag:s11] =	ssyncadd.s32 $0xFFFFD800  }
0x2e: {  	[tilespmem:s14], [sflag:$0x1] =	stream.indirect.gather [hbm4b:s3+s13], $0x80, s26, s13, $0xb8;
	[tilespmem:$0x12000] =	vst v63  }
0x2f: {  	s28 =	simm.s32 $0x4100  }
0x30: {  	[tilespmem:s15], [sflag:$0x2] =	stream.indirect.gather [hbm4b:s3+s13], $0x80, s28, s13, $0xb8;
	[tilespmem:$0x12000] =	vst v63  }
0x31: {  	_ =	swait.ge [sflag:s20], $0x2800  }
0x32: {  	[sflag:s20] =	ssyncset.done $0x0  }
0x33: {  	[sflag:s20] =	ssyncadd.s32 $0xFFFFD800  }
0x34: {  	_ =	swait.ge [sflag:s21], $0x2800  }
0x35: {  	[sflag:s21] =	ssyncset.done $0x0  }
0x36: {  	s30 =	sadd.s32 $0x500, s9;
	[sflag:s21] =	ssyncadd.s32 $0xFFFFD800  }
0x37: {  	[hbm4b:s30+s2] =	stream.linear.scatter [tilespmem:s16], [sflag:$0x5], $0x2800, $0x38;
	[tilespmem:$0x12000] =	vst v63  }
0x38: {  	_ =	swait.ge [sflag:s11], $0x2800  }
0x39: {  	[sflag:s11] =	ssyncset.done $0x0  }
0x3a: {  	s31 =	sadd.s32 $0x500, s10;
	[sflag:s11] =	ssyncadd.s32 $0xFFFFD800  }
0x3b: {  	[hbm4b:s31+s2] =	stream.linear.scatter [tilespmem:s17], [sflag:$0x5], $0x2800, $0x38;
	[tilespmem:$0x12000] =	vst v63  }
0x3c: {  	s29 =	simm.s32 $0x800;
	s24 =	sadd.s32 $0xA00, s9;
	_ =	swait.ge [sflag:s11], $0x2800  }
0x3d: {  	s23 =	sadd.s32 $0xA00, s10;
	s25 =	simm.s32 $0x100;
	[sflag:s11] =	ssyncset.done $0x0  }
.LBB2_2:
0x3e: {  	s30 =	sadd.s32 $0x80, s25  }
0x3f: {  	[sflag:s11] =	ssyncadd.s32 $0xFFFFD800;
	s28 =	smov.u32 s29;
	s26 =	sadd.s32 $0x400, s29  }
0x40: {  	[tilespmem:s16], [sflag:$0x3] =	stream.indirect.gather [hbm4b:s3+s13], $0x80, s30, s13, $0xb8;
	[tilespmem:$0x12000] =	vst v63  }
0x41: {  	p0 =	sne.s32 s29, $0xF400;
	s29 =	sadd.s32 $0x4080, s25  }
0x42: {  	[tilespmem:s17], [sflag:$0x4] =	stream.indirect.gather [hbm4b:s3+s13], $0x80, s29, s13, $0xb8;
	[tilespmem:$0x12000] =	vst v63  }
0x43: {  	_ =	swait.ge [sflag:s18], $0x2800  }
0x44: {  	[sflag:s18] =	ssyncset.done $0x0  }
0x45: {  	[sflag:s18] =	ssyncadd.s32 $0xFFFFD800  }
0x46: {  	_ =	swait.ge [sflag:s19], $0x2800  }
0x47: {  	[sflag:s19] =	ssyncset.done $0x0  }
0x48: {  	[sflag:s19] =	ssyncadd.s32 $0xFFFFD800  }
0x49: {  	[hbm4b:s24+s2] =	stream.linear.scatter [tilespmem:s14], [sflag:$0x5], $0x2800, $0x38;
	[tilespmem:$0x12000] =	vst v63  }
0x4a: {  	_ =	swait.ge [sflag:s11], $0x2800  }
0x4b: {  	[sflag:s11] =	ssyncset.done $0x0  }
0x4c: {  	[sflag:s11] =	ssyncadd.s32 $0xFFFFD800  }
0x4d: {  	[hbm4b:s23+s2] =	stream.linear.scatter [tilespmem:s15], [sflag:$0x5], $0x2800, $0x38;
	[tilespmem:$0x12000] =	vst v63  }
0x4e: {  	_ =	swait.ge [sflag:s11], $0x2800  }
0x4f: {  	[sflag:s11] =	ssyncset.done $0x0  }
0x50: {  	s29 =	sadd.s32 $0x100, s25;
	[sflag:s11] =	ssyncadd.s32 $0xFFFFD800  }
0x51: {  	[tilespmem:s14], [sflag:$0x1] =	stream.indirect.gather [hbm4b:s3+s13], $0x80, s29, s13, $0xb8;
	[tilespmem:$0x12000] =	vst v63  }
0x52: {  	s25 =	sadd.s32 $0x4100, s25  }
0x53: {  	[tilespmem:s15], [sflag:$0x2] =	stream.indirect.gather [hbm4b:s3+s13], $0x80, s25, s13, $0xb8;
	[tilespmem:$0x12000] =	vst v63  }
0x54: {  	_ =	swait.ge [sflag:s20], $0x2800  }
0x55: {  	[sflag:s20] =	ssyncset.done $0x0  }
0x56: {  	[sflag:s20] =	ssyncadd.s32 $0xFFFFD800  }
0x57: {  	_ =	swait.ge [sflag:s21], $0x2800  }
0x58: {  	[sflag:s21] =	ssyncset.done $0x0  }
0x59: {  	s25 =	sadd.s32 $0x500, s24;
	[sflag:s21] =	ssyncadd.s32 $0xFFFFD800  }
0x5a: {  	[hbm4b:s25+s2] =	stream.linear.scatter [tilespmem:s16], [sflag:$0x5], $0x2800, $0x38;
	[tilespmem:$0x12000] =	vst v63  }
0x5b: {  	_ =	swait.ge [sflag:s11], $0x2800  }
.Ltmp0:
0x5c: {  	[sflag:s11] =	ssyncset.done $0x0;
	(pc) =	sbr.rel @p0 .LBB2_2-.Ltmp0, $4  }
0x5d: {  	s25 =	sadd.s32 $0x500, s23;
	[sflag:s11] =	ssyncadd.s32 $0xFFFFD800  }
0x5e: {  	[hbm4b:s25+s2] =	stream.linear.scatter [tilespmem:s17], [sflag:$0x5], $0x2800, $0x38;
	[tilespmem:$0x12000] =	vst v63  }
0x5f: {  	s29 =	smov.u32 s26;
	s23 =	sadd.s32 $0xA00, s23;
	_ =	swait.ge [sflag:s11], $0x2800  }
0x60: {  	s24 =	sadd.s32 $0xA00, s24;
	s25 =	sshra.s32 s28, $0x2;
	[sflag:s11] =	ssyncset.done $0x0  }
0x61: {  	s26 =	sadd.s32 $0x80, s25;
	[sflag:s11] =	ssyncadd.s32 $0xFFFFD800  }
0x62: {  	[tilespmem:s16], [sflag:$0x3] =	stream.indirect.gather [hbm4b:s3+s13], $0x80, s26, s13, $0xb8;
	[tilespmem:$0x12000] =	vst v63  }
0x63: {  	s31 =	sadd.s32 $0x4080, s25  }
0x64: {  	[tilespmem:s17], [sflag:$0x4] =	stream.indirect.gather [hbm4b:s3+s13], $0x80, s31, s13, $0xb8;
	[tilespmem:$0x12000] =	vst v63  }
0x65: {  	_ =	swait.ge [sflag:s18], $0x2800  }
0x66: {  	[sflag:s18] =	ssyncset.done $0x0  }
0x67: {  	[sflag:s18] =	ssyncadd.s32 $0xFFFFD800  }
0x68: {  	_ =	swait.ge [sflag:s19], $0x2800  }
0x69: {  	[sflag:s19] =	ssyncset.done $0x0  }
0x6a: {  	[sflag:s19] =	ssyncadd.s32 $0xFFFFD800  }
0x6b: {  	[hbm4b:s24+s2] =	stream.linear.scatter [tilespmem:s14], [sflag:$0x5], $0x2800, $0x38;
	[tilespmem:$0x12000] =	vst v63  }
0x6c: {  	_ =	swait.ge [sflag:s11], $0x2800  }
0x6d: {  	[sflag:s11] =	ssyncset.done $0x0  }
0x6e: {  	[sflag:s11] =	ssyncadd.s32 $0xFFFFD800  }
0x6f: {  	[hbm4b:s23+s2] =	stream.linear.scatter [tilespmem:s15], [sflag:$0x5], $0x2800, $0x38;
	[tilespmem:$0x12000] =	vst v63  }
0x70: {  	_ =	swait.ge [sflag:s11], $0x2800  }
0x71: {  	[sflag:s11] =	ssyncset.done $0x0  }
0x72: {  	s28 =	sadd.s32 $0x100, s25;
	[sflag:s11] =	ssyncadd.s32 $0xFFFFD800  }
0x73: {  	[tilespmem:s14], [sflag:$0x1] =	stream.indirect.gather [hbm4b:s3+s13], $0x80, s28, s13, $0xb8;
	[tilespmem:$0x12000] =	vst v63  }
0x74: {  	s29 =	sadd.s32 $0x4100, s25  }
0x75: {  	[tilespmem:s15], [sflag:$0x2] =	stream.indirect.gather [hbm4b:s3+s13], $0x80, s29, s13, $0xb8;
	[tilespmem:$0x12000] =	vst v63  }
0x76: {  	_ =	swait.ge [sflag:s20], $0x2800  }
0x77: {  	[sflag:s20] =	ssyncset.done $0x0  }
0x78: {  	[sflag:s20] =	ssyncadd.s32 $0xFFFFD800  }
0x79: {  	_ =	swait.ge [sflag:s21], $0x2800  }
0x7a: {  	[sflag:s21] =	ssyncset.done $0x0  }
0x7b: {  	s30 =	sadd.s32 $0x500, s24;
	[sflag:s21] =	ssyncadd.s32 $0xFFFFD800  }
0x7c: {  	[hbm4b:s30+s2] =	stream.linear.scatter [tilespmem:s16], [sflag:$0x5], $0x2800, $0x38;
	[tilespmem:$0x12000] =	vst v63  }
0x7d: {  	_ =	swait.ge [sflag:s11], $0x2800  }
0x7e: {  	[sflag:s11] =	ssyncset.done $0x0  }
0x7f: {  	s31 =	sadd.s32 $0x500, s23;
	[sflag:s11] =	ssyncadd.s32 $0xFFFFD800  }
0x80: {  	[hbm4b:s31+s2] =	stream.linear.scatter [tilespmem:s17], [sflag:$0x5], $0x2800, $0x38;
	[tilespmem:$0x12000] =	vst v63  }
0x81: {  	_ =	swait.ge [sflag:s11], $0x2800  }
0x82: {  	[sflag:s11] =	ssyncset.done $0x0  }
0x83: {  	[sflag:s11] =	ssyncadd.s32 $0xFFFFD800  }
0x84: {  	_ =	swait.ge [sflag:s18], $0x2800  }
0x85: {  	[sflag:s18] =	ssyncset.done $0x0  }
0x86: {  	[sflag:s18] =	ssyncadd.s32 $0xFFFFD800  }
0x87: {  	_ =	swait.ge [sflag:s19], $0x2800  }
0x88: {  	[sflag:s19] =	ssyncset.done $0x0  }
0x89: {  	[sflag:s19] =	ssyncadd.s32 $0xFFFFD800  }
0x8a: {  	[hbm4b:s6+s2] =	stream.linear.scatter [tilespmem:s14], [sflag:$0x5], $0x2800, $0x38;
	[tilespmem:$0x12000] =	vst v63  }
0x8b: {  	s22 =	sadd.s32 $0x1, s22;
	_ =	swait.ge [sflag:s11], $0x2800  }
0x8c: {  	p0 =	sne.s32 s22, s8;
	[sflag:s11] =	ssyncset.done $0x0  }
.Ltmp1:
0x8d: {  	[sflag:s11] =	ssyncadd.s32 $0xFFFFD800;
	(pc) =	sbr.rel @p0 .LBB2_1-.Ltmp1, $4  }
0x8e: {  	[hbm4b:s7+s2] =	stream.linear.scatter [tilespmem:s15], [sflag:$0x5], $0x2800, $0x38;
	[tilespmem:$0x12000] =	vst v63  }
0x8f: {  	_ =	swait.ge [sflag:s11], $0x2800  }
0x90: {  	[sflag:s11] =	ssyncset.done $0x0  }
0x91: {  	[sflag:s11] =	ssyncadd.s32 $0xFFFFD800  }
0x92: {  	_ =	sfence.sel $0x180000  }
0x93: {  	[bflag:$0x0] =	sbarrier.arrive $0xFFFF  }
0x94: {  	p0 =	sne.s32 s1, $0x0;
	_ =	strace $0x9000004D  }
0x95: {  	s0 =	sadd.s32 @!p0 $0x100000, s0;
	[bflag:$0x2] =	sbarrier.arrive $0xFFFF  }
0x96: {  	[sflag:s0] =	ssyncadd.tile.s32 @!p0 $0x1;
	_ =	shalt  }
.Lfunc_end2:
_tile_overlayer_lowered:
.L_overlay_start_2:
0x97: {  	(tag) =	ssettag $0x2  }
0x98: {  	s0 =	rddreg [dreg:$0x0];
	s2 =	stileid.u32  }
0x99: {  	s1 =	rddreg [dreg:$0x1];
	p0 =	sne.s32 s2, $0x0  }
0x9a: {  	s3 =	rddreg [dreg:$0x2];
	[bflag:$0x3] =	sbarrier.arrive $0xFFFF;
	s2 =	simm.s32 @!p0 $0x1C05  }
0x9b: {  	[timem:s3], [sflag:s2] =	dma.local @!p0 [hbm:s0], s1  }
0x9c: {  	s0 =	simm.s32 @!p0 $0x5  }
0x9d: {  	_ =	swait.ge @!p0 [sflag:s0], s1  }
0x9e: {  	s1 =	ssub.s32 @!p0 $0x0, s1;
	[sflag:s0] =	ssyncset.done @!p0 $0x0  }
0x9f: {  	[sflag:s0] =	ssyncadd.s32 @!p0 s1  }
0xa0: {  	[bflag:$0x3] =	sbarrier.arrive $0xFFFF  }
0xa1: {  	_ =	shalt  }

// kernel: kernel.26.cloned.1.call-start
scs
__scs_entry_jumppad:
0x0: {  	(pc) =	sbr.rel $0x88, $3  }
0x1: {  	(tag) =	ssettag $0x0;
	lr =	simm.s32 $0x1  }
0x2: {  	[smem:$0x3F8E] =	sst lr;
	_ =	strace $0xD0000000  }
0x3: {  	_ = 	snop  }
0x4: {  	_ = 	snop  }
0x5: {  	_ = 	snop  }
0x6: {  	_ = 	snop  }
0x7: {  	_ = 	snop  }
__scs_overlays_trampoline_lowered:
0x8: {  	[smem:$0x3F9D] =	sst s0  }
0x9: {  	[smem:$0x3F9E] =	sst s1  }
0xa: {  	[smem:$0x3F9F] =	sst s2  }
0xb: {  	[smem:$0x3FA0] =	sst s3  }
0xc: {  	[smem:$0x3FA1] =	sst s4  }
0xd: {  	[smem:$0x3FA2] =	sst s5  }
0xe: {  	[smem:$0x3FA3] =	sst s6  }
0xf: {  	[smem:$0x3FA4] =	sst s7  }
0x10: {  	[smem:$0x3FA5] =	sst s8  }
0x11: {  	[smem:$0x3FA6] =	sst s9;
	s0 =	simm.s32 @!p0 $0x0  }
0x12: {  	s1 =	sld [smem:$0x3F8C];
	s0 =	simm.s32 @p0 $0x1  }
0x13: {  	[smem:$0x3FA7] =	sst s0;
	s0 =	simm.s32 @!p1 $0x0  }
0x14: {  	s2 =	sld [smem:$0x3F8B];
	s0 =	simm.s32 @p1 $0x1  }
0x15: {  	[smem:$0x3FA8] =	sst s0;
	s0 =	simm.s32 @!p2 $0x0  }
0x16: {  	s3 =	sld [smem:$0x3FDB];
	s0 =	simm.s32 @p2 $0x1  }
0x17: {  	s4 =	simm.s32 $0x1BF5;
	[smem:$0x3FAA] =	sst s0  }
0x18: {  	s0 =	sld [smem:$0x3F8D];
	_ =	swait.ge [sflag:s4], $0x0  }
0x19: {  	s7 =	sld [smem:$0x3F8E]  }
0x1a: {  	s8 =	sadd.s32 $0xFFFFE003, lr  }
0x1b: {  	s9 =	sadd.s32 $0xFFFFFEF7, lr;
	s5 =	simm.s32 $0xFFFFFFFF;
	p2 =	slt.u32 s8, $0xFFFFF086  }
0x1c: {  	p1 =	slt.u32 s9, $0xF7A;
	s5 =	simm.s32 @!p2 $0x0  }
0x1d: {  	s5 =	simm.s32 @p1 $0x1;
	p0 =	seq.s32 s7, s2  }
0x1e: {  	s7 =	smul.u32 @!p0 $0xF7A, s2;
	p2 =	seq.s32 @!p0 s5, $0x0  }
0x1f: {  	s9 =	smul.u32 $0xF7A, s1;
	s8 =	simm.s32 @!p0 $0x1BF5;
	p2 =	por !p2, p0  }
0x20: {  	[sflag:s8] =	ssyncset.s32 @!p0 $0xFFFFF086;
	s6 =	sadd.s32 @!p0 s3, s7;
	s7 =	simm.s32 @!p0 $0x108  }
0x21: {  	s3 =	sadd.s32 s3, s9;
	s6 =	sadd.s32 @!p0 $0x88, s6;
	s7 =	simm.s32 @p2 $0x1082  }
0x22: {  	[simem:s7], [sflag:s8] =	dma.local @!p0 [hbm:s6], $0xF7A  }
0x23: {  	s9 =	sor.u32 $0xD0000000, s2;
	s6 =	simm.s32 $0x108;
	_ =	swait.ge @!p0 [sflag:s8], $0x0  }
0x24: {  	s3 =	sadd.s32 $0x88, s3;
	s6 =	simm.s32 @!p1 $0x1082;
	[sflag:s4] =	ssyncset.s32 $0xFFFFF086  }
0x25: {  	[simem:s6], [sflag:s4] =	dma.local [hbm:s3], $0xF7A  }
0x26: {  	[smem:$0x3F8E] =	sst s1;
	(tag) =	ssettag s2;
	_ =	strace s9  }
0x27: {  	s1 =	sld [smem:$0x3F9E]  }
0x28: {  	s2 =	sld [smem:$0x3F9F]  }
0x29: {  	s4 =	sld [smem:$0x3FA1]  }
0x2a: {  	p0 =	seq.s32 s5, $0x0;
	s5 =	sld [smem:$0x3FA2]  }
0x2b: {  	s6 =	sld [smem:$0x3FA3]  }
0x2c: {  	s7 =	sld [smem:$0x3FA4]  }
0x2d: {  	s3 =	simm.s32 $0x108;
	s8 =	sld [smem:$0x3FA5]  }
0x2e: {  	s3 =	simm.s32 @!p0 $0x1082;
	s9 =	sld [smem:$0x3FA6]  }
0x2f: {  	lr =	sadd.s32 s0, s3;
	s0 =	sld [smem:$0x3F9D]  }
0x30: {  	s3 =	sld [smem:$0x3FA0]  }
0x31: {  	[smem:$0x3FA9] =	sst s10  }
0x32: {  	s10 =	sld [smem:$0x3FA7];
	_ =	sdelay $0x3  }
0x33: {  	p0 =	seq.s32 s10, $0x1;
	s10 =	sld [smem:$0x3FA9];
	_ =	sdelay $0x3  }
0x34: {  	[smem:$0x3FA9] =	sst s10  }
0x35: {  	s10 =	sld [smem:$0x3FA8];
	_ =	sdelay $0x3  }
0x36: {  	p1 =	seq.s32 s10, $0x1;
	s10 =	sld [smem:$0x3FA9];
	_ =	sdelay $0x3  }
0x37: {  	[smem:$0x3FA9] =	sst s10  }
0x38: {  	s10 =	sld [smem:$0x3FAA]  }
0x39: {  	_ = 	snop;
	(pc) =	sbr.ind lr, $3  }
0x3a: {  	_ = 	snop  }
0x3b: {  	_ = 	snop  }
0x3c: {  	p2 =	seq.s32 s10, $0x1;
	s10 =	sld [smem:$0x3FA9]  }
0x3d: {  	_ =	shalt  }
0x3e: {  	_ =	shalt  }
0x3f: {  	_ =	shalt  }
0x40: {  	_ =	shalt  }
0x41: {  	_ =	shalt  }
0x42: {  	_ =	shalt  }
0x43: {  	_ =	shalt  }
0x44: {  	_ =	shalt  }
0x45: {  	_ =	shalt  }
0x46: {  	_ =	shalt  }
0x47: {  	_ =	shalt  }
0x48: {  	_ =	shalt  }
0x49: {  	_ =	shalt  }
0x4a: {  	_ =	shalt  }
0x4b: {  	_ =	shalt  }
0x4c: {  	_ =	shalt  }
0x4d: {  	_ =	shalt  }
0x4e: {  	_ =	shalt  }
0x4f: {  	_ =	shalt  }
0x50: {  	_ =	shalt  }
0x51: {  	_ =	shalt  }
0x52: {  	_ =	shalt  }
0x53: {  	_ =	shalt  }
0x54: {  	_ =	shalt  }
0x55: {  	_ =	shalt  }
0x56: {  	_ =	shalt  }
0x57: {  	_ =	shalt  }
0x58: {  	_ =	shalt  }
0x59: {  	_ =	shalt  }
0x5a: {  	_ =	shalt  }
0x5b: {  	_ =	shalt  }
0x5c: {  	_ =	shalt  }
0x5d: {  	_ =	shalt  }
0x5e: {  	_ =	shalt  }
0x5f: {  	_ =	shalt  }
0x60: {  	_ =	shalt  }
0x61: {  	_ =	shalt  }
0x62: {  	_ =	shalt  }
0x63: {  	_ =	shalt  }
0x64: {  	_ =	shalt  }
0x65: {  	_ =	shalt  }
0x66: {  	_ =	shalt  }
0x67: {  	_ =	shalt  }
0x68: {  	_ =	shalt  }
0x69: {  	_ =	shalt  }
0x6a: {  	_ =	shalt  }
0x6b: {  	_ =	shalt  }
0x6c: {  	_ =	shalt  }
0x6d: {  	_ =	shalt  }
0x6e: {  	_ =	shalt  }
0x6f: {  	_ =	shalt  }
0x70: {  	_ =	shalt  }
0x71: {  	_ =	shalt  }
0x72: {  	_ =	shalt  }
0x73: {  	_ =	shalt  }
0x74: {  	_ =	shalt  }
0x75: {  	_ =	shalt  }
0x76: {  	_ =	shalt  }
0x77: {  	_ =	shalt  }
0x78: {  	_ =	shalt  }
0x79: {  	_ =	shalt  }
0x7a: {  	_ =	shalt  }
0x7b: {  	_ =	shalt  }
0x7c: {  	_ =	shalt  }
0x7d: {  	_ =	shalt  }
0x7e: {  	_ =	shalt  }
0x7f: {  	_ =	shalt  }
0x80: {  	_ =	shalt  }
0x81: {  	_ =	shalt  }
0x82: {  	_ =	shalt  }
0x83: {  	_ =	shalt  }
0x84: {  	_ =	shalt  }
0x85: {  	_ =	shalt  }
0x86: {  	_ =	shalt  }
0x87: {  	_ =	shalt  }
.Lfunc_end0:
.L_simem_size_0:
called_computation.3_lowered:
.L_overlay_start_0:
0x88: {  	s2 =	sld [smem:$0x3FD9]  }
0x89: {  	s3 =	sld [smem:$0x3FFE];
	_ =	sdelay $0x1  }
0x8a: {  	s1 =	srdreg.scid  }
0x8b: {  	s0 =	sand.u32 $0x1, s1  }
0x8c: {  	s16 =	sshll.u32 s0, $0xA;
	s2 =	sadd.s32 s3, s2  }
0x8d: {  	s2 =	sadd.s32 s2, s16  }
0x8e: {  	[smem:$0x3FB5] =	sst s2  }
0x8f: {  	_ = 	snop  }
0x90: {  	(tm) =	ssettm $0x1  }
0x91: {  	s17 =	sld [smem:$0x3FFB];
	_ =	sdelay $0x3  }
0x92: {  	_ =	strace s17  }
0x93: {  	s2 =	sld [smem:$0x3FFC];
	_ =	sdelay $0x3  }
0x94: {  	_ =	strace s2  }
0x95: {  	s2 =	sld [smem:$0x3FFD];
	_ =	sdelay $0x3  }
0x96: {  	_ =	strace s2  }
0x97: {  	_ =	strace $0x8FFFFFFF  }
0x98: {  	s18 =	sld [smem:$0x3FDB];
	_ =	sdelay $0x1  }
0x99: {  	s19 =	simm.s32 $_scs_section_size  }
0x9a: {  	s4 =	simm.s32 $_size__tile_overlayer_lowered;
	s5 =	simm.s32 $_tile_overlayer_lowered  }
0x9b: {  	s22 =	simm.s32 $0x1BFF;
	s21 =	sshll.u32 s5, $0x1;
	s2 =	sadd.s32 s19, s18  }
0x9c: {  	s6 =	simm.s32 $0x0;
	s20 =	sshll.u32 s4, $0x1;
	s4 =	sadd.s32 s21, s2  }
0x9d: {  	[timem:s6], [sflag:s22] =	dma.local [hbm:s4], s20  }
0x9e: {  	_ =	swait.ge [sflag:s22], s20  }
0x9f: {  	s3 =	ssub.s32 $0x0, s20;
	[sflag:s22] =	ssyncset.done $0x0  }
0xa0: {  	[sflag:s22] =	ssyncadd.s32 s3;
	_ =	sdelay $0x1  }
0xa1: {  	s23 =	simm.s32 $0x1B8B  }
0xa2: {  	_ =	swait.ge [sflag:s23], $0x1  }
0xa3: {  	[sflag:s23] =	ssyncset.done $0x0  }
0xa4: {  	s25 =	simm.s32 $0x1B8E;
	s24 =	sld [smem:$0x3FFE];
	[sflag:s23] =	ssyncadd.s32 $0xFFFFFFFF  }
0xa5: {  	s26 =	simm.s32 $execute0_lowered;
	[smem:$0x3FD2] =	sst s25  }
0xa6: {  	s4 =	sshll.u32 s26, $0x1;
	_ =	strace $0x8000004F;
	[dreg:$0x1] =	wrdreg $0xFFFFFFFF  }
0xa7: {  	s28 =	simm.s32 $_size_execute0_lowered;
	s2 =	sadd.s32 s2, s4;
	[dreg:$0x0] =	wrdreg $0x0  }
0xa8: {  	s4 =	sshll.u32 s28, $0x1;
	[dreg:$0x2] =	wrdreg s2  }
0xa9: {  	[dreg:$0x3] =	wrdreg s4  }
0xaa: {  	[dreg:$0x4] =	wrdreg $0xC0  }
0xab: {  	_ =	task [dreg:s6], $0x5FFFF  }
0xac: {  	[dreg:$0x1] =	wrdreg $0xFFFFFFFF  }
0xad: {  	[dreg:$0x0] =	wrdreg $0x60  }
0xae: {  	[dreg:$0x2] =	wrdreg s24  }
0xaf: {  	[dreg:$0x3] =	wrdreg $0x0  }
0xb0: {  	[dreg:$0x4] =	wrdreg $0x9  }
0xb1: {  	_ =	task.clear_ibuf [dreg:s6], $0x5FFFF;
	_ =	strace $0x9000004F  }
0xb2: {  	s29 =	simm.s32 $0x9;
	_ =	strace $0x80000051  }
0xb3: {  	_ =	swait.ge [sflag:s29], $0x1  }
0xb4: {  	[sflag:s29] =	ssyncadd.s32 $0xFFFFFFFF  }
0xb5: {  	_ =	strace $0x90000051  }
0xb6: {  	_ =	sfence  }
0xb7: {  	s30 =	sld [smem:$0x0];
	_ =	sdelay $0x2  }
0xb8: {  	s31 =	sshll.u32 s1, $0xD;
	s1 =	sshrl.u32 s1, $0x2  }
0xb9: {  	s3 =	sand.u32 $0x4000, s31;
	s1 =	sadd.s32 s1, s30  }
0xba: {  	s0 =	sor.u32 s3, s0;
	s1 =	sshll.u32 s1, $0x11  }
0xbb: {  	s0 =	sor.u32 s1, s0  }
0xbc: {  	s0 =	sadd.s32 $0x8F2B, s0  }
0xbd: {  	[sflag:s0] =	ssyncadd.remote.s32 $0x1  }
0xbe: {  	_ =	sfence.sel $0xFFFF  }
0xbf: {  	[dreg:$0x0] =	wrdreg $0xFFFFFFFF;
	(pc) =	sbr.abs _section_cstart, $3  }
0xc0: {  	[dreg:$0x1] =	wrdreg $0xFFFFFFFF  }
0xc1: {  	_ =	task.clear_ibuf [dreg:s6], $0x2FFFF;
	_ =	strace $0x9FFFFFFF  }
0xc2: {  	(tm) =	ssettm $0x7FFFFFFF  }
0xc3: {  	_ =	shalt  }
tec
execute0_lowered:
.L_overlay_start_1:
0x0: {  	(tag) =	ssettag $0x1  }
0x1: {  	s4 =	rddreg [dreg:$0x0]  }
0x2: {  	s2 =	rddreg [dreg:$0x1]  }
0x3: {  	s0 =	rddreg [dreg:$0x2];
	s3 =	simm.s32 $0x0;
	s5 =	srdreg.scid  }
0x4: {  	s1 =	stileid.u32;
	s16 =	simm.s32 $0x1;
	s17 =	simm.s32 $0x50  }
0x5: {  	s18 =	simm.s32 $0x2;
	s19 =	simm.s32 $0x1CA00;
	s20 =	simm.s32 $0x0  }
0x6: {  	s5 =	sand.u32 $0x1, s5;
	s6 =	sshll.u32 s1, $0x1;
	s7 =	smul.u32 $0x13C00, s1  }
0x7: {  	[smem:$0x7FF] =	sst s3;
	s10 =	sadd.s32 $0x13E0E00, s4;
	s11 =	smul.u32 $0x4F000, s1  }
0x8: {  	s14 =	smul.u32 $0x4E200, s1;
	s29 =	sshll.u32 s1, $0x6;
	s6 =	sor.u32 s5, s6  }
0x9: {  	s8 =	smul.u32 $0x13C000, s5;
	_ =	strace $0x80000050;
	s28 =	ssub.s32 $0x2, s5  }
0xa: {  	s15 =	smul.u32 $0x27100, s5;
	s5 =	sor.u32 $0x1C03, s29;
	s9 =	sshll.u32 s6, $0xB  }
0xb: {  	s12 =	sshrl.u32 s28, $0x1;
	s11 =	sshrl.u32 s11, $0x2;
	s13 =	smul.u32 $0x27100, s6  }
0xc: {  	s30 =	sadd.s32 s14, s10;
	s14 =	simm.s32 $0x13C00;
	s9 =	sadd.s32 s9, s4  }
0xd: {  	s8 =	sadd.s32 s7, s8;
	s7 =	sshrl.u32 s7, $0x3;
	s12 =	ssub.s32 s28, s12  }
0xe: {  	s11 =	sadd.s32 s11, s2;
	s31 =	sadd.s32 s15, s30;
	s15 =	simm.s32 $0x16400  }
0xf: {  	s8 =	sshrl.u32 s8, $0x3;
	s7 =	sadd.s32 s7, s4;
	s6 =	sadd.s32 $0xA000, s9  }
0x10: {  	s9 =	smax.u32 s12, $0x1;
	s11 =	sshrl.u32 s11, $0x3;
	s12 =	simm.s32 $0x3  }
0x11: {  	s8 =	sadd.s32 s8, s4;
	s4 =	sadd.s32 $0x51200, s7;
	s7 =	sadd.s32 s10, s13  }
0x12: {  	s10 =	sadd.s32 $0xA00, s31;
	s13 =	simm.s32 $0x18C00;
	s8 =	sadd.s32 $0x78A00, s8  }
.LBB2_1:
0x13: {  	[spmem:s11], [sflag:s5] =	dma.local [hbm:s4], $0x2780  }
0x14: {  	_ =	swait.ge [sflag:s12], $0x2780  }
0x15: {  	[sflag:s12] =	ssyncset.done $0x0  }
0x16: {  	[sflag:s12] =	ssyncadd.s32 $0xFFFFD880  }
0x17: {  	[tilespmem:s13], [sflag:$0x3] =	stream.linear.gather [hbm4b:s6+s3], $0x3E80, $0x38;
	[tilespmem:$0x1CC00] =	vst v63  }
0x18: {  	_ =	swait.ge [sflag:s12], $0x3E80  }
0x19: {  	[sflag:s12] =	ssyncset.done $0x0  }
0x1a: {  	[sflag:s12] =	ssyncadd.s32 $0xFFFFC180  }
0x1b: {  	[bflag:$0x0] =	sbarrier.arrive $0xFFFF  }
0x1c: {  	[tilespmem:s14], [sflag:$0x1] =	stream.linear.gather [hbm4b:s7+s3], $0x2800, $0x38;
	[tilespmem:$0x1CC00] =	vst v63  }
0x1d: {  	s21 =	sadd.s32 $0xFFFFFB00, s10  }
0x1e: {  	[tilespmem:s15], [sflag:$0x2] =	stream.linear.gather [hbm4b:s21+s3], $0x2800, $0x38;
	[tilespmem:$0x1CC00] =	vst v63  }
0x1f: {  	_ =	swait.ge [sflag:s16], $0x2800  }
0x20: {  	[sflag:s16] =	ssyncset.done $0x0  }
0x21: {  	s30 =	simm.s32 $0x18C00;
	[sflag:s16] =	ssyncadd.s32 $0xFFFFD800  }
0x22: {  	[spmem:s2] =	stream.indirect.scatter.add.f32 [tilespmem:s14], [sflag:$0x3], $0x80, s30, s17, $0xb8;
	[tilespmem:$0x1CC00] =	vst v63  }
0x23: {  	_ =	swait.ge [sflag:s12], $0x2800  }
0x24: {  	[sflag:s12] =	ssyncset.done $0x0  }
0x25: {  	[sflag:s12] =	ssyncadd.s32 $0xFFFFD800  }
0x26: {  	[tilespmem:s14], [sflag:$0x1] =	stream.linear.gather [hbm4b:s10+s3], $0x2800, $0x38;
	[tilespmem:$0x1CC00] =	vst v63  }
0x27: {  	_ =	swait.ge [sflag:s18], $0x2800  }
0x28: {  	[sflag:s18] =	ssyncset.done $0x0  }
0x29: {  	s31 =	simm.s32 $0x18C80;
	[sflag:s18] =	ssyncadd.s32 $0xFFFFD800  }
0x2a: {  	[spmem:s2] =	stream.indirect.scatter.add.f32 [tilespmem:s15], [sflag:$0x3], $0x80, s31, s17, $0xb8;
	[tilespmem:$0x1CC00] =	vst v63  }
0x2b: {  	s22 =	simm.s32 $0x400;
	_ =	swait.ge [sflag:s12], $0x2800  }
0x2c: {  	s23 =	simm.s32 $0x800;
	s21 =	sadd.s32 $0xA00, s10;
	[sflag:s12] =	ssyncset.done $0x0  }
.LBB2_2:
0x2d: {  	p0 =	sne.s32 s23, $0xF400;
	s24 =	sadd.s32 $0xFFFFFB00, s21;
	[sflag:s12] =	ssyncadd.s32 $0xFFFFD800  }
0x2e: {  	[tilespmem:s15], [sflag:$0x2] =	stream.linear.gather [hbm4b:s24+s3], $0x2800, $0x38;
	[tilespmem:$0x1CC00] =	vst v63  }
0x2f: {  	s24 =	smov.u32 s23;
	s23 =	sadd.s32 $0x400, s23;
	_ =	swait.ge [sflag:s16], $0x2800  }
0x30: {  	s25 =	sshra.s32 s22, $0x2;
	s22 =	smov.u32 s24;
	[sflag:s16] =	ssyncset.done $0x0  }
0x31: {  	s24 =	sadd.s32 $0x18C00, s25;
	[sflag:s16] =	ssyncadd.s32 $0xFFFFD800  }
0x32: {  	[spmem:s2] =	stream.indirect.scatter.add.f32 [tilespmem:s14], [sflag:$0x3], $0x80, s24, s17, $0xb8;
	[tilespmem:$0x1CC00] =	vst v63  }
0x33: {  	_ =	swait.ge [sflag:s12], $0x2800  }
0x34: {  	[sflag:s12] =	ssyncset.done $0x0  }
0x35: {  	[sflag:s12] =	ssyncadd.s32 $0xFFFFD800  }
0x36: {  	[tilespmem:s14], [sflag:$0x1] =	stream.linear.gather [hbm4b:s21+s3], $0x2800, $0x38;
	[tilespmem:$0x1CC00] =	vst v63  }
0x37: {  	_ =	swait.ge [sflag:s18], $0x2800  }
.Ltmp0:
0x38: {  	[sflag:s18] =	ssyncset.done $0x0;
	(pc) =	sbr.rel @p0 .LBB2_2-.Ltmp0, $4  }
0x39: {  	s24 =	sadd.s32 $0x18C80, s25;
	[sflag:s18] =	ssyncadd.s32 $0xFFFFD800  }
0x3a: {  	[spmem:s2] =	stream.indirect.scatter.add.f32 [tilespmem:s15], [sflag:$0x3], $0x80, s24, s17, $0xb8;
	[tilespmem:$0x1CC00] =	vst v63  }
0x3b: {  	_ =	swait.ge [sflag:s12], $0x2800  }
0x3c: {  	s21 =	sadd.s32 $0xA00, s21;
	[sflag:s12] =	ssyncset.done $0x0  }
0x3d: {  	s23 =	sadd.s32 $0xFFFFFB00, s21;
	[sflag:s12] =	ssyncadd.s32 $0xFFFFD800  }
0x3e: {  	[tilespmem:s15], [sflag:$0x2] =	stream.linear.gather [hbm4b:s23+s3], $0x2800, $0x38;
	[tilespmem:$0x1CC00] =	vst v63  }
0x3f: {  	_ =	swait.ge [sflag:s16], $0x2800  }
0x40: {  	s22 =	sshra.s32 s22, $0x2;
	[sflag:s16] =	ssyncset.done $0x0  }
0x41: {  	s30 =	sadd.s32 $0x18C00, s22;
	[sflag:s16] =	ssyncadd.s32 $0xFFFFD800  }
0x42: {  	[spmem:s2] =	stream.indirect.scatter.add.f32 [tilespmem:s14], [sflag:$0x3], $0x80, s30, s17, $0xb8;
	[tilespmem:$0x1CC00] =	vst v63  }
0x43: {  	_ =	swait.ge [sflag:s12], $0x2800  }
0x44: {  	[sflag:s12] =	ssyncset.done $0x0  }
0x45: {  	[sflag:s12] =	ssyncadd.s32 $0xFFFFD800  }
0x46: {  	[tilespmem:s14], [sflag:$0x1] =	stream.linear.gather [hbm4b:s21+s3], $0x2800, $0x38;
	[tilespmem:$0x1CC00] =	vst v63  }
0x47: {  	_ =	swait.ge [sflag:s18], $0x2800  }
0x48: {  	[sflag:s18] =	ssyncset.done $0x0  }
0x49: {  	s31 =	sadd.s32 $0x18C80, s22;
	[sflag:s18] =	ssyncadd.s32 $0xFFFFD800  }
0x4a: {  	[spmem:s2] =	stream.indirect.scatter.add.f32 [tilespmem:s15], [sflag:$0x3], $0x80, s31, s17, $0xb8;
	[tilespmem:$0x1CC00] =	vst v63  }
0x4b: {  	_ =	swait.ge [sflag:s12], $0x2800  }
0x4c: {  	[sflag:s12] =	ssyncset.done $0x0  }
0x4d: {  	[sflag:s12] =	ssyncadd.s32 $0xFFFFD800  }
0x4e: {  	_ =	swait.ge [sflag:s16], $0x2800  }
0x4f: {  	[sflag:s16] =	ssyncset.done $0x0  }
0x50: {  	[sflag:s16] =	ssyncadd.s32 $0xFFFFD800  }
0x51: {  	[spmem:s2] =	stream.indirect.scatter.add.f32 [tilespmem:s14], [sflag:$0x3], $0x80, s19, s17, $0xb8;
	[tilespmem:$0x1CC00] =	vst v63  }
0x52: {  	_ =	swait.ge [sflag:s12], $0x2800  }
0x53: {  	s20 =	sadd.s32 $0x1, s20;
	[sflag:s12] =	ssyncset.done $0x0  }
0x54: {  	p0 =	sne.s32 s20, s9;
	[sflag:s12] =	ssyncadd.s32 $0xFFFFD800  }
.Ltmp1:
0x55: {  	[bflag:$0x0] =	sbarrier.arrive $0xFFFF;
	(pc) =	sbr.rel @p0 .LBB2_1-.Ltmp1, $4  }
0x56: {  	[hbm:s8], [sflag:s5] =	dma.local [spmem:s11], $0x2780  }
0x57: {  	_ =	swait.ge [sflag:s12], $0x2780  }
0x58: {  	[sflag:s12] =	ssyncset.done $0x0  }
0x59: {  	[sflag:s12] =	ssyncadd.s32 $0xFFFFD880  }
0x5a: {  	_ =	sfence.sel $0x180000  }
0x5b: {  	[bflag:$0x0] =	sbarrier.arrive $0xFFFF  }
0x5c: {  	p0 =	sne.s32 s1, $0x0;
	_ =	strace $0x90000050  }
0x5d: {  	s0 =	sadd.s32 @!p0 $0x100000, s0;
	[bflag:$0x2] =	sbarrier.arrive $0xFFFF  }
0x5e: {  	[sflag:s0] =	ssyncadd.tile.s32 @!p0 $0x1;
	_ =	shalt  }
.Lfunc_end2:
_tile_overlayer_lowered:
.L_overlay_start_2:
0x5f: {  	(tag) =	ssettag $0x2  }
0x60: {  	s0 =	rddreg [dreg:$0x0];
	s2 =	stileid.u32  }
0x61: {  	s1 =	rddreg [dreg:$0x1];
	p0 =	sne.s32 s2, $0x0  }
0x62: {  	s3 =	rddreg [dreg:$0x2];
	[bflag:$0x3] =	sbarrier.arrive $0xFFFF;
	s2 =	simm.s32 @!p0 $0x1C03  }
0x63: {  	[timem:s3], [sflag:s2] =	dma.local @!p0 [hbm:s0], s1  }
0x64: {  	s0 =	simm.s32 @!p0 $0x3  }
0x65: {  	_ =	swait.ge @!p0 [sflag:s0], s1  }
0x66: {  	s1 =	ssub.s32 @!p0 $0x0, s1;
	[sflag:s0] =	ssyncset.done @!p0 $0x0  }
0x67: {  	[sflag:s0] =	ssyncadd.s32 @!p0 s1  }
0x68: {  	[bflag:$0x3] =	sbarrier.arrive $0xFFFF  }
0x69: {  	_ =	shalt  }

// kernel: kernel.29.cloned.1.call-start
scs
__scs_entry_jumppad:
0x0: {  	(pc) =	sbr.rel $0x88, $3  }
0x1: {  	(tag) =	ssettag $0x0;
	lr =	simm.s32 $0x1  }
0x2: {  	[smem:$0x3F8E] =	sst lr;
	_ =	strace $0xD0000000  }
0x3: {  	_ = 	snop  }
0x4: {  	_ = 	snop  }
0x5: {  	_ = 	snop  }
0x6: {  	_ = 	snop  }
0x7: {  	_ = 	snop  }
__scs_overlays_trampoline_lowered:
0x8: {  	[smem:$0x3F9D] =	sst s0  }
0x9: {  	[smem:$0x3F9E] =	sst s1  }
0xa: {  	[smem:$0x3F9F] =	sst s2  }
0xb: {  	[smem:$0x3FA0] =	sst s3  }
0xc: {  	[smem:$0x3FA1] =	sst s4  }
0xd: {  	[smem:$0x3FA2] =	sst s5  }
0xe: {  	[smem:$0x3FA3] =	sst s6  }
0xf: {  	[smem:$0x3FA4] =	sst s7  }
0x10: {  	[smem:$0x3FA5] =	sst s8  }
0x11: {  	[smem:$0x3FA6] =	sst s9;
	s0 =	simm.s32 @!p0 $0x0  }
0x12: {  	s1 =	sld [smem:$0x3F8C];
	s0 =	simm.s32 @p0 $0x1  }
0x13: {  	[smem:$0x3FA7] =	sst s0;
	s0 =	simm.s32 @!p1 $0x0  }
0x14: {  	s2 =	sld [smem:$0x3F8B];
	s0 =	simm.s32 @p1 $0x1  }
0x15: {  	[smem:$0x3FA8] =	sst s0;
	s0 =	simm.s32 @!p2 $0x0  }
0x16: {  	s3 =	sld [smem:$0x3FDB];
	s0 =	simm.s32 @p2 $0x1  }
0x17: {  	s4 =	simm.s32 $0x1BF5;
	[smem:$0x3FAA] =	sst s0  }
0x18: {  	s0 =	sld [smem:$0x3F8D];
	_ =	swait.ge [sflag:s4], $0x0  }
0x19: {  	s7 =	sld [smem:$0x3F8E]  }
0x1a: {  	s8 =	sadd.s32 $0xFFFFE003, lr  }
0x1b: {  	s9 =	sadd.s32 $0xFFFFFEF7, lr;
	s5 =	simm.s32 $0xFFFFFFFF;
	p2 =	slt.u32 s8, $0xFFFFF086  }
0x1c: {  	p1 =	slt.u32 s9, $0xF7A;
	s5 =	simm.s32 @!p2 $0x0  }
0x1d: {  	s5 =	simm.s32 @p1 $0x1;
	p0 =	seq.s32 s7, s2  }
0x1e: {  	s7 =	smul.u32 @!p0 $0xF7A, s2;
	p2 =	seq.s32 @!p0 s5, $0x0  }
0x1f: {  	s9 =	smul.u32 $0xF7A, s1;
	s8 =	simm.s32 @!p0 $0x1BF5;
	p2 =	por !p2, p0  }
0x20: {  	[sflag:s8] =	ssyncset.s32 @!p0 $0xFFFFF086;
	s6 =	sadd.s32 @!p0 s3, s7;
	s7 =	simm.s32 @!p0 $0x108  }
0x21: {  	s3 =	sadd.s32 s3, s9;
	s6 =	sadd.s32 @!p0 $0x88, s6;
	s7 =	simm.s32 @p2 $0x1082  }
0x22: {  	[simem:s7], [sflag:s8] =	dma.local @!p0 [hbm:s6], $0xF7A  }
0x23: {  	s9 =	sor.u32 $0xD0000000, s2;
	s6 =	simm.s32 $0x108;
	_ =	swait.ge @!p0 [sflag:s8], $0x0  }
0x24: {  	s3 =	sadd.s32 $0x88, s3;
	s6 =	simm.s32 @!p1 $0x1082;
	[sflag:s4] =	ssyncset.s32 $0xFFFFF086  }
0x25: {  	[simem:s6], [sflag:s4] =	dma.local [hbm:s3], $0xF7A  }
0x26: {  	[smem:$0x3F8E] =	sst s1;
	(tag) =	ssettag s2;
	_ =	strace s9  }
0x27: {  	s1 =	sld [smem:$0x3F9E]  }
0x28: {  	s2 =	sld [smem:$0x3F9F]  }
0x29: {  	s4 =	sld [smem:$0x3FA1]  }
0x2a: {  	p0 =	seq.s32 s5, $0x0;
	s5 =	sld [smem:$0x3FA2]  }
0x2b: {  	s6 =	sld [smem:$0x3FA3]  }
0x2c: {  	s7 =	sld [smem:$0x3FA4]  }
0x2d: {  	s3 =	simm.s32 $0x108;
	s8 =	sld [smem:$0x3FA5]  }
0x2e: {  	s3 =	simm.s32 @!p0 $0x1082;
	s9 =	sld [smem:$0x3FA6]  }
0x2f: {  	lr =	sadd.s32 s0, s3;
	s0 =	sld [smem:$0x3F9D]  }
0x30: {  	s3 =	sld [smem:$0x3FA0]  }
0x31: {  	[smem:$0x3FA9] =	sst s10  }
0x32: {  	s10 =	sld [smem:$0x3FA7];
	_ =	sdelay $0x3  }
0x33: {  	p0 =	seq.s32 s10, $0x1;
	s10 =	sld [smem:$0x3FA9];
	_ =	sdelay $0x3  }
0x34: {  	[smem:$0x3FA9] =	sst s10  }
0x35: {  	s10 =	sld [smem:$0x3FA8];
	_ =	sdelay $0x3  }
0x36: {  	p1 =	seq.s32 s10, $0x1;
	s10 =	sld [smem:$0x3FA9];
	_ =	sdelay $0x3  }
0x37: {  	[smem:$0x3FA9] =	sst s10  }
0x38: {  	s10 =	sld [smem:$0x3FAA]  }
0x39: {  	_ = 	snop;
	(pc) =	sbr.ind lr, $3  }
0x3a: {  	_ = 	snop  }
0x3b: {  	_ = 	snop  }
0x3c: {  	p2 =	seq.s32 s10, $0x1;
	s10 =	sld [smem:$0x3FA9]  }
0x3d: {  	_ =	shalt  }
0x3e: {  	_ =	shalt  }
0x3f: {  	_ =	shalt  }
0x40: {  	_ =	shalt  }
0x41: {  	_ =	shalt  }
0x42: {  	_ =	shalt  }
0x43: {  	_ =	shalt  }
0x44: {  	_ =	shalt  }
0x45: {  	_ =	shalt  }
0x46: {  	_ =	shalt  }
0x47: {  	_ =	shalt  }
0x48: {  	_ =	shalt  }
0x49: {  	_ =	shalt  }
0x4a: {  	_ =	shalt  }
0x4b: {  	_ =	shalt  }
0x4c: {  	_ =	shalt  }
0x4d: {  	_ =	shalt  }
0x4e: {  	_ =	shalt  }
0x4f: {  	_ =	shalt  }
0x50: {  	_ =	shalt  }
0x51: {  	_ =	shalt  }
0x52: {  	_ =	shalt  }
0x53: {  	_ =	shalt  }
0x54: {  	_ =	shalt  }
0x55: {  	_ =	shalt  }
0x56: {  	_ =	shalt  }
0x57: {  	_ =	shalt  }
0x58: {  	_ =	shalt  }
0x59: {  	_ =	shalt  }
0x5a: {  	_ =	shalt  }
0x5b: {  	_ =	shalt  }
0x5c: {  	_ =	shalt  }
0x5d: {  	_ =	shalt  }
0x5e: {  	_ =	shalt  }
0x5f: {  	_ =	shalt  }
0x60: {  	_ =	shalt  }
0x61: {  	_ =	shalt  }
0x62: {  	_ =	shalt  }
0x63: {  	_ =	shalt  }
0x64: {  	_ =	shalt  }
0x65: {  	_ =	shalt  }
0x66: {  	_ =	shalt  }
0x67: {  	_ =	shalt  }
0x68: {  	_ =	shalt  }
0x69: {  	_ =	shalt  }
0x6a: {  	_ =	shalt  }
0x6b: {  	_ =	shalt  }
0x6c: {  	_ =	shalt  }
0x6d: {  	_ =	shalt  }
0x6e: {  	_ =	shalt  }
0x6f: {  	_ =	shalt  }
0x70: {  	_ =	shalt  }
0x71: {  	_ =	shalt  }
0x72: {  	_ =	shalt  }
0x73: {  	_ =	shalt  }
0x74: {  	_ =	shalt  }
0x75: {  	_ =	shalt  }
0x76: {  	_ =	shalt  }
0x77: {  	_ =	shalt  }
0x78: {  	_ =	shalt  }
0x79: {  	_ =	shalt  }
0x7a: {  	_ =	shalt  }
0x7b: {  	_ =	shalt  }
0x7c: {  	_ =	shalt  }
0x7d: {  	_ =	shalt  }
0x7e: {  	_ =	shalt  }
0x7f: {  	_ =	shalt  }
0x80: {  	_ =	shalt  }
0x81: {  	_ =	shalt  }
0x82: {  	_ =	shalt  }
0x83: {  	_ =	shalt  }
0x84: {  	_ =	shalt  }
0x85: {  	_ =	shalt  }
0x86: {  	_ =	shalt  }
0x87: {  	_ =	shalt  }
.Lfunc_end0:
.L_simem_size_0:
called_computation.4_lowered:
.L_overlay_start_0:
0x88: {  	s2 =	sld [smem:$0x3FD9]  }
0x89: {  	s3 =	sld [smem:$0x3FFE];
	_ =	sdelay $0x1  }
0x8a: {  	s1 =	srdreg.scid  }
0x8b: {  	s0 =	sand.u32 $0x1, s1  }
0x8c: {  	s16 =	sshll.u32 s0, $0xA;
	s2 =	sadd.s32 s3, s2  }
0x8d: {  	s2 =	sadd.s32 s2, s16  }
0x8e: {  	[smem:$0x3FB5] =	sst s2  }
0x8f: {  	_ = 	snop  }
0x90: {  	(tm) =	ssettm $0x1  }
0x91: {  	s17 =	sld [smem:$0x3FFB];
	_ =	sdelay $0x3  }
0x92: {  	_ =	strace s17  }
0x93: {  	s2 =	sld [smem:$0x3FFC];
	_ =	sdelay $0x3  }
0x94: {  	_ =	strace s2  }
0x95: {  	s2 =	sld [smem:$0x3FFD];
	_ =	sdelay $0x3  }
0x96: {  	_ =	strace s2  }
0x97: {  	_ =	strace $0x8FFFFFFF  }
0x98: {  	s18 =	sld [smem:$0x3FDB];
	_ =	sdelay $0x1  }
0x99: {  	s19 =	simm.s32 $_scs_section_size  }
0x9a: {  	s4 =	simm.s32 $_size__tile_overlayer_lowered;
	s5 =	simm.s32 $_tile_overlayer_lowered  }
0x9b: {  	s22 =	simm.s32 $0x1BFF;
	s21 =	sshll.u32 s5, $0x1;
	s2 =	sadd.s32 s19, s18  }
0x9c: {  	s6 =	simm.s32 $0x0;
	s20 =	sshll.u32 s4, $0x1;
	s4 =	sadd.s32 s21, s2  }
0x9d: {  	[timem:s6], [sflag:s22] =	dma.local [hbm:s4], s20  }
0x9e: {  	_ =	swait.ge [sflag:s22], s20  }
0x9f: {  	s3 =	ssub.s32 $0x0, s20;
	[sflag:s22] =	ssyncset.done $0x0  }
0xa0: {  	[sflag:s22] =	ssyncadd.s32 s3;
	_ =	sdelay $0x1  }
0xa1: {  	s23 =	simm.s32 $0x1B8B  }
0xa2: {  	_ =	swait.ge [sflag:s23], $0x1  }
0xa3: {  	[sflag:s23] =	ssyncset.done $0x0  }
0xa4: {  	s25 =	simm.s32 $0x1B8E;
	s24 =	sld [smem:$0x3FFE];
	[sflag:s23] =	ssyncadd.s32 $0xFFFFFFFF  }
0xa5: {  	s26 =	simm.s32 $execute0_lowered;
	[smem:$0x3FD2] =	sst s25  }
0xa6: {  	s4 =	sshll.u32 s26, $0x1;
	_ =	strace $0x80000052;
	[dreg:$0x1] =	wrdreg $0xFFFFFFFF  }
0xa7: {  	s28 =	simm.s32 $_size_execute0_lowered;
	s2 =	sadd.s32 s2, s4;
	[dreg:$0x0] =	wrdreg $0x0  }
0xa8: {  	s4 =	sshll.u32 s28, $0x1;
	[dreg:$0x2] =	wrdreg s2  }
0xa9: {  	[dreg:$0x3] =	wrdreg s4  }
0xaa: {  	[dreg:$0x4] =	wrdreg $0xC0  }
0xab: {  	_ =	task [dreg:s6], $0x5FFFF  }
0xac: {  	[dreg:$0x1] =	wrdreg $0xFFFFFFFF  }
0xad: {  	[dreg:$0x0] =	wrdreg $0x60  }
0xae: {  	[dreg:$0x2] =	wrdreg s24  }
0xaf: {  	[dreg:$0x3] =	wrdreg $0x9  }
0xb0: {  	_ =	task.clear_ibuf [dreg:s6], $0x4FFFF;
	_ =	strace $0x90000052  }
0xb1: {  	s29 =	simm.s32 $0x9;
	_ =	strace $0x80000054  }
0xb2: {  	_ =	swait.ge [sflag:s29], $0x1  }
0xb3: {  	[sflag:s29] =	ssyncadd.s32 $0xFFFFFFFF  }
0xb4: {  	_ =	strace $0x90000054  }
0xb5: {  	_ =	sfence  }
0xb6: {  	s30 =	sld [smem:$0x0];
	_ =	sdelay $0x2  }
0xb7: {  	s31 =	sshll.u32 s1, $0xD;
	s1 =	sshrl.u32 s1, $0x2  }
0xb8: {  	s3 =	sand.u32 $0x4000, s31;
	s1 =	sadd.s32 s1, s30  }
0xb9: {  	s0 =	sor.u32 s3, s0;
	s1 =	sshll.u32 s1, $0x11  }
0xba: {  	s0 =	sor.u32 s1, s0  }
0xbb: {  	s0 =	sadd.s32 $0x8F2B, s0  }
0xbc: {  	[sflag:s0] =	ssyncadd.remote.s32 $0x1  }
0xbd: {  	_ =	sfence.sel $0xFFFF  }
0xbe: {  	[dreg:$0x0] =	wrdreg $0xFFFFFFFF;
	(pc) =	sbr.abs _section_cstart, $3  }
0xbf: {  	[dreg:$0x1] =	wrdreg $0xFFFFFFFF  }
0xc0: {  	_ =	task.clear_ibuf [dreg:s6], $0x2FFFF;
	_ =	strace $0x9FFFFFFF  }
0xc1: {  	(tm) =	ssettm $0x7FFFFFFF  }
tec
execute0_lowered:
.L_overlay_start_1:
0x0: {  	(tag) =	ssettag $0x1  }
0x1: {  	s4 =	rddreg [dreg:$0x0]  }
0x2: {  	s0 =	rddreg [dreg:$0x1]  }
0x3: {  	s2 =	simm.s32 $0x0;
	s3 =	srdreg.scid;
	s1 =	stileid.u32  }
0x4: {  	s14 =	simm.s32 $0x8000;
	s15 =	simm.s32 $0xA800;
	s16 =	simm.s32 $0xD000  }
0x5: {  	s17 =	simm.s32 $0xF800;
	s18 =	simm.s32 $0x1;
	s19 =	simm.s32 $0x2  }
0x6: {  	s20 =	simm.s32 $0x3;
	s21 =	simm.s32 $0x4;
	s22 =	simm.s32 $0x0  }
0x7: {  	[smem:$0x7FF] =	sst s2;
	s7 =	sand.u32 $0x1, s3;
	s5 =	sshll.u32 s1, $0x1  }
0x8: {  	s3 =	sadd.s32 $0x2A000, s4;
	s9 =	sadd.s32 $0xC8200, s4;
	s11 =	sadd.s32 $0xEFEE00, s4  }
0x9: {  	s12 =	smul.u32 $0x4E200, s1;
	_ =	strace $0x80000053;
	s5 =	sor.u32 s7, s5  }
0xa: {  	s8 =	ssub.s32 $0x2, s7;
	s6 =	sshll.u32 s5, $0xB;
	s5 =	smul.u32 $0x138800, s5  }
0xb: {  	s13 =	smul.u32 $0x27100, s7;
	s10 =	sshrl.u32 s8, $0x1;
	s31 =	sadd.s32 s12, s11  }
0xc: {  	s6 =	sadd.s32 s6, s4;
	s8 =	ssub.s32 s8, s10;
	s5 =	sshrl.u32 s5, $0x3  }
0xd: {  	s10 =	sadd.s32 s13, s31;
	s4 =	sadd.s32 $0x1A000, s6;
	s30 =	sadd.s32 $0x26C00, s5  }
0xe: {  	s8 =	smax.u32 s8, $0x1;
	s5 =	sadd.s32 $0xA000, s6;
	s6 =	sadd.s32 s9, s30  }
0xf: {  	s7 =	sadd.s32 s11, s30;
	s9 =	sadd.s32 s12, s9;
	s11 =	simm.s32 $0x5  }
0x10: {  	s12 =	simm.s32 $0x4000;
	s9 =	sadd.s32 s13, s9;
	s13 =	simm.s32 $0x50  }
.LBB2_1:
0x11: {  	[tilespmem:s2], [sflag:$0x5] =	stream.linear.gather [hbm4b:s4+s2], $0x3E80, $0x38;
	[tilespmem:$0x12000] =	vst v63  }
0x12: {  	_ =	swait.ge [sflag:s11], $0x3E80  }
0x13: {  	[sflag:s11] =	ssyncset.done $0x0  }
0x14: {  	[sflag:s11] =	ssyncadd.s32 $0xFFFFC180  }
0x15: {  	[tilespmem:s12], [sflag:$0x5] =	stream.linear.gather [hbm4b:s5+s2], $0x3E80, $0x38;
	[tilespmem:$0x12000] =	vst v63  }
0x16: {  	_ =	swait.ge [sflag:s11], $0x3E80  }
0x17: {  	[sflag:s11] =	ssyncset.done $0x0  }
0x18: {  	[sflag:s11] =	ssyncadd.s32 $0xFFFFC180  }
0x19: {  	[tilespmem:s14], [sflag:$0x1] =	stream.indirect.gather [hbm4b:s3+s13], $0x80, s2, s13, $0xb8;
	[tilespmem:$0x12000] =	vst v63  }
0x1a: {  	_ = 	snop  }
0x1b: {  	[tilespmem:s15], [sflag:$0x2] =	stream.indirect.gather [hbm4b:s3+s13], $0x80, s12, s13, $0xb8;
	[tilespmem:$0x12000] =	vst v63  }
0x1c: {  	s23 =	simm.s32 $0x80  }
0x1d: {  	[tilespmem:s16], [sflag:$0x3] =	stream.indirect.gather [hbm4b:s3+s13], $0x80, s23, s13, $0xb8;
	[tilespmem:$0x12000] =	vst v63  }
0x1e: {  	s25 =	simm.s32 $0x4080  }
0x1f: {  	[tilespmem:s17], [sflag:$0x4] =	stream.indirect.gather [hbm4b:s3+s13], $0x80, s25, s13, $0xb8;
	[tilespmem:$0x12000] =	vst v63  }
0x20: {  	_ =	swait.ge [sflag:s18], $0x2800  }
0x21: {  	[sflag:s18] =	ssyncset.done $0x0  }
0x22: {  	[sflag:s18] =	ssyncadd.s32 $0xFFFFD800  }
0x23: {  	_ =	swait.ge [sflag:s19], $0x2800  }
0x24: {  	[sflag:s19] =	ssyncset.done $0x0  }
0x25: {  	[sflag:s19] =	ssyncadd.s32 $0xFFFFD800  }
0x26: {  	[hbm4b:s9+s2] =	stream.linear.scatter [tilespmem:s14], [sflag:$0x5], $0x2800, $0x38;
	[tilespmem:$0x12000] =	vst v63  }
0x27: {  	_ =	swait.ge [sflag:s11], $0x2800  }
0x28: {  	[sflag:s11] =	ssyncset.done $0x0  }
0x29: {  	[sflag:s11] =	ssyncadd.s32 $0xFFFFD800  }
0x2a: {  	[hbm4b:s10+s2] =	stream.linear.scatter [tilespmem:s15], [sflag:$0x5], $0x2800, $0x38;
	[tilespmem:$0x12000] =	vst v63  }
0x2b: {  	_ =	swait.ge [sflag:s11], $0x2800  }
0x2c: {  	[sflag:s11] =	ssyncset.done $0x0  }
0x2d: {  	s26 =	simm.s32 $0x100;
	[sflag:s11] =	ssyncadd.s32 $0xFFFFD800  }
0x2e: {  	[tilespmem:s14], [sflag:$0x1] =	stream.indirect.gather [hbm4b:s3+s13], $0x80, s26, s13, $0xb8;
	[tilespmem:$0x12000] =	vst v63  }
0x2f: {  	s28 =	simm.s32 $0x4100  }
0x30: {  	[tilespmem:s15], [sflag:$0x2] =	stream.indirect.gather [hbm4b:s3+s13], $0x80, s28, s13, $0xb8;
	[tilespmem:$0x12000] =	vst v63  }
0x31: {  	_ =	swait.ge [sflag:s20], $0x2800  }
0x32: {  	[sflag:s20] =	ssyncset.done $0x0  }
0x33: {  	[sflag:s20] =	ssyncadd.s32 $0xFFFFD800  }
0x34: {  	_ =	swait.ge [sflag:s21], $0x2800  }
0x35: {  	[sflag:s21] =	ssyncset.done $0x0  }
0x36: {  	s30 =	sadd.s32 $0x500, s9;
	[sflag:s21] =	ssyncadd.s32 $0xFFFFD800  }
0x37: {  	[hbm4b:s30+s2] =	stream.linear.scatter [tilespmem:s16], [sflag:$0x5], $0x2800, $0x38;
	[tilespmem:$0x12000] =	vst v63  }
0x38: {  	_ =	swait.ge [sflag:s11], $0x2800  }
0x39: {  	[sflag:s11] =	ssyncset.done $0x0  }
0x3a: {  	s31 =	sadd.s32 $0x500, s10;
	[sflag:s11] =	ssyncadd.s32 $0xFFFFD800  }
0x3b: {  	[hbm4b:s31+s2] =	stream.linear.scatter [tilespmem:s17], [sflag:$0x5], $0x2800, $0x38;
	[tilespmem:$0x12000] =	vst v63  }
0x3c: {  	s29 =	simm.s32 $0x800;
	s24 =	sadd.s32 $0xA00, s9;
	_ =	swait.ge [sflag:s11], $0x2800  }
0x3d: {  	s23 =	sadd.s32 $0xA00, s10;
	s25 =	simm.s32 $0x100;
	[sflag:s11] =	ssyncset.done $0x0  }
.LBB2_2:
0x3e: {  	s30 =	sadd.s32 $0x80, s25  }
0x3f: {  	[sflag:s11] =	ssyncadd.s32 $0xFFFFD800;
	s28 =	smov.u32 s29;
	s26 =	sadd.s32 $0x400, s29  }
0x40: {  	[tilespmem:s16], [sflag:$0x3] =	stream.indirect.gather [hbm4b:s3+s13], $0x80, s30, s13, $0xb8;
	[tilespmem:$0x12000] =	vst v63  }
0x41: {  	p0 =	sne.s32 s29, $0xF400;
	s29 =	sadd.s32 $0x4080, s25  }
0x42: {  	[tilespmem:s17], [sflag:$0x4] =	stream.indirect.gather [hbm4b:s3+s13], $0x80, s29, s13, $0xb8;
	[tilespmem:$0x12000] =	vst v63  }
0x43: {  	_ =	swait.ge [sflag:s18], $0x2800  }
0x44: {  	[sflag:s18] =	ssyncset.done $0x0  }
0x45: {  	[sflag:s18] =	ssyncadd.s32 $0xFFFFD800  }
0x46: {  	_ =	swait.ge [sflag:s19], $0x2800  }
0x47: {  	[sflag:s19] =	ssyncset.done $0x0  }
0x48: {  	[sflag:s19] =	ssyncadd.s32 $0xFFFFD800  }
0x49: {  	[hbm4b:s24+s2] =	stream.linear.scatter [tilespmem:s14], [sflag:$0x5], $0x2800, $0x38;
	[tilespmem:$0x12000] =	vst v63  }
0x4a: {  	_ =	swait.ge [sflag:s11], $0x2800  }
0x4b: {  	[sflag:s11] =	ssyncset.done $0x0  }
0x4c: {  	[sflag:s11] =	ssyncadd.s32 $0xFFFFD800  }
0x4d: {  	[hbm4b:s23+s2] =	stream.linear.scatter [tilespmem:s15], [sflag:$0x5], $0x2800, $0x38;
	[tilespmem:$0x12000] =	vst v63  }
0x4e: {  	_ =	swait.ge [sflag:s11], $0x2800  }
0x4f: {  	[sflag:s11] =	ssyncset.done $0x0  }
0x50: {  	s29 =	sadd.s32 $0x100, s25;
	[sflag:s11] =	ssyncadd.s32 $0xFFFFD800  }
0x51: {  	[tilespmem:s14], [sflag:$0x1] =	stream.indirect.gather [hbm4b:s3+s13], $0x80, s29, s13, $0xb8;
	[tilespmem:$0x12000] =	vst v63  }
0x52: {  	s25 =	sadd.s32 $0x4100, s25  }
0x53: {  	[tilespmem:s15], [sflag:$0x2] =	stream.indirect.gather [hbm4b:s3+s13], $0x80, s25, s13, $0xb8;
	[tilespmem:$0x12000] =	vst v63  }
0x54: {  	_ =	swait.ge [sflag:s20], $0x2800  }
0x55: {  	[sflag:s20] =	ssyncset.done $0x0  }
0x56: {  	[sflag:s20] =	ssyncadd.s32 $0xFFFFD800  }
0x57: {  	_ =	swait.ge [sflag:s21], $0x2800  }
0x58: {  	[sflag:s21] =	ssyncset.done $0x0  }
0x59: {  	s25 =	sadd.s32 $0x500, s24;
	[sflag:s21] =	ssyncadd.s32 $0xFFFFD800  }
0x5a: {  	[hbm4b:s25+s2] =	stream.linear.scatter [tilespmem:s16], [sflag:$0x5], $0x2800, $0x38;
	[tilespmem:$0x12000] =	vst v63  }
0x5b: {  	_ =	swait.ge [sflag:s11], $0x2800  }
.Ltmp0:
0x5c: {  	[sflag:s11] =	ssyncset.done $0x0;
	(pc) =	sbr.rel @p0 .LBB2_2-.Ltmp0, $4  }
0x5d: {  	s25 =	sadd.s32 $0x500, s23;
	[sflag:s11] =	ssyncadd.s32 $0xFFFFD800  }
0x5e: {  	[hbm4b:s25+s2] =	stream.linear.scatter [tilespmem:s17], [sflag:$0x5], $0x2800, $0x38;
	[tilespmem:$0x12000] =	vst v63  }
0x5f: {  	s29 =	smov.u32 s26;
	s23 =	sadd.s32 $0xA00, s23;
	_ =	swait.ge [sflag:s11], $0x2800  }
0x60: {  	s24 =	sadd.s32 $0xA00, s24;
	s25 =	sshra.s32 s28, $0x2;
	[sflag:s11] =	ssyncset.done $0x0  }
0x61: {  	s26 =	sadd.s32 $0x80, s25;
	[sflag:s11] =	ssyncadd.s32 $0xFFFFD800  }
0x62: {  	[tilespmem:s16], [sflag:$0x3] =	stream.indirect.gather [hbm4b:s3+s13], $0x80, s26, s13, $0xb8;
	[tilespmem:$0x12000] =	vst v63  }
0x63: {  	s31 =	sadd.s32 $0x4080, s25  }
0x64: {  	[tilespmem:s17], [sflag:$0x4] =	stream.indirect.gather [hbm4b:s3+s13], $0x80, s31, s13, $0xb8;
	[tilespmem:$0x12000] =	vst v63  }
0x65: {  	_ =	swait.ge [sflag:s18], $0x2800  }
0x66: {  	[sflag:s18] =	ssyncset.done $0x0  }
0x67: {  	[sflag:s18] =	ssyncadd.s32 $0xFFFFD800  }
0x68: {  	_ =	swait.ge [sflag:s19], $0x2800  }
0x69: {  	[sflag:s19] =	ssyncset.done $0x0  }
0x6a: {  	[sflag:s19] =	ssyncadd.s32 $0xFFFFD800  }
0x6b: {  	[hbm4b:s24+s2] =	stream.linear.scatter [tilespmem:s14], [sflag:$0x5], $0x2800, $0x38;
	[tilespmem:$0x12000] =	vst v63  }
0x6c: {  	_ =	swait.ge [sflag:s11], $0x2800  }
0x6d: {  	[sflag:s11] =	ssyncset.done $0x0  }
0x6e: {  	[sflag:s11] =	ssyncadd.s32 $0xFFFFD800  }
0x6f: {  	[hbm4b:s23+s2] =	stream.linear.scatter [tilespmem:s15], [sflag:$0x5], $0x2800, $0x38;
	[tilespmem:$0x12000] =	vst v63  }
0x70: {  	_ =	swait.ge [sflag:s11], $0x2800  }
0x71: {  	[sflag:s11] =	ssyncset.done $0x0  }
0x72: {  	s28 =	sadd.s32 $0x100, s25;
	[sflag:s11] =	ssyncadd.s32 $0xFFFFD800  }
0x73: {  	[tilespmem:s14], [sflag:$0x1] =	stream.indirect.gather [hbm4b:s3+s13], $0x80, s28, s13, $0xb8;
	[tilespmem:$0x12000] =	vst v63  }
0x74: {  	s29 =	sadd.s32 $0x4100, s25  }
0x75: {  	[tilespmem:s15], [sflag:$0x2] =	stream.indirect.gather [hbm4b:s3+s13], $0x80, s29, s13, $0xb8;
	[tilespmem:$0x12000] =	vst v63  }
0x76: {  	_ =	swait.ge [sflag:s20], $0x2800  }
0x77: {  	[sflag:s20] =	ssyncset.done $0x0  }
0x78: {  	[sflag:s20] =	ssyncadd.s32 $0xFFFFD800  }
0x79: {  	_ =	swait.ge [sflag:s21], $0x2800  }
0x7a: {  	[sflag:s21] =	ssyncset.done $0x0  }
0x7b: {  	s30 =	sadd.s32 $0x500, s24;
	[sflag:s21] =	ssyncadd.s32 $0xFFFFD800  }
0x7c: {  	[hbm4b:s30+s2] =	stream.linear.scatter [tilespmem:s16], [sflag:$0x5], $0x2800, $0x38;
	[tilespmem:$0x12000] =	vst v63  }
0x7d: {  	_ =	swait.ge [sflag:s11], $0x2800  }
0x7e: {  	[sflag:s11] =	ssyncset.done $0x0  }
0x7f: {  	s31 =	sadd.s32 $0x500, s23;
	[sflag:s11] =	ssyncadd.s32 $0xFFFFD800  }
0x80: {  	[hbm4b:s31+s2] =	stream.linear.scatter [tilespmem:s17], [sflag:$0x5], $0x2800, $0x38;
	[tilespmem:$0x12000] =	vst v63  }
0x81: {  	_ =	swait.ge [sflag:s11], $0x2800  }
0x82: {  	[sflag:s11] =	ssyncset.done $0x0  }
0x83: {  	[sflag:s11] =	ssyncadd.s32 $0xFFFFD800  }
0x84: {  	_ =	swait.ge [sflag:s18], $0x2800  }
0x85: {  	[sflag:s18] =	ssyncset.done $0x0  }
0x86: {  	[sflag:s18] =	ssyncadd.s32 $0xFFFFD800  }
0x87: {  	_ =	swait.ge [sflag:s19], $0x2800  }
0x88: {  	[sflag:s19] =	ssyncset.done $0x0  }
0x89: {  	[sflag:s19] =	ssyncadd.s32 $0xFFFFD800  }
0x8a: {  	[hbm4b:s6+s2] =	stream.linear.scatter [tilespmem:s14], [sflag:$0x5], $0x2800, $0x38;
	[tilespmem:$0x12000] =	vst v63  }
0x8b: {  	s22 =	sadd.s32 $0x1, s22;
	_ =	swait.ge [sflag:s11], $0x2800  }
0x8c: {  	p0 =	sne.s32 s22, s8;
	[sflag:s11] =	ssyncset.done $0x0  }
.Ltmp1:
0x8d: {  	[sflag:s11] =	ssyncadd.s32 $0xFFFFD800;
	(pc) =	sbr.rel @p0 .LBB2_1-.Ltmp1, $4  }
0x8e: {  	[hbm4b:s7+s2] =	stream.linear.scatter [tilespmem:s15], [sflag:$0x5], $0x2800, $0x38;
	[tilespmem:$0x12000] =	vst v63  }
0x8f: {  	_ =	swait.ge [sflag:s11], $0x2800  }
0x90: {  	[sflag:s11] =	ssyncset.done $0x0  }
0x91: {  	[sflag:s11] =	ssyncadd.s32 $0xFFFFD800  }
0x92: {  	_ =	sfence.sel $0x180000  }
0x93: {  	[bflag:$0x0] =	sbarrier.arrive $0xFFFF  }
0x94: {  	p0 =	sne.s32 s1, $0x0;
	_ =	strace $0x90000053  }
0x95: {  	s0 =	sadd.s32 @!p0 $0x100000, s0;
	[bflag:$0x2] =	sbarrier.arrive $0xFFFF  }
0x96: {  	[sflag:s0] =	ssyncadd.tile.s32 @!p0 $0x1;
	_ =	shalt  }
.Lfunc_end2:
_tile_overlayer_lowered:
.L_overlay_start_2:
0x97: {  	(tag) =	ssettag $0x2  }
0x98: {  	s0 =	rddreg [dreg:$0x0];
	s2 =	stileid.u32  }
0x99: {  	s1 =	rddreg [dreg:$0x1];
	p0 =	sne.s32 s2, $0x0  }
0x9a: {  	s3 =	rddreg [dreg:$0x2];
	[bflag:$0x3] =	sbarrier.arrive $0xFFFF;
	s2 =	simm.s32 @!p0 $0x1C05  }
0x9b: {  	[timem:s3], [sflag:s2] =	dma.local @!p0 [hbm:s0], s1  }
0x9c: {  	s0 =	simm.s32 @!p0 $0x5  }
0x9d: {  	_ =	swait.ge @!p0 [sflag:s0], s1  }
0x9e: {  	s1 =	ssub.s32 @!p0 $0x0, s1;
	[sflag:s0] =	ssyncset.done @!p0 $0x0  }
0x9f: {  	[sflag:s0] =	ssyncadd.s32 @!p0 s1  }
0xa0: {  	[bflag:$0x3] =	sbarrier.arrive $0xFFFF  }
0xa1: {  	_ =	shalt  }

// kernel: kernel.32.cloned.1.call-start
scs
__scs_entry_jumppad:
0x0: {  	(pc) =	sbr.rel $0x88, $3  }
0x1: {  	(tag) =	ssettag $0x0;
	lr =	simm.s32 $0x1  }
0x2: {  	[smem:$0x3F8E] =	sst lr;
	_ =	strace $0xD0000000  }
0x3: {  	_ = 	snop  }
0x4: {  	_ = 	snop  }
0x5: {  	_ = 	snop  }
0x6: {  	_ = 	snop  }
0x7: {  	_ = 	snop  }
__scs_overlays_trampoline_lowered:
0x8: {  	[smem:$0x3F9D] =	sst s0  }
0x9: {  	[smem:$0x3F9E] =	sst s1  }
0xa: {  	[smem:$0x3F9F] =	sst s2  }
0xb: {  	[smem:$0x3FA0] =	sst s3  }
0xc: {  	[smem:$0x3FA1] =	sst s4  }
0xd: {  	[smem:$0x3FA2] =	sst s5  }
0xe: {  	[smem:$0x3FA3] =	sst s6  }
0xf: {  	[smem:$0x3FA4] =	sst s7  }
0x10: {  	[smem:$0x3FA5] =	sst s8  }
0x11: {  	[smem:$0x3FA6] =	sst s9;
	s0 =	simm.s32 @!p0 $0x0  }
0x12: {  	s1 =	sld [smem:$0x3F8C];
	s0 =	simm.s32 @p0 $0x1  }
0x13: {  	[smem:$0x3FA7] =	sst s0;
	s0 =	simm.s32 @!p1 $0x0  }
0x14: {  	s2 =	sld [smem:$0x3F8B];
	s0 =	simm.s32 @p1 $0x1  }
0x15: {  	[smem:$0x3FA8] =	sst s0;
	s0 =	simm.s32 @!p2 $0x0  }
0x16: {  	s3 =	sld [smem:$0x3FDB];
	s0 =	simm.s32 @p2 $0x1  }
0x17: {  	s4 =	simm.s32 $0x1BF5;
	[smem:$0x3FAA] =	sst s0  }
0x18: {  	s0 =	sld [smem:$0x3F8D];
	_ =	swait.ge [sflag:s4], $0x0  }
0x19: {  	s7 =	sld [smem:$0x3F8E]  }
0x1a: {  	s8 =	sadd.s32 $0xFFFFE003, lr  }
0x1b: {  	s9 =	sadd.s32 $0xFFFFFEF7, lr;
	s5 =	simm.s32 $0xFFFFFFFF;
	p2 =	slt.u32 s8, $0xFFFFF086  }
0x1c: {  	p1 =	slt.u32 s9, $0xF7A;
	s5 =	simm.s32 @!p2 $0x0  }
0x1d: {  	s5 =	simm.s32 @p1 $0x1;
	p0 =	seq.s32 s7, s2  }
0x1e: {  	s7 =	smul.u32 @!p0 $0xF7A, s2;
	p2 =	seq.s32 @!p0 s5, $0x0  }
0x1f: {  	s9 =	smul.u32 $0xF7A, s1;
	s8 =	simm.s32 @!p0 $0x1BF5;
	p2 =	por !p2, p0  }
0x20: {  	[sflag:s8] =	ssyncset.s32 @!p0 $0xFFFFF086;
	s6 =	sadd.s32 @!p0 s3, s7;
	s7 =	simm.s32 @!p0 $0x108  }
0x21: {  	s3 =	sadd.s32 s3, s9;
	s6 =	sadd.s32 @!p0 $0x88, s6;
	s7 =	simm.s32 @p2 $0x1082  }
0x22: {  	[simem:s7], [sflag:s8] =	dma.local @!p0 [hbm:s6], $0xF7A  }
0x23: {  	s9 =	sor.u32 $0xD0000000, s2;
	s6 =	simm.s32 $0x108;
	_ =	swait.ge @!p0 [sflag:s8], $0x0  }
0x24: {  	s3 =	sadd.s32 $0x88, s3;
	s6 =	simm.s32 @!p1 $0x1082;
	[sflag:s4] =	ssyncset.s32 $0xFFFFF086  }
0x25: {  	[simem:s6], [sflag:s4] =	dma.local [hbm:s3], $0xF7A  }
0x26: {  	[smem:$0x3F8E] =	sst s1;
	(tag) =	ssettag s2;
	_ =	strace s9  }
0x27: {  	s1 =	sld [smem:$0x3F9E]  }
0x28: {  	s2 =	sld [smem:$0x3F9F]  }
0x29: {  	s4 =	sld [smem:$0x3FA1]  }
0x2a: {  	p0 =	seq.s32 s5, $0x0;
	s5 =	sld [smem:$0x3FA2]  }
0x2b: {  	s6 =	sld [smem:$0x3FA3]  }
0x2c: {  	s7 =	sld [smem:$0x3FA4]  }
0x2d: {  	s3 =	simm.s32 $0x108;
	s8 =	sld [smem:$0x3FA5]  }
0x2e: {  	s3 =	simm.s32 @!p0 $0x1082;
	s9 =	sld [smem:$0x3FA6]  }
0x2f: {  	lr =	sadd.s32 s0, s3;
	s0 =	sld [smem:$0x3F9D]  }
0x30: {  	s3 =	sld [smem:$0x3FA0]  }
0x31: {  	[smem:$0x3FA9] =	sst s10  }
0x32: {  	s10 =	sld [smem:$0x3FA7];
	_ =	sdelay $0x3  }
0x33: {  	p0 =	seq.s32 s10, $0x1;
	s10 =	sld [smem:$0x3FA9];
	_ =	sdelay $0x3  }
0x34: {  	[smem:$0x3FA9] =	sst s10  }
0x35: {  	s10 =	sld [smem:$0x3FA8];
	_ =	sdelay $0x3  }
0x36: {  	p1 =	seq.s32 s10, $0x1;
	s10 =	sld [smem:$0x3FA9];
	_ =	sdelay $0x3  }
0x37: {  	[smem:$0x3FA9] =	sst s10  }
0x38: {  	s10 =	sld [smem:$0x3FAA]  }
0x39: {  	_ = 	snop;
	(pc) =	sbr.ind lr, $3  }
0x3a: {  	_ = 	snop  }
0x3b: {  	_ = 	snop  }
0x3c: {  	p2 =	seq.s32 s10, $0x1;
	s10 =	sld [smem:$0x3FA9]  }
0x3d: {  	_ =	shalt  }
0x3e: {  	_ =	shalt  }
0x3f: {  	_ =	shalt  }
0x40: {  	_ =	shalt  }
0x41: {  	_ =	shalt  }
0x42: {  	_ =	shalt  }
0x43: {  	_ =	shalt  }
0x44: {  	_ =	shalt  }
0x45: {  	_ =	shalt  }
0x46: {  	_ =	shalt  }
0x47: {  	_ =	shalt  }
0x48: {  	_ =	shalt  }
0x49: {  	_ =	shalt  }
0x4a: {  	_ =	shalt  }
0x4b: {  	_ =	shalt  }
0x4c: {  	_ =	shalt  }
0x4d: {  	_ =	shalt  }
0x4e: {  	_ =	shalt  }
0x4f: {  	_ =	shalt  }
0x50: {  	_ =	shalt  }
0x51: {  	_ =	shalt  }
0x52: {  	_ =	shalt  }
0x53: {  	_ =	shalt  }
0x54: {  	_ =	shalt  }
0x55: {  	_ =	shalt  }
0x56: {  	_ =	shalt  }
0x57: {  	_ =	shalt  }
0x58: {  	_ =	shalt  }
0x59: {  	_ =	shalt  }
0x5a: {  	_ =	shalt  }
0x5b: {  	_ =	shalt  }
0x5c: {  	_ =	shalt  }
0x5d: {  	_ =	shalt  }
0x5e: {  	_ =	shalt  }
0x5f: {  	_ =	shalt  }
0x60: {  	_ =	shalt  }
0x61: {  	_ =	shalt  }
0x62: {  	_ =	shalt  }
0x63: {  	_ =	shalt  }
0x64: {  	_ =	shalt  }
0x65: {  	_ =	shalt  }
0x66: {  	_ =	shalt  }
0x67: {  	_ =	shalt  }
0x68: {  	_ =	shalt  }
0x69: {  	_ =	shalt  }
0x6a: {  	_ =	shalt  }
0x6b: {  	_ =	shalt  }
0x6c: {  	_ =	shalt  }
0x6d: {  	_ =	shalt  }
0x6e: {  	_ =	shalt  }
0x6f: {  	_ =	shalt  }
0x70: {  	_ =	shalt  }
0x71: {  	_ =	shalt  }
0x72: {  	_ =	shalt  }
0x73: {  	_ =	shalt  }
0x74: {  	_ =	shalt  }
0x75: {  	_ =	shalt  }
0x76: {  	_ =	shalt  }
0x77: {  	_ =	shalt  }
0x78: {  	_ =	shalt  }
0x79: {  	_ =	shalt  }
0x7a: {  	_ =	shalt  }
0x7b: {  	_ =	shalt  }
0x7c: {  	_ =	shalt  }
0x7d: {  	_ =	shalt  }
0x7e: {  	_ =	shalt  }
0x7f: {  	_ =	shalt  }
0x80: {  	_ =	shalt  }
0x81: {  	_ =	shalt  }
0x82: {  	_ =	shalt  }
0x83: {  	_ =	shalt  }
0x84: {  	_ =	shalt  }
0x85: {  	_ =	shalt  }
0x86: {  	_ =	shalt  }
0x87: {  	_ =	shalt  }
.Lfunc_end0:
.L_simem_size_0:
called_computation.5_lowered:
.L_overlay_start_0:
0x88: {  	s2 =	sld [smem:$0x3FD9]  }
0x89: {  	s3 =	sld [smem:$0x3FFE];
	_ =	sdelay $0x1  }
0x8a: {  	s1 =	srdreg.scid  }
0x8b: {  	s0 =	sand.u32 $0x1, s1  }
0x8c: {  	s16 =	sshll.u32 s0, $0xA;
	s2 =	sadd.s32 s3, s2  }
0x8d: {  	s2 =	sadd.s32 s2, s16  }
0x8e: {  	[smem:$0x3FB5] =	sst s2  }
0x8f: {  	_ = 	snop  }
0x90: {  	(tm) =	ssettm $0x1  }
0x91: {  	s17 =	sld [smem:$0x3FFB];
	_ =	sdelay $0x3  }
0x92: {  	_ =	strace s17  }
0x93: {  	s2 =	sld [smem:$0x3FFC];
	_ =	sdelay $0x3  }
0x94: {  	_ =	strace s2  }
0x95: {  	s2 =	sld [smem:$0x3FFD];
	_ =	sdelay $0x3  }
0x96: {  	_ =	strace s2  }
0x97: {  	_ =	strace $0x8FFFFFFF  }
0x98: {  	s18 =	sld [smem:$0x3FDB];
	_ =	sdelay $0x1  }
0x99: {  	s19 =	simm.s32 $_scs_section_size  }
0x9a: {  	s4 =	simm.s32 $_size__tile_overlayer_lowered;
	s5 =	simm.s32 $_tile_overlayer_lowered  }
0x9b: {  	s22 =	simm.s32 $0x1BFF;
	s21 =	sshll.u32 s5, $0x1;
	s2 =	sadd.s32 s19, s18  }
0x9c: {  	s6 =	simm.s32 $0x0;
	s20 =	sshll.u32 s4, $0x1;
	s4 =	sadd.s32 s21, s2  }
0x9d: {  	[timem:s6], [sflag:s22] =	dma.local [hbm:s4], s20  }
0x9e: {  	_ =	swait.ge [sflag:s22], s20  }
0x9f: {  	s3 =	ssub.s32 $0x0, s20;
	[sflag:s22] =	ssyncset.done $0x0  }
0xa0: {  	[sflag:s22] =	ssyncadd.s32 s3;
	_ =	sdelay $0x1  }
0xa1: {  	s23 =	simm.s32 $0x1B8B  }
0xa2: {  	_ =	swait.ge [sflag:s23], $0x1  }
0xa3: {  	[sflag:s23] =	ssyncset.done $0x0  }
0xa4: {  	s25 =	simm.s32 $0x1B8E;
	s24 =	sld [smem:$0x3FFE];
	[sflag:s23] =	ssyncadd.s32 $0xFFFFFFFF  }
0xa5: {  	s26 =	simm.s32 $execute0_lowered;
	[smem:$0x3FD2] =	sst s25  }
0xa6: {  	s4 =	sshll.u32 s26, $0x1;
	_ =	strace $0x80000055;
	[dreg:$0x1] =	wrdreg $0xFFFFFFFF  }
0xa7: {  	s28 =	simm.s32 $_size_execute0_lowered;
	s2 =	sadd.s32 s2, s4;
	[dreg:$0x0] =	wrdreg $0x0  }
0xa8: {  	s4 =	sshll.u32 s28, $0x1;
	[dreg:$0x2] =	wrdreg s2  }
0xa9: {  	[dreg:$0x3] =	wrdreg s4  }
0xaa: {  	[dreg:$0x4] =	wrdreg $0xC0  }
0xab: {  	_ =	task [dreg:s6], $0x5FFFF  }
0xac: {  	[dreg:$0x1] =	wrdreg $0xFFFFFFFF  }
0xad: {  	[dreg:$0x0] =	wrdreg $0x60  }
0xae: {  	[dreg:$0x2] =	wrdreg s24  }
0xaf: {  	[dreg:$0x3] =	wrdreg $0x0  }
0xb0: {  	[dreg:$0x4] =	wrdreg $0x9  }
0xb1: {  	_ =	task.clear_ibuf [dreg:s6], $0x5FFFF;
	_ =	strace $0x90000055  }
0xb2: {  	s29 =	simm.s32 $0x9;
	_ =	strace $0x80000057  }
0xb3: {  	_ =	swait.ge [sflag:s29], $0x1  }
0xb4: {  	[sflag:s29] =	ssyncadd.s32 $0xFFFFFFFF  }
0xb5: {  	_ =	strace $0x90000057  }
0xb6: {  	_ =	sfence  }
0xb7: {  	s30 =	sld [smem:$0x0];
	_ =	sdelay $0x2  }
0xb8: {  	s31 =	sshll.u32 s1, $0xD;
	s1 =	sshrl.u32 s1, $0x2  }
0xb9: {  	s3 =	sand.u32 $0x4000, s31;
	s1 =	sadd.s32 s1, s30  }
0xba: {  	s0 =	sor.u32 s3, s0;
	s1 =	sshll.u32 s1, $0x11  }
0xbb: {  	s0 =	sor.u32 s1, s0  }
0xbc: {  	s0 =	sadd.s32 $0x8F2B, s0  }
0xbd: {  	[sflag:s0] =	ssyncadd.remote.s32 $0x1  }
0xbe: {  	_ =	sfence.sel $0xFFFF  }
0xbf: {  	[dreg:$0x0] =	wrdreg $0xFFFFFFFF;
	(pc) =	sbr.abs _section_cstart, $3  }
0xc0: {  	[dreg:$0x1] =	wrdreg $0xFFFFFFFF  }
0xc1: {  	_ =	task.clear_ibuf [dreg:s6], $0x2FFFF;
	_ =	strace $0x9FFFFFFF  }
0xc2: {  	(tm) =	ssettm $0x7FFFFFFF  }
0xc3: {  	_ =	shalt  }
tec
execute0_lowered:
.L_overlay_start_1:
0x0: {  	(tag) =	ssettag $0x1  }
0x1: {  	s4 =	rddreg [dreg:$0x0]  }
0x2: {  	s2 =	rddreg [dreg:$0x1]  }
0x3: {  	s0 =	rddreg [dreg:$0x2];
	s3 =	simm.s32 $0x0;
	s5 =	srdreg.scid  }
0x4: {  	s1 =	stileid.u32;
	s16 =	simm.s32 $0x1;
	s17 =	simm.s32 $0x50  }
0x5: {  	s18 =	simm.s32 $0x2;
	s19 =	simm.s32 $0x1CA00;
	s20 =	simm.s32 $0x0  }
0x6: {  	s5 =	sand.u32 $0x1, s5;
	s6 =	sshll.u32 s1, $0x1;
	s7 =	smul.u32 $0x13C00, s1  }
0x7: {  	[smem:$0x7FF] =	sst s3;
	s10 =	sadd.s32 $0x13E0E00, s4;
	s11 =	smul.u32 $0x4F000, s1  }
0x8: {  	s14 =	smul.u32 $0x4E200, s1;
	s29 =	sshll.u32 s1, $0x6;
	s6 =	sor.u32 s5, s6  }
0x9: {  	s8 =	smul.u32 $0x13C000, s5;
	_ =	strace $0x80000056;
	s28 =	ssub.s32 $0x2, s5  }
0xa: {  	s15 =	smul.u32 $0x27100, s5;
	s5 =	sor.u32 $0x1C03, s29;
	s9 =	sshll.u32 s6, $0xB  }
0xb: {  	s12 =	sshrl.u32 s28, $0x1;
	s11 =	sshrl.u32 s11, $0x2;
	s13 =	smul.u32 $0x27100, s6  }
0xc: {  	s30 =	sadd.s32 s14, s10;
	s14 =	simm.s32 $0x13C00;
	s9 =	sadd.s32 s9, s4  }
0xd: {  	s8 =	sadd.s32 s7, s8;
	s7 =	sshrl.u32 s7, $0x3;
	s12 =	ssub.s32 s28, s12  }
0xe: {  	s11 =	sadd.s32 s11, s2;
	s31 =	sadd.s32 s15, s30;
	s15 =	simm.s32 $0x16400  }
0xf: {  	s8 =	sshrl.u32 s8, $0x3;
	s7 =	sadd.s32 s7, s4;
	s6 =	sadd.s32 $0xA000, s9  }
0x10: {  	s9 =	smax.u32 s12, $0x1;
	s11 =	sshrl.u32 s11, $0x3;
	s12 =	simm.s32 $0x3  }
0x11: {  	s8 =	sadd.s32 s8, s4;
	s4 =	sadd.s32 $0x51200, s7;
	s7 =	sadd.s32 s10, s13  }
0x12: {  	s10 =	sadd.s32 $0xA00, s31;
	s13 =	simm.s32 $0x18C00;
	s8 =	sadd.s32 $0x78A00, s8  }
.LBB2_1:
0x13: {  	[spmem:s11], [sflag:s5] =	dma.local [hbm:s4], $0x2780  }
0x14: {  	_ =	swait.ge [sflag:s12], $0x2780  }
0x15: {  	[sflag:s12] =	ssyncset.done $0x0  }
0x16: {  	[sflag:s12] =	ssyncadd.s32 $0xFFFFD880  }
0x17: {  	[tilespmem:s13], [sflag:$0x3] =	stream.linear.gather [hbm4b:s6+s3], $0x3E80, $0x38;
	[tilespmem:$0x1CC00] =	vst v63  }
0x18: {  	_ =	swait.ge [sflag:s12], $0x3E80  }
0x19: {  	[sflag:s12] =	ssyncset.done $0x0  }
0x1a: {  	[sflag:s12] =	ssyncadd.s32 $0xFFFFC180  }
0x1b: {  	[bflag:$0x0] =	sbarrier.arrive $0xFFFF  }
0x1c: {  	[tilespmem:s14], [sflag:$0x1] =	stream.linear.gather [hbm4b:s7+s3], $0x2800, $0x38;
	[tilespmem:$0x1CC00] =	vst v63  }
0x1d: {  	s21 =	sadd.s32 $0xFFFFFB00, s10  }
0x1e: {  	[tilespmem:s15], [sflag:$0x2] =	stream.linear.gather [hbm4b:s21+s3], $0x2800, $0x38;
	[tilespmem:$0x1CC00] =	vst v63  }
0x1f: {  	_ =	swait.ge [sflag:s16], $0x2800  }
0x20: {  	[sflag:s16] =	ssyncset.done $0x0  }
0x21: {  	s30 =	simm.s32 $0x18C00;
	[sflag:s16] =	ssyncadd.s32 $0xFFFFD800  }
0x22: {  	[spmem:s2] =	stream.indirect.scatter.add.f32 [tilespmem:s14], [sflag:$0x3], $0x80, s30, s17, $0xb8;
	[tilespmem:$0x1CC00] =	vst v63  }
0x23: {  	_ =	swait.ge [sflag:s12], $0x2800  }
0x24: {  	[sflag:s12] =	ssyncset.done $0x0  }
0x25: {  	[sflag:s12] =	ssyncadd.s32 $0xFFFFD800  }
0x26: {  	[tilespmem:s14], [sflag:$0x1] =	stream.linear.gather [hbm4b:s10+s3], $0x2800, $0x38;
	[tilespmem:$0x1CC00] =	vst v63  }
0x27: {  	_ =	swait.ge [sflag:s18], $0x2800  }
0x28: {  	[sflag:s18] =	ssyncset.done $0x0  }
0x29: {  	s31 =	simm.s32 $0x18C80;
	[sflag:s18] =	ssyncadd.s32 $0xFFFFD800  }
0x2a: {  	[spmem:s2] =	stream.indirect.scatter.add.f32 [tilespmem:s15], [sflag:$0x3], $0x80, s31, s17, $0xb8;
	[tilespmem:$0x1CC00] =	vst v63  }
0x2b: {  	s22 =	simm.s32 $0x400;
	_ =	swait.ge [sflag:s12], $0x2800  }
0x2c: {  	s23 =	simm.s32 $0x800;
	s21 =	sadd.s32 $0xA00, s10;
	[sflag:s12] =	ssyncset.done $0x0  }
.LBB2_2:
0x2d: {  	p0 =	sne.s32 s23, $0xF400;
	s24 =	sadd.s32 $0xFFFFFB00, s21;
	[sflag:s12] =	ssyncadd.s32 $0xFFFFD800  }
0x2e: {  	[tilespmem:s15], [sflag:$0x2] =	stream.linear.gather [hbm4b:s24+s3], $0x2800, $0x38;
	[tilespmem:$0x1CC00] =	vst v63  }
0x2f: {  	s24 =	smov.u32 s23;
	s23 =	sadd.s32 $0x400, s23;
	_ =	swait.ge [sflag:s16], $0x2800  }
0x30: {  	s25 =	sshra.s32 s22, $0x2;
	s22 =	smov.u32 s24;
	[sflag:s16] =	ssyncset.done $0x0  }
0x31: {  	s24 =	sadd.s32 $0x18C00, s25;
	[sflag:s16] =	ssyncadd.s32 $0xFFFFD800  }
0x32: {  	[spmem:s2] =	stream.indirect.scatter.add.f32 [tilespmem:s14], [sflag:$0x3], $0x80, s24, s17, $0xb8;
	[tilespmem:$0x1CC00] =	vst v63  }
0x33: {  	_ =	swait.ge [sflag:s12], $0x2800  }
0x34: {  	[sflag:s12] =	ssyncset.done $0x0  }
0x35: {  	[sflag:s12] =	ssyncadd.s32 $0xFFFFD800  }
0x36: {  	[tilespmem:s14], [sflag:$0x1] =	stream.linear.gather [hbm4b:s21+s3], $0x2800, $0x38;
	[tilespmem:$0x1CC00] =	vst v63  }
0x37: {  	_ =	swait.ge [sflag:s18], $0x2800  }
.Ltmp0:
0x38: {  	[sflag:s18] =	ssyncset.done $0x0;
	(pc) =	sbr.rel @p0 .LBB2_2-.Ltmp0, $4  }
0x39: {  	s24 =	sadd.s32 $0x18C80, s25;
	[sflag:s18] =	ssyncadd.s32 $0xFFFFD800  }
0x3a: {  	[spmem:s2] =	stream.indirect.scatter.add.f32 [tilespmem:s15], [sflag:$0x3], $0x80, s24, s17, $0xb8;
	[tilespmem:$0x1CC00] =	vst v63  }
0x3b: {  	_ =	swait.ge [sflag:s12], $0x2800  }
0x3c: {  	s21 =	sadd.s32 $0xA00, s21;
	[sflag:s12] =	ssyncset.done $0x0  }
0x3d: {  	s23 =	sadd.s32 $0xFFFFFB00, s21;
	[sflag:s12] =	ssyncadd.s32 $0xFFFFD800  }
0x3e: {  	[tilespmem:s15], [sflag:$0x2] =	stream.linear.gather [hbm4b:s23+s3], $0x2800, $0x38;
	[tilespmem:$0x1CC00] =	vst v63  }
0x3f: {  	_ =	swait.ge [sflag:s16], $0x2800  }
0x40: {  	s22 =	sshra.s32 s22, $0x2;
	[sflag:s16] =	ssyncset.done $0x0  }
0x41: {  	s30 =	sadd.s32 $0x18C00, s22;
	[sflag:s16] =	ssyncadd.s32 $0xFFFFD800  }
0x42: {  	[spmem:s2] =	stream.indirect.scatter.add.f32 [tilespmem:s14], [sflag:$0x3], $0x80, s30, s17, $0xb8;
	[tilespmem:$0x1CC00] =	vst v63  }
0x43: {  	_ =	swait.ge [sflag:s12], $0x2800  }
0x44: {  	[sflag:s12] =	ssyncset.done $0x0  }
0x45: {  	[sflag:s12] =	ssyncadd.s32 $0xFFFFD800  }
0x46: {  	[tilespmem:s14], [sflag:$0x1] =	stream.linear.gather [hbm4b:s21+s3], $0x2800, $0x38;
	[tilespmem:$0x1CC00] =	vst v63  }
0x47: {  	_ =	swait.ge [sflag:s18], $0x2800  }
0x48: {  	[sflag:s18] =	ssyncset.done $0x0  }
0x49: {  	s31 =	sadd.s32 $0x18C80, s22;
	[sflag:s18] =	ssyncadd.s32 $0xFFFFD800  }
0x4a: {  	[spmem:s2] =	stream.indirect.scatter.add.f32 [tilespmem:s15], [sflag:$0x3], $0x80, s31, s17, $0xb8;
	[tilespmem:$0x1CC00] =	vst v63  }
0x4b: {  	_ =	swait.ge [sflag:s12], $0x2800  }
0x4c: {  	[sflag:s12] =	ssyncset.done $0x0  }
0x4d: {  	[sflag:s12] =	ssyncadd.s32 $0xFFFFD800  }
0x4e: {  	_ =	swait.ge [sflag:s16], $0x2800  }
0x4f: {  	[sflag:s16] =	ssyncset.done $0x0  }
0x50: {  	[sflag:s16] =	ssyncadd.s32 $0xFFFFD800  }
0x51: {  	[spmem:s2] =	stream.indirect.scatter.add.f32 [tilespmem:s14], [sflag:$0x3], $0x80, s19, s17, $0xb8;
	[tilespmem:$0x1CC00] =	vst v63  }
0x52: {  	_ =	swait.ge [sflag:s12], $0x2800  }
0x53: {  	s20 =	sadd.s32 $0x1, s20;
	[sflag:s12] =	ssyncset.done $0x0  }
0x54: {  	p0 =	sne.s32 s20, s9;
	[sflag:s12] =	ssyncadd.s32 $0xFFFFD800  }
.Ltmp1:
0x55: {  	[bflag:$0x0] =	sbarrier.arrive $0xFFFF;
	(pc) =	sbr.rel @p0 .LBB2_1-.Ltmp1, $4  }
0x56: {  	[hbm:s8], [sflag:s5] =	dma.local [spmem:s11], $0x2780  }
0x57: {  	_ =	swait.ge [sflag:s12], $0x2780  }
0x58: {  	[sflag:s12] =	ssyncset.done $0x0  }
0x59: {  	[sflag:s12] =	ssyncadd.s32 $0xFFFFD880  }
0x5a: {  	_ =	sfence.sel $0x180000  }
0x5b: {  	[bflag:$0x0] =	sbarrier.arrive $0xFFFF  }
0x5c: {  	p0 =	sne.s32 s1, $0x0;
	_ =	strace $0x90000056  }
0x5d: {  	s0 =	sadd.s32 @!p0 $0x100000, s0;
	[bflag:$0x2] =	sbarrier.arrive $0xFFFF  }
0x5e: {  	[sflag:s0] =	ssyncadd.tile.s32 @!p0 $0x1;
	_ =	shalt  }
.Lfunc_end2:
_tile_overlayer_lowered:
.L_overlay_start_2:
0x5f: {  	(tag) =	ssettag $0x2  }
0x60: {  	s0 =	rddreg [dreg:$0x0];
	s2 =	stileid.u32  }
0x61: {  	s1 =	rddreg [dreg:$0x1];
	p0 =	sne.s32 s2, $0x0  }
0x62: {  	s3 =	rddreg [dreg:$0x2];
	[bflag:$0x3] =	sbarrier.arrive $0xFFFF;
	s2 =	simm.s32 @!p0 $0x1C03  }
0x63: {  	[timem:s3], [sflag:s2] =	dma.local @!p0 [hbm:s0], s1  }
0x64: {  	s0 =	simm.s32 @!p0 $0x3  }
0x65: {  	_ =	swait.ge @!p0 [sflag:s0], s1  }
0x66: {  	s1 =	ssub.s32 @!p0 $0x0, s1;
	[sflag:s0] =	ssyncset.done @!p0 $0x0  }
0x67: {  	[sflag:s0] =	ssyncadd.s32 @!p0 s1  }
0x68: {  	[bflag:$0x3] =	sbarrier.arrive $0xFFFF  }
0x69: {  	_ =	shalt  }

</sc_bundles>
